<compile_context>
chip_gen: v7x
topology: tpu7x:2x2x1
jax: 0.10.2.dev20260603
libtpu: 0.0.44.dev20260713+nightly
codegen_flags: <defaults>
</compile_context>

<pallas_src>
import functools
import math

import jax
import jax.numpy as jnp
from jax import lax
from jax.experimental import pallas as pl
from jax.experimental.pallas import tpu as pltpu
from jax.experimental.pallas import tpu_sc as plsc

D_MODEL = 64
SCALE = math.sqrt(D_MODEL)

NUM_CORES = 2
NUM_SUBCORES = 16
NUM_WORKERS = NUM_CORES * NUM_SUBCORES

CHUNK = 512
GATHERS = CHUNK // 128
CWORDS = CHUNK * D_MODEL // 8


def _sc_embed(x2, table, pe2, seq_len, batch):
    n_rows = seq_len * batch
    n_per_w = n_rows // NUM_WORKERS
    n_chunks = n_per_w // CHUNK

    mesh = plsc.VectorSubcoreMesh(
        core_axis_name="c", subcore_axis_name="s",
        num_cores=NUM_CORES, num_subcores=NUM_SUBCORES,
    )

    @functools.partial(
        pl.kernel,
        mesh=mesh,
        compiler_params=pltpu.CompilerParams(
            use_tc_tiling_on_sc=False, needs_layout_passes=False
        ),
        out_type=jax.ShapeDtypeStruct(
            (seq_len, D_MODEL // 8, batch // 128, 8, 128), jnp.float32
        ),
        scratch_types=[
            pltpu.VMEM((2, GATHERS, 128), jnp.int32),
            pltpu.VMEM((2, CHUNK, D_MODEL), jnp.float32),
            pltpu.VMEM((8, 5, 8, 129), jnp.float32),
            pltpu.VMEM((8, D_MODEL), jnp.float32),
            pltpu.SemaphoreType.DMA,
            pltpu.SemaphoreType.DMA,
            pltpu.SemaphoreType.DMA,
        ],
    )
    def sc_kernel(x_hbm, tbl_hbm, pe_hbm, out_hbm, idx_v, rows_v, out_t, pe_v,
                  gsem0, gsem1, osem):
        wid = lax.axis_index("s") * NUM_CORES + lax.axis_index("c")
        base = wid * n_per_w
        lane = lax.iota(jnp.int32, 16)
        gsems = [gsem0, gsem1]
        dblk_vecs = [2 * j + lane // 8 for j in range(4)]
        dsub_vec = lane % 8

        def chunk_coords(c):
            row0 = pl.multiple_of(base + c * CHUNK, CHUNK)
            s_pos = row0 // batch
            b0 = row0 - s_pos * batch
            bb0 = pl.multiple_of(b0 // 128, CHUNK // 128)
            return row0, s_pos, bb0

        def fire_gathers(c, buf):
            row0, _, _ = chunk_coords(c)
            pltpu.sync_copy(
                x_hbm.at[
                    pl.ds(pl.multiple_of(row0 // 128, CHUNK // 128), GATHERS)
                ],
                idx_v.at[buf],
            )
            for a in range(GATHERS):
                for k in range(8):
                    vv = idx_v[buf, a, pl.ds(16 * k, 16)]
                    r = vv & 16383
                    idx_v[buf, a, pl.ds(16 * k, 16)] = (
                        (vv - r) + ((r & 8191) << 1) + (r >> 13)
                    )
            for j in range(GATHERS):
                pltpu.async_copy(
                    tbl_hbm.at[idx_v.at[buf, j]],
                    rows_v.at[buf, pl.ds(j * 128, 128)],
                    gsems[buf],
                )

        def drain_gathers(buf):
            for j in range(GATHERS):
                pltpu.make_async_copy(
                    tbl_hbm.at[pl.ds(0, 128)],
                    rows_v.at[buf, pl.ds(j * 128, 128)],
                    gsems[buf],
                ).wait()

        def drain_out():
            pltpu.make_async_copy(
                out_t.at[:, pl.ds(0, 4), :, pl.ds(0, 128)],
                out_hbm.at[0, :, pl.ds(0, CHUNK // 128)],
                osem,
            ).wait()

        def compute_and_fire_out(c, buf):
            _, s_pos, bb0 = chunk_coords(c)

            @pl.when(jnp.logical_or(c == 0, bb0 == 0))
            def _():
                pltpu.sync_copy(
                    pe_hbm.at[pl.ds(pl.multiple_of((s_pos // 8) * 8, 8), 8)],
                    pe_v,
                )
            s_sub = s_pos % 8
            pe_regs = [pe_v[s_sub, pl.ds(16 * j, 16)] for j in range(4)]

            def col_body(bb, bcarry):
                bb_vec = jnp.full((16,), bb, jnp.int32)

                @plsc.parallel_loop(0, 128, unroll=8)
                def row_body(r2):
                    r2_vec = jnp.full((16,), r2, jnp.int32)
                    for j in range(4):
                        v = (
                            rows_v[buf, bb * 128 + r2, pl.ds(16 * j, 16)]
                            + pe_regs[j]
                        )
                        plsc.store_scatter(
                            out_t, [dblk_vecs[j], bb_vec, dsub_vec, r2_vec], v
                        )

                return bcarry

            lax.fori_loop(0, CHUNK // 128, col_body, 0)
            pltpu.async_copy(
                out_t.at[:, pl.ds(0, 4), :, pl.ds(0, 128)],
                out_hbm.at[s_pos, :, pl.ds(bb0, CHUNK // 128)],
                osem,
            )

        fire_gathers(0, 0)

        def pair_body(t, carry):
            c0 = 2 * t
            fire_gathers(c0 + 1, 1)
            drain_gathers(0)

            @pl.when(t > 0)
            def _():
                drain_out()

            compute_and_fire_out(c0, 0)
            fire_gathers(jnp.minimum(c0 + 2, n_chunks - 1), 0)
            drain_gathers(1)
            drain_out()
            compute_and_fire_out(c0 + 1, 1)
            return carry

        lax.fori_loop(0, n_chunks // 2, pair_body, 0)
        drain_out()
        drain_gathers(0)

    return sc_kernel(x2, table, pe2)


def _tc_relayout(table):
    v_rows, d = table.shape
    bv = 8192
    grid = (v_rows + 2 * bv - 1) // (2 * bv)

    def body(a_ref, b_ref, o_ref):
        o_ref[...] = (
            jnp.concatenate([a_ref[...].T, b_ref[...].T], axis=1) * SCALE
        )

    return pl.pallas_call(
        body,
        grid=(grid,),
        in_specs=[
            pl.BlockSpec((d, bv), lambda i: (0, 2 * i)),
            pl.BlockSpec(
                (d, bv),
                lambda i: (0, jnp.minimum(2 * i + 1, (v_rows - 1) // bv)),
            ),
        ],
        out_specs=pl.BlockSpec((bv, 2 * d), lambda i: (i, 0)),
        out_shape=jax.ShapeDtypeStruct((grid * bv, 2 * d), jnp.float32),
    )(table.T, table.T)


def kernel(x, table, pe):
    seq_len, batch = x.shape
    n_rows = seq_len * batch
    x2 = x.reshape(n_rows // 128, 128).astype(jnp.int32)
    pe2 = pe.reshape(-1, D_MODEL)
    packed = _tc_relayout(table)
    table_lin = packed.reshape(packed.shape[0] * 2, D_MODEL)
    out5 = _sc_embed(x2, table_lin, pe2, seq_len, batch)
    out = out5.transpose(0, 2, 4, 1, 3).reshape(seq_len, batch, D_MODEL)
    return out

# --- scband reference (transcript-rebuilt; emitter-appended) ---
"""Pipeline reference for scband-embeddings-wit-learned-positional-encoding-49383533969784 (READ-ONLY COPY).

The authoritative reference and input builder live on the scoring server;
editing this copy changes nothing except your own understanding.
"""

import math
import jax, jax.numpy as jnp
import numpy as np

N_VOCAB = 1000000
D_MODEL = 64
MAX_LEN = 5000
SEQ_LEN = 200
BATCH = 4096


def setup_inputs(seed: int = 0) -> dict:
    key = jax.random.key(seed)
    k1, k2 = jax.random.split(key)
    x = jax.random.randint(k1, (SEQ_LEN, BATCH), 0, N_VOCAB, dtype=jnp.int64 if jax.config.jax_enable_x64 else jnp.int32)
    table = jax.random.normal(k2, (N_VOCAB, D_MODEL), dtype=jnp.float32)
    pe = jnp.zeros((MAX_LEN, 1, D_MODEL), dtype=jnp.float32)
    return {"x": x, "table": table, "pe": pe}


def reference(x, table, pe):
    # emb = Embedding(x) * sqrt(d_model) + positional_encodings[:seq_len]
    emb = jnp.take(table, x, axis=0)  # [S, B, d_model]
    pe_slice = pe[: x.shape[0]]  # [S, 1, d_model], broadcasts over batch
    return emb * math.sqrt(D_MODEL) + pe_slice

if __name__ == "__main__":
    import jax
    _d = setup_inputs()
    print(jax.jit(kernel)(*tuple(_d.values())))

</pallas_src>

<mosaic_0001>
#map = affine_map<(d0, d1) -> (0, 0)>
#map1 = affine_map<(d0, d1) -> (0, 0, 0, 0, 0)>
module attributes {stable_mosaic.version = 14 : i64} {
  func.func @sc_kernel(%arg0: i32, %arg1: i32, %arg2: memref<6400x128xi32, #tpu.memory_space<hbm>>, %arg3: memref<1015808x64xf32, #tpu.memory_space<hbm>>, %arg4: memref<5000x64xf32, #tpu.memory_space<hbm>>, %arg5: memref<200x8x32x8x128xf32, #tpu.memory_space<hbm>>, %arg6: memref<2x4x128xi32, #tpu.memory_space<vmem>>, %arg7: memref<2x512x64xf32, #tpu.memory_space<vmem>>, %arg8: memref<8x5x8x129xf32, #tpu.memory_space<vmem>>, %arg9: memref<8x64xf32, #tpu.memory_space<vmem>>, %arg10: memref<!tpu.dma_semaphore, #tpu.memory_space<semaphore_mem>>, %arg11: memref<!tpu.dma_semaphore, #tpu.memory_space<semaphore_mem>>, %arg12: memref<!tpu.dma_semaphore, #tpu.memory_space<semaphore_mem>>) attributes {dimension_semantics = [#tpu.dimension_semantics<core_parallel>, #tpu.dimension_semantics<subcore_parallel>], iteration_bounds = array<i64: 2, 16>, scalar_prefetch = 0 : i64, scratch_operands = 7 : i64, tpu.core_type = #tpu.core_type<sc_vector_subcore>, window_params = [{transform_indices = #map}, {transform_indices = #map}, {transform_indices = #map}, {transform_indices = #map1}]} {
    %mul3A = arith.constant 2 : i32
    %mul3A_0 = arith.muli %arg1, %mul3A : i32
    %add3A = arith.addi %mul3A_0, %arg0 : i32
    %mul3A_1 = arith.constant 25600 : i32
    %mul3A_2 = arith.muli %add3A, %mul3A_1 : i32
    %iota3A = tpu.iota {dimensions = array<i32: 0>} : vector<16xi32>
    %jit3A = arith.constant 8 : i32
    %div3A = vector.broadcast %jit3A : i32 to vector<16xi32>
    %div3A_3 = arith.divsi %iota3A, %div3A : vector<16xi32>
    %sign3A = arith.constant 0 : i32
    %sign3A_4 = vector.broadcast %sign3A : i32 to vector<16xi32>
    %sign3A_5 = arith.cmpi sgt, %iota3A, %sign3A_4 : vector<16xi32>
    %sign3A_6 = arith.extui %sign3A_5 : vector<16xi1> to vector<16xi32>
    %sign3A_7 = arith.constant 0 : i32
    %sign3A_8 = vector.broadcast %sign3A_7 : i32 to vector<16xi32>
    %sign3A_9 = arith.cmpi slt, %iota3A, %sign3A_8 : vector<16xi32>
    %sign3A_10 = arith.extui %sign3A_9 : vector<16xi1> to vector<16xi32>
    %sign3A_11 = arith.subi %sign3A_6, %sign3A_10 : vector<16xi32>
    %sign3A_12 = arith.constant 0 : i32
    %sign3A_13 = arith.cmpi sgt, %jit3A, %sign3A_12 : i32
    %sign3A_14 = arith.extui %sign3A_13 : i1 to i32
    %sign3A_15 = arith.constant 0 : i32
    %sign3A_16 = arith.cmpi slt, %jit3A, %sign3A_15 : i32
    %sign3A_17 = arith.extui %sign3A_16 : i1 to i32
    %sign3A_18 = arith.subi %sign3A_14, %sign3A_17 : i32
    %ne3A = vector.broadcast %sign3A_18 : i32 to vector<16xi32>
    %ne3A_19 = arith.cmpi ne, %sign3A_11, %ne3A : vector<16xi32>
    %rem3A = vector.broadcast %jit3A : i32 to vector<16xi32>
    %rem3A_20 = arith.remsi %iota3A, %rem3A : vector<16xi32>
    %ne3A_21 = arith.constant 0 : i32
    %ne3A_22 = vector.broadcast %ne3A_21 : i32 to vector<16xi32>
    %ne3A_23 = arith.cmpi ne, %rem3A_20, %ne3A_22 : vector<16xi32>
    %and3A = arith.andi %ne3A_19, %ne3A_23 : vector<16xi1>
    %sub3A = arith.constant 1 : i32
    %sub3A_24 = vector.broadcast %sub3A : i32 to vector<16xi32>
    %sub3A_25 = arith.subi %div3A_3, %sub3A_24 : vector<16xi32>
    %select_n3A = arith.select %and3A, %sub3A_25, %div3A_3 : vector<16xi1>, vector<16xi32>
    %add3A_26 = arith.constant 0 : i32
    %add3A_27 = vector.broadcast %add3A_26 : i32 to vector<16xi32>
    %add3A_28 = arith.addi %add3A_27, %select_n3A : vector<16xi32>
    %jit3A_29 = arith.constant 8 : i32
    %div3A_30 = vector.broadcast %jit3A_29 : i32 to vector<16xi32>
    %div3A_31 = arith.divsi %iota3A, %div3A_30 : vector<16xi32>
    %sign3A_32 = arith.constant 0 : i32
    %sign3A_33 = vector.broadcast %sign3A_32 : i32 to vector<16xi32>
    %sign3A_34 = arith.cmpi sgt, %iota3A, %sign3A_33 : vector<16xi32>
    %sign3A_35 = arith.extui %sign3A_34 : vector<16xi1> to vector<16xi32>
    %sign3A_36 = arith.constant 0 : i32
    %sign3A_37 = vector.broadcast %sign3A_36 : i32 to vector<16xi32>
    %sign3A_38 = arith.cmpi slt, %iota3A, %sign3A_37 : vector<16xi32>
    %sign3A_39 = arith.extui %sign3A_38 : vector<16xi1> to vector<16xi32>
    %sign3A_40 = arith.subi %sign3A_35, %sign3A_39 : vector<16xi32>
    %sign3A_41 = arith.constant 0 : i32
    %sign3A_42 = arith.cmpi sgt, %jit3A_29, %sign3A_41 : i32
    %sign3A_43 = arith.extui %sign3A_42 : i1 to i32
    %sign3A_44 = arith.constant 0 : i32
    %sign3A_45 = arith.cmpi slt, %jit3A_29, %sign3A_44 : i32
    %sign3A_46 = arith.extui %sign3A_45 : i1 to i32
    %sign3A_47 = arith.subi %sign3A_43, %sign3A_46 : i32
    %ne3A_48 = vector.broadcast %sign3A_47 : i32 to vector<16xi32>
    %ne3A_49 = arith.cmpi ne, %sign3A_40, %ne3A_48 : vector<16xi32>
    %rem3A_50 = vector.broadcast %jit3A_29 : i32 to vector<16xi32>
    %rem3A_51 = arith.remsi %iota3A, %rem3A_50 : vector<16xi32>
    %ne3A_52 = arith.constant 0 : i32
    %ne3A_53 = vector.broadcast %ne3A_52 : i32 to vector<16xi32>
    %ne3A_54 = arith.cmpi ne, %rem3A_51, %ne3A_53 : vector<16xi32>
    %and3A_55 = arith.andi %ne3A_49, %ne3A_54 : vector<16xi1>
    %sub3A_56 = arith.constant 1 : i32
    %sub3A_57 = vector.broadcast %sub3A_56 : i32 to vector<16xi32>
    %sub3A_58 = arith.subi %div3A_31, %sub3A_57 : vector<16xi32>
    %select_n3A_59 = arith.select %and3A_55, %sub3A_58, %div3A_31 : vector<16xi1>, vector<16xi32>
    %add3A_60 = arith.constant 2 : i32
    %add3A_61 = vector.broadcast %add3A_60 : i32 to vector<16xi32>
    %add3A_62 = arith.addi %add3A_61, %select_n3A_59 : vector<16xi32>
    %jit3A_63 = arith.constant 8 : i32
    %div3A_64 = vector.broadcast %jit3A_63 : i32 to vector<16xi32>
    %div3A_65 = arith.divsi %iota3A, %div3A_64 : vector<16xi32>
    %sign3A_66 = arith.constant 0 : i32
    %sign3A_67 = vector.broadcast %sign3A_66 : i32 to vector<16xi32>
    %sign3A_68 = arith.cmpi sgt, %iota3A, %sign3A_67 : vector<16xi32>
    %sign3A_69 = arith.extui %sign3A_68 : vector<16xi1> to vector<16xi32>
    %sign3A_70 = arith.constant 0 : i32
    %sign3A_71 = vector.broadcast %sign3A_70 : i32 to vector<16xi32>
    %sign3A_72 = arith.cmpi slt, %iota3A, %sign3A_71 : vector<16xi32>
    %sign3A_73 = arith.extui %sign3A_72 : vector<16xi1> to vector<16xi32>
    %sign3A_74 = arith.subi %sign3A_69, %sign3A_73 : vector<16xi32>
    %sign3A_75 = arith.constant 0 : i32
    %sign3A_76 = arith.cmpi sgt, %jit3A_63, %sign3A_75 : i32
    %sign3A_77 = arith.extui %sign3A_76 : i1 to i32
    %sign3A_78 = arith.constant 0 : i32
    %sign3A_79 = arith.cmpi slt, %jit3A_63, %sign3A_78 : i32
    %sign3A_80 = arith.extui %sign3A_79 : i1 to i32
    %sign3A_81 = arith.subi %sign3A_77, %sign3A_80 : i32
    %ne3A_82 = vector.broadcast %sign3A_81 : i32 to vector<16xi32>
    %ne3A_83 = arith.cmpi ne, %sign3A_74, %ne3A_82 : vector<16xi32>
    %rem3A_84 = vector.broadcast %jit3A_63 : i32 to vector<16xi32>
    %rem3A_85 = arith.remsi %iota3A, %rem3A_84 : vector<16xi32>
    %ne3A_86 = arith.constant 0 : i32
    %ne3A_87 = vector.broadcast %ne3A_86 : i32 to vector<16xi32>
    %ne3A_88 = arith.cmpi ne, %rem3A_85, %ne3A_87 : vector<16xi32>
    %and3A_89 = arith.andi %ne3A_83, %ne3A_88 : vector<16xi1>
    %sub3A_90 = arith.constant 1 : i32
    %sub3A_91 = vector.broadcast %sub3A_90 : i32 to vector<16xi32>
    %sub3A_92 = arith.subi %div3A_65, %sub3A_91 : vector<16xi32>
    %select_n3A_93 = arith.select %and3A_89, %sub3A_92, %div3A_65 : vector<16xi1>, vector<16xi32>
    %add3A_94 = arith.constant 4 : i32
    %add3A_95 = vector.broadcast %add3A_94 : i32 to vector<16xi32>
    %add3A_96 = arith.addi %add3A_95, %select_n3A_93 : vector<16xi32>
    %jit3A_97 = arith.constant 8 : i32
    %div3A_98 = vector.broadcast %jit3A_97 : i32 to vector<16xi32>
    %div3A_99 = arith.divsi %iota3A, %div3A_98 : vector<16xi32>
    %sign3A_100 = arith.constant 0 : i32
    %sign3A_101 = vector.broadcast %sign3A_100 : i32 to vector<16xi32>
    %sign3A_102 = arith.cmpi sgt, %iota3A, %sign3A_101 : vector<16xi32>
    %sign3A_103 = arith.extui %sign3A_102 : vector<16xi1> to vector<16xi32>
    %sign3A_104 = arith.constant 0 : i32
    %sign3A_105 = vector.broadcast %sign3A_104 : i32 to vector<16xi32>
    %sign3A_106 = arith.cmpi slt, %iota3A, %sign3A_105 : vector<16xi32>
    %sign3A_107 = arith.extui %sign3A_106 : vector<16xi1> to vector<16xi32>
    %sign3A_108 = arith.subi %sign3A_103, %sign3A_107 : vector<16xi32>
    %sign3A_109 = arith.constant 0 : i32
    %sign3A_110 = arith.cmpi sgt, %jit3A_97, %sign3A_109 : i32
    %sign3A_111 = arith.extui %sign3A_110 : i1 to i32
    %sign3A_112 = arith.constant 0 : i32
    %sign3A_113 = arith.cmpi slt, %jit3A_97, %sign3A_112 : i32
    %sign3A_114 = arith.extui %sign3A_113 : i1 to i32
    %sign3A_115 = arith.subi %sign3A_111, %sign3A_114 : i32
    %ne3A_116 = vector.broadcast %sign3A_115 : i32 to vector<16xi32>
    %ne3A_117 = arith.cmpi ne, %sign3A_108, %ne3A_116 : vector<16xi32>
    %rem3A_118 = vector.broadcast %jit3A_97 : i32 to vector<16xi32>
    %rem3A_119 = arith.remsi %iota3A, %rem3A_118 : vector<16xi32>
    %ne3A_120 = arith.constant 0 : i32
    %ne3A_121 = vector.broadcast %ne3A_120 : i32 to vector<16xi32>
    %ne3A_122 = arith.cmpi ne, %rem3A_119, %ne3A_121 : vector<16xi32>
    %and3A_123 = arith.andi %ne3A_117, %ne3A_122 : vector<16xi1>
    %sub3A_124 = arith.constant 1 : i32
    %sub3A_125 = vector.broadcast %sub3A_124 : i32 to vector<16xi32>
    %sub3A_126 = arith.subi %div3A_99, %sub3A_125 : vector<16xi32>
    %select_n3A_127 = arith.select %and3A_123, %sub3A_126, %div3A_99 : vector<16xi1>, vector<16xi32>
    %add3A_128 = arith.constant 6 : i32
    %add3A_129 = vector.broadcast %add3A_128 : i32 to vector<16xi32>
    %add3A_130 = arith.addi %add3A_129, %select_n3A_127 : vector<16xi32>
    %jit3A_131 = arith.constant 8 : i32
    %eq3A = arith.constant 0 : i32
    %eq3A_132 = arith.cmpi eq, %jit3A_131, %eq3A : i32
    %jit3A_133 = arith.constant 1 : i32
    %select_n3A_134 = arith.select %eq3A_132, %jit3A_133, %jit3A_131 : i32
    %rem3A_135 = vector.broadcast %select_n3A_134 : i32 to vector<16xi32>
    %rem3A_136 = arith.remsi %iota3A, %rem3A_135 : vector<16xi32>
    %ne3A_137 = arith.constant 0 : i32
    %ne3A_138 = vector.broadcast %ne3A_137 : i32 to vector<16xi32>
    %ne3A_139 = arith.cmpi ne, %rem3A_136, %ne3A_138 : vector<16xi32>
    %lt3A = arith.constant 0 : i32
    %lt3A_140 = vector.broadcast %lt3A : i32 to vector<16xi32>
    %lt3A_141 = arith.cmpi slt, %rem3A_136, %lt3A_140 : vector<16xi32>
    %lt3A_142 = arith.constant 0 : i32
    %lt3A_143 = arith.cmpi slt, %select_n3A_134, %lt3A_142 : i32
    %ne3A_144 = vector.broadcast %lt3A_143 : i1 to vector<16xi1>
    %ne3A_145 = vector.broadcast %ne3A_144 : vector<16xi1> to vector<16xi1>
    %ne3A_146 = arith.xori %lt3A_141, %ne3A_145 : vector<16xi1>
    %and3A_147 = arith.andi %ne3A_146, %ne3A_139 : vector<16xi1>
    %add3A_148 = vector.broadcast %select_n3A_134 : i32 to vector<16xi32>
    %add3A_149 = arith.addi %rem3A_136, %add3A_148 : vector<16xi32>
    %select_n3A_150 = arith.select %and3A_147, %add3A_149, %rem3A_136 : vector<16xi1>, vector<16xi32>
    %add3A_151 = arith.constant 0 : i32
    %add3A_152 = arith.addi %mul3A_2, %add3A_151 : i32
    %multiple_of3A = tpu.assume_multiple %add3A_152, 512 : i32
    %jit3A_153 = arith.constant 4096 : i32
    %div3A_154 = arith.divsi %multiple_of3A, %jit3A_153 : i32
    %sign3A_155 = arith.constant 0 : i32
    %sign3A_156 = arith.cmpi sgt, %multiple_of3A, %sign3A_155 : i32
    %sign3A_157 = arith.extui %sign3A_156 : i1 to i32
    %sign3A_158 = arith.constant 0 : i32
    %sign3A_159 = arith.cmpi slt, %multiple_of3A, %sign3A_158 : i32
    %sign3A_160 = arith.extui %sign3A_159 : i1 to i32
    %sign3A_161 = arith.subi %sign3A_157, %sign3A_160 : i32
    %sign3A_162 = arith.constant 0 : i32
    %sign3A_163 = arith.cmpi sgt, %jit3A_153, %sign3A_162 : i32
    %sign3A_164 = arith.extui %sign3A_163 : i1 to i32
    %sign3A_165 = arith.constant 0 : i32
    %sign3A_166 = arith.cmpi slt, %jit3A_153, %sign3A_165 : i32
    %sign3A_167 = arith.extui %sign3A_166 : i1 to i32
    %sign3A_168 = arith.subi %sign3A_164, %sign3A_167 : i32
    %ne3A_169 = arith.cmpi ne, %sign3A_161, %sign3A_168 : i32
    %rem3A_170 = arith.remsi %multiple_of3A, %jit3A_153 : i32
    %ne3A_171 = arith.constant 0 : i32
    %ne3A_172 = arith.cmpi ne, %rem3A_170, %ne3A_171 : i32
    %and3A_173 = arith.andi %ne3A_169, %ne3A_172 : i1
    %sub3A_174 = arith.constant 1 : i32
    %sub3A_175 = arith.subi %div3A_154, %sub3A_174 : i32
    %select_n3A_176 = arith.select %and3A_173, %sub3A_175, %div3A_154 : i32
    %mul3A_177 = arith.constant 4096 : i32
    %mul3A_178 = arith.muli %select_n3A_176, %mul3A_177 : i32
    %sub3A_179 = arith.subi %multiple_of3A, %mul3A_178 : i32
    %jit3A_180 = arith.constant 128 : i32
    %div3A_181 = arith.divsi %sub3A_179, %jit3A_180 : i32
    %sign3A_182 = arith.constant 0 : i32
    %sign3A_183 = arith.cmpi sgt, %sub3A_179, %sign3A_182 : i32
    %sign3A_184 = arith.extui %sign3A_183 : i1 to i32
    %sign3A_185 = arith.constant 0 : i32
    %sign3A_186 = arith.cmpi slt, %sub3A_179, %sign3A_185 : i32
    %sign3A_187 = arith.extui %sign3A_186 : i1 to i32
    %sign3A_188 = arith.subi %sign3A_184, %sign3A_187 : i32
    %sign3A_189 = arith.constant 0 : i32
    %sign3A_190 = arith.cmpi sgt, %jit3A_180, %sign3A_189 : i32
    %sign3A_191 = arith.extui %sign3A_190 : i1 to i32
    %sign3A_192 = arith.constant 0 : i32
    %sign3A_193 = arith.cmpi slt, %jit3A_180, %sign3A_192 : i32
    %sign3A_194 = arith.extui %sign3A_193 : i1 to i32
    %sign3A_195 = arith.subi %sign3A_191, %sign3A_194 : i32
    %ne3A_196 = arith.cmpi ne, %sign3A_188, %sign3A_195 : i32
    %rem3A_197 = arith.remsi %sub3A_179, %jit3A_180 : i32
    %ne3A_198 = arith.constant 0 : i32
    %ne3A_199 = arith.cmpi ne, %rem3A_197, %ne3A_198 : i32
    %and3A_200 = arith.andi %ne3A_196, %ne3A_199 : i1
    %sub3A_201 = arith.constant 1 : i32
    %sub3A_202 = arith.subi %div3A_181, %sub3A_201 : i32
    %select_n3A_203 = arith.select %and3A_200, %sub3A_202, %div3A_181 : i32
    %multiple_of3A_204 = tpu.assume_multiple %select_n3A_203, 4 : i32
    %jit3A_205 = arith.constant 128 : i32
    %div3A_206 = arith.divsi %multiple_of3A, %jit3A_205 : i32
    %sign3A_207 = arith.constant 0 : i32
    %sign3A_208 = arith.cmpi sgt, %multiple_of3A, %sign3A_207 : i32
    %sign3A_209 = arith.extui %sign3A_208 : i1 to i32
    %sign3A_210 = arith.constant 0 : i32
    %sign3A_211 = arith.cmpi slt, %multiple_of3A, %sign3A_210 : i32
    %sign3A_212 = arith.extui %sign3A_211 : i1 to i32
    %sign3A_213 = arith.subi %sign3A_209, %sign3A_212 : i32
    %sign3A_214 = arith.constant 0 : i32
    %sign3A_215 = arith.cmpi sgt, %jit3A_205, %sign3A_214 : i32
    %sign3A_216 = arith.extui %sign3A_215 : i1 to i32
    %sign3A_217 = arith.constant 0 : i32
    %sign3A_218 = arith.cmpi slt, %jit3A_205, %sign3A_217 : i32
    %sign3A_219 = arith.extui %sign3A_218 : i1 to i32
    %sign3A_220 = arith.subi %sign3A_216, %sign3A_219 : i32
    %ne3A_221 = arith.cmpi ne, %sign3A_213, %sign3A_220 : i32
    %rem3A_222 = arith.remsi %multiple_of3A, %jit3A_205 : i32
    %ne3A_223 = arith.constant 0 : i32
    %ne3A_224 = arith.cmpi ne, %rem3A_222, %ne3A_223 : i32
    %and3A_225 = arith.andi %ne3A_221, %ne3A_224 : i1
    %sub3A_226 = arith.constant 1 : i32
    %sub3A_227 = arith.subi %div3A_206, %sub3A_226 : i32
    %select_n3A_228 = arith.select %and3A_225, %sub3A_227, %div3A_206 : i32
    %multiple_of3A_229 = tpu.assume_multiple %select_n3A_228, 4 : i32
    %run_scoped3A = arith.constant 0 : i32
    "tpu.region"() ({
      %run_scoped3A_1228 = tpu.sem_alloc : memref<!tpu.dma_semaphore, #tpu.memory_space<semaphore_mem>>
      %dma_start3A_1229 = arith.constant 0 : i32
      %dma_start3A_1230 = arith.constant 0 : i32
      %dma_start3A_1231 = tpu.memref_slice %arg6[%run_scoped3A, %dma_start3A_1229, %dma_start3A_1230] : memref<2x4x128xi32, #tpu.memory_space<vmem>> -> memref<1x4x128xi32, #tpu.memory_space<vmem>>
      %dma_start3A_1232 = tpu.memref_squeeze %dma_start3A_1231 : memref<1x4x128xi32, #tpu.memory_space<vmem>> -> memref<4x128xi32, #tpu.memory_space<vmem>>
      %dma_start3A_1233 = arith.constant 0 : i32
      %dma_start3A_1234 = tpu.memref_slice %arg2[%multiple_of3A_229, %dma_start3A_1233] : memref<6400x128xi32, #tpu.memory_space<hbm>> -> memref<4x128xi32, #tpu.memory_space<hbm>>
      %dma_start3A_1235 = arith.constant 0 : i32
      %dma_start3A_1236 = arith.constant 0 : i32
      %dma_start3A_1237 = tpu.memref_slice %arg6[%run_scoped3A, %dma_start3A_1235, %dma_start3A_1236] : memref<2x4x128xi32, #tpu.memory_space<vmem>> -> memref<1x4x128xi32, #tpu.memory_space<vmem>>
      %dma_start3A_1238 = tpu.memref_squeeze %dma_start3A_1237 : memref<1x4x128xi32, #tpu.memory_space<vmem>> -> memref<4x128xi32, #tpu.memory_space<vmem>>
      %dma_start3A_1239 = arith.constant 0 : i32
      %dma_start3A_1240 = tpu.memref_slice %arg2[%multiple_of3A_229, %dma_start3A_1239] : memref<6400x128xi32, #tpu.memory_space<hbm>> -> memref<4x128xi32, #tpu.memory_space<hbm>>
      tpu.enqueue_dma source(%dma_start3A_1240 : memref<4x128xi32, #tpu.memory_space<hbm>>) target(%dma_start3A_1238 : memref<4x128xi32, #tpu.memory_space<vmem>>) target_semaphore(%run_scoped3A_1228 : memref<!tpu.dma_semaphore, #tpu.memory_space<semaphore_mem>>)
      %dma_wait3A_1241 = arith.constant 0 : i32
      %dma_wait3A_1242 = arith.constant 0 : i32
      %dma_wait3A_1243 = tpu.memref_slice %arg6[%run_scoped3A, %dma_wait3A_1241, %dma_wait3A_1242] : memref<2x4x128xi32, #tpu.memory_space<vmem>> -> memref<1x4x128xi32, #tpu.memory_space<vmem>>
      %dma_wait3A_1244 = tpu.memref_squeeze %dma_wait3A_1243 : memref<1x4x128xi32, #tpu.memory_space<vmem>> -> memref<4x128xi32, #tpu.memory_space<vmem>>
      %dma_wait3A_1245 = arith.constant 0 : i32
      %dma_wait3A_1246 = tpu.memref_slice %arg2[%multiple_of3A_229, %dma_wait3A_1245] : memref<6400x128xi32, #tpu.memory_space<hbm>> -> memref<4x128xi32, #tpu.memory_space<hbm>>
      %dma_wait3A_1247 = arith.constant 0 : i32
      %dma_wait3A_1248 = arith.constant 0 : i32
      %dma_wait3A_1249 = tpu.memref_slice %arg6[%run_scoped3A, %dma_wait3A_1247, %dma_wait3A_1248] : memref<2x4x128xi32, #tpu.memory_space<vmem>> -> memref<1x4x128xi32, #tpu.memory_space<vmem>>
      %dma_wait3A_1250 = tpu.memref_squeeze %dma_wait3A_1249 : memref<1x4x128xi32, #tpu.memory_space<vmem>> -> memref<4x128xi32, #tpu.memory_space<vmem>>
      %dma_wait3A_1251 = arith.constant 0 : i32
      %dma_wait3A_1252 = tpu.memref_slice %arg2[%multiple_of3A_229, %dma_wait3A_1251] : memref<6400x128xi32, #tpu.memory_space<hbm>> -> memref<4x128xi32, #tpu.memory_space<hbm>>
      tpu.wait_dma2 semaphore(%run_scoped3A_1228 : memref<!tpu.dma_semaphore, #tpu.memory_space<semaphore_mem>>) src(%dma_wait3A_1252 : memref<4x128xi32, #tpu.memory_space<hbm>>) dst(%dma_wait3A_1250 : memref<4x128xi32, #tpu.memory_space<vmem>>)
      tpu.yield
    }) : () -> ()
    %get3A = arith.constant 0 : i32
    %get3A_230 = arith.constant 0 : i32
    %get3A_231 = arith.index_cast %get3A : i32 to index
    %get3A_232 = arith.index_cast %get3A_230 : i32 to index
    %get3A_233 = arith.constant 0 : index
    %get3A_234 = tpu.vector_load %arg6[%get3A_231, %get3A_232, %get3A_233] {strides = array<i32>} : memref<2x4x128xi32, #tpu.memory_space<vmem>>, vector<16xi32>,
    %and3A_235 = arith.constant 16383 : i32
    %and3A_236 = vector.broadcast %and3A_235 : i32 to vector<16xi32>
    %and3A_237 = arith.andi %get3A_234, %and3A_236 : vector<16xi32>
    %sub3A_238 = arith.subi %get3A_234, %and3A_237 : vector<16xi32>
    %and3A_239 = arith.constant 8191 : i32
    %and3A_240 = vector.broadcast %and3A_239 : i32 to vector<16xi32>
    %and3A_241 = arith.andi %and3A_237, %and3A_240 : vector<16xi32>
    %shift_left3A = arith.constant 1 : i32
    %shift_left3A_242 = vector.broadcast %shift_left3A : i32 to vector<16xi32>
    %shift_left3A_243 = arith.shli %and3A_241, %shift_left3A_242 : vector<16xi32>
    %add3A_244 = arith.addi %sub3A_238, %shift_left3A_243 : vector<16xi32>
    %shift_right_arithmetic3A = arith.constant 13 : i32
    %shift_right_arithmetic3A_245 = vector.broadcast %shift_right_arithmetic3A : i32 to vector<16xi32>
    %shift_right_arithmetic3A_246 = arith.shrsi %and3A_237, %shift_right_arithmetic3A_245 : vector<16xi32>
    %add3A_247 = arith.addi %add3A_244, %shift_right_arithmetic3A_246 : vector<16xi32>
    %swap3A = arith.constant 0 : i32
    %swap3A_248 = arith.constant 0 : i32
    %swap3A_249 = arith.index_cast %swap3A : i32 to index
    %swap3A_250 = arith.index_cast %swap3A_248 : i32 to index
    %swap3A_251 = arith.constant 0 : index
    %swap3A_252 = tpu.vector_load %arg6[%swap3A_249, %swap3A_250, %swap3A_251] {strides = array<i32>} : memref<2x4x128xi32, #tpu.memory_space<vmem>>, vector<16xi32>,
    tpu.vector_store %arg6[%swap3A_249, %swap3A_250, %swap3A_251], %add3A_247 {strides = array<i32>} : memref<2x4x128xi32, #tpu.memory_space<vmem>>, vector<16xi32>,
    %get3A_253 = arith.constant 0 : i32
    %get3A_254 = arith.constant 0 : i32
    %get3A_255 = arith.index_cast %get3A_253 : i32 to index
    %get3A_256 = arith.index_cast %get3A_254 : i32 to index
    %get3A_257 = arith.constant 16 : index
    %get3A_258 = tpu.vector_load %arg6[%get3A_255, %get3A_256, %get3A_257] {strides = array<i32>} : memref<2x4x128xi32, #tpu.memory_space<vmem>>, vector<16xi32>,
    %and3A_259 = arith.constant 16383 : i32
    %and3A_260 = vector.broadcast %and3A_259 : i32 to vector<16xi32>
    %and3A_261 = arith.andi %get3A_258, %and3A_260 : vector<16xi32>
    %sub3A_262 = arith.subi %get3A_258, %and3A_261 : vector<16xi32>
    %and3A_263 = arith.constant 8191 : i32
    %and3A_264 = vector.broadcast %and3A_263 : i32 to vector<16xi32>
    %and3A_265 = arith.andi %and3A_261, %and3A_264 : vector<16xi32>
    %shift_left3A_266 = arith.constant 1 : i32
    %shift_left3A_267 = vector.broadcast %shift_left3A_266 : i32 to vector<16xi32>
    %shift_left3A_268 = arith.shli %and3A_265, %shift_left3A_267 : vector<16xi32>
    %add3A_269 = arith.addi %sub3A_262, %shift_left3A_268 : vector<16xi32>
    %shift_right_arithmetic3A_270 = arith.constant 13 : i32
    %shift_right_arithmetic3A_271 = vector.broadcast %shift_right_arithmetic3A_270 : i32 to vector<16xi32>
    %shift_right_arithmetic3A_272 = arith.shrsi %and3A_261, %shift_right_arithmetic3A_271 : vector<16xi32>
    %add3A_273 = arith.addi %add3A_269, %shift_right_arithmetic3A_272 : vector<16xi32>
    %swap3A_274 = arith.constant 0 : i32
    %swap3A_275 = arith.constant 0 : i32
    %swap3A_276 = arith.index_cast %swap3A_274 : i32 to index
    %swap3A_277 = arith.index_cast %swap3A_275 : i32 to index
    %swap3A_278 = arith.constant 16 : index
    %swap3A_279 = tpu.vector_load %arg6[%swap3A_276, %swap3A_277, %swap3A_278] {strides = array<i32>} : memref<2x4x128xi32, #tpu.memory_space<vmem>>, vector<16xi32>,
    tpu.vector_store %arg6[%swap3A_276, %swap3A_277, %swap3A_278], %add3A_273 {strides = array<i32>} : memref<2x4x128xi32, #tpu.memory_space<vmem>>, vector<16xi32>,
    %get3A_280 = arith.constant 0 : i32
    %get3A_281 = arith.constant 0 : i32
    %get3A_282 = arith.index_cast %get3A_280 : i32 to index
    %get3A_283 = arith.index_cast %get3A_281 : i32 to index
    %get3A_284 = arith.constant 32 : index
    %get3A_285 = tpu.vector_load %arg6[%get3A_282, %get3A_283, %get3A_284] {strides = array<i32>} : memref<2x4x128xi32, #tpu.memory_space<vmem>>, vector<16xi32>,
    %and3A_286 = arith.constant 16383 : i32
    %and3A_287 = vector.broadcast %and3A_286 : i32 to vector<16xi32>
    %and3A_288 = arith.andi %get3A_285, %and3A_287 : vector<16xi32>
    %sub3A_289 = arith.subi %get3A_285, %and3A_288 : vector<16xi32>
    %and3A_290 = arith.constant 8191 : i32
    %and3A_291 = vector.broadcast %and3A_290 : i32 to vector<16xi32>
    %and3A_292 = arith.andi %and3A_288, %and3A_291 : vector<16xi32>
    %shift_left3A_293 = arith.constant 1 : i32
    %shift_left3A_294 = vector.broadcast %shift_left3A_293 : i32 to vector<16xi32>
    %shift_left3A_295 = arith.shli %and3A_292, %shift_left3A_294 : vector<16xi32>
    %add3A_296 = arith.addi %sub3A_289, %shift_left3A_295 : vector<16xi32>
    %shift_right_arithmetic3A_297 = arith.constant 13 : i32
    %shift_right_arithmetic3A_298 = vector.broadcast %shift_right_arithmetic3A_297 : i32 to vector<16xi32>
    %shift_right_arithmetic3A_299 = arith.shrsi %and3A_288, %shift_right_arithmetic3A_298 : vector<16xi32>
    %add3A_300 = arith.addi %add3A_296, %shift_right_arithmetic3A_299 : vector<16xi32>
    %swap3A_301 = arith.constant 0 : i32
    %swap3A_302 = arith.constant 0 : i32
    %swap3A_303 = arith.index_cast %swap3A_301 : i32 to index
    %swap3A_304 = arith.index_cast %swap3A_302 : i32 to index
    %swap3A_305 = arith.constant 32 : index
    %swap3A_306 = tpu.vector_load %arg6[%swap3A_303, %swap3A_304, %swap3A_305] {strides = array<i32>} : memref<2x4x128xi32, #tpu.memory_space<vmem>>, vector<16xi32>,
    tpu.vector_store %arg6[%swap3A_303, %swap3A_304, %swap3A_305], %add3A_300 {strides = array<i32>} : memref<2x4x128xi32, #tpu.memory_space<vmem>>, vector<16xi32>,
    %get3A_307 = arith.constant 0 : i32
    %get3A_308 = arith.constant 0 : i32
    %get3A_309 = arith.index_cast %get3A_307 : i32 to index
    %get3A_310 = arith.index_cast %get3A_308 : i32 to index
    %get3A_311 = arith.constant 48 : index
    %get3A_312 = tpu.vector_load %arg6[%get3A_309, %get3A_310, %get3A_311] {strides = array<i32>} : memref<2x4x128xi32, #tpu.memory_space<vmem>>, vector<16xi32>,
    %and3A_313 = arith.constant 16383 : i32
    %and3A_314 = vector.broadcast %and3A_313 : i32 to vector<16xi32>
    %and3A_315 = arith.andi %get3A_312, %and3A_314 : vector<16xi32>
    %sub3A_316 = arith.subi %get3A_312, %and3A_315 : vector<16xi32>
    %and3A_317 = arith.constant 8191 : i32
    %and3A_318 = vector.broadcast %and3A_317 : i32 to vector<16xi32>
    %and3A_319 = arith.andi %and3A_315, %and3A_318 : vector<16xi32>
    %shift_left3A_320 = arith.constant 1 : i32
    %shift_left3A_321 = vector.broadcast %shift_left3A_320 : i32 to vector<16xi32>
    %shift_left3A_322 = arith.shli %and3A_319, %shift_left3A_321 : vector<16xi32>
    %add3A_323 = arith.addi %sub3A_316, %shift_left3A_322 : vector<16xi32>
    %shift_right_arithmetic3A_324 = arith.constant 13 : i32
    %shift_right_arithmetic3A_325 = vector.broadcast %shift_right_arithmetic3A_324 : i32 to vector<16xi32>
    %shift_right_arithmetic3A_326 = arith.shrsi %and3A_315, %shift_right_arithmetic3A_325 : vector<16xi32>
    %add3A_327 = arith.addi %add3A_323, %shift_right_arithmetic3A_326 : vector<16xi32>
    %swap3A_328 = arith.constant 0 : i32
    %swap3A_329 = arith.constant 0 : i32
    %swap3A_330 = arith.index_cast %swap3A_328 : i32 to index
    %swap3A_331 = arith.index_cast %swap3A_329 : i32 to index
    %swap3A_332 = arith.constant 48 : index
    %swap3A_333 = tpu.vector_load %arg6[%swap3A_330, %swap3A_331, %swap3A_332] {strides = array<i32>} : memref<2x4x128xi32, #tpu.memory_space<vmem>>, vector<16xi32>,
    tpu.vector_store %arg6[%swap3A_330, %swap3A_331, %swap3A_332], %add3A_327 {strides = array<i32>} : memref<2x4x128xi32, #tpu.memory_space<vmem>>, vector<16xi32>,
    %get3A_334 = arith.constant 0 : i32
    %get3A_335 = arith.constant 0 : i32
    %get3A_336 = arith.index_cast %get3A_334 : i32 to index
    %get3A_337 = arith.index_cast %get3A_335 : i32 to index
    %get3A_338 = arith.constant 64 : index
    %get3A_339 = tpu.vector_load %arg6[%get3A_336, %get3A_337, %get3A_338] {strides = array<i32>} : memref<2x4x128xi32, #tpu.memory_space<vmem>>, vector<16xi32>,
    %and3A_340 = arith.constant 16383 : i32
    %and3A_341 = vector.broadcast %and3A_340 : i32 to vector<16xi32>
    %and3A_342 = arith.andi %get3A_339, %and3A_341 : vector<16xi32>
    %sub3A_343 = arith.subi %get3A_339, %and3A_342 : vector<16xi32>
    %and3A_344 = arith.constant 8191 : i32
    %and3A_345 = vector.broadcast %and3A_344 : i32 to vector<16xi32>
    %and3A_346 = arith.andi %and3A_342, %and3A_345 : vector<16xi32>
    %shift_left3A_347 = arith.constant 1 : i32
    %shift_left3A_348 = vector.broadcast %shift_left3A_347 : i32 to vector<16xi32>
    %shift_left3A_349 = arith.shli %and3A_346, %shift_left3A_348 : vector<16xi32>
    %add3A_350 = arith.addi %sub3A_343, %shift_left3A_349 : vector<16xi32>
    %shift_right_arithmetic3A_351 = arith.constant 13 : i32
    %shift_right_arithmetic3A_352 = vector.broadcast %shift_right_arithmetic3A_351 : i32 to vector<16xi32>
    %shift_right_arithmetic3A_353 = arith.shrsi %and3A_342, %shift_right_arithmetic3A_352 : vector<16xi32>
    %add3A_354 = arith.addi %add3A_350, %shift_right_arithmetic3A_353 : vector<16xi32>
    %swap3A_355 = arith.constant 0 : i32
    %swap3A_356 = arith.constant 0 : i32
    %swap3A_357 = arith.index_cast %swap3A_355 : i32 to index
    %swap3A_358 = arith.index_cast %swap3A_356 : i32 to index
    %swap3A_359 = arith.constant 64 : index
    %swap3A_360 = tpu.vector_load %arg6[%swap3A_357, %swap3A_358, %swap3A_359] {strides = array<i32>} : memref<2x4x128xi32, #tpu.memory_space<vmem>>, vector<16xi32>,
    tpu.vector_store %arg6[%swap3A_357, %swap3A_358, %swap3A_359], %add3A_354 {strides = array<i32>} : memref<2x4x128xi32, #tpu.memory_space<vmem>>, vector<16xi32>,
    %get3A_361 = arith.constant 0 : i32
    %get3A_362 = arith.constant 0 : i32
    %get3A_363 = arith.index_cast %get3A_361 : i32 to index
    %get3A_364 = arith.index_cast %get3A_362 : i32 to index
    %get3A_365 = arith.constant 80 : index
    %get3A_366 = tpu.vector_load %arg6[%get3A_363, %get3A_364, %get3A_365] {strides = array<i32>} : memref<2x4x128xi32, #tpu.memory_space<vmem>>, vector<16xi32>,
    %and3A_367 = arith.constant 16383 : i32
    %and3A_368 = vector.broadcast %and3A_367 : i32 to vector<16xi32>
    %and3A_369 = arith.andi %get3A_366, %and3A_368 : vector<16xi32>
    %sub3A_370 = arith.subi %get3A_366, %and3A_369 : vector<16xi32>
    %and3A_371 = arith.constant 8191 : i32
    %and3A_372 = vector.broadcast %and3A_371 : i32 to vector<16xi32>
    %and3A_373 = arith.andi %and3A_369, %and3A_372 : vector<16xi32>
    %shift_left3A_374 = arith.constant 1 : i32
    %shift_left3A_375 = vector.broadcast %shift_left3A_374 : i32 to vector<16xi32>
    %shift_left3A_376 = arith.shli %and3A_373, %shift_left3A_375 : vector<16xi32>
    %add3A_377 = arith.addi %sub3A_370, %shift_left3A_376 : vector<16xi32>
    %shift_right_arithmetic3A_378 = arith.constant 13 : i32
    %shift_right_arithmetic3A_379 = vector.broadcast %shift_right_arithmetic3A_378 : i32 to vector<16xi32>
    %shift_right_arithmetic3A_380 = arith.shrsi %and3A_369, %shift_right_arithmetic3A_379 : vector<16xi32>
    %add3A_381 = arith.addi %add3A_377, %shift_right_arithmetic3A_380 : vector<16xi32>
    %swap3A_382 = arith.constant 0 : i32
    %swap3A_383 = arith.constant 0 : i32
    %swap3A_384 = arith.index_cast %swap3A_382 : i32 to index
    %swap3A_385 = arith.index_cast %swap3A_383 : i32 to index
    %swap3A_386 = arith.constant 80 : index
    %swap3A_387 = tpu.vector_load %arg6[%swap3A_384, %swap3A_385, %swap3A_386] {strides = array<i32>} : memref<2x4x128xi32, #tpu.memory_space<vmem>>, vector<16xi32>,
    tpu.vector_store %arg6[%swap3A_384, %swap3A_385, %swap3A_386], %add3A_381 {strides = array<i32>} : memref<2x4x128xi32, #tpu.memory_space<vmem>>, vector<16xi32>,
    %get3A_388 = arith.constant 0 : i32
    %get3A_389 = arith.constant 0 : i32
    %get3A_390 = arith.index_cast %get3A_388 : i32 to index
    %get3A_391 = arith.index_cast %get3A_389 : i32 to index
    %get3A_392 = arith.constant 96 : index
    %get3A_393 = tpu.vector_load %arg6[%get3A_390, %get3A_391, %get3A_392] {strides = array<i32>} : memref<2x4x128xi32, #tpu.memory_space<vmem>>, vector<16xi32>,
    %and3A_394 = arith.constant 16383 : i32
    %and3A_395 = vector.broadcast %and3A_394 : i32 to vector<16xi32>
    %and3A_396 = arith.andi %get3A_393, %and3A_395 : vector<16xi32>
    %sub3A_397 = arith.subi %get3A_393, %and3A_396 : vector<16xi32>
    %and3A_398 = arith.constant 8191 : i32
    %and3A_399 = vector.broadcast %and3A_398 : i32 to vector<16xi32>
    %and3A_400 = arith.andi %and3A_396, %and3A_399 : vector<16xi32>
    %shift_left3A_401 = arith.constant 1 : i32
    %shift_left3A_402 = vector.broadcast %shift_left3A_401 : i32 to vector<16xi32>
    %shift_left3A_403 = arith.shli %and3A_400, %shift_left3A_402 : vector<16xi32>
    %add3A_404 = arith.addi %sub3A_397, %shift_left3A_403 : vector<16xi32>
    %shift_right_arithmetic3A_405 = arith.constant 13 : i32
    %shift_right_arithmetic3A_406 = vector.broadcast %shift_right_arithmetic3A_405 : i32 to vector<16xi32>
    %shift_right_arithmetic3A_407 = arith.shrsi %and3A_396, %shift_right_arithmetic3A_406 : vector<16xi32>
    %add3A_408 = arith.addi %add3A_404, %shift_right_arithmetic3A_407 : vector<16xi32>
    %swap3A_409 = arith.constant 0 : i32
    %swap3A_410 = arith.constant 0 : i32
    %swap3A_411 = arith.index_cast %swap3A_409 : i32 to index
    %swap3A_412 = arith.index_cast %swap3A_410 : i32 to index
    %swap3A_413 = arith.constant 96 : index
    %swap3A_414 = tpu.vector_load %arg6[%swap3A_411, %swap3A_412, %swap3A_413] {strides = array<i32>} : memref<2x4x128xi32, #tpu.memory_space<vmem>>, vector<16xi32>,
    tpu.vector_store %arg6[%swap3A_411, %swap3A_412, %swap3A_413], %add3A_408 {strides = array<i32>} : memref<2x4x128xi32, #tpu.memory_space<vmem>>, vector<16xi32>,
    %get3A_415 = arith.constant 0 : i32
    %get3A_416 = arith.constant 0 : i32
    %get3A_417 = arith.index_cast %get3A_415 : i32 to index
    %get3A_418 = arith.index_cast %get3A_416 : i32 to index
    %get3A_419 = arith.constant 112 : index
    %get3A_420 = tpu.vector_load %arg6[%get3A_417, %get3A_418, %get3A_419] {strides = array<i32>} : memref<2x4x128xi32, #tpu.memory_space<vmem>>, vector<16xi32>,
    %and3A_421 = arith.constant 16383 : i32
    %and3A_422 = vector.broadcast %and3A_421 : i32 to vector<16xi32>
    %and3A_423 = arith.andi %get3A_420, %and3A_422 : vector<16xi32>
    %sub3A_424 = arith.subi %get3A_420, %and3A_423 : vector<16xi32>
    %and3A_425 = arith.constant 8191 : i32
    %and3A_426 = vector.broadcast %and3A_425 : i32 to vector<16xi32>
    %and3A_427 = arith.andi %and3A_423, %and3A_426 : vector<16xi32>
    %shift_left3A_428 = arith.constant 1 : i32
    %shift_left3A_429 = vector.broadcast %shift_left3A_428 : i32 to vector<16xi32>
    %shift_left3A_430 = arith.shli %and3A_427, %shift_left3A_429 : vector<16xi32>
    %add3A_431 = arith.addi %sub3A_424, %shift_left3A_430 : vector<16xi32>
    %shift_right_arithmetic3A_432 = arith.constant 13 : i32
    %shift_right_arithmetic3A_433 = vector.broadcast %shift_right_arithmetic3A_432 : i32 to vector<16xi32>
    %shift_right_arithmetic3A_434 = arith.shrsi %and3A_423, %shift_right_arithmetic3A_433 : vector<16xi32>
    %add3A_435 = arith.addi %add3A_431, %shift_right_arithmetic3A_434 : vector<16xi32>
    %swap3A_436 = arith.constant 0 : i32
    %swap3A_437 = arith.constant 0 : i32
    %swap3A_438 = arith.index_cast %swap3A_436 : i32 to index
    %swap3A_439 = arith.index_cast %swap3A_437 : i32 to index
    %swap3A_440 = arith.constant 112 : index
    %swap3A_441 = tpu.vector_load %arg6[%swap3A_438, %swap3A_439, %swap3A_440] {strides = array<i32>} : memref<2x4x128xi32, #tpu.memory_space<vmem>>, vector<16xi32>,
    tpu.vector_store %arg6[%swap3A_438, %swap3A_439, %swap3A_440], %add3A_435 {strides = array<i32>} : memref<2x4x128xi32, #tpu.memory_space<vmem>>, vector<16xi32>,
    %get3A_442 = arith.constant 0 : i32
    %get3A_443 = arith.constant 1 : i32
    %get3A_444 = arith.index_cast %get3A_442 : i32 to index
    %get3A_445 = arith.index_cast %get3A_443 : i32 to index
    %get3A_446 = arith.constant 0 : index
    %get3A_447 = tpu.vector_load %arg6[%get3A_444, %get3A_445, %get3A_446] {strides = array<i32>} : memref<2x4x128xi32, #tpu.memory_space<vmem>>, vector<16xi32>,
    %and3A_448 = arith.constant 16383 : i32
    %and3A_449 = vector.broadcast %and3A_448 : i32 to vector<16xi32>
    %and3A_450 = arith.andi %get3A_447, %and3A_449 : vector<16xi32>
    %sub3A_451 = arith.subi %get3A_447, %and3A_450 : vector<16xi32>
    %and3A_452 = arith.constant 8191 : i32
    %and3A_453 = vector.broadcast %and3A_452 : i32 to vector<16xi32>
    %and3A_454 = arith.andi %and3A_450, %and3A_453 : vector<16xi32>
    %shift_left3A_455 = arith.constant 1 : i32
    %shift_left3A_456 = vector.broadcast %shift_left3A_455 : i32 to vector<16xi32>
    %shift_left3A_457 = arith.shli %and3A_454, %shift_left3A_456 : vector<16xi32>
    %add3A_458 = arith.addi %sub3A_451, %shift_left3A_457 : vector<16xi32>
    %shift_right_arithmetic3A_459 = arith.constant 13 : i32
    %shift_right_arithmetic3A_460 = vector.broadcast %shift_right_arithmetic3A_459 : i32 to vector<16xi32>
    %shift_right_arithmetic3A_461 = arith.shrsi %and3A_450, %shift_right_arithmetic3A_460 : vector<16xi32>
    %add3A_462 = arith.addi %add3A_458, %shift_right_arithmetic3A_461 : vector<16xi32>
    %swap3A_463 = arith.constant 0 : i32
    %swap3A_464 = arith.constant 1 : i32
    %swap3A_465 = arith.index_cast %swap3A_463 : i32 to index
    %swap3A_466 = arith.index_cast %swap3A_464 : i32 to index
    %swap3A_467 = arith.constant 0 : index
    %swap3A_468 = tpu.vector_load %arg6[%swap3A_465, %swap3A_466, %swap3A_467] {strides = array<i32>} : memref<2x4x128xi32, #tpu.memory_space<vmem>>, vector<16xi32>,
    tpu.vector_store %arg6[%swap3A_465, %swap3A_466, %swap3A_467], %add3A_462 {strides = array<i32>} : memref<2x4x128xi32, #tpu.memory_space<vmem>>, vector<16xi32>,
    %get3A_469 = arith.constant 0 : i32
    %get3A_470 = arith.constant 1 : i32
    %get3A_471 = arith.index_cast %get3A_469 : i32 to index
    %get3A_472 = arith.index_cast %get3A_470 : i32 to index
    %get3A_473 = arith.constant 16 : index
    %get3A_474 = tpu.vector_load %arg6[%get3A_471, %get3A_472, %get3A_473] {strides = array<i32>} : memref<2x4x128xi32, #tpu.memory_space<vmem>>, vector<16xi32>,
    %and3A_475 = arith.constant 16383 : i32
    %and3A_476 = vector.broadcast %and3A_475 : i32 to vector<16xi32>
    %and3A_477 = arith.andi %get3A_474, %and3A_476 : vector<16xi32>
    %sub3A_478 = arith.subi %get3A_474, %and3A_477 : vector<16xi32>
    %and3A_479 = arith.constant 8191 : i32
    %and3A_480 = vector.broadcast %and3A_479 : i32 to vector<16xi32>
    %and3A_481 = arith.andi %and3A_477, %and3A_480 : vector<16xi32>
    %shift_left3A_482 = arith.constant 1 : i32
    %shift_left3A_483 = vector.broadcast %shift_left3A_482 : i32 to vector<16xi32>
    %shift_left3A_484 = arith.shli %and3A_481, %shift_left3A_483 : vector<16xi32>
    %add3A_485 = arith.addi %sub3A_478, %shift_left3A_484 : vector<16xi32>
    %shift_right_arithmetic3A_486 = arith.constant 13 : i32
    %shift_right_arithmetic3A_487 = vector.broadcast %shift_right_arithmetic3A_486 : i32 to vector<16xi32>
    %shift_right_arithmetic3A_488 = arith.shrsi %and3A_477, %shift_right_arithmetic3A_487 : vector<16xi32>
    %add3A_489 = arith.addi %add3A_485, %shift_right_arithmetic3A_488 : vector<16xi32>
    %swap3A_490 = arith.constant 0 : i32
    %swap3A_491 = arith.constant 1 : i32
    %swap3A_492 = arith.index_cast %swap3A_490 : i32 to index
    %swap3A_493 = arith.index_cast %swap3A_491 : i32 to index
    %swap3A_494 = arith.constant 16 : index
    %swap3A_495 = tpu.vector_load %arg6[%swap3A_492, %swap3A_493, %swap3A_494] {strides = array<i32>} : memref<2x4x128xi32, #tpu.memory_space<vmem>>, vector<16xi32>,
    tpu.vector_store %arg6[%swap3A_492, %swap3A_493, %swap3A_494], %add3A_489 {strides = array<i32>} : memref<2x4x128xi32, #tpu.memory_space<vmem>>, vector<16xi32>,
    %get3A_496 = arith.constant 0 : i32
    %get3A_497 = arith.constant 1 : i32
    %get3A_498 = arith.index_cast %get3A_496 : i32 to index
    %get3A_499 = arith.index_cast %get3A_497 : i32 to index
    %get3A_500 = arith.constant 32 : index
    %get3A_501 = tpu.vector_load %arg6[%get3A_498, %get3A_499, %get3A_500] {strides = array<i32>} : memref<2x4x128xi32, #tpu.memory_space<vmem>>, vector<16xi32>,
    %and3A_502 = arith.constant 16383 : i32
    %and3A_503 = vector.broadcast %and3A_502 : i32 to vector<16xi32>
    %and3A_504 = arith.andi %get3A_501, %and3A_503 : vector<16xi32>
    %sub3A_505 = arith.subi %get3A_501, %and3A_504 : vector<16xi32>
    %and3A_506 = arith.constant 8191 : i32
    %and3A_507 = vector.broadcast %and3A_506 : i32 to vector<16xi32>
    %and3A_508 = arith.andi %and3A_504, %and3A_507 : vector<16xi32>
    %shift_left3A_509 = arith.constant 1 : i32
    %shift_left3A_510 = vector.broadcast %shift_left3A_509 : i32 to vector<16xi32>
    %shift_left3A_511 = arith.shli %and3A_508, %shift_left3A_510 : vector<16xi32>
    %add3A_512 = arith.addi %sub3A_505, %shift_left3A_511 : vector<16xi32>
    %shift_right_arithmetic3A_513 = arith.constant 13 : i32
    %shift_right_arithmetic3A_514 = vector.broadcast %shift_right_arithmetic3A_513 : i32 to vector<16xi32>
    %shift_right_arithmetic3A_515 = arith.shrsi %and3A_504, %shift_right_arithmetic3A_514 : vector<16xi32>
    %add3A_516 = arith.addi %add3A_512, %shift_right_arithmetic3A_515 : vector<16xi32>
    %swap3A_517 = arith.constant 0 : i32
    %swap3A_518 = arith.constant 1 : i32
    %swap3A_519 = arith.index_cast %swap3A_517 : i32 to index
    %swap3A_520 = arith.index_cast %swap3A_518 : i32 to index
    %swap3A_521 = arith.constant 32 : index
    %swap3A_522 = tpu.vector_load %arg6[%swap3A_519, %swap3A_520, %swap3A_521] {strides = array<i32>} : memref<2x4x128xi32, #tpu.memory_space<vmem>>, vector<16xi32>,
    tpu.vector_store %arg6[%swap3A_519, %swap3A_520, %swap3A_521], %add3A_516 {strides = array<i32>} : memref<2x4x128xi32, #tpu.memory_space<vmem>>, vector<16xi32>,
    %get3A_523 = arith.constant 0 : i32
    %get3A_524 = arith.constant 1 : i32
    %get3A_525 = arith.index_cast %get3A_523 : i32 to index
    %get3A_526 = arith.index_cast %get3A_524 : i32 to index
    %get3A_527 = arith.constant 48 : index
    %get3A_528 = tpu.vector_load %arg6[%get3A_525, %get3A_526, %get3A_527] {strides = array<i32>} : memref<2x4x128xi32, #tpu.memory_space<vmem>>, vector<16xi32>,
    %and3A_529 = arith.constant 16383 : i32
    %and3A_530 = vector.broadcast %and3A_529 : i32 to vector<16xi32>
    %and3A_531 = arith.andi %get3A_528, %and3A_530 : vector<16xi32>
    %sub3A_532 = arith.subi %get3A_528, %and3A_531 : vector<16xi32>
    %and3A_533 = arith.constant 8191 : i32
    %and3A_534 = vector.broadcast %and3A_533 : i32 to vector<16xi32>
    %and3A_535 = arith.andi %and3A_531, %and3A_534 : vector<16xi32>
    %shift_left3A_536 = arith.constant 1 : i32
    %shift_left3A_537 = vector.broadcast %shift_left3A_536 : i32 to vector<16xi32>
    %shift_left3A_538 = arith.shli %and3A_535, %shift_left3A_537 : vector<16xi32>
    %add3A_539 = arith.addi %sub3A_532, %shift_left3A_538 : vector<16xi32>
    %shift_right_arithmetic3A_540 = arith.constant 13 : i32
    %shift_right_arithmetic3A_541 = vector.broadcast %shift_right_arithmetic3A_540 : i32 to vector<16xi32>
    %shift_right_arithmetic3A_542 = arith.shrsi %and3A_531, %shift_right_arithmetic3A_541 : vector<16xi32>
    %add3A_543 = arith.addi %add3A_539, %shift_right_arithmetic3A_542 : vector<16xi32>
    %swap3A_544 = arith.constant 0 : i32
    %swap3A_545 = arith.constant 1 : i32
    %swap3A_546 = arith.index_cast %swap3A_544 : i32 to index
    %swap3A_547 = arith.index_cast %swap3A_545 : i32 to index
    %swap3A_548 = arith.constant 48 : index
    %swap3A_549 = tpu.vector_load %arg6[%swap3A_546, %swap3A_547, %swap3A_548] {strides = array<i32>} : memref<2x4x128xi32, #tpu.memory_space<vmem>>, vector<16xi32>,
    tpu.vector_store %arg6[%swap3A_546, %swap3A_547, %swap3A_548], %add3A_543 {strides = array<i32>} : memref<2x4x128xi32, #tpu.memory_space<vmem>>, vector<16xi32>,
    %get3A_550 = arith.constant 0 : i32
    %get3A_551 = arith.constant 1 : i32
    %get3A_552 = arith.index_cast %get3A_550 : i32 to index
    %get3A_553 = arith.index_cast %get3A_551 : i32 to index
    %get3A_554 = arith.constant 64 : index
    %get3A_555 = tpu.vector_load %arg6[%get3A_552, %get3A_553, %get3A_554] {strides = array<i32>} : memref<2x4x128xi32, #tpu.memory_space<vmem>>, vector<16xi32>,
    %and3A_556 = arith.constant 16383 : i32
    %and3A_557 = vector.broadcast %and3A_556 : i32 to vector<16xi32>
    %and3A_558 = arith.andi %get3A_555, %and3A_557 : vector<16xi32>
    %sub3A_559 = arith.subi %get3A_555, %and3A_558 : vector<16xi32>
    %and3A_560 = arith.constant 8191 : i32
    %and3A_561 = vector.broadcast %and3A_560 : i32 to vector<16xi32>
    %and3A_562 = arith.andi %and3A_558, %and3A_561 : vector<16xi32>
    %shift_left3A_563 = arith.constant 1 : i32
    %shift_left3A_564 = vector.broadcast %shift_left3A_563 : i32 to vector<16xi32>
    %shift_left3A_565 = arith.shli %and3A_562, %shift_left3A_564 : vector<16xi32>
    %add3A_566 = arith.addi %sub3A_559, %shift_left3A_565 : vector<16xi32>
    %shift_right_arithmetic3A_567 = arith.constant 13 : i32
    %shift_right_arithmetic3A_568 = vector.broadcast %shift_right_arithmetic3A_567 : i32 to vector<16xi32>
    %shift_right_arithmetic3A_569 = arith.shrsi %and3A_558, %shift_right_arithmetic3A_568 : vector<16xi32>
    %add3A_570 = arith.addi %add3A_566, %shift_right_arithmetic3A_569 : vector<16xi32>
    %swap3A_571 = arith.constant 0 : i32
    %swap3A_572 = arith.constant 1 : i32
    %swap3A_573 = arith.index_cast %swap3A_571 : i32 to index
    %swap3A_574 = arith.index_cast %swap3A_572 : i32 to index
    %swap3A_575 = arith.constant 64 : index
    %swap3A_576 = tpu.vector_load %arg6[%swap3A_573, %swap3A_574, %swap3A_575] {strides = array<i32>} : memref<2x4x128xi32, #tpu.memory_space<vmem>>, vector<16xi32>,
    tpu.vector_store %arg6[%swap3A_573, %swap3A_574, %swap3A_575], %add3A_570 {strides = array<i32>} : memref<2x4x128xi32, #tpu.memory_space<vmem>>, vector<16xi32>,
    %get3A_577 = arith.constant 0 : i32
    %get3A_578 = arith.constant 1 : i32
    %get3A_579 = arith.index_cast %get3A_577 : i32 to index
    %get3A_580 = arith.index_cast %get3A_578 : i32 to index
    %get3A_581 = arith.constant 80 : index
    %get3A_582 = tpu.vector_load %arg6[%get3A_579, %get3A_580, %get3A_581] {strides = array<i32>} : memref<2x4x128xi32, #tpu.memory_space<vmem>>, vector<16xi32>,
    %and3A_583 = arith.constant 16383 : i32
    %and3A_584 = vector.broadcast %and3A_583 : i32 to vector<16xi32>
    %and3A_585 = arith.andi %get3A_582, %and3A_584 : vector<16xi32>
    %sub3A_586 = arith.subi %get3A_582, %and3A_585 : vector<16xi32>
    %and3A_587 = arith.constant 8191 : i32
    %and3A_588 = vector.broadcast %and3A_587 : i32 to vector<16xi32>
    %and3A_589 = arith.andi %and3A_585, %and3A_588 : vector<16xi32>
    %shift_left3A_590 = arith.constant 1 : i32
    %shift_left3A_591 = vector.broadcast %shift_left3A_590 : i32 to vector<16xi32>
    %shift_left3A_592 = arith.shli %and3A_589, %shift_left3A_591 : vector<16xi32>
    %add3A_593 = arith.addi %sub3A_586, %shift_left3A_592 : vector<16xi32>
    %shift_right_arithmetic3A_594 = arith.constant 13 : i32
    %shift_right_arithmetic3A_595 = vector.broadcast %shift_right_arithmetic3A_594 : i32 to vector<16xi32>
    %shift_right_arithmetic3A_596 = arith.shrsi %and3A_585, %shift_right_arithmetic3A_595 : vector<16xi32>
    %add3A_597 = arith.addi %add3A_593, %shift_right_arithmetic3A_596 : vector<16xi32>
    %swap3A_598 = arith.constant 0 : i32
    %swap3A_599 = arith.constant 1 : i32
    %swap3A_600 = arith.index_cast %swap3A_598 : i32 to index
    %swap3A_601 = arith.index_cast %swap3A_599 : i32 to index
    %swap3A_602 = arith.constant 80 : index
    %swap3A_603 = tpu.vector_load %arg6[%swap3A_600, %swap3A_601, %swap3A_602] {strides = array<i32>} : memref<2x4x128xi32, #tpu.memory_space<vmem>>, vector<16xi32>,
    tpu.vector_store %arg6[%swap3A_600, %swap3A_601, %swap3A_602], %add3A_597 {strides = array<i32>} : memref<2x4x128xi32, #tpu.memory_space<vmem>>, vector<16xi32>,
    %get3A_604 = arith.constant 0 : i32
    %get3A_605 = arith.constant 1 : i32
    %get3A_606 = arith.index_cast %get3A_604 : i32 to index
    %get3A_607 = arith.index_cast %get3A_605 : i32 to index
    %get3A_608 = arith.constant 96 : index
    %get3A_609 = tpu.vector_load %arg6[%get3A_606, %get3A_607, %get3A_608] {strides = array<i32>} : memref<2x4x128xi32, #tpu.memory_space<vmem>>, vector<16xi32>,
    %and3A_610 = arith.constant 16383 : i32
    %and3A_611 = vector.broadcast %and3A_610 : i32 to vector<16xi32>
    %and3A_612 = arith.andi %get3A_609, %and3A_611 : vector<16xi32>
    %sub3A_613 = arith.subi %get3A_609, %and3A_612 : vector<16xi32>
    %and3A_614 = arith.constant 8191 : i32
    %and3A_615 = vector.broadcast %and3A_614 : i32 to vector<16xi32>
    %and3A_616 = arith.andi %and3A_612, %and3A_615 : vector<16xi32>
    %shift_left3A_617 = arith.constant 1 : i32
    %shift_left3A_618 = vector.broadcast %shift_left3A_617 : i32 to vector<16xi32>
    %shift_left3A_619 = arith.shli %and3A_616, %shift_left3A_618 : vector<16xi32>
    %add3A_620 = arith.addi %sub3A_613, %shift_left3A_619 : vector<16xi32>
    %shift_right_arithmetic3A_621 = arith.constant 13 : i32
    %shift_right_arithmetic3A_622 = vector.broadcast %shift_right_arithmetic3A_621 : i32 to vector<16xi32>
    %shift_right_arithmetic3A_623 = arith.shrsi %and3A_612, %shift_right_arithmetic3A_622 : vector<16xi32>
    %add3A_624 = arith.addi %add3A_620, %shift_right_arithmetic3A_623 : vector<16xi32>
    %swap3A_625 = arith.constant 0 : i32
    %swap3A_626 = arith.constant 1 : i32
    %swap3A_627 = arith.index_cast %swap3A_625 : i32 to index
    %swap3A_628 = arith.index_cast %swap3A_626 : i32 to index
    %swap3A_629 = arith.constant 96 : index
    %swap3A_630 = tpu.vector_load %arg6[%swap3A_627, %swap3A_628, %swap3A_629] {strides = array<i32>} : memref<2x4x128xi32, #tpu.memory_space<vmem>>, vector<16xi32>,
    tpu.vector_store %arg6[%swap3A_627, %swap3A_628, %swap3A_629], %add3A_624 {strides = array<i32>} : memref<2x4x128xi32, #tpu.memory_space<vmem>>, vector<16xi32>,
    %get3A_631 = arith.constant 0 : i32
    %get3A_632 = arith.constant 1 : i32
    %get3A_633 = arith.index_cast %get3A_631 : i32 to index
    %get3A_634 = arith.index_cast %get3A_632 : i32 to index
    %get3A_635 = arith.constant 112 : index
    %get3A_636 = tpu.vector_load %arg6[%get3A_633, %get3A_634, %get3A_635] {strides = array<i32>} : memref<2x4x128xi32, #tpu.memory_space<vmem>>, vector<16xi32>,
    %and3A_637 = arith.constant 16383 : i32
    %and3A_638 = vector.broadcast %and3A_637 : i32 to vector<16xi32>
    %and3A_639 = arith.andi %get3A_636, %and3A_638 : vector<16xi32>
    %sub3A_640 = arith.subi %get3A_636, %and3A_639 : vector<16xi32>
    %and3A_641 = arith.constant 8191 : i32
    %and3A_642 = vector.broadcast %and3A_641 : i32 to vector<16xi32>
    %and3A_643 = arith.andi %and3A_639, %and3A_642 : vector<16xi32>
    %shift_left3A_644 = arith.constant 1 : i32
    %shift_left3A_645 = vector.broadcast %shift_left3A_644 : i32 to vector<16xi32>
    %shift_left3A_646 = arith.shli %and3A_643, %shift_left3A_645 : vector<16xi32>
    %add3A_647 = arith.addi %sub3A_640, %shift_left3A_646 : vector<16xi32>
    %shift_right_arithmetic3A_648 = arith.constant 13 : i32
    %shift_right_arithmetic3A_649 = vector.broadcast %shift_right_arithmetic3A_648 : i32 to vector<16xi32>
    %shift_right_arithmetic3A_650 = arith.shrsi %and3A_639, %shift_right_arithmetic3A_649 : vector<16xi32>
    %add3A_651 = arith.addi %add3A_647, %shift_right_arithmetic3A_650 : vector<16xi32>
    %swap3A_652 = arith.constant 0 : i32
    %swap3A_653 = arith.constant 1 : i32
    %swap3A_654 = arith.index_cast %swap3A_652 : i32 to index
    %swap3A_655 = arith.index_cast %swap3A_653 : i32 to index
    %swap3A_656 = arith.constant 112 : index
    %swap3A_657 = tpu.vector_load %arg6[%swap3A_654, %swap3A_655, %swap3A_656] {strides = array<i32>} : memref<2x4x128xi32, #tpu.memory_space<vmem>>, vector<16xi32>,
    tpu.vector_store %arg6[%swap3A_654, %swap3A_655, %swap3A_656], %add3A_651 {strides = array<i32>} : memref<2x4x128xi32, #tpu.memory_space<vmem>>, vector<16xi32>,
    %get3A_658 = arith.constant 0 : i32
    %get3A_659 = arith.constant 2 : i32
    %get3A_660 = arith.index_cast %get3A_658 : i32 to index
    %get3A_661 = arith.index_cast %get3A_659 : i32 to index
    %get3A_662 = arith.constant 0 : index
    %get3A_663 = tpu.vector_load %arg6[%get3A_660, %get3A_661, %get3A_662] {strides = array<i32>} : memref<2x4x128xi32, #tpu.memory_space<vmem>>, vector<16xi32>,
    %and3A_664 = arith.constant 16383 : i32
    %and3A_665 = vector.broadcast %and3A_664 : i32 to vector<16xi32>
    %and3A_666 = arith.andi %get3A_663, %and3A_665 : vector<16xi32>
    %sub3A_667 = arith.subi %get3A_663, %and3A_666 : vector<16xi32>
    %and3A_668 = arith.constant 8191 : i32
    %and3A_669 = vector.broadcast %and3A_668 : i32 to vector<16xi32>
    %and3A_670 = arith.andi %and3A_666, %and3A_669 : vector<16xi32>
    %shift_left3A_671 = arith.constant 1 : i32
    %shift_left3A_672 = vector.broadcast %shift_left3A_671 : i32 to vector<16xi32>
    %shift_left3A_673 = arith.shli %and3A_670, %shift_left3A_672 : vector<16xi32>
    %add3A_674 = arith.addi %sub3A_667, %shift_left3A_673 : vector<16xi32>
    %shift_right_arithmetic3A_675 = arith.constant 13 : i32
    %shift_right_arithmetic3A_676 = vector.broadcast %shift_right_arithmetic3A_675 : i32 to vector<16xi32>
    %shift_right_arithmetic3A_677 = arith.shrsi %and3A_666, %shift_right_arithmetic3A_676 : vector<16xi32>
    %add3A_678 = arith.addi %add3A_674, %shift_right_arithmetic3A_677 : vector<16xi32>
    %swap3A_679 = arith.constant 0 : i32
    %swap3A_680 = arith.constant 2 : i32
    %swap3A_681 = arith.index_cast %swap3A_679 : i32 to index
    %swap3A_682 = arith.index_cast %swap3A_680 : i32 to index
    %swap3A_683 = arith.constant 0 : index
    %swap3A_684 = tpu.vector_load %arg6[%swap3A_681, %swap3A_682, %swap3A_683] {strides = array<i32>} : memref<2x4x128xi32, #tpu.memory_space<vmem>>, vector<16xi32>,
    tpu.vector_store %arg6[%swap3A_681, %swap3A_682, %swap3A_683], %add3A_678 {strides = array<i32>} : memref<2x4x128xi32, #tpu.memory_space<vmem>>, vector<16xi32>,
    %get3A_685 = arith.constant 0 : i32
    %get3A_686 = arith.constant 2 : i32
    %get3A_687 = arith.index_cast %get3A_685 : i32 to index
    %get3A_688 = arith.index_cast %get3A_686 : i32 to index
    %get3A_689 = arith.constant 16 : index
    %get3A_690 = tpu.vector_load %arg6[%get3A_687, %get3A_688, %get3A_689] {strides = array<i32>} : memref<2x4x128xi32, #tpu.memory_space<vmem>>, vector<16xi32>,
    %and3A_691 = arith.constant 16383 : i32
    %and3A_692 = vector.broadcast %and3A_691 : i32 to vector<16xi32>
    %and3A_693 = arith.andi %get3A_690, %and3A_692 : vector<16xi32>
    %sub3A_694 = arith.subi %get3A_690, %and3A_693 : vector<16xi32>
    %and3A_695 = arith.constant 8191 : i32
    %and3A_696 = vector.broadcast %and3A_695 : i32 to vector<16xi32>
    %and3A_697 = arith.andi %and3A_693, %and3A_696 : vector<16xi32>
    %shift_left3A_698 = arith.constant 1 : i32
    %shift_left3A_699 = vector.broadcast %shift_left3A_698 : i32 to vector<16xi32>
    %shift_left3A_700 = arith.shli %and3A_697, %shift_left3A_699 : vector<16xi32>
    %add3A_701 = arith.addi %sub3A_694, %shift_left3A_700 : vector<16xi32>
    %shift_right_arithmetic3A_702 = arith.constant 13 : i32
    %shift_right_arithmetic3A_703 = vector.broadcast %shift_right_arithmetic3A_702 : i32 to vector<16xi32>
    %shift_right_arithmetic3A_704 = arith.shrsi %and3A_693, %shift_right_arithmetic3A_703 : vector<16xi32>
    %add3A_705 = arith.addi %add3A_701, %shift_right_arithmetic3A_704 : vector<16xi32>
    %swap3A_706 = arith.constant 0 : i32
    %swap3A_707 = arith.constant 2 : i32
    %swap3A_708 = arith.index_cast %swap3A_706 : i32 to index
    %swap3A_709 = arith.index_cast %swap3A_707 : i32 to index
    %swap3A_710 = arith.constant 16 : index
    %swap3A_711 = tpu.vector_load %arg6[%swap3A_708, %swap3A_709, %swap3A_710] {strides = array<i32>} : memref<2x4x128xi32, #tpu.memory_space<vmem>>, vector<16xi32>,
    tpu.vector_store %arg6[%swap3A_708, %swap3A_709, %swap3A_710], %add3A_705 {strides = array<i32>} : memref<2x4x128xi32, #tpu.memory_space<vmem>>, vector<16xi32>,
    %get3A_712 = arith.constant 0 : i32
    %get3A_713 = arith.constant 2 : i32
    %get3A_714 = arith.index_cast %get3A_712 : i32 to index
    %get3A_715 = arith.index_cast %get3A_713 : i32 to index
    %get3A_716 = arith.constant 32 : index
    %get3A_717 = tpu.vector_load %arg6[%get3A_714, %get3A_715, %get3A_716] {strides = array<i32>} : memref<2x4x128xi32, #tpu.memory_space<vmem>>, vector<16xi32>,
    %and3A_718 = arith.constant 16383 : i32
    %and3A_719 = vector.broadcast %and3A_718 : i32 to vector<16xi32>
    %and3A_720 = arith.andi %get3A_717, %and3A_719 : vector<16xi32>
    %sub3A_721 = arith.subi %get3A_717, %and3A_720 : vector<16xi32>
    %and3A_722 = arith.constant 8191 : i32
    %and3A_723 = vector.broadcast %and3A_722 : i32 to vector<16xi32>
    %and3A_724 = arith.andi %and3A_720, %and3A_723 : vector<16xi32>
    %shift_left3A_725 = arith.constant 1 : i32
    %shift_left3A_726 = vector.broadcast %shift_left3A_725 : i32 to vector<16xi32>
    %shift_left3A_727 = arith.shli %and3A_724, %shift_left3A_726 : vector<16xi32>
    %add3A_728 = arith.addi %sub3A_721, %shift_left3A_727 : vector<16xi32>
    %shift_right_arithmetic3A_729 = arith.constant 13 : i32
    %shift_right_arithmetic3A_730 = vector.broadcast %shift_right_arithmetic3A_729 : i32 to vector<16xi32>
    %shift_right_arithmetic3A_731 = arith.shrsi %and3A_720, %shift_right_arithmetic3A_730 : vector<16xi32>
    %add3A_732 = arith.addi %add3A_728, %shift_right_arithmetic3A_731 : vector<16xi32>
    %swap3A_733 = arith.constant 0 : i32
    %swap3A_734 = arith.constant 2 : i32
    %swap3A_735 = arith.index_cast %swap3A_733 : i32 to index
    %swap3A_736 = arith.index_cast %swap3A_734 : i32 to index
    %swap3A_737 = arith.constant 32 : index
    %swap3A_738 = tpu.vector_load %arg6[%swap3A_735, %swap3A_736, %swap3A_737] {strides = array<i32>} : memref<2x4x128xi32, #tpu.memory_space<vmem>>, vector<16xi32>,
    tpu.vector_store %arg6[%swap3A_735, %swap3A_736, %swap3A_737], %add3A_732 {strides = array<i32>} : memref<2x4x128xi32, #tpu.memory_space<vmem>>, vector<16xi32>,
    %get3A_739 = arith.constant 0 : i32
    %get3A_740 = arith.constant 2 : i32
    %get3A_741 = arith.index_cast %get3A_739 : i32 to index
    %get3A_742 = arith.index_cast %get3A_740 : i32 to index
    %get3A_743 = arith.constant 48 : index
    %get3A_744 = tpu.vector_load %arg6[%get3A_741, %get3A_742, %get3A_743] {strides = array<i32>} : memref<2x4x128xi32, #tpu.memory_space<vmem>>, vector<16xi32>,
    %and3A_745 = arith.constant 16383 : i32
    %and3A_746 = vector.broadcast %and3A_745 : i32 to vector<16xi32>
    %and3A_747 = arith.andi %get3A_744, %and3A_746 : vector<16xi32>
    %sub3A_748 = arith.subi %get3A_744, %and3A_747 : vector<16xi32>
    %and3A_749 = arith.constant 8191 : i32
    %and3A_750 = vector.broadcast %and3A_749 : i32 to vector<16xi32>
    %and3A_751 = arith.andi %and3A_747, %and3A_750 : vector<16xi32>
    %shift_left3A_752 = arith.constant 1 : i32
    %shift_left3A_753 = vector.broadcast %shift_left3A_752 : i32 to vector<16xi32>
    %shift_left3A_754 = arith.shli %and3A_751, %shift_left3A_753 : vector<16xi32>
    %add3A_755 = arith.addi %sub3A_748, %shift_left3A_754 : vector<16xi32>
    %shift_right_arithmetic3A_756 = arith.constant 13 : i32
    %shift_right_arithmetic3A_757 = vector.broadcast %shift_right_arithmetic3A_756 : i32 to vector<16xi32>
    %shift_right_arithmetic3A_758 = arith.shrsi %and3A_747, %shift_right_arithmetic3A_757 : vector<16xi32>
    %add3A_759 = arith.addi %add3A_755, %shift_right_arithmetic3A_758 : vector<16xi32>
    %swap3A_760 = arith.constant 0 : i32
    %swap3A_761 = arith.constant 2 : i32
    %swap3A_762 = arith.index_cast %swap3A_760 : i32 to index
    %swap3A_763 = arith.index_cast %swap3A_761 : i32 to index
    %swap3A_764 = arith.constant 48 : index
    %swap3A_765 = tpu.vector_load %arg6[%swap3A_762, %swap3A_763, %swap3A_764] {strides = array<i32>} : memref<2x4x128xi32, #tpu.memory_space<vmem>>, vector<16xi32>,
    tpu.vector_store %arg6[%swap3A_762, %swap3A_763, %swap3A_764], %add3A_759 {strides = array<i32>} : memref<2x4x128xi32, #tpu.memory_space<vmem>>, vector<16xi32>,
    %get3A_766 = arith.constant 0 : i32
    %get3A_767 = arith.constant 2 : i32
    %get3A_768 = arith.index_cast %get3A_766 : i32 to index
    %get3A_769 = arith.index_cast %get3A_767 : i32 to index
    %get3A_770 = arith.constant 64 : index
    %get3A_771 = tpu.vector_load %arg6[%get3A_768, %get3A_769, %get3A_770] {strides = array<i32>} : memref<2x4x128xi32, #tpu.memory_space<vmem>>, vector<16xi32>,
    %and3A_772 = arith.constant 16383 : i32
    %and3A_773 = vector.broadcast %and3A_772 : i32 to vector<16xi32>
    %and3A_774 = arith.andi %get3A_771, %and3A_773 : vector<16xi32>
    %sub3A_775 = arith.subi %get3A_771, %and3A_774 : vector<16xi32>
    %and3A_776 = arith.constant 8191 : i32
    %and3A_777 = vector.broadcast %and3A_776 : i32 to vector<16xi32>
    %and3A_778 = arith.andi %and3A_774, %and3A_777 : vector<16xi32>
    %shift_left3A_779 = arith.constant 1 : i32
    %shift_left3A_780 = vector.broadcast %shift_left3A_779 : i32 to vector<16xi32>
    %shift_left3A_781 = arith.shli %and3A_778, %shift_left3A_780 : vector<16xi32>
    %add3A_782 = arith.addi %sub3A_775, %shift_left3A_781 : vector<16xi32>
    %shift_right_arithmetic3A_783 = arith.constant 13 : i32
    %shift_right_arithmetic3A_784 = vector.broadcast %shift_right_arithmetic3A_783 : i32 to vector<16xi32>
    %shift_right_arithmetic3A_785 = arith.shrsi %and3A_774, %shift_right_arithmetic3A_784 : vector<16xi32>
    %add3A_786 = arith.addi %add3A_782, %shift_right_arithmetic3A_785 : vector<16xi32>
    %swap3A_787 = arith.constant 0 : i32
    %swap3A_788 = arith.constant 2 : i32
    %swap3A_789 = arith.index_cast %swap3A_787 : i32 to index
    %swap3A_790 = arith.index_cast %swap3A_788 : i32 to index
    %swap3A_791 = arith.constant 64 : index
    %swap3A_792 = tpu.vector_load %arg6[%swap3A_789, %swap3A_790, %swap3A_791] {strides = array<i32>} : memref<2x4x128xi32, #tpu.memory_space<vmem>>, vector<16xi32>,
    tpu.vector_store %arg6[%swap3A_789, %swap3A_790, %swap3A_791], %add3A_786 {strides = array<i32>} : memref<2x4x128xi32, #tpu.memory_space<vmem>>, vector<16xi32>,
    %get3A_793 = arith.constant 0 : i32
    %get3A_794 = arith.constant 2 : i32
    %get3A_795 = arith.index_cast %get3A_793 : i32 to index
    %get3A_796 = arith.index_cast %get3A_794 : i32 to index
    %get3A_797 = arith.constant 80 : index
    %get3A_798 = tpu.vector_load %arg6[%get3A_795, %get3A_796, %get3A_797] {strides = array<i32>} : memref<2x4x128xi32, #tpu.memory_space<vmem>>, vector<16xi32>,
    %and3A_799 = arith.constant 16383 : i32
    %and3A_800 = vector.broadcast %and3A_799 : i32 to vector<16xi32>
    %and3A_801 = arith.andi %get3A_798, %and3A_800 : vector<16xi32>
    %sub3A_802 = arith.subi %get3A_798, %and3A_801 : vector<16xi32>
    %and3A_803 = arith.constant 8191 : i32
    %and3A_804 = vector.broadcast %and3A_803 : i32 to vector<16xi32>
    %and3A_805 = arith.andi %and3A_801, %and3A_804 : vector<16xi32>
    %shift_left3A_806 = arith.constant 1 : i32
    %shift_left3A_807 = vector.broadcast %shift_left3A_806 : i32 to vector<16xi32>
    %shift_left3A_808 = arith.shli %and3A_805, %shift_left3A_807 : vector<16xi32>
    %add3A_809 = arith.addi %sub3A_802, %shift_left3A_808 : vector<16xi32>
    %shift_right_arithmetic3A_810 = arith.constant 13 : i32
    %shift_right_arithmetic3A_811 = vector.broadcast %shift_right_arithmetic3A_810 : i32 to vector<16xi32>
    %shift_right_arithmetic3A_812 = arith.shrsi %and3A_801, %shift_right_arithmetic3A_811 : vector<16xi32>
    %add3A_813 = arith.addi %add3A_809, %shift_right_arithmetic3A_812 : vector<16xi32>
    %swap3A_814 = arith.constant 0 : i32
    %swap3A_815 = arith.constant 2 : i32
    %swap3A_816 = arith.index_cast %swap3A_814 : i32 to index
    %swap3A_817 = arith.index_cast %swap3A_815 : i32 to index
    %swap3A_818 = arith.constant 80 : index
    %swap3A_819 = tpu.vector_load %arg6[%swap3A_816, %swap3A_817, %swap3A_818] {strides = array<i32>} : memref<2x4x128xi32, #tpu.memory_space<vmem>>, vector<16xi32>,
    tpu.vector_store %arg6[%swap3A_816, %swap3A_817, %swap3A_818], %add3A_813 {strides = array<i32>} : memref<2x4x128xi32, #tpu.memory_space<vmem>>, vector<16xi32>,
    %get3A_820 = arith.constant 0 : i32
    %get3A_821 = arith.constant 2 : i32
    %get3A_822 = arith.index_cast %get3A_820 : i32 to index
    %get3A_823 = arith.index_cast %get3A_821 : i32 to index
    %get3A_824 = arith.constant 96 : index
    %get3A_825 = tpu.vector_load %arg6[%get3A_822, %get3A_823, %get3A_824] {strides = array<i32>} : memref<2x4x128xi32, #tpu.memory_space<vmem>>, vector<16xi32>,
    %and3A_826 = arith.constant 16383 : i32
    %and3A_827 = vector.broadcast %and3A_826 : i32 to vector<16xi32>
    %and3A_828 = arith.andi %get3A_825, %and3A_827 : vector<16xi32>
    %sub3A_829 = arith.subi %get3A_825, %and3A_828 : vector<16xi32>
    %and3A_830 = arith.constant 8191 : i32
    %and3A_831 = vector.broadcast %and3A_830 : i32 to vector<16xi32>
    %and3A_832 = arith.andi %and3A_828, %and3A_831 : vector<16xi32>
    %shift_left3A_833 = arith.constant 1 : i32
    %shift_left3A_834 = vector.broadcast %shift_left3A_833 : i32 to vector<16xi32>
    %shift_left3A_835 = arith.shli %and3A_832, %shift_left3A_834 : vector<16xi32>
    %add3A_836 = arith.addi %sub3A_829, %shift_left3A_835 : vector<16xi32>
    %shift_right_arithmetic3A_837 = arith.constant 13 : i32
    %shift_right_arithmetic3A_838 = vector.broadcast %shift_right_arithmetic3A_837 : i32 to vector<16xi32>
    %shift_right_arithmetic3A_839 = arith.shrsi %and3A_828, %shift_right_arithmetic3A_838 : vector<16xi32>
    %add3A_840 = arith.addi %add3A_836, %shift_right_arithmetic3A_839 : vector<16xi32>
    %swap3A_841 = arith.constant 0 : i32
    %swap3A_842 = arith.constant 2 : i32
    %swap3A_843 = arith.index_cast %swap3A_841 : i32 to index
    %swap3A_844 = arith.index_cast %swap3A_842 : i32 to index
    %swap3A_845 = arith.constant 96 : index
    %swap3A_846 = tpu.vector_load %arg6[%swap3A_843, %swap3A_844, %swap3A_845] {strides = array<i32>} : memref<2x4x128xi32, #tpu.memory_space<vmem>>, vector<16xi32>,
    tpu.vector_store %arg6[%swap3A_843, %swap3A_844, %swap3A_845], %add3A_840 {strides = array<i32>} : memref<2x4x128xi32, #tpu.memory_space<vmem>>, vector<16xi32>,
    %get3A_847 = arith.constant 0 : i32
    %get3A_848 = arith.constant 2 : i32
    %get3A_849 = arith.index_cast %get3A_847 : i32 to index
    %get3A_850 = arith.index_cast %get3A_848 : i32 to index
    %get3A_851 = arith.constant 112 : index
    %get3A_852 = tpu.vector_load %arg6[%get3A_849, %get3A_850, %get3A_851] {strides = array<i32>} : memref<2x4x128xi32, #tpu.memory_space<vmem>>, vector<16xi32>,
    %and3A_853 = arith.constant 16383 : i32
    %and3A_854 = vector.broadcast %and3A_853 : i32 to vector<16xi32>
    %and3A_855 = arith.andi %get3A_852, %and3A_854 : vector<16xi32>
    %sub3A_856 = arith.subi %get3A_852, %and3A_855 : vector<16xi32>
    %and3A_857 = arith.constant 8191 : i32
    %and3A_858 = vector.broadcast %and3A_857 : i32 to vector<16xi32>
    %and3A_859 = arith.andi %and3A_855, %and3A_858 : vector<16xi32>
    %shift_left3A_860 = arith.constant 1 : i32
    %shift_left3A_861 = vector.broadcast %shift_left3A_860 : i32 to vector<16xi32>
    %shift_left3A_862 = arith.shli %and3A_859, %shift_left3A_861 : vector<16xi32>
    %add3A_863 = arith.addi %sub3A_856, %shift_left3A_862 : vector<16xi32>
    %shift_right_arithmetic3A_864 = arith.constant 13 : i32
    %shift_right_arithmetic3A_865 = vector.broadcast %shift_right_arithmetic3A_864 : i32 to vector<16xi32>
    %shift_right_arithmetic3A_866 = arith.shrsi %and3A_855, %shift_right_arithmetic3A_865 : vector<16xi32>
    %add3A_867 = arith.addi %add3A_863, %shift_right_arithmetic3A_866 : vector<16xi32>
    %swap3A_868 = arith.constant 0 : i32
    %swap3A_869 = arith.constant 2 : i32
    %swap3A_870 = arith.index_cast %swap3A_868 : i32 to index
    %swap3A_871 = arith.index_cast %swap3A_869 : i32 to index
    %swap3A_872 = arith.constant 112 : index
    %swap3A_873 = tpu.vector_load %arg6[%swap3A_870, %swap3A_871, %swap3A_872] {strides = array<i32>} : memref<2x4x128xi32, #tpu.memory_space<vmem>>, vector<16xi32>,
    tpu.vector_store %arg6[%swap3A_870, %swap3A_871, %swap3A_872], %add3A_867 {strides = array<i32>} : memref<2x4x128xi32, #tpu.memory_space<vmem>>, vector<16xi32>,
    %get3A_874 = arith.constant 0 : i32
    %get3A_875 = arith.constant 3 : i32
    %get3A_876 = arith.index_cast %get3A_874 : i32 to index
    %get3A_877 = arith.index_cast %get3A_875 : i32 to index
    %get3A_878 = arith.constant 0 : index
    %get3A_879 = tpu.vector_load %arg6[%get3A_876, %get3A_877, %get3A_878] {strides = array<i32>} : memref<2x4x128xi32, #tpu.memory_space<vmem>>, vector<16xi32>,
    %and3A_880 = arith.constant 16383 : i32
    %and3A_881 = vector.broadcast %and3A_880 : i32 to vector<16xi32>
    %and3A_882 = arith.andi %get3A_879, %and3A_881 : vector<16xi32>
    %sub3A_883 = arith.subi %get3A_879, %and3A_882 : vector<16xi32>
    %and3A_884 = arith.constant 8191 : i32
    %and3A_885 = vector.broadcast %and3A_884 : i32 to vector<16xi32>
    %and3A_886 = arith.andi %and3A_882, %and3A_885 : vector<16xi32>
    %shift_left3A_887 = arith.constant 1 : i32
    %shift_left3A_888 = vector.broadcast %shift_left3A_887 : i32 to vector<16xi32>
    %shift_left3A_889 = arith.shli %and3A_886, %shift_left3A_888 : vector<16xi32>
    %add3A_890 = arith.addi %sub3A_883, %shift_left3A_889 : vector<16xi32>
    %shift_right_arithmetic3A_891 = arith.constant 13 : i32
    %shift_right_arithmetic3A_892 = vector.broadcast %shift_right_arithmetic3A_891 : i32 to vector<16xi32>
    %shift_right_arithmetic3A_893 = arith.shrsi %and3A_882, %shift_right_arithmetic3A_892 : vector<16xi32>
    %add3A_894 = arith.addi %add3A_890, %shift_right_arithmetic3A_893 : vector<16xi32>
    %swap3A_895 = arith.constant 0 : i32
    %swap3A_896 = arith.constant 3 : i32
    %swap3A_897 = arith.index_cast %swap3A_895 : i32 to index
    %swap3A_898 = arith.index_cast %swap3A_896 : i32 to index
    %swap3A_899 = arith.constant 0 : index
    %swap3A_900 = tpu.vector_load %arg6[%swap3A_897, %swap3A_898, %swap3A_899] {strides = array<i32>} : memref<2x4x128xi32, #tpu.memory_space<vmem>>, vector<16xi32>,
    tpu.vector_store %arg6[%swap3A_897, %swap3A_898, %swap3A_899], %add3A_894 {strides = array<i32>} : memref<2x4x128xi32, #tpu.memory_space<vmem>>, vector<16xi32>,
    %get3A_901 = arith.constant 0 : i32
    %get3A_902 = arith.constant 3 : i32
    %get3A_903 = arith.index_cast %get3A_901 : i32 to index
    %get3A_904 = arith.index_cast %get3A_902 : i32 to index
    %get3A_905 = arith.constant 16 : index
    %get3A_906 = tpu.vector_load %arg6[%get3A_903, %get3A_904, %get3A_905] {strides = array<i32>} : memref<2x4x128xi32, #tpu.memory_space<vmem>>, vector<16xi32>,
    %and3A_907 = arith.constant 16383 : i32
    %and3A_908 = vector.broadcast %and3A_907 : i32 to vector<16xi32>
    %and3A_909 = arith.andi %get3A_906, %and3A_908 : vector<16xi32>
    %sub3A_910 = arith.subi %get3A_906, %and3A_909 : vector<16xi32>
    %and3A_911 = arith.constant 8191 : i32
    %and3A_912 = vector.broadcast %and3A_911 : i32 to vector<16xi32>
    %and3A_913 = arith.andi %and3A_909, %and3A_912 : vector<16xi32>
    %shift_left3A_914 = arith.constant 1 : i32
    %shift_left3A_915 = vector.broadcast %shift_left3A_914 : i32 to vector<16xi32>
    %shift_left3A_916 = arith.shli %and3A_913, %shift_left3A_915 : vector<16xi32>
    %add3A_917 = arith.addi %sub3A_910, %shift_left3A_916 : vector<16xi32>
    %shift_right_arithmetic3A_918 = arith.constant 13 : i32
    %shift_right_arithmetic3A_919 = vector.broadcast %shift_right_arithmetic3A_918 : i32 to vector<16xi32>
    %shift_right_arithmetic3A_920 = arith.shrsi %and3A_909, %shift_right_arithmetic3A_919 : vector<16xi32>
    %add3A_921 = arith.addi %add3A_917, %shift_right_arithmetic3A_920 : vector<16xi32>
    %swap3A_922 = arith.constant 0 : i32
    %swap3A_923 = arith.constant 3 : i32
    %swap3A_924 = arith.index_cast %swap3A_922 : i32 to index
    %swap3A_925 = arith.index_cast %swap3A_923 : i32 to index
    %swap3A_926 = arith.constant 16 : index
    %swap3A_927 = tpu.vector_load %arg6[%swap3A_924, %swap3A_925, %swap3A_926] {strides = array<i32>} : memref<2x4x128xi32, #tpu.memory_space<vmem>>, vector<16xi32>,
    tpu.vector_store %arg6[%swap3A_924, %swap3A_925, %swap3A_926], %add3A_921 {strides = array<i32>} : memref<2x4x128xi32, #tpu.memory_space<vmem>>, vector<16xi32>,
    %get3A_928 = arith.constant 0 : i32
    %get3A_929 = arith.constant 3 : i32
    %get3A_930 = arith.index_cast %get3A_928 : i32 to index
    %get3A_931 = arith.index_cast %get3A_929 : i32 to index
    %get3A_932 = arith.constant 32 : index
    %get3A_933 = tpu.vector_load %arg6[%get3A_930, %get3A_931, %get3A_932] {strides = array<i32>} : memref<2x4x128xi32, #tpu.memory_space<vmem>>, vector<16xi32>,
    %and3A_934 = arith.constant 16383 : i32
    %and3A_935 = vector.broadcast %and3A_934 : i32 to vector<16xi32>
    %and3A_936 = arith.andi %get3A_933, %and3A_935 : vector<16xi32>
    %sub3A_937 = arith.subi %get3A_933, %and3A_936 : vector<16xi32>
    %and3A_938 = arith.constant 8191 : i32
    %and3A_939 = vector.broadcast %and3A_938 : i32 to vector<16xi32>
    %and3A_940 = arith.andi %and3A_936, %and3A_939 : vector<16xi32>
    %shift_left3A_941 = arith.constant 1 : i32
    %shift_left3A_942 = vector.broadcast %shift_left3A_941 : i32 to vector<16xi32>
    %shift_left3A_943 = arith.shli %and3A_940, %shift_left3A_942 : vector<16xi32>
    %add3A_944 = arith.addi %sub3A_937, %shift_left3A_943 : vector<16xi32>
    %shift_right_arithmetic3A_945 = arith.constant 13 : i32
    %shift_right_arithmetic3A_946 = vector.broadcast %shift_right_arithmetic3A_945 : i32 to vector<16xi32>
    %shift_right_arithmetic3A_947 = arith.shrsi %and3A_936, %shift_right_arithmetic3A_946 : vector<16xi32>
    %add3A_948 = arith.addi %add3A_944, %shift_right_arithmetic3A_947 : vector<16xi32>
    %swap3A_949 = arith.constant 0 : i32
    %swap3A_950 = arith.constant 3 : i32
    %swap3A_951 = arith.index_cast %swap3A_949 : i32 to index
    %swap3A_952 = arith.index_cast %swap3A_950 : i32 to index
    %swap3A_953 = arith.constant 32 : index
    %swap3A_954 = tpu.vector_load %arg6[%swap3A_951, %swap3A_952, %swap3A_953] {strides = array<i32>} : memref<2x4x128xi32, #tpu.memory_space<vmem>>, vector<16xi32>,
    tpu.vector_store %arg6[%swap3A_951, %swap3A_952, %swap3A_953], %add3A_948 {strides = array<i32>} : memref<2x4x128xi32, #tpu.memory_space<vmem>>, vector<16xi32>,
    %get3A_955 = arith.constant 0 : i32
    %get3A_956 = arith.constant 3 : i32
    %get3A_957 = arith.index_cast %get3A_955 : i32 to index
    %get3A_958 = arith.index_cast %get3A_956 : i32 to index
    %get3A_959 = arith.constant 48 : index
    %get3A_960 = tpu.vector_load %arg6[%get3A_957, %get3A_958, %get3A_959] {strides = array<i32>} : memref<2x4x128xi32, #tpu.memory_space<vmem>>, vector<16xi32>,
    %and3A_961 = arith.constant 16383 : i32
    %and3A_962 = vector.broadcast %and3A_961 : i32 to vector<16xi32>
    %and3A_963 = arith.andi %get3A_960, %and3A_962 : vector<16xi32>
    %sub3A_964 = arith.subi %get3A_960, %and3A_963 : vector<16xi32>
    %and3A_965 = arith.constant 8191 : i32
    %and3A_966 = vector.broadcast %and3A_965 : i32 to vector<16xi32>
    %and3A_967 = arith.andi %and3A_963, %and3A_966 : vector<16xi32>
    %shift_left3A_968 = arith.constant 1 : i32
    %shift_left3A_969 = vector.broadcast %shift_left3A_968 : i32 to vector<16xi32>
    %shift_left3A_970 = arith.shli %and3A_967, %shift_left3A_969 : vector<16xi32>
    %add3A_971 = arith.addi %sub3A_964, %shift_left3A_970 : vector<16xi32>
    %shift_right_arithmetic3A_972 = arith.constant 13 : i32
    %shift_right_arithmetic3A_973 = vector.broadcast %shift_right_arithmetic3A_972 : i32 to vector<16xi32>
    %shift_right_arithmetic3A_974 = arith.shrsi %and3A_963, %shift_right_arithmetic3A_973 : vector<16xi32>
    %add3A_975 = arith.addi %add3A_971, %shift_right_arithmetic3A_974 : vector<16xi32>
    %swap3A_976 = arith.constant 0 : i32
    %swap3A_977 = arith.constant 3 : i32
    %swap3A_978 = arith.index_cast %swap3A_976 : i32 to index
    %swap3A_979 = arith.index_cast %swap3A_977 : i32 to index
    %swap3A_980 = arith.constant 48 : index
    %swap3A_981 = tpu.vector_load %arg6[%swap3A_978, %swap3A_979, %swap3A_980] {strides = array<i32>} : memref<2x4x128xi32, #tpu.memory_space<vmem>>, vector<16xi32>,
    tpu.vector_store %arg6[%swap3A_978, %swap3A_979, %swap3A_980], %add3A_975 {strides = array<i32>} : memref<2x4x128xi32, #tpu.memory_space<vmem>>, vector<16xi32>,
    %get3A_982 = arith.constant 0 : i32
    %get3A_983 = arith.constant 3 : i32
    %get3A_984 = arith.index_cast %get3A_982 : i32 to index
    %get3A_985 = arith.index_cast %get3A_983 : i32 to index
    %get3A_986 = arith.constant 64 : index
    %get3A_987 = tpu.vector_load %arg6[%get3A_984, %get3A_985, %get3A_986] {strides = array<i32>} : memref<2x4x128xi32, #tpu.memory_space<vmem>>, vector<16xi32>,
    %and3A_988 = arith.constant 16383 : i32
    %and3A_989 = vector.broadcast %and3A_988 : i32 to vector<16xi32>
    %and3A_990 = arith.andi %get3A_987, %and3A_989 : vector<16xi32>
    %sub3A_991 = arith.subi %get3A_987, %and3A_990 : vector<16xi32>
    %and3A_992 = arith.constant 8191 : i32
    %and3A_993 = vector.broadcast %and3A_992 : i32 to vector<16xi32>
    %and3A_994 = arith.andi %and3A_990, %and3A_993 : vector<16xi32>
    %shift_left3A_995 = arith.constant 1 : i32
    %shift_left3A_996 = vector.broadcast %shift_left3A_995 : i32 to vector<16xi32>
    %shift_left3A_997 = arith.shli %and3A_994, %shift_left3A_996 : vector<16xi32>
    %add3A_998 = arith.addi %sub3A_991, %shift_left3A_997 : vector<16xi32>
    %shift_right_arithmetic3A_999 = arith.constant 13 : i32
    %shift_right_arithmetic3A_1000 = vector.broadcast %shift_right_arithmetic3A_999 : i32 to vector<16xi32>
    %shift_right_arithmetic3A_1001 = arith.shrsi %and3A_990, %shift_right_arithmetic3A_1000 : vector<16xi32>
    %add3A_1002 = arith.addi %add3A_998, %shift_right_arithmetic3A_1001 : vector<16xi32>
    %swap3A_1003 = arith.constant 0 : i32
    %swap3A_1004 = arith.constant 3 : i32
    %swap3A_1005 = arith.index_cast %swap3A_1003 : i32 to index
    %swap3A_1006 = arith.index_cast %swap3A_1004 : i32 to index
    %swap3A_1007 = arith.constant 64 : index
    %swap3A_1008 = tpu.vector_load %arg6[%swap3A_1005, %swap3A_1006, %swap3A_1007] {strides = array<i32>} : memref<2x4x128xi32, #tpu.memory_space<vmem>>, vector<16xi32>,
    tpu.vector_store %arg6[%swap3A_1005, %swap3A_1006, %swap3A_1007], %add3A_1002 {strides = array<i32>} : memref<2x4x128xi32, #tpu.memory_space<vmem>>, vector<16xi32>,
    %get3A_1009 = arith.constant 0 : i32
    %get3A_1010 = arith.constant 3 : i32
    %get3A_1011 = arith.index_cast %get3A_1009 : i32 to index
    %get3A_1012 = arith.index_cast %get3A_1010 : i32 to index
    %get3A_1013 = arith.constant 80 : index
    %get3A_1014 = tpu.vector_load %arg6[%get3A_1011, %get3A_1012, %get3A_1013] {strides = array<i32>} : memref<2x4x128xi32, #tpu.memory_space<vmem>>, vector<16xi32>,
    %and3A_1015 = arith.constant 16383 : i32
    %and3A_1016 = vector.broadcast %and3A_1015 : i32 to vector<16xi32>
    %and3A_1017 = arith.andi %get3A_1014, %and3A_1016 : vector<16xi32>
    %sub3A_1018 = arith.subi %get3A_1014, %and3A_1017 : vector<16xi32>
    %and3A_1019 = arith.constant 8191 : i32
    %and3A_1020 = vector.broadcast %and3A_1019 : i32 to vector<16xi32>
    %and3A_1021 = arith.andi %and3A_1017, %and3A_1020 : vector<16xi32>
    %shift_left3A_1022 = arith.constant 1 : i32
    %shift_left3A_1023 = vector.broadcast %shift_left3A_1022 : i32 to vector<16xi32>
    %shift_left3A_1024 = arith.shli %and3A_1021, %shift_left3A_1023 : vector<16xi32>
    %add3A_1025 = arith.addi %sub3A_1018, %shift_left3A_1024 : vector<16xi32>
    %shift_right_arithmetic3A_1026 = arith.constant 13 : i32
    %shift_right_arithmetic3A_1027 = vector.broadcast %shift_right_arithmetic3A_1026 : i32 to vector<16xi32>
    %shift_right_arithmetic3A_1028 = arith.shrsi %and3A_1017, %shift_right_arithmetic3A_1027 : vector<16xi32>
    %add3A_1029 = arith.addi %add3A_1025, %shift_right_arithmetic3A_1028 : vector<16xi32>
    %swap3A_1030 = arith.constant 0 : i32
    %swap3A_1031 = arith.constant 3 : i32
    %swap3A_1032 = arith.index_cast %swap3A_1030 : i32 to index
    %swap3A_1033 = arith.index_cast %swap3A_1031 : i32 to index
    %swap3A_1034 = arith.constant 80 : index
    %swap3A_1035 = tpu.vector_load %arg6[%swap3A_1032, %swap3A_1033, %swap3A_1034] {strides = array<i32>} : memref<2x4x128xi32, #tpu.memory_space<vmem>>, vector<16xi32>,
    tpu.vector_store %arg6[%swap3A_1032, %swap3A_1033, %swap3A_1034], %add3A_1029 {strides = array<i32>} : memref<2x4x128xi32, #tpu.memory_space<vmem>>, vector<16xi32>,
    %get3A_1036 = arith.constant 0 : i32
    %get3A_1037 = arith.constant 3 : i32
    %get3A_1038 = arith.index_cast %get3A_1036 : i32 to index
    %get3A_1039 = arith.index_cast %get3A_1037 : i32 to index
    %get3A_1040 = arith.constant 96 : index
    %get3A_1041 = tpu.vector_load %arg6[%get3A_1038, %get3A_1039, %get3A_1040] {strides = array<i32>} : memref<2x4x128xi32, #tpu.memory_space<vmem>>, vector<16xi32>,
    %and3A_1042 = arith.constant 16383 : i32
    %and3A_1043 = vector.broadcast %and3A_1042 : i32 to vector<16xi32>
    %and3A_1044 = arith.andi %get3A_1041, %and3A_1043 : vector<16xi32>
    %sub3A_1045 = arith.subi %get3A_1041, %and3A_1044 : vector<16xi32>
    %and3A_1046 = arith.constant 8191 : i32
    %and3A_1047 = vector.broadcast %and3A_1046 : i32 to vector<16xi32>
    %and3A_1048 = arith.andi %and3A_1044, %and3A_1047 : vector<16xi32>
    %shift_left3A_1049 = arith.constant 1 : i32
    %shift_left3A_1050 = vector.broadcast %shift_left3A_1049 : i32 to vector<16xi32>
    %shift_left3A_1051 = arith.shli %and3A_1048, %shift_left3A_1050 : vector<16xi32>
    %add3A_1052 = arith.addi %sub3A_1045, %shift_left3A_1051 : vector<16xi32>
    %shift_right_arithmetic3A_1053 = arith.constant 13 : i32
    %shift_right_arithmetic3A_1054 = vector.broadcast %shift_right_arithmetic3A_1053 : i32 to vector<16xi32>
    %shift_right_arithmetic3A_1055 = arith.shrsi %and3A_1044, %shift_right_arithmetic3A_1054 : vector<16xi32>
    %add3A_1056 = arith.addi %add3A_1052, %shift_right_arithmetic3A_1055 : vector<16xi32>
    %swap3A_1057 = arith.constant 0 : i32
    %swap3A_1058 = arith.constant 3 : i32
    %swap3A_1059 = arith.index_cast %swap3A_1057 : i32 to index
    %swap3A_1060 = arith.index_cast %swap3A_1058 : i32 to index
    %swap3A_1061 = arith.constant 96 : index
    %swap3A_1062 = tpu.vector_load %arg6[%swap3A_1059, %swap3A_1060, %swap3A_1061] {strides = array<i32>} : memref<2x4x128xi32, #tpu.memory_space<vmem>>, vector<16xi32>,
    tpu.vector_store %arg6[%swap3A_1059, %swap3A_1060, %swap3A_1061], %add3A_1056 {strides = array<i32>} : memref<2x4x128xi32, #tpu.memory_space<vmem>>, vector<16xi32>,
    %get3A_1063 = arith.constant 0 : i32
    %get3A_1064 = arith.constant 3 : i32
    %get3A_1065 = arith.index_cast %get3A_1063 : i32 to index
    %get3A_1066 = arith.index_cast %get3A_1064 : i32 to index
    %get3A_1067 = arith.constant 112 : index
    %get3A_1068 = tpu.vector_load %arg6[%get3A_1065, %get3A_1066, %get3A_1067] {strides = array<i32>} : memref<2x4x128xi32, #tpu.memory_space<vmem>>, vector<16xi32>,
    %and3A_1069 = arith.constant 16383 : i32
    %and3A_1070 = vector.broadcast %and3A_1069 : i32 to vector<16xi32>
    %and3A_1071 = arith.andi %get3A_1068, %and3A_1070 : vector<16xi32>
    %sub3A_1072 = arith.subi %get3A_1068, %and3A_1071 : vector<16xi32>
    %and3A_1073 = arith.constant 8191 : i32
    %and3A_1074 = vector.broadcast %and3A_1073 : i32 to vector<16xi32>
    %and3A_1075 = arith.andi %and3A_1071, %and3A_1074 : vector<16xi32>
    %shift_left3A_1076 = arith.constant 1 : i32
    %shift_left3A_1077 = vector.broadcast %shift_left3A_1076 : i32 to vector<16xi32>
    %shift_left3A_1078 = arith.shli %and3A_1075, %shift_left3A_1077 : vector<16xi32>
    %add3A_1079 = arith.addi %sub3A_1072, %shift_left3A_1078 : vector<16xi32>
    %shift_right_arithmetic3A_1080 = arith.constant 13 : i32
    %shift_right_arithmetic3A_1081 = vector.broadcast %shift_right_arithmetic3A_1080 : i32 to vector<16xi32>
    %shift_right_arithmetic3A_1082 = arith.shrsi %and3A_1071, %shift_right_arithmetic3A_1081 : vector<16xi32>
    %add3A_1083 = arith.addi %add3A_1079, %shift_right_arithmetic3A_1082 : vector<16xi32>
    %swap3A_1084 = arith.constant 0 : i32
    %swap3A_1085 = arith.constant 3 : i32
    %swap3A_1086 = arith.index_cast %swap3A_1084 : i32 to index
    %swap3A_1087 = arith.index_cast %swap3A_1085 : i32 to index
    %swap3A_1088 = arith.constant 112 : index
    %swap3A_1089 = tpu.vector_load %arg6[%swap3A_1086, %swap3A_1087, %swap3A_1088] {strides = array<i32>} : memref<2x4x128xi32, #tpu.memory_space<vmem>>, vector<16xi32>,
    tpu.vector_store %arg6[%swap3A_1086, %swap3A_1087, %swap3A_1088], %add3A_1083 {strides = array<i32>} : memref<2x4x128xi32, #tpu.memory_space<vmem>>, vector<16xi32>,
    %dma_start3A = arith.constant 0 : i32
    %dma_start3A_1090 = arith.constant 0 : i32
    %dma_start3A_1091 = arith.constant 0 : i32
    %dma_start3A_1092 = arith.constant 0 : i32
    %dma_start3A_1093 = arith.constant 0 : i32
    %dma_start3A_1094 = tpu.memref_slice %arg7[%dma_start3A_1091, %dma_start3A_1092, %dma_start3A_1093] : memref<2x512x64xf32, #tpu.memory_space<vmem>> -> memref<1x128x64xf32, #tpu.memory_space<vmem>>
    %dma_start3A_1095 = tpu.memref_squeeze %dma_start3A_1094 : memref<1x128x64xf32, #tpu.memory_space<vmem>> -> memref<128x64xf32, #tpu.memory_space<vmem>>
    %dma_start3A_1096 = arith.constant 0 : i32
    %dma_start3A_1097 = tpu.memref_slice %arg6[%dma_start3A, %dma_start3A_1090, %dma_start3A_1096] : memref<2x4x128xi32, #tpu.memory_space<vmem>> -> memref<1x1x128xi32, #tpu.memory_space<vmem>>
    %dma_start3A_1098 = tpu.memref_squeeze %dma_start3A_1097 : memref<1x1x128xi32, #tpu.memory_space<vmem>> -> memref<128xi32, #tpu.memory_space<vmem>>
    %dma_start3A_1099 = arith.constant 0 : i32
    %dma_start3A_1100 = arith.constant 0 : i32
    %dma_start3A_1101 = tpu.memref_slice %arg3[%dma_start3A_1099, %dma_start3A_1100] : memref<1015808x64xf32, #tpu.memory_space<hbm>> -> memref<1015808x64xf32, #tpu.memory_space<hbm>>
    tpu.enqueue_indirect_dma source(%dma_start3A_1101 : memref<1015808x64xf32, #tpu.memory_space<hbm>>) target(%dma_start3A_1095 : memref<128x64xf32, #tpu.memory_space<vmem>>) offsets(%dma_start3A_1098 : memref<128xi32, #tpu.memory_space<vmem>>) semaphore(%arg10 : memref<!tpu.dma_semaphore, #tpu.memory_space<semaphore_mem>>)
    %dma_start3A_1102 = arith.constant 0 : i32
    %dma_start3A_1103 = arith.constant 1 : i32
    %dma_start3A_1104 = arith.constant 0 : i32
    %dma_start3A_1105 = arith.constant 128 : i32
    %dma_start3A_1106 = arith.constant 0 : i32
    %dma_start3A_1107 = tpu.memref_slice %arg7[%dma_start3A_1104, %dma_start3A_1105, %dma_start3A_1106] : memref<2x512x64xf32, #tpu.memory_space<vmem>> -> memref<1x128x64xf32, #tpu.memory_space<vmem>>
    %dma_start3A_1108 = tpu.memref_squeeze %dma_start3A_1107 : memref<1x128x64xf32, #tpu.memory_space<vmem>> -> memref<128x64xf32, #tpu.memory_space<vmem>>
    %dma_start3A_1109 = arith.constant 0 : i32
    %dma_start3A_1110 = tpu.memref_slice %arg6[%dma_start3A_1102, %dma_start3A_1103, %dma_start3A_1109] : memref<2x4x128xi32, #tpu.memory_space<vmem>> -> memref<1x1x128xi32, #tpu.memory_space<vmem>>
    %dma_start3A_1111 = tpu.memref_squeeze %dma_start3A_1110 : memref<1x1x128xi32, #tpu.memory_space<vmem>> -> memref<128xi32, #tpu.memory_space<vmem>>
    %dma_start3A_1112 = arith.constant 0 : i32
    %dma_start3A_1113 = arith.constant 0 : i32
    %dma_start3A_1114 = tpu.memref_slice %arg3[%dma_start3A_1112, %dma_start3A_1113] : memref<1015808x64xf32, #tpu.memory_space<hbm>> -> memref<1015808x64xf32, #tpu.memory_space<hbm>>
    tpu.enqueue_indirect_dma source(%dma_start3A_1114 : memref<1015808x64xf32, #tpu.memory_space<hbm>>) target(%dma_start3A_1108 : memref<128x64xf32, #tpu.memory_space<vmem>>) offsets(%dma_start3A_1111 : memref<128xi32, #tpu.memory_space<vmem>>) semaphore(%arg10 : memref<!tpu.dma_semaphore, #tpu.memory_space<semaphore_mem>>)
    %dma_start3A_1115 = arith.constant 0 : i32
    %dma_start3A_1116 = arith.constant 2 : i32
    %dma_start3A_1117 = arith.constant 0 : i32
    %dma_start3A_1118 = arith.constant 256 : i32
    %dma_start3A_1119 = arith.constant 0 : i32
    %dma_start3A_1120 = tpu.memref_slice %arg7[%dma_start3A_1117, %dma_start3A_1118, %dma_start3A_1119] : memref<2x512x64xf32, #tpu.memory_space<vmem>> -> memref<1x128x64xf32, #tpu.memory_space<vmem>>
    %dma_start3A_1121 = tpu.memref_squeeze %dma_start3A_1120 : memref<1x128x64xf32, #tpu.memory_space<vmem>> -> memref<128x64xf32, #tpu.memory_space<vmem>>
    %dma_start3A_1122 = arith.constant 0 : i32
    %dma_start3A_1123 = tpu.memref_slice %arg6[%dma_start3A_1115, %dma_start3A_1116, %dma_start3A_1122] : memref<2x4x128xi32, #tpu.memory_space<vmem>> -> memref<1x1x128xi32, #tpu.memory_space<vmem>>
    %dma_start3A_1124 = tpu.memref_squeeze %dma_start3A_1123 : memref<1x1x128xi32, #tpu.memory_space<vmem>> -> memref<128xi32, #tpu.memory_space<vmem>>
    %dma_start3A_1125 = arith.constant 0 : i32
    %dma_start3A_1126 = arith.constant 0 : i32
    %dma_start3A_1127 = tpu.memref_slice %arg3[%dma_start3A_1125, %dma_start3A_1126] : memref<1015808x64xf32, #tpu.memory_space<hbm>> -> memref<1015808x64xf32, #tpu.memory_space<hbm>>
    tpu.enqueue_indirect_dma source(%dma_start3A_1127 : memref<1015808x64xf32, #tpu.memory_space<hbm>>) target(%dma_start3A_1121 : memref<128x64xf32, #tpu.memory_space<vmem>>) offsets(%dma_start3A_1124 : memref<128xi32, #tpu.memory_space<vmem>>) semaphore(%arg10 : memref<!tpu.dma_semaphore, #tpu.memory_space<semaphore_mem>>)
    %dma_start3A_1128 = arith.constant 0 : i32
    %dma_start3A_1129 = arith.constant 3 : i32
    %dma_start3A_1130 = arith.constant 0 : i32
    %dma_start3A_1131 = arith.constant 384 : i32
    %dma_start3A_1132 = arith.constant 0 : i32
    %dma_start3A_1133 = tpu.memref_slice %arg7[%dma_start3A_1130, %dma_start3A_1131, %dma_start3A_1132] : memref<2x512x64xf32, #tpu.memory_space<vmem>> -> memref<1x128x64xf32, #tpu.memory_space<vmem>>
    %dma_start3A_1134 = tpu.memref_squeeze %dma_start3A_1133 : memref<1x128x64xf32, #tpu.memory_space<vmem>> -> memref<128x64xf32, #tpu.memory_space<vmem>>
    %dma_start3A_1135 = arith.constant 0 : i32
    %dma_start3A_1136 = tpu.memref_slice %arg6[%dma_start3A_1128, %dma_start3A_1129, %dma_start3A_1135] : memref<2x4x128xi32, #tpu.memory_space<vmem>> -> memref<1x1x128xi32, #tpu.memory_space<vmem>>
    %dma_start3A_1137 = tpu.memref_squeeze %dma_start3A_1136 : memref<1x1x128xi32, #tpu.memory_space<vmem>> -> memref<128xi32, #tpu.memory_space<vmem>>
    %dma_start3A_1138 = arith.constant 0 : i32
    %dma_start3A_1139 = arith.constant 0 : i32
    %dma_start3A_1140 = tpu.memref_slice %arg3[%dma_start3A_1138, %dma_start3A_1139] : memref<1015808x64xf32, #tpu.memory_space<hbm>> -> memref<1015808x64xf32, #tpu.memory_space<hbm>>
    tpu.enqueue_indirect_dma source(%dma_start3A_1140 : memref<1015808x64xf32, #tpu.memory_space<hbm>>) target(%dma_start3A_1134 : memref<128x64xf32, #tpu.memory_space<vmem>>) offsets(%dma_start3A_1137 : memref<128xi32, #tpu.memory_space<vmem>>) semaphore(%arg10 : memref<!tpu.dma_semaphore, #tpu.memory_space<semaphore_mem>>)
    %scan3A = arith.constant 0 : i32
    %scan3A_1141 = arith.constant 0 : i32
    %scan3A_1142 = arith.constant 25 : i32
    %scan3A_1143 = arith.addi %scan3A_1141, %scan3A_1142 : i32
    %scan3A_1144 = arith.constant 1 : i32
    scf.for %scan3A_1228 = %scan3A_1141 to %scan3A_1143 step %scan3A_1144  : i32 {
      %mul3A_1229 = arith.constant 2 : i32
      %mul3A_1230 = arith.muli %mul3A_1229, %scan3A_1228 : i32
      %add3A_1231 = arith.constant 1 : i32
      %add3A_1232 = arith.addi %mul3A_1230, %add3A_1231 : i32
      %mul3A_1233 = arith.constant 512 : i32
      %mul3A_1234 = arith.muli %add3A_1232, %mul3A_1233 : i32
      %add3A_1235 = arith.addi %mul3A_2, %mul3A_1234 : i32
      %multiple_of3A_1236 = tpu.assume_multiple %add3A_1235, 512 : i32
      %jit3A_1237 = arith.constant 4096 : i32
      %div3A_1238 = arith.divsi %multiple_of3A_1236, %jit3A_1237 : i32
      %sign3A_1239 = arith.constant 0 : i32
      %sign3A_1240 = arith.cmpi sgt, %multiple_of3A_1236, %sign3A_1239 : i32
      %sign3A_1241 = arith.extui %sign3A_1240 : i1 to i32
      %sign3A_1242 = arith.constant 0 : i32
      %sign3A_1243 = arith.cmpi slt, %multiple_of3A_1236, %sign3A_1242 : i32
      %sign3A_1244 = arith.extui %sign3A_1243 : i1 to i32
      %sign3A_1245 = arith.subi %sign3A_1241, %sign3A_1244 : i32
      %sign3A_1246 = arith.constant 0 : i32
      %sign3A_1247 = arith.cmpi sgt, %jit3A_1237, %sign3A_1246 : i32
      %sign3A_1248 = arith.extui %sign3A_1247 : i1 to i32
      %sign3A_1249 = arith.constant 0 : i32
      %sign3A_1250 = arith.cmpi slt, %jit3A_1237, %sign3A_1249 : i32
      %sign3A_1251 = arith.extui %sign3A_1250 : i1 to i32
      %sign3A_1252 = arith.subi %sign3A_1248, %sign3A_1251 : i32
      %ne3A_1253 = arith.cmpi ne, %sign3A_1245, %sign3A_1252 : i32
      %rem3A_1254 = arith.remsi %multiple_of3A_1236, %jit3A_1237 : i32
      %ne3A_1255 = arith.constant 0 : i32
      %ne3A_1256 = arith.cmpi ne, %rem3A_1254, %ne3A_1255 : i32
      %and3A_1257 = arith.andi %ne3A_1253, %ne3A_1256 : i1
      %sub3A_1258 = arith.constant 1 : i32
      %sub3A_1259 = arith.subi %div3A_1238, %sub3A_1258 : i32
      %select_n3A_1260 = arith.select %and3A_1257, %sub3A_1259, %div3A_1238 : i32
      %mul3A_1261 = arith.constant 4096 : i32
      %mul3A_1262 = arith.muli %select_n3A_1260, %mul3A_1261 : i32
      %sub3A_1263 = arith.subi %multiple_of3A_1236, %mul3A_1262 : i32
      %jit3A_1264 = arith.constant 128 : i32
      %div3A_1265 = arith.divsi %sub3A_1263, %jit3A_1264 : i32
      %sign3A_1266 = arith.constant 0 : i32
      %sign3A_1267 = arith.cmpi sgt, %sub3A_1263, %sign3A_1266 : i32
      %sign3A_1268 = arith.extui %sign3A_1267 : i1 to i32
      %sign3A_1269 = arith.constant 0 : i32
      %sign3A_1270 = arith.cmpi slt, %sub3A_1263, %sign3A_1269 : i32
      %sign3A_1271 = arith.extui %sign3A_1270 : i1 to i32
      %sign3A_1272 = arith.subi %sign3A_1268, %sign3A_1271 : i32
      %sign3A_1273 = arith.constant 0 : i32
      %sign3A_1274 = arith.cmpi sgt, %jit3A_1264, %sign3A_1273 : i32
      %sign3A_1275 = arith.extui %sign3A_1274 : i1 to i32
      %sign3A_1276 = arith.constant 0 : i32
      %sign3A_1277 = arith.cmpi slt, %jit3A_1264, %sign3A_1276 : i32
      %sign3A_1278 = arith.extui %sign3A_1277 : i1 to i32
      %sign3A_1279 = arith.subi %sign3A_1275, %sign3A_1278 : i32
      %ne3A_1280 = arith.cmpi ne, %sign3A_1272, %sign3A_1279 : i32
      %rem3A_1281 = arith.remsi %sub3A_1263, %jit3A_1264 : i32
      %ne3A_1282 = arith.constant 0 : i32
      %ne3A_1283 = arith.cmpi ne, %rem3A_1281, %ne3A_1282 : i32
      %and3A_1284 = arith.andi %ne3A_1280, %ne3A_1283 : i1
      %sub3A_1285 = arith.constant 1 : i32
      %sub3A_1286 = arith.subi %div3A_1265, %sub3A_1285 : i32
      %select_n3A_1287 = arith.select %and3A_1284, %sub3A_1286, %div3A_1265 : i32
      %multiple_of3A_1288 = tpu.assume_multiple %select_n3A_1287, 4 : i32
      %jit3A_1289 = arith.constant 128 : i32
      %div3A_1290 = arith.divsi %multiple_of3A_1236, %jit3A_1289 : i32
      %sign3A_1291 = arith.constant 0 : i32
      %sign3A_1292 = arith.cmpi sgt, %multiple_of3A_1236, %sign3A_1291 : i32
      %sign3A_1293 = arith.extui %sign3A_1292 : i1 to i32
      %sign3A_1294 = arith.constant 0 : i32
      %sign3A_1295 = arith.cmpi slt, %multiple_of3A_1236, %sign3A_1294 : i32
      %sign3A_1296 = arith.extui %sign3A_1295 : i1 to i32
      %sign3A_1297 = arith.subi %sign3A_1293, %sign3A_1296 : i32
      %sign3A_1298 = arith.constant 0 : i32
      %sign3A_1299 = arith.cmpi sgt, %jit3A_1289, %sign3A_1298 : i32
      %sign3A_1300 = arith.extui %sign3A_1299 : i1 to i32
      %sign3A_1301 = arith.constant 0 : i32
      %sign3A_1302 = arith.cmpi slt, %jit3A_1289, %sign3A_1301 : i32
      %sign3A_1303 = arith.extui %sign3A_1302 : i1 to i32
      %sign3A_1304 = arith.subi %sign3A_1300, %sign3A_1303 : i32
      %ne3A_1305 = arith.cmpi ne, %sign3A_1297, %sign3A_1304 : i32
      %rem3A_1306 = arith.remsi %multiple_of3A_1236, %jit3A_1289 : i32
      %ne3A_1307 = arith.constant 0 : i32
      %ne3A_1308 = arith.cmpi ne, %rem3A_1306, %ne3A_1307 : i32
      %and3A_1309 = arith.andi %ne3A_1305, %ne3A_1308 : i1
      %sub3A_1310 = arith.constant 1 : i32
      %sub3A_1311 = arith.subi %div3A_1290, %sub3A_1310 : i32
      %select_n3A_1312 = arith.select %and3A_1309, %sub3A_1311, %div3A_1290 : i32
      %multiple_of3A_1313 = tpu.assume_multiple %select_n3A_1312, 4 : i32
      %run_scoped3A_1314 = arith.constant 1 : i32
      "tpu.region"() ({
        %run_scoped3A_3614 = tpu.sem_alloc : memref<!tpu.dma_semaphore, #tpu.memory_space<semaphore_mem>>
        %dma_start3A_3615 = arith.constant 0 : i32
        %dma_start3A_3616 = arith.constant 0 : i32
        %dma_start3A_3617 = tpu.memref_slice %arg6[%run_scoped3A_1314, %dma_start3A_3615, %dma_start3A_3616] : memref<2x4x128xi32, #tpu.memory_space<vmem>> -> memref<1x4x128xi32, #tpu.memory_space<vmem>>
        %dma_start3A_3618 = tpu.memref_squeeze %dma_start3A_3617 : memref<1x4x128xi32, #tpu.memory_space<vmem>> -> memref<4x128xi32, #tpu.memory_space<vmem>>
        %dma_start3A_3619 = arith.constant 0 : i32
        %dma_start3A_3620 = tpu.memref_slice %arg2[%multiple_of3A_1313, %dma_start3A_3619] : memref<6400x128xi32, #tpu.memory_space<hbm>> -> memref<4x128xi32, #tpu.memory_space<hbm>>
        %dma_start3A_3621 = arith.constant 0 : i32
        %dma_start3A_3622 = arith.constant 0 : i32
        %dma_start3A_3623 = tpu.memref_slice %arg6[%run_scoped3A_1314, %dma_start3A_3621, %dma_start3A_3622] : memref<2x4x128xi32, #tpu.memory_space<vmem>> -> memref<1x4x128xi32, #tpu.memory_space<vmem>>
        %dma_start3A_3624 = tpu.memref_squeeze %dma_start3A_3623 : memref<1x4x128xi32, #tpu.memory_space<vmem>> -> memref<4x128xi32, #tpu.memory_space<vmem>>
        %dma_start3A_3625 = arith.constant 0 : i32
        %dma_start3A_3626 = tpu.memref_slice %arg2[%multiple_of3A_1313, %dma_start3A_3625] : memref<6400x128xi32, #tpu.memory_space<hbm>> -> memref<4x128xi32, #tpu.memory_space<hbm>>
        tpu.enqueue_dma source(%dma_start3A_3626 : memref<4x128xi32, #tpu.memory_space<hbm>>) target(%dma_start3A_3624 : memref<4x128xi32, #tpu.memory_space<vmem>>) target_semaphore(%run_scoped3A_3614 : memref<!tpu.dma_semaphore, #tpu.memory_space<semaphore_mem>>)
        %dma_wait3A_3627 = arith.constant 0 : i32
        %dma_wait3A_3628 = arith.constant 0 : i32
        %dma_wait3A_3629 = tpu.memref_slice %arg6[%run_scoped3A_1314, %dma_wait3A_3627, %dma_wait3A_3628] : memref<2x4x128xi32, #tpu.memory_space<vmem>> -> memref<1x4x128xi32, #tpu.memory_space<vmem>>
        %dma_wait3A_3630 = tpu.memref_squeeze %dma_wait3A_3629 : memref<1x4x128xi32, #tpu.memory_space<vmem>> -> memref<4x128xi32, #tpu.memory_space<vmem>>
        %dma_wait3A_3631 = arith.constant 0 : i32
        %dma_wait3A_3632 = tpu.memref_slice %arg2[%multiple_of3A_1313, %dma_wait3A_3631] : memref<6400x128xi32, #tpu.memory_space<hbm>> -> memref<4x128xi32, #tpu.memory_space<hbm>>
        %dma_wait3A_3633 = arith.constant 0 : i32
        %dma_wait3A_3634 = arith.constant 0 : i32
        %dma_wait3A_3635 = tpu.memref_slice %arg6[%run_scoped3A_1314, %dma_wait3A_3633, %dma_wait3A_3634] : memref<2x4x128xi32, #tpu.memory_space<vmem>> -> memref<1x4x128xi32, #tpu.memory_space<vmem>>
        %dma_wait3A_3636 = tpu.memref_squeeze %dma_wait3A_3635 : memref<1x4x128xi32, #tpu.memory_space<vmem>> -> memref<4x128xi32, #tpu.memory_space<vmem>>
        %dma_wait3A_3637 = arith.constant 0 : i32
        %dma_wait3A_3638 = tpu.memref_slice %arg2[%multiple_of3A_1313, %dma_wait3A_3637] : memref<6400x128xi32, #tpu.memory_space<hbm>> -> memref<4x128xi32, #tpu.memory_space<hbm>>
        tpu.wait_dma2 semaphore(%run_scoped3A_3614 : memref<!tpu.dma_semaphore, #tpu.memory_space<semaphore_mem>>) src(%dma_wait3A_3638 : memref<4x128xi32, #tpu.memory_space<hbm>>) dst(%dma_wait3A_3636 : memref<4x128xi32, #tpu.memory_space<vmem>>)
        tpu.yield
      }) : () -> ()
      %get3A_1315 = arith.constant 1 : i32
      %get3A_1316 = arith.constant 0 : i32
      %get3A_1317 = arith.index_cast %get3A_1315 : i32 to index
      %get3A_1318 = arith.index_cast %get3A_1316 : i32 to index
      %get3A_1319 = arith.constant 0 : index
      %get3A_1320 = tpu.vector_load %arg6[%get3A_1317, %get3A_1318, %get3A_1319] {strides = array<i32>} : memref<2x4x128xi32, #tpu.memory_space<vmem>>, vector<16xi32>,
      %and3A_1321 = arith.constant 16383 : i32
      %and3A_1322 = vector.broadcast %and3A_1321 : i32 to vector<16xi32>
      %and3A_1323 = arith.andi %get3A_1320, %and3A_1322 : vector<16xi32>
      %sub3A_1324 = arith.subi %get3A_1320, %and3A_1323 : vector<16xi32>
      %and3A_1325 = arith.constant 8191 : i32
      %and3A_1326 = vector.broadcast %and3A_1325 : i32 to vector<16xi32>
      %and3A_1327 = arith.andi %and3A_1323, %and3A_1326 : vector<16xi32>
      %shift_left3A_1328 = arith.constant 1 : i32
      %shift_left3A_1329 = vector.broadcast %shift_left3A_1328 : i32 to vector<16xi32>
      %shift_left3A_1330 = arith.shli %and3A_1327, %shift_left3A_1329 : vector<16xi32>
      %add3A_1331 = arith.addi %sub3A_1324, %shift_left3A_1330 : vector<16xi32>
      %shift_right_arithmetic3A_1332 = arith.constant 13 : i32
      %shift_right_arithmetic3A_1333 = vector.broadcast %shift_right_arithmetic3A_1332 : i32 to vector<16xi32>
      %shift_right_arithmetic3A_1334 = arith.shrsi %and3A_1323, %shift_right_arithmetic3A_1333 : vector<16xi32>
      %add3A_1335 = arith.addi %add3A_1331, %shift_right_arithmetic3A_1334 : vector<16xi32>
      %swap3A_1336 = arith.constant 1 : i32
      %swap3A_1337 = arith.constant 0 : i32
      %swap3A_1338 = arith.index_cast %swap3A_1336 : i32 to index
      %swap3A_1339 = arith.index_cast %swap3A_1337 : i32 to index
      %swap3A_1340 = arith.constant 0 : index
      %swap3A_1341 = tpu.vector_load %arg6[%swap3A_1338, %swap3A_1339, %swap3A_1340] {strides = array<i32>} : memref<2x4x128xi32, #tpu.memory_space<vmem>>, vector<16xi32>,
      tpu.vector_store %arg6[%swap3A_1338, %swap3A_1339, %swap3A_1340], %add3A_1335 {strides = array<i32>} : memref<2x4x128xi32, #tpu.memory_space<vmem>>, vector<16xi32>,
      %get3A_1342 = arith.constant 1 : i32
      %get3A_1343 = arith.constant 0 : i32
      %get3A_1344 = arith.index_cast %get3A_1342 : i32 to index
      %get3A_1345 = arith.index_cast %get3A_1343 : i32 to index
      %get3A_1346 = arith.constant 16 : index
      %get3A_1347 = tpu.vector_load %arg6[%get3A_1344, %get3A_1345, %get3A_1346] {strides = array<i32>} : memref<2x4x128xi32, #tpu.memory_space<vmem>>, vector<16xi32>,
      %and3A_1348 = arith.constant 16383 : i32
      %and3A_1349 = vector.broadcast %and3A_1348 : i32 to vector<16xi32>
      %and3A_1350 = arith.andi %get3A_1347, %and3A_1349 : vector<16xi32>
      %sub3A_1351 = arith.subi %get3A_1347, %and3A_1350 : vector<16xi32>
      %and3A_1352 = arith.constant 8191 : i32
      %and3A_1353 = vector.broadcast %and3A_1352 : i32 to vector<16xi32>
      %and3A_1354 = arith.andi %and3A_1350, %and3A_1353 : vector<16xi32>
      %shift_left3A_1355 = arith.constant 1 : i32
      %shift_left3A_1356 = vector.broadcast %shift_left3A_1355 : i32 to vector<16xi32>
      %shift_left3A_1357 = arith.shli %and3A_1354, %shift_left3A_1356 : vector<16xi32>
      %add3A_1358 = arith.addi %sub3A_1351, %shift_left3A_1357 : vector<16xi32>
      %shift_right_arithmetic3A_1359 = arith.constant 13 : i32
      %shift_right_arithmetic3A_1360 = vector.broadcast %shift_right_arithmetic3A_1359 : i32 to vector<16xi32>
      %shift_right_arithmetic3A_1361 = arith.shrsi %and3A_1350, %shift_right_arithmetic3A_1360 : vector<16xi32>
      %add3A_1362 = arith.addi %add3A_1358, %shift_right_arithmetic3A_1361 : vector<16xi32>
      %swap3A_1363 = arith.constant 1 : i32
      %swap3A_1364 = arith.constant 0 : i32
      %swap3A_1365 = arith.index_cast %swap3A_1363 : i32 to index
      %swap3A_1366 = arith.index_cast %swap3A_1364 : i32 to index
      %swap3A_1367 = arith.constant 16 : index
      %swap3A_1368 = tpu.vector_load %arg6[%swap3A_1365, %swap3A_1366, %swap3A_1367] {strides = array<i32>} : memref<2x4x128xi32, #tpu.memory_space<vmem>>, vector<16xi32>,
      tpu.vector_store %arg6[%swap3A_1365, %swap3A_1366, %swap3A_1367], %add3A_1362 {strides = array<i32>} : memref<2x4x128xi32, #tpu.memory_space<vmem>>, vector<16xi32>,
      %get3A_1369 = arith.constant 1 : i32
      %get3A_1370 = arith.constant 0 : i32
      %get3A_1371 = arith.index_cast %get3A_1369 : i32 to index
      %get3A_1372 = arith.index_cast %get3A_1370 : i32 to index
      %get3A_1373 = arith.constant 32 : index
      %get3A_1374 = tpu.vector_load %arg6[%get3A_1371, %get3A_1372, %get3A_1373] {strides = array<i32>} : memref<2x4x128xi32, #tpu.memory_space<vmem>>, vector<16xi32>,
      %and3A_1375 = arith.constant 16383 : i32
      %and3A_1376 = vector.broadcast %and3A_1375 : i32 to vector<16xi32>
      %and3A_1377 = arith.andi %get3A_1374, %and3A_1376 : vector<16xi32>
      %sub3A_1378 = arith.subi %get3A_1374, %and3A_1377 : vector<16xi32>
      %and3A_1379 = arith.constant 8191 : i32
      %and3A_1380 = vector.broadcast %and3A_1379 : i32 to vector<16xi32>
      %and3A_1381 = arith.andi %and3A_1377, %and3A_1380 : vector<16xi32>
      %shift_left3A_1382 = arith.constant 1 : i32
      %shift_left3A_1383 = vector.broadcast %shift_left3A_1382 : i32 to vector<16xi32>
      %shift_left3A_1384 = arith.shli %and3A_1381, %shift_left3A_1383 : vector<16xi32>
      %add3A_1385 = arith.addi %sub3A_1378, %shift_left3A_1384 : vector<16xi32>
      %shift_right_arithmetic3A_1386 = arith.constant 13 : i32
      %shift_right_arithmetic3A_1387 = vector.broadcast %shift_right_arithmetic3A_1386 : i32 to vector<16xi32>
      %shift_right_arithmetic3A_1388 = arith.shrsi %and3A_1377, %shift_right_arithmetic3A_1387 : vector<16xi32>
      %add3A_1389 = arith.addi %add3A_1385, %shift_right_arithmetic3A_1388 : vector<16xi32>
      %swap3A_1390 = arith.constant 1 : i32
      %swap3A_1391 = arith.constant 0 : i32
      %swap3A_1392 = arith.index_cast %swap3A_1390 : i32 to index
      %swap3A_1393 = arith.index_cast %swap3A_1391 : i32 to index
      %swap3A_1394 = arith.constant 32 : index
      %swap3A_1395 = tpu.vector_load %arg6[%swap3A_1392, %swap3A_1393, %swap3A_1394] {strides = array<i32>} : memref<2x4x128xi32, #tpu.memory_space<vmem>>, vector<16xi32>,
      tpu.vector_store %arg6[%swap3A_1392, %swap3A_1393, %swap3A_1394], %add3A_1389 {strides = array<i32>} : memref<2x4x128xi32, #tpu.memory_space<vmem>>, vector<16xi32>,
      %get3A_1396 = arith.constant 1 : i32
      %get3A_1397 = arith.constant 0 : i32
      %get3A_1398 = arith.index_cast %get3A_1396 : i32 to index
      %get3A_1399 = arith.index_cast %get3A_1397 : i32 to index
      %get3A_1400 = arith.constant 48 : index
      %get3A_1401 = tpu.vector_load %arg6[%get3A_1398, %get3A_1399, %get3A_1400] {strides = array<i32>} : memref<2x4x128xi32, #tpu.memory_space<vmem>>, vector<16xi32>,
      %and3A_1402 = arith.constant 16383 : i32
      %and3A_1403 = vector.broadcast %and3A_1402 : i32 to vector<16xi32>
      %and3A_1404 = arith.andi %get3A_1401, %and3A_1403 : vector<16xi32>
      %sub3A_1405 = arith.subi %get3A_1401, %and3A_1404 : vector<16xi32>
      %and3A_1406 = arith.constant 8191 : i32
      %and3A_1407 = vector.broadcast %and3A_1406 : i32 to vector<16xi32>
      %and3A_1408 = arith.andi %and3A_1404, %and3A_1407 : vector<16xi32>
      %shift_left3A_1409 = arith.constant 1 : i32
      %shift_left3A_1410 = vector.broadcast %shift_left3A_1409 : i32 to vector<16xi32>
      %shift_left3A_1411 = arith.shli %and3A_1408, %shift_left3A_1410 : vector<16xi32>
      %add3A_1412 = arith.addi %sub3A_1405, %shift_left3A_1411 : vector<16xi32>
      %shift_right_arithmetic3A_1413 = arith.constant 13 : i32
      %shift_right_arithmetic3A_1414 = vector.broadcast %shift_right_arithmetic3A_1413 : i32 to vector<16xi32>
      %shift_right_arithmetic3A_1415 = arith.shrsi %and3A_1404, %shift_right_arithmetic3A_1414 : vector<16xi32>
      %add3A_1416 = arith.addi %add3A_1412, %shift_right_arithmetic3A_1415 : vector<16xi32>
      %swap3A_1417 = arith.constant 1 : i32
      %swap3A_1418 = arith.constant 0 : i32
      %swap3A_1419 = arith.index_cast %swap3A_1417 : i32 to index
      %swap3A_1420 = arith.index_cast %swap3A_1418 : i32 to index
      %swap3A_1421 = arith.constant 48 : index
      %swap3A_1422 = tpu.vector_load %arg6[%swap3A_1419, %swap3A_1420, %swap3A_1421] {strides = array<i32>} : memref<2x4x128xi32, #tpu.memory_space<vmem>>, vector<16xi32>,
      tpu.vector_store %arg6[%swap3A_1419, %swap3A_1420, %swap3A_1421], %add3A_1416 {strides = array<i32>} : memref<2x4x128xi32, #tpu.memory_space<vmem>>, vector<16xi32>,
      %get3A_1423 = arith.constant 1 : i32
      %get3A_1424 = arith.constant 0 : i32
      %get3A_1425 = arith.index_cast %get3A_1423 : i32 to index
      %get3A_1426 = arith.index_cast %get3A_1424 : i32 to index
      %get3A_1427 = arith.constant 64 : index
      %get3A_1428 = tpu.vector_load %arg6[%get3A_1425, %get3A_1426, %get3A_1427] {strides = array<i32>} : memref<2x4x128xi32, #tpu.memory_space<vmem>>, vector<16xi32>,
      %and3A_1429 = arith.constant 16383 : i32
      %and3A_1430 = vector.broadcast %and3A_1429 : i32 to vector<16xi32>
      %and3A_1431 = arith.andi %get3A_1428, %and3A_1430 : vector<16xi32>
      %sub3A_1432 = arith.subi %get3A_1428, %and3A_1431 : vector<16xi32>
      %and3A_1433 = arith.constant 8191 : i32
      %and3A_1434 = vector.broadcast %and3A_1433 : i32 to vector<16xi32>
      %and3A_1435 = arith.andi %and3A_1431, %and3A_1434 : vector<16xi32>
      %shift_left3A_1436 = arith.constant 1 : i32
      %shift_left3A_1437 = vector.broadcast %shift_left3A_1436 : i32 to vector<16xi32>
      %shift_left3A_1438 = arith.shli %and3A_1435, %shift_left3A_1437 : vector<16xi32>
      %add3A_1439 = arith.addi %sub3A_1432, %shift_left3A_1438 : vector<16xi32>
      %shift_right_arithmetic3A_1440 = arith.constant 13 : i32
      %shift_right_arithmetic3A_1441 = vector.broadcast %shift_right_arithmetic3A_1440 : i32 to vector<16xi32>
      %shift_right_arithmetic3A_1442 = arith.shrsi %and3A_1431, %shift_right_arithmetic3A_1441 : vector<16xi32>
      %add3A_1443 = arith.addi %add3A_1439, %shift_right_arithmetic3A_1442 : vector<16xi32>
      %swap3A_1444 = arith.constant 1 : i32
      %swap3A_1445 = arith.constant 0 : i32
      %swap3A_1446 = arith.index_cast %swap3A_1444 : i32 to index
      %swap3A_1447 = arith.index_cast %swap3A_1445 : i32 to index
      %swap3A_1448 = arith.constant 64 : index
      %swap3A_1449 = tpu.vector_load %arg6[%swap3A_1446, %swap3A_1447, %swap3A_1448] {strides = array<i32>} : memref<2x4x128xi32, #tpu.memory_space<vmem>>, vector<16xi32>,
      tpu.vector_store %arg6[%swap3A_1446, %swap3A_1447, %swap3A_1448], %add3A_1443 {strides = array<i32>} : memref<2x4x128xi32, #tpu.memory_space<vmem>>, vector<16xi32>,
      %get3A_1450 = arith.constant 1 : i32
      %get3A_1451 = arith.constant 0 : i32
      %get3A_1452 = arith.index_cast %get3A_1450 : i32 to index
      %get3A_1453 = arith.index_cast %get3A_1451 : i32 to index
      %get3A_1454 = arith.constant 80 : index
      %get3A_1455 = tpu.vector_load %arg6[%get3A_1452, %get3A_1453, %get3A_1454] {strides = array<i32>} : memref<2x4x128xi32, #tpu.memory_space<vmem>>, vector<16xi32>,
      %and3A_1456 = arith.constant 16383 : i32
      %and3A_1457 = vector.broadcast %and3A_1456 : i32 to vector<16xi32>
      %and3A_1458 = arith.andi %get3A_1455, %and3A_1457 : vector<16xi32>
      %sub3A_1459 = arith.subi %get3A_1455, %and3A_1458 : vector<16xi32>
      %and3A_1460 = arith.constant 8191 : i32
      %and3A_1461 = vector.broadcast %and3A_1460 : i32 to vector<16xi32>
      %and3A_1462 = arith.andi %and3A_1458, %and3A_1461 : vector<16xi32>
      %shift_left3A_1463 = arith.constant 1 : i32
      %shift_left3A_1464 = vector.broadcast %shift_left3A_1463 : i32 to vector<16xi32>
      %shift_left3A_1465 = arith.shli %and3A_1462, %shift_left3A_1464 : vector<16xi32>
      %add3A_1466 = arith.addi %sub3A_1459, %shift_left3A_1465 : vector<16xi32>
      %shift_right_arithmetic3A_1467 = arith.constant 13 : i32
      %shift_right_arithmetic3A_1468 = vector.broadcast %shift_right_arithmetic3A_1467 : i32 to vector<16xi32>
      %shift_right_arithmetic3A_1469 = arith.shrsi %and3A_1458, %shift_right_arithmetic3A_1468 : vector<16xi32>
      %add3A_1470 = arith.addi %add3A_1466, %shift_right_arithmetic3A_1469 : vector<16xi32>
      %swap3A_1471 = arith.constant 1 : i32
      %swap3A_1472 = arith.constant 0 : i32
      %swap3A_1473 = arith.index_cast %swap3A_1471 : i32 to index
      %swap3A_1474 = arith.index_cast %swap3A_1472 : i32 to index
      %swap3A_1475 = arith.constant 80 : index
      %swap3A_1476 = tpu.vector_load %arg6[%swap3A_1473, %swap3A_1474, %swap3A_1475] {strides = array<i32>} : memref<2x4x128xi32, #tpu.memory_space<vmem>>, vector<16xi32>,
      tpu.vector_store %arg6[%swap3A_1473, %swap3A_1474, %swap3A_1475], %add3A_1470 {strides = array<i32>} : memref<2x4x128xi32, #tpu.memory_space<vmem>>, vector<16xi32>,
      %get3A_1477 = arith.constant 1 : i32
      %get3A_1478 = arith.constant 0 : i32
      %get3A_1479 = arith.index_cast %get3A_1477 : i32 to index
      %get3A_1480 = arith.index_cast %get3A_1478 : i32 to index
      %get3A_1481 = arith.constant 96 : index
      %get3A_1482 = tpu.vector_load %arg6[%get3A_1479, %get3A_1480, %get3A_1481] {strides = array<i32>} : memref<2x4x128xi32, #tpu.memory_space<vmem>>, vector<16xi32>,
      %and3A_1483 = arith.constant 16383 : i32
      %and3A_1484 = vector.broadcast %and3A_1483 : i32 to vector<16xi32>
      %and3A_1485 = arith.andi %get3A_1482, %and3A_1484 : vector<16xi32>
      %sub3A_1486 = arith.subi %get3A_1482, %and3A_1485 : vector<16xi32>
      %and3A_1487 = arith.constant 8191 : i32
      %and3A_1488 = vector.broadcast %and3A_1487 : i32 to vector<16xi32>
      %and3A_1489 = arith.andi %and3A_1485, %and3A_1488 : vector<16xi32>
      %shift_left3A_1490 = arith.constant 1 : i32
      %shift_left3A_1491 = vector.broadcast %shift_left3A_1490 : i32 to vector<16xi32>
      %shift_left3A_1492 = arith.shli %and3A_1489, %shift_left3A_1491 : vector<16xi32>
      %add3A_1493 = arith.addi %sub3A_1486, %shift_left3A_1492 : vector<16xi32>
      %shift_right_arithmetic3A_1494 = arith.constant 13 : i32
      %shift_right_arithmetic3A_1495 = vector.broadcast %shift_right_arithmetic3A_1494 : i32 to vector<16xi32>
      %shift_right_arithmetic3A_1496 = arith.shrsi %and3A_1485, %shift_right_arithmetic3A_1495 : vector<16xi32>
      %add3A_1497 = arith.addi %add3A_1493, %shift_right_arithmetic3A_1496 : vector<16xi32>
      %swap3A_1498 = arith.constant 1 : i32
      %swap3A_1499 = arith.constant 0 : i32
      %swap3A_1500 = arith.index_cast %swap3A_1498 : i32 to index
      %swap3A_1501 = arith.index_cast %swap3A_1499 : i32 to index
      %swap3A_1502 = arith.constant 96 : index
      %swap3A_1503 = tpu.vector_load %arg6[%swap3A_1500, %swap3A_1501, %swap3A_1502] {strides = array<i32>} : memref<2x4x128xi32, #tpu.memory_space<vmem>>, vector<16xi32>,
      tpu.vector_store %arg6[%swap3A_1500, %swap3A_1501, %swap3A_1502], %add3A_1497 {strides = array<i32>} : memref<2x4x128xi32, #tpu.memory_space<vmem>>, vector<16xi32>,
      %get3A_1504 = arith.constant 1 : i32
      %get3A_1505 = arith.constant 0 : i32
      %get3A_1506 = arith.index_cast %get3A_1504 : i32 to index
      %get3A_1507 = arith.index_cast %get3A_1505 : i32 to index
      %get3A_1508 = arith.constant 112 : index
      %get3A_1509 = tpu.vector_load %arg6[%get3A_1506, %get3A_1507, %get3A_1508] {strides = array<i32>} : memref<2x4x128xi32, #tpu.memory_space<vmem>>, vector<16xi32>,
      %and3A_1510 = arith.constant 16383 : i32
      %and3A_1511 = vector.broadcast %and3A_1510 : i32 to vector<16xi32>
      %and3A_1512 = arith.andi %get3A_1509, %and3A_1511 : vector<16xi32>
      %sub3A_1513 = arith.subi %get3A_1509, %and3A_1512 : vector<16xi32>
      %and3A_1514 = arith.constant 8191 : i32
      %and3A_1515 = vector.broadcast %and3A_1514 : i32 to vector<16xi32>
      %and3A_1516 = arith.andi %and3A_1512, %and3A_1515 : vector<16xi32>
      %shift_left3A_1517 = arith.constant 1 : i32
      %shift_left3A_1518 = vector.broadcast %shift_left3A_1517 : i32 to vector<16xi32>
      %shift_left3A_1519 = arith.shli %and3A_1516, %shift_left3A_1518 : vector<16xi32>
      %add3A_1520 = arith.addi %sub3A_1513, %shift_left3A_1519 : vector<16xi32>
      %shift_right_arithmetic3A_1521 = arith.constant 13 : i32
      %shift_right_arithmetic3A_1522 = vector.broadcast %shift_right_arithmetic3A_1521 : i32 to vector<16xi32>
      %shift_right_arithmetic3A_1523 = arith.shrsi %and3A_1512, %shift_right_arithmetic3A_1522 : vector<16xi32>
      %add3A_1524 = arith.addi %add3A_1520, %shift_right_arithmetic3A_1523 : vector<16xi32>
      %swap3A_1525 = arith.constant 1 : i32
      %swap3A_1526 = arith.constant 0 : i32
      %swap3A_1527 = arith.index_cast %swap3A_1525 : i32 to index
      %swap3A_1528 = arith.index_cast %swap3A_1526 : i32 to index
      %swap3A_1529 = arith.constant 112 : index
      %swap3A_1530 = tpu.vector_load %arg6[%swap3A_1527, %swap3A_1528, %swap3A_1529] {strides = array<i32>} : memref<2x4x128xi32, #tpu.memory_space<vmem>>, vector<16xi32>,
      tpu.vector_store %arg6[%swap3A_1527, %swap3A_1528, %swap3A_1529], %add3A_1524 {strides = array<i32>} : memref<2x4x128xi32, #tpu.memory_space<vmem>>, vector<16xi32>,
      %get3A_1531 = arith.constant 1 : i32
      %get3A_1532 = arith.constant 1 : i32
      %get3A_1533 = arith.index_cast %get3A_1531 : i32 to index
      %get3A_1534 = arith.index_cast %get3A_1532 : i32 to index
      %get3A_1535 = arith.constant 0 : index
      %get3A_1536 = tpu.vector_load %arg6[%get3A_1533, %get3A_1534, %get3A_1535] {strides = array<i32>} : memref<2x4x128xi32, #tpu.memory_space<vmem>>, vector<16xi32>,
      %and3A_1537 = arith.constant 16383 : i32
      %and3A_1538 = vector.broadcast %and3A_1537 : i32 to vector<16xi32>
      %and3A_1539 = arith.andi %get3A_1536, %and3A_1538 : vector<16xi32>
      %sub3A_1540 = arith.subi %get3A_1536, %and3A_1539 : vector<16xi32>
      %and3A_1541 = arith.constant 8191 : i32
      %and3A_1542 = vector.broadcast %and3A_1541 : i32 to vector<16xi32>
      %and3A_1543 = arith.andi %and3A_1539, %and3A_1542 : vector<16xi32>
      %shift_left3A_1544 = arith.constant 1 : i32
      %shift_left3A_1545 = vector.broadcast %shift_left3A_1544 : i32 to vector<16xi32>
      %shift_left3A_1546 = arith.shli %and3A_1543, %shift_left3A_1545 : vector<16xi32>
      %add3A_1547 = arith.addi %sub3A_1540, %shift_left3A_1546 : vector<16xi32>
      %shift_right_arithmetic3A_1548 = arith.constant 13 : i32
      %shift_right_arithmetic3A_1549 = vector.broadcast %shift_right_arithmetic3A_1548 : i32 to vector<16xi32>
      %shift_right_arithmetic3A_1550 = arith.shrsi %and3A_1539, %shift_right_arithmetic3A_1549 : vector<16xi32>
      %add3A_1551 = arith.addi %add3A_1547, %shift_right_arithmetic3A_1550 : vector<16xi32>
      %swap3A_1552 = arith.constant 1 : i32
      %swap3A_1553 = arith.constant 1 : i32
      %swap3A_1554 = arith.index_cast %swap3A_1552 : i32 to index
      %swap3A_1555 = arith.index_cast %swap3A_1553 : i32 to index
      %swap3A_1556 = arith.constant 0 : index
      %swap3A_1557 = tpu.vector_load %arg6[%swap3A_1554, %swap3A_1555, %swap3A_1556] {strides = array<i32>} : memref<2x4x128xi32, #tpu.memory_space<vmem>>, vector<16xi32>,
      tpu.vector_store %arg6[%swap3A_1554, %swap3A_1555, %swap3A_1556], %add3A_1551 {strides = array<i32>} : memref<2x4x128xi32, #tpu.memory_space<vmem>>, vector<16xi32>,
      %get3A_1558 = arith.constant 1 : i32
      %get3A_1559 = arith.constant 1 : i32
      %get3A_1560 = arith.index_cast %get3A_1558 : i32 to index
      %get3A_1561 = arith.index_cast %get3A_1559 : i32 to index
      %get3A_1562 = arith.constant 16 : index
      %get3A_1563 = tpu.vector_load %arg6[%get3A_1560, %get3A_1561, %get3A_1562] {strides = array<i32>} : memref<2x4x128xi32, #tpu.memory_space<vmem>>, vector<16xi32>,
      %and3A_1564 = arith.constant 16383 : i32
      %and3A_1565 = vector.broadcast %and3A_1564 : i32 to vector<16xi32>
      %and3A_1566 = arith.andi %get3A_1563, %and3A_1565 : vector<16xi32>
      %sub3A_1567 = arith.subi %get3A_1563, %and3A_1566 : vector<16xi32>
      %and3A_1568 = arith.constant 8191 : i32
      %and3A_1569 = vector.broadcast %and3A_1568 : i32 to vector<16xi32>
      %and3A_1570 = arith.andi %and3A_1566, %and3A_1569 : vector<16xi32>
      %shift_left3A_1571 = arith.constant 1 : i32
      %shift_left3A_1572 = vector.broadcast %shift_left3A_1571 : i32 to vector<16xi32>
      %shift_left3A_1573 = arith.shli %and3A_1570, %shift_left3A_1572 : vector<16xi32>
      %add3A_1574 = arith.addi %sub3A_1567, %shift_left3A_1573 : vector<16xi32>
      %shift_right_arithmetic3A_1575 = arith.constant 13 : i32
      %shift_right_arithmetic3A_1576 = vector.broadcast %shift_right_arithmetic3A_1575 : i32 to vector<16xi32>
      %shift_right_arithmetic3A_1577 = arith.shrsi %and3A_1566, %shift_right_arithmetic3A_1576 : vector<16xi32>
      %add3A_1578 = arith.addi %add3A_1574, %shift_right_arithmetic3A_1577 : vector<16xi32>
      %swap3A_1579 = arith.constant 1 : i32
      %swap3A_1580 = arith.constant 1 : i32
      %swap3A_1581 = arith.index_cast %swap3A_1579 : i32 to index
      %swap3A_1582 = arith.index_cast %swap3A_1580 : i32 to index
      %swap3A_1583 = arith.constant 16 : index
      %swap3A_1584 = tpu.vector_load %arg6[%swap3A_1581, %swap3A_1582, %swap3A_1583] {strides = array<i32>} : memref<2x4x128xi32, #tpu.memory_space<vmem>>, vector<16xi32>,
      tpu.vector_store %arg6[%swap3A_1581, %swap3A_1582, %swap3A_1583], %add3A_1578 {strides = array<i32>} : memref<2x4x128xi32, #tpu.memory_space<vmem>>, vector<16xi32>,
      %get3A_1585 = arith.constant 1 : i32
      %get3A_1586 = arith.constant 1 : i32
      %get3A_1587 = arith.index_cast %get3A_1585 : i32 to index
      %get3A_1588 = arith.index_cast %get3A_1586 : i32 to index
      %get3A_1589 = arith.constant 32 : index
      %get3A_1590 = tpu.vector_load %arg6[%get3A_1587, %get3A_1588, %get3A_1589] {strides = array<i32>} : memref<2x4x128xi32, #tpu.memory_space<vmem>>, vector<16xi32>,
      %and3A_1591 = arith.constant 16383 : i32
      %and3A_1592 = vector.broadcast %and3A_1591 : i32 to vector<16xi32>
      %and3A_1593 = arith.andi %get3A_1590, %and3A_1592 : vector<16xi32>
      %sub3A_1594 = arith.subi %get3A_1590, %and3A_1593 : vector<16xi32>
      %and3A_1595 = arith.constant 8191 : i32
      %and3A_1596 = vector.broadcast %and3A_1595 : i32 to vector<16xi32>
      %and3A_1597 = arith.andi %and3A_1593, %and3A_1596 : vector<16xi32>
      %shift_left3A_1598 = arith.constant 1 : i32
      %shift_left3A_1599 = vector.broadcast %shift_left3A_1598 : i32 to vector<16xi32>
      %shift_left3A_1600 = arith.shli %and3A_1597, %shift_left3A_1599 : vector<16xi32>
      %add3A_1601 = arith.addi %sub3A_1594, %shift_left3A_1600 : vector<16xi32>
      %shift_right_arithmetic3A_1602 = arith.constant 13 : i32
      %shift_right_arithmetic3A_1603 = vector.broadcast %shift_right_arithmetic3A_1602 : i32 to vector<16xi32>
      %shift_right_arithmetic3A_1604 = arith.shrsi %and3A_1593, %shift_right_arithmetic3A_1603 : vector<16xi32>
      %add3A_1605 = arith.addi %add3A_1601, %shift_right_arithmetic3A_1604 : vector<16xi32>
      %swap3A_1606 = arith.constant 1 : i32
      %swap3A_1607 = arith.constant 1 : i32
      %swap3A_1608 = arith.index_cast %swap3A_1606 : i32 to index
      %swap3A_1609 = arith.index_cast %swap3A_1607 : i32 to index
      %swap3A_1610 = arith.constant 32 : index
      %swap3A_1611 = tpu.vector_load %arg6[%swap3A_1608, %swap3A_1609, %swap3A_1610] {strides = array<i32>} : memref<2x4x128xi32, #tpu.memory_space<vmem>>, vector<16xi32>,
      tpu.vector_store %arg6[%swap3A_1608, %swap3A_1609, %swap3A_1610], %add3A_1605 {strides = array<i32>} : memref<2x4x128xi32, #tpu.memory_space<vmem>>, vector<16xi32>,
      %get3A_1612 = arith.constant 1 : i32
      %get3A_1613 = arith.constant 1 : i32
      %get3A_1614 = arith.index_cast %get3A_1612 : i32 to index
      %get3A_1615 = arith.index_cast %get3A_1613 : i32 to index
      %get3A_1616 = arith.constant 48 : index
      %get3A_1617 = tpu.vector_load %arg6[%get3A_1614, %get3A_1615, %get3A_1616] {strides = array<i32>} : memref<2x4x128xi32, #tpu.memory_space<vmem>>, vector<16xi32>,
      %and3A_1618 = arith.constant 16383 : i32
      %and3A_1619 = vector.broadcast %and3A_1618 : i32 to vector<16xi32>
      %and3A_1620 = arith.andi %get3A_1617, %and3A_1619 : vector<16xi32>
      %sub3A_1621 = arith.subi %get3A_1617, %and3A_1620 : vector<16xi32>
      %and3A_1622 = arith.constant 8191 : i32
      %and3A_1623 = vector.broadcast %and3A_1622 : i32 to vector<16xi32>
      %and3A_1624 = arith.andi %and3A_1620, %and3A_1623 : vector<16xi32>
      %shift_left3A_1625 = arith.constant 1 : i32
      %shift_left3A_1626 = vector.broadcast %shift_left3A_1625 : i32 to vector<16xi32>
      %shift_left3A_1627 = arith.shli %and3A_1624, %shift_left3A_1626 : vector<16xi32>
      %add3A_1628 = arith.addi %sub3A_1621, %shift_left3A_1627 : vector<16xi32>
      %shift_right_arithmetic3A_1629 = arith.constant 13 : i32
      %shift_right_arithmetic3A_1630 = vector.broadcast %shift_right_arithmetic3A_1629 : i32 to vector<16xi32>
      %shift_right_arithmetic3A_1631 = arith.shrsi %and3A_1620, %shift_right_arithmetic3A_1630 : vector<16xi32>
      %add3A_1632 = arith.addi %add3A_1628, %shift_right_arithmetic3A_1631 : vector<16xi32>
      %swap3A_1633 = arith.constant 1 : i32
      %swap3A_1634 = arith.constant 1 : i32
      %swap3A_1635 = arith.index_cast %swap3A_1633 : i32 to index
      %swap3A_1636 = arith.index_cast %swap3A_1634 : i32 to index
      %swap3A_1637 = arith.constant 48 : index
      %swap3A_1638 = tpu.vector_load %arg6[%swap3A_1635, %swap3A_1636, %swap3A_1637] {strides = array<i32>} : memref<2x4x128xi32, #tpu.memory_space<vmem>>, vector<16xi32>,
      tpu.vector_store %arg6[%swap3A_1635, %swap3A_1636, %swap3A_1637], %add3A_1632 {strides = array<i32>} : memref<2x4x128xi32, #tpu.memory_space<vmem>>, vector<16xi32>,
      %get3A_1639 = arith.constant 1 : i32
      %get3A_1640 = arith.constant 1 : i32
      %get3A_1641 = arith.index_cast %get3A_1639 : i32 to index
      %get3A_1642 = arith.index_cast %get3A_1640 : i32 to index
      %get3A_1643 = arith.constant 64 : index
      %get3A_1644 = tpu.vector_load %arg6[%get3A_1641, %get3A_1642, %get3A_1643] {strides = array<i32>} : memref<2x4x128xi32, #tpu.memory_space<vmem>>, vector<16xi32>,
      %and3A_1645 = arith.constant 16383 : i32
      %and3A_1646 = vector.broadcast %and3A_1645 : i32 to vector<16xi32>
      %and3A_1647 = arith.andi %get3A_1644, %and3A_1646 : vector<16xi32>
      %sub3A_1648 = arith.subi %get3A_1644, %and3A_1647 : vector<16xi32>
      %and3A_1649 = arith.constant 8191 : i32
      %and3A_1650 = vector.broadcast %and3A_1649 : i32 to vector<16xi32>
      %and3A_1651 = arith.andi %and3A_1647, %and3A_1650 : vector<16xi32>
      %shift_left3A_1652 = arith.constant 1 : i32
      %shift_left3A_1653 = vector.broadcast %shift_left3A_1652 : i32 to vector<16xi32>
      %shift_left3A_1654 = arith.shli %and3A_1651, %shift_left3A_1653 : vector<16xi32>
      %add3A_1655 = arith.addi %sub3A_1648, %shift_left3A_1654 : vector<16xi32>
      %shift_right_arithmetic3A_1656 = arith.constant 13 : i32
      %shift_right_arithmetic3A_1657 = vector.broadcast %shift_right_arithmetic3A_1656 : i32 to vector<16xi32>
      %shift_right_arithmetic3A_1658 = arith.shrsi %and3A_1647, %shift_right_arithmetic3A_1657 : vector<16xi32>
      %add3A_1659 = arith.addi %add3A_1655, %shift_right_arithmetic3A_1658 : vector<16xi32>
      %swap3A_1660 = arith.constant 1 : i32
      %swap3A_1661 = arith.constant 1 : i32
      %swap3A_1662 = arith.index_cast %swap3A_1660 : i32 to index
      %swap3A_1663 = arith.index_cast %swap3A_1661 : i32 to index
      %swap3A_1664 = arith.constant 64 : index
      %swap3A_1665 = tpu.vector_load %arg6[%swap3A_1662, %swap3A_1663, %swap3A_1664] {strides = array<i32>} : memref<2x4x128xi32, #tpu.memory_space<vmem>>, vector<16xi32>,
      tpu.vector_store %arg6[%swap3A_1662, %swap3A_1663, %swap3A_1664], %add3A_1659 {strides = array<i32>} : memref<2x4x128xi32, #tpu.memory_space<vmem>>, vector<16xi32>,
      %get3A_1666 = arith.constant 1 : i32
      %get3A_1667 = arith.constant 1 : i32
      %get3A_1668 = arith.index_cast %get3A_1666 : i32 to index
      %get3A_1669 = arith.index_cast %get3A_1667 : i32 to index
      %get3A_1670 = arith.constant 80 : index
      %get3A_1671 = tpu.vector_load %arg6[%get3A_1668, %get3A_1669, %get3A_1670] {strides = array<i32>} : memref<2x4x128xi32, #tpu.memory_space<vmem>>, vector<16xi32>,
      %and3A_1672 = arith.constant 16383 : i32
      %and3A_1673 = vector.broadcast %and3A_1672 : i32 to vector<16xi32>
      %and3A_1674 = arith.andi %get3A_1671, %and3A_1673 : vector<16xi32>
      %sub3A_1675 = arith.subi %get3A_1671, %and3A_1674 : vector<16xi32>
      %and3A_1676 = arith.constant 8191 : i32
      %and3A_1677 = vector.broadcast %and3A_1676 : i32 to vector<16xi32>
      %and3A_1678 = arith.andi %and3A_1674, %and3A_1677 : vector<16xi32>
      %shift_left3A_1679 = arith.constant 1 : i32
      %shift_left3A_1680 = vector.broadcast %shift_left3A_1679 : i32 to vector<16xi32>
      %shift_left3A_1681 = arith.shli %and3A_1678, %shift_left3A_1680 : vector<16xi32>
      %add3A_1682 = arith.addi %sub3A_1675, %shift_left3A_1681 : vector<16xi32>
      %shift_right_arithmetic3A_1683 = arith.constant 13 : i32
      %shift_right_arithmetic3A_1684 = vector.broadcast %shift_right_arithmetic3A_1683 : i32 to vector<16xi32>
      %shift_right_arithmetic3A_1685 = arith.shrsi %and3A_1674, %shift_right_arithmetic3A_1684 : vector<16xi32>
      %add3A_1686 = arith.addi %add3A_1682, %shift_right_arithmetic3A_1685 : vector<16xi32>
      %swap3A_1687 = arith.constant 1 : i32
      %swap3A_1688 = arith.constant 1 : i32
      %swap3A_1689 = arith.index_cast %swap3A_1687 : i32 to index
      %swap3A_1690 = arith.index_cast %swap3A_1688 : i32 to index
      %swap3A_1691 = arith.constant 80 : index
      %swap3A_1692 = tpu.vector_load %arg6[%swap3A_1689, %swap3A_1690, %swap3A_1691] {strides = array<i32>} : memref<2x4x128xi32, #tpu.memory_space<vmem>>, vector<16xi32>,
      tpu.vector_store %arg6[%swap3A_1689, %swap3A_1690, %swap3A_1691], %add3A_1686 {strides = array<i32>} : memref<2x4x128xi32, #tpu.memory_space<vmem>>, vector<16xi32>,
      %get3A_1693 = arith.constant 1 : i32
      %get3A_1694 = arith.constant 1 : i32
      %get3A_1695 = arith.index_cast %get3A_1693 : i32 to index
      %get3A_1696 = arith.index_cast %get3A_1694 : i32 to index
      %get3A_1697 = arith.constant 96 : index
      %get3A_1698 = tpu.vector_load %arg6[%get3A_1695, %get3A_1696, %get3A_1697] {strides = array<i32>} : memref<2x4x128xi32, #tpu.memory_space<vmem>>, vector<16xi32>,
      %and3A_1699 = arith.constant 16383 : i32
      %and3A_1700 = vector.broadcast %and3A_1699 : i32 to vector<16xi32>
      %and3A_1701 = arith.andi %get3A_1698, %and3A_1700 : vector<16xi32>
      %sub3A_1702 = arith.subi %get3A_1698, %and3A_1701 : vector<16xi32>
      %and3A_1703 = arith.constant 8191 : i32
      %and3A_1704 = vector.broadcast %and3A_1703 : i32 to vector<16xi32>
      %and3A_1705 = arith.andi %and3A_1701, %and3A_1704 : vector<16xi32>
      %shift_left3A_1706 = arith.constant 1 : i32
      %shift_left3A_1707 = vector.broadcast %shift_left3A_1706 : i32 to vector<16xi32>
      %shift_left3A_1708 = arith.shli %and3A_1705, %shift_left3A_1707 : vector<16xi32>
      %add3A_1709 = arith.addi %sub3A_1702, %shift_left3A_1708 : vector<16xi32>
      %shift_right_arithmetic3A_1710 = arith.constant 13 : i32
      %shift_right_arithmetic3A_1711 = vector.broadcast %shift_right_arithmetic3A_1710 : i32 to vector<16xi32>
      %shift_right_arithmetic3A_1712 = arith.shrsi %and3A_1701, %shift_right_arithmetic3A_1711 : vector<16xi32>
      %add3A_1713 = arith.addi %add3A_1709, %shift_right_arithmetic3A_1712 : vector<16xi32>
      %swap3A_1714 = arith.constant 1 : i32
      %swap3A_1715 = arith.constant 1 : i32
      %swap3A_1716 = arith.index_cast %swap3A_1714 : i32 to index
      %swap3A_1717 = arith.index_cast %swap3A_1715 : i32 to index
      %swap3A_1718 = arith.constant 96 : index
      %swap3A_1719 = tpu.vector_load %arg6[%swap3A_1716, %swap3A_1717, %swap3A_1718] {strides = array<i32>} : memref<2x4x128xi32, #tpu.memory_space<vmem>>, vector<16xi32>,
      tpu.vector_store %arg6[%swap3A_1716, %swap3A_1717, %swap3A_1718], %add3A_1713 {strides = array<i32>} : memref<2x4x128xi32, #tpu.memory_space<vmem>>, vector<16xi32>,
      %get3A_1720 = arith.constant 1 : i32
      %get3A_1721 = arith.constant 1 : i32
      %get3A_1722 = arith.index_cast %get3A_1720 : i32 to index
      %get3A_1723 = arith.index_cast %get3A_1721 : i32 to index
      %get3A_1724 = arith.constant 112 : index
      %get3A_1725 = tpu.vector_load %arg6[%get3A_1722, %get3A_1723, %get3A_1724] {strides = array<i32>} : memref<2x4x128xi32, #tpu.memory_space<vmem>>, vector<16xi32>,
      %and3A_1726 = arith.constant 16383 : i32
      %and3A_1727 = vector.broadcast %and3A_1726 : i32 to vector<16xi32>
      %and3A_1728 = arith.andi %get3A_1725, %and3A_1727 : vector<16xi32>
      %sub3A_1729 = arith.subi %get3A_1725, %and3A_1728 : vector<16xi32>
      %and3A_1730 = arith.constant 8191 : i32
      %and3A_1731 = vector.broadcast %and3A_1730 : i32 to vector<16xi32>
      %and3A_1732 = arith.andi %and3A_1728, %and3A_1731 : vector<16xi32>
      %shift_left3A_1733 = arith.constant 1 : i32
      %shift_left3A_1734 = vector.broadcast %shift_left3A_1733 : i32 to vector<16xi32>
      %shift_left3A_1735 = arith.shli %and3A_1732, %shift_left3A_1734 : vector<16xi32>
      %add3A_1736 = arith.addi %sub3A_1729, %shift_left3A_1735 : vector<16xi32>
      %shift_right_arithmetic3A_1737 = arith.constant 13 : i32
      %shift_right_arithmetic3A_1738 = vector.broadcast %shift_right_arithmetic3A_1737 : i32 to vector<16xi32>
      %shift_right_arithmetic3A_1739 = arith.shrsi %and3A_1728, %shift_right_arithmetic3A_1738 : vector<16xi32>
      %add3A_1740 = arith.addi %add3A_1736, %shift_right_arithmetic3A_1739 : vector<16xi32>
      %swap3A_1741 = arith.constant 1 : i32
      %swap3A_1742 = arith.constant 1 : i32
      %swap3A_1743 = arith.index_cast %swap3A_1741 : i32 to index
      %swap3A_1744 = arith.index_cast %swap3A_1742 : i32 to index
      %swap3A_1745 = arith.constant 112 : index
      %swap3A_1746 = tpu.vector_load %arg6[%swap3A_1743, %swap3A_1744, %swap3A_1745] {strides = array<i32>} : memref<2x4x128xi32, #tpu.memory_space<vmem>>, vector<16xi32>,
      tpu.vector_store %arg6[%swap3A_1743, %swap3A_1744, %swap3A_1745], %add3A_1740 {strides = array<i32>} : memref<2x4x128xi32, #tpu.memory_space<vmem>>, vector<16xi32>,
      %get3A_1747 = arith.constant 1 : i32
      %get3A_1748 = arith.constant 2 : i32
      %get3A_1749 = arith.index_cast %get3A_1747 : i32 to index
      %get3A_1750 = arith.index_cast %get3A_1748 : i32 to index
      %get3A_1751 = arith.constant 0 : index
      %get3A_1752 = tpu.vector_load %arg6[%get3A_1749, %get3A_1750, %get3A_1751] {strides = array<i32>} : memref<2x4x128xi32, #tpu.memory_space<vmem>>, vector<16xi32>,
      %and3A_1753 = arith.constant 16383 : i32
      %and3A_1754 = vector.broadcast %and3A_1753 : i32 to vector<16xi32>
      %and3A_1755 = arith.andi %get3A_1752, %and3A_1754 : vector<16xi32>
      %sub3A_1756 = arith.subi %get3A_1752, %and3A_1755 : vector<16xi32>
      %and3A_1757 = arith.constant 8191 : i32
      %and3A_1758 = vector.broadcast %and3A_1757 : i32 to vector<16xi32>
      %and3A_1759 = arith.andi %and3A_1755, %and3A_1758 : vector<16xi32>
      %shift_left3A_1760 = arith.constant 1 : i32
      %shift_left3A_1761 = vector.broadcast %shift_left3A_1760 : i32 to vector<16xi32>
      %shift_left3A_1762 = arith.shli %and3A_1759, %shift_left3A_1761 : vector<16xi32>
      %add3A_1763 = arith.addi %sub3A_1756, %shift_left3A_1762 : vector<16xi32>
      %shift_right_arithmetic3A_1764 = arith.constant 13 : i32
      %shift_right_arithmetic3A_1765 = vector.broadcast %shift_right_arithmetic3A_1764 : i32 to vector<16xi32>
      %shift_right_arithmetic3A_1766 = arith.shrsi %and3A_1755, %shift_right_arithmetic3A_1765 : vector<16xi32>
      %add3A_1767 = arith.addi %add3A_1763, %shift_right_arithmetic3A_1766 : vector<16xi32>
      %swap3A_1768 = arith.constant 1 : i32
      %swap3A_1769 = arith.constant 2 : i32
      %swap3A_1770 = arith.index_cast %swap3A_1768 : i32 to index
      %swap3A_1771 = arith.index_cast %swap3A_1769 : i32 to index
      %swap3A_1772 = arith.constant 0 : index
      %swap3A_1773 = tpu.vector_load %arg6[%swap3A_1770, %swap3A_1771, %swap3A_1772] {strides = array<i32>} : memref<2x4x128xi32, #tpu.memory_space<vmem>>, vector<16xi32>,
      tpu.vector_store %arg6[%swap3A_1770, %swap3A_1771, %swap3A_1772], %add3A_1767 {strides = array<i32>} : memref<2x4x128xi32, #tpu.memory_space<vmem>>, vector<16xi32>,
      %get3A_1774 = arith.constant 1 : i32
      %get3A_1775 = arith.constant 2 : i32
      %get3A_1776 = arith.index_cast %get3A_1774 : i32 to index
      %get3A_1777 = arith.index_cast %get3A_1775 : i32 to index
      %get3A_1778 = arith.constant 16 : index
      %get3A_1779 = tpu.vector_load %arg6[%get3A_1776, %get3A_1777, %get3A_1778] {strides = array<i32>} : memref<2x4x128xi32, #tpu.memory_space<vmem>>, vector<16xi32>,
      %and3A_1780 = arith.constant 16383 : i32
      %and3A_1781 = vector.broadcast %and3A_1780 : i32 to vector<16xi32>
      %and3A_1782 = arith.andi %get3A_1779, %and3A_1781 : vector<16xi32>
      %sub3A_1783 = arith.subi %get3A_1779, %and3A_1782 : vector<16xi32>
      %and3A_1784 = arith.constant 8191 : i32
      %and3A_1785 = vector.broadcast %and3A_1784 : i32 to vector<16xi32>
      %and3A_1786 = arith.andi %and3A_1782, %and3A_1785 : vector<16xi32>
      %shift_left3A_1787 = arith.constant 1 : i32
      %shift_left3A_1788 = vector.broadcast %shift_left3A_1787 : i32 to vector<16xi32>
      %shift_left3A_1789 = arith.shli %and3A_1786, %shift_left3A_1788 : vector<16xi32>
      %add3A_1790 = arith.addi %sub3A_1783, %shift_left3A_1789 : vector<16xi32>
      %shift_right_arithmetic3A_1791 = arith.constant 13 : i32
      %shift_right_arithmetic3A_1792 = vector.broadcast %shift_right_arithmetic3A_1791 : i32 to vector<16xi32>
      %shift_right_arithmetic3A_1793 = arith.shrsi %and3A_1782, %shift_right_arithmetic3A_1792 : vector<16xi32>
      %add3A_1794 = arith.addi %add3A_1790, %shift_right_arithmetic3A_1793 : vector<16xi32>
      %swap3A_1795 = arith.constant 1 : i32
      %swap3A_1796 = arith.constant 2 : i32
      %swap3A_1797 = arith.index_cast %swap3A_1795 : i32 to index
      %swap3A_1798 = arith.index_cast %swap3A_1796 : i32 to index
      %swap3A_1799 = arith.constant 16 : index
      %swap3A_1800 = tpu.vector_load %arg6[%swap3A_1797, %swap3A_1798, %swap3A_1799] {strides = array<i32>} : memref<2x4x128xi32, #tpu.memory_space<vmem>>, vector<16xi32>,
      tpu.vector_store %arg6[%swap3A_1797, %swap3A_1798, %swap3A_1799], %add3A_1794 {strides = array<i32>} : memref<2x4x128xi32, #tpu.memory_space<vmem>>, vector<16xi32>,
      %get3A_1801 = arith.constant 1 : i32
      %get3A_1802 = arith.constant 2 : i32
      %get3A_1803 = arith.index_cast %get3A_1801 : i32 to index
      %get3A_1804 = arith.index_cast %get3A_1802 : i32 to index
      %get3A_1805 = arith.constant 32 : index
      %get3A_1806 = tpu.vector_load %arg6[%get3A_1803, %get3A_1804, %get3A_1805] {strides = array<i32>} : memref<2x4x128xi32, #tpu.memory_space<vmem>>, vector<16xi32>,
      %and3A_1807 = arith.constant 16383 : i32
      %and3A_1808 = vector.broadcast %and3A_1807 : i32 to vector<16xi32>
      %and3A_1809 = arith.andi %get3A_1806, %and3A_1808 : vector<16xi32>
      %sub3A_1810 = arith.subi %get3A_1806, %and3A_1809 : vector<16xi32>
      %and3A_1811 = arith.constant 8191 : i32
      %and3A_1812 = vector.broadcast %and3A_1811 : i32 to vector<16xi32>
      %and3A_1813 = arith.andi %and3A_1809, %and3A_1812 : vector<16xi32>
      %shift_left3A_1814 = arith.constant 1 : i32
      %shift_left3A_1815 = vector.broadcast %shift_left3A_1814 : i32 to vector<16xi32>
      %shift_left3A_1816 = arith.shli %and3A_1813, %shift_left3A_1815 : vector<16xi32>
      %add3A_1817 = arith.addi %sub3A_1810, %shift_left3A_1816 : vector<16xi32>
      %shift_right_arithmetic3A_1818 = arith.constant 13 : i32
      %shift_right_arithmetic3A_1819 = vector.broadcast %shift_right_arithmetic3A_1818 : i32 to vector<16xi32>
      %shift_right_arithmetic3A_1820 = arith.shrsi %and3A_1809, %shift_right_arithmetic3A_1819 : vector<16xi32>
      %add3A_1821 = arith.addi %add3A_1817, %shift_right_arithmetic3A_1820 : vector<16xi32>
      %swap3A_1822 = arith.constant 1 : i32
      %swap3A_1823 = arith.constant 2 : i32
      %swap3A_1824 = arith.index_cast %swap3A_1822 : i32 to index
      %swap3A_1825 = arith.index_cast %swap3A_1823 : i32 to index
      %swap3A_1826 = arith.constant 32 : index
      %swap3A_1827 = tpu.vector_load %arg6[%swap3A_1824, %swap3A_1825, %swap3A_1826] {strides = array<i32>} : memref<2x4x128xi32, #tpu.memory_space<vmem>>, vector<16xi32>,
      tpu.vector_store %arg6[%swap3A_1824, %swap3A_1825, %swap3A_1826], %add3A_1821 {strides = array<i32>} : memref<2x4x128xi32, #tpu.memory_space<vmem>>, vector<16xi32>,
      %get3A_1828 = arith.constant 1 : i32
      %get3A_1829 = arith.constant 2 : i32
      %get3A_1830 = arith.index_cast %get3A_1828 : i32 to index
      %get3A_1831 = arith.index_cast %get3A_1829 : i32 to index
      %get3A_1832 = arith.constant 48 : index
      %get3A_1833 = tpu.vector_load %arg6[%get3A_1830, %get3A_1831, %get3A_1832] {strides = array<i32>} : memref<2x4x128xi32, #tpu.memory_space<vmem>>, vector<16xi32>,
      %and3A_1834 = arith.constant 16383 : i32
      %and3A_1835 = vector.broadcast %and3A_1834 : i32 to vector<16xi32>
      %and3A_1836 = arith.andi %get3A_1833, %and3A_1835 : vector<16xi32>
      %sub3A_1837 = arith.subi %get3A_1833, %and3A_1836 : vector<16xi32>
      %and3A_1838 = arith.constant 8191 : i32
      %and3A_1839 = vector.broadcast %and3A_1838 : i32 to vector<16xi32>
      %and3A_1840 = arith.andi %and3A_1836, %and3A_1839 : vector<16xi32>
      %shift_left3A_1841 = arith.constant 1 : i32
      %shift_left3A_1842 = vector.broadcast %shift_left3A_1841 : i32 to vector<16xi32>
      %shift_left3A_1843 = arith.shli %and3A_1840, %shift_left3A_1842 : vector<16xi32>
      %add3A_1844 = arith.addi %sub3A_1837, %shift_left3A_1843 : vector<16xi32>
      %shift_right_arithmetic3A_1845 = arith.constant 13 : i32
      %shift_right_arithmetic3A_1846 = vector.broadcast %shift_right_arithmetic3A_1845 : i32 to vector<16xi32>
      %shift_right_arithmetic3A_1847 = arith.shrsi %and3A_1836, %shift_right_arithmetic3A_1846 : vector<16xi32>
      %add3A_1848 = arith.addi %add3A_1844, %shift_right_arithmetic3A_1847 : vector<16xi32>
      %swap3A_1849 = arith.constant 1 : i32
      %swap3A_1850 = arith.constant 2 : i32
      %swap3A_1851 = arith.index_cast %swap3A_1849 : i32 to index
      %swap3A_1852 = arith.index_cast %swap3A_1850 : i32 to index
      %swap3A_1853 = arith.constant 48 : index
      %swap3A_1854 = tpu.vector_load %arg6[%swap3A_1851, %swap3A_1852, %swap3A_1853] {strides = array<i32>} : memref<2x4x128xi32, #tpu.memory_space<vmem>>, vector<16xi32>,
      tpu.vector_store %arg6[%swap3A_1851, %swap3A_1852, %swap3A_1853], %add3A_1848 {strides = array<i32>} : memref<2x4x128xi32, #tpu.memory_space<vmem>>, vector<16xi32>,
      %get3A_1855 = arith.constant 1 : i32
      %get3A_1856 = arith.constant 2 : i32
      %get3A_1857 = arith.index_cast %get3A_1855 : i32 to index
      %get3A_1858 = arith.index_cast %get3A_1856 : i32 to index
      %get3A_1859 = arith.constant 64 : index
      %get3A_1860 = tpu.vector_load %arg6[%get3A_1857, %get3A_1858, %get3A_1859] {strides = array<i32>} : memref<2x4x128xi32, #tpu.memory_space<vmem>>, vector<16xi32>,
      %and3A_1861 = arith.constant 16383 : i32
      %and3A_1862 = vector.broadcast %and3A_1861 : i32 to vector<16xi32>
      %and3A_1863 = arith.andi %get3A_1860, %and3A_1862 : vector<16xi32>
      %sub3A_1864 = arith.subi %get3A_1860, %and3A_1863 : vector<16xi32>
      %and3A_1865 = arith.constant 8191 : i32
      %and3A_1866 = vector.broadcast %and3A_1865 : i32 to vector<16xi32>
      %and3A_1867 = arith.andi %and3A_1863, %and3A_1866 : vector<16xi32>
      %shift_left3A_1868 = arith.constant 1 : i32
      %shift_left3A_1869 = vector.broadcast %shift_left3A_1868 : i32 to vector<16xi32>
      %shift_left3A_1870 = arith.shli %and3A_1867, %shift_left3A_1869 : vector<16xi32>
      %add3A_1871 = arith.addi %sub3A_1864, %shift_left3A_1870 : vector<16xi32>
      %shift_right_arithmetic3A_1872 = arith.constant 13 : i32
      %shift_right_arithmetic3A_1873 = vector.broadcast %shift_right_arithmetic3A_1872 : i32 to vector<16xi32>
      %shift_right_arithmetic3A_1874 = arith.shrsi %and3A_1863, %shift_right_arithmetic3A_1873 : vector<16xi32>
      %add3A_1875 = arith.addi %add3A_1871, %shift_right_arithmetic3A_1874 : vector<16xi32>
      %swap3A_1876 = arith.constant 1 : i32
      %swap3A_1877 = arith.constant 2 : i32
      %swap3A_1878 = arith.index_cast %swap3A_1876 : i32 to index
      %swap3A_1879 = arith.index_cast %swap3A_1877 : i32 to index
      %swap3A_1880 = arith.constant 64 : index
      %swap3A_1881 = tpu.vector_load %arg6[%swap3A_1878, %swap3A_1879, %swap3A_1880] {strides = array<i32>} : memref<2x4x128xi32, #tpu.memory_space<vmem>>, vector<16xi32>,
      tpu.vector_store %arg6[%swap3A_1878, %swap3A_1879, %swap3A_1880], %add3A_1875 {strides = array<i32>} : memref<2x4x128xi32, #tpu.memory_space<vmem>>, vector<16xi32>,
      %get3A_1882 = arith.constant 1 : i32
      %get3A_1883 = arith.constant 2 : i32
      %get3A_1884 = arith.index_cast %get3A_1882 : i32 to index
      %get3A_1885 = arith.index_cast %get3A_1883 : i32 to index
      %get3A_1886 = arith.constant 80 : index
      %get3A_1887 = tpu.vector_load %arg6[%get3A_1884, %get3A_1885, %get3A_1886] {strides = array<i32>} : memref<2x4x128xi32, #tpu.memory_space<vmem>>, vector<16xi32>,
      %and3A_1888 = arith.constant 16383 : i32
      %and3A_1889 = vector.broadcast %and3A_1888 : i32 to vector<16xi32>
      %and3A_1890 = arith.andi %get3A_1887, %and3A_1889 : vector<16xi32>
      %sub3A_1891 = arith.subi %get3A_1887, %and3A_1890 : vector<16xi32>
      %and3A_1892 = arith.constant 8191 : i32
      %and3A_1893 = vector.broadcast %and3A_1892 : i32 to vector<16xi32>
      %and3A_1894 = arith.andi %and3A_1890, %and3A_1893 : vector<16xi32>
      %shift_left3A_1895 = arith.constant 1 : i32
      %shift_left3A_1896 = vector.broadcast %shift_left3A_1895 : i32 to vector<16xi32>
      %shift_left3A_1897 = arith.shli %and3A_1894, %shift_left3A_1896 : vector<16xi32>
      %add3A_1898 = arith.addi %sub3A_1891, %shift_left3A_1897 : vector<16xi32>
      %shift_right_arithmetic3A_1899 = arith.constant 13 : i32
      %shift_right_arithmetic3A_1900 = vector.broadcast %shift_right_arithmetic3A_1899 : i32 to vector<16xi32>
      %shift_right_arithmetic3A_1901 = arith.shrsi %and3A_1890, %shift_right_arithmetic3A_1900 : vector<16xi32>
      %add3A_1902 = arith.addi %add3A_1898, %shift_right_arithmetic3A_1901 : vector<16xi32>
      %swap3A_1903 = arith.constant 1 : i32
      %swap3A_1904 = arith.constant 2 : i32
      %swap3A_1905 = arith.index_cast %swap3A_1903 : i32 to index
      %swap3A_1906 = arith.index_cast %swap3A_1904 : i32 to index
      %swap3A_1907 = arith.constant 80 : index
      %swap3A_1908 = tpu.vector_load %arg6[%swap3A_1905, %swap3A_1906, %swap3A_1907] {strides = array<i32>} : memref<2x4x128xi32, #tpu.memory_space<vmem>>, vector<16xi32>,
      tpu.vector_store %arg6[%swap3A_1905, %swap3A_1906, %swap3A_1907], %add3A_1902 {strides = array<i32>} : memref<2x4x128xi32, #tpu.memory_space<vmem>>, vector<16xi32>,
      %get3A_1909 = arith.constant 1 : i32
      %get3A_1910 = arith.constant 2 : i32
      %get3A_1911 = arith.index_cast %get3A_1909 : i32 to index
      %get3A_1912 = arith.index_cast %get3A_1910 : i32 to index
      %get3A_1913 = arith.constant 96 : index
      %get3A_1914 = tpu.vector_load %arg6[%get3A_1911, %get3A_1912, %get3A_1913] {strides = array<i32>} : memref<2x4x128xi32, #tpu.memory_space<vmem>>, vector<16xi32>,
      %and3A_1915 = arith.constant 16383 : i32
      %and3A_1916 = vector.broadcast %and3A_1915 : i32 to vector<16xi32>
      %and3A_1917 = arith.andi %get3A_1914, %and3A_1916 : vector<16xi32>
      %sub3A_1918 = arith.subi %get3A_1914, %and3A_1917 : vector<16xi32>
      %and3A_1919 = arith.constant 8191 : i32
      %and3A_1920 = vector.broadcast %and3A_1919 : i32 to vector<16xi32>
      %and3A_1921 = arith.andi %and3A_1917, %and3A_1920 : vector<16xi32>
      %shift_left3A_1922 = arith.constant 1 : i32
      %shift_left3A_1923 = vector.broadcast %shift_left3A_1922 : i32 to vector<16xi32>
      %shift_left3A_1924 = arith.shli %and3A_1921, %shift_left3A_1923 : vector<16xi32>
      %add3A_1925 = arith.addi %sub3A_1918, %shift_left3A_1924 : vector<16xi32>
      %shift_right_arithmetic3A_1926 = arith.constant 13 : i32
      %shift_right_arithmetic3A_1927 = vector.broadcast %shift_right_arithmetic3A_1926 : i32 to vector<16xi32>
      %shift_right_arithmetic3A_1928 = arith.shrsi %and3A_1917, %shift_right_arithmetic3A_1927 : vector<16xi32>
      %add3A_1929 = arith.addi %add3A_1925, %shift_right_arithmetic3A_1928 : vector<16xi32>
      %swap3A_1930 = arith.constant 1 : i32
      %swap3A_1931 = arith.constant 2 : i32
      %swap3A_1932 = arith.index_cast %swap3A_1930 : i32 to index
      %swap3A_1933 = arith.index_cast %swap3A_1931 : i32 to index
      %swap3A_1934 = arith.constant 96 : index
      %swap3A_1935 = tpu.vector_load %arg6[%swap3A_1932, %swap3A_1933, %swap3A_1934] {strides = array<i32>} : memref<2x4x128xi32, #tpu.memory_space<vmem>>, vector<16xi32>,
      tpu.vector_store %arg6[%swap3A_1932, %swap3A_1933, %swap3A_1934], %add3A_1929 {strides = array<i32>} : memref<2x4x128xi32, #tpu.memory_space<vmem>>, vector<16xi32>,
      %get3A_1936 = arith.constant 1 : i32
      %get3A_1937 = arith.constant 2 : i32
      %get3A_1938 = arith.index_cast %get3A_1936 : i32 to index
      %get3A_1939 = arith.index_cast %get3A_1937 : i32 to index
      %get3A_1940 = arith.constant 112 : index
      %get3A_1941 = tpu.vector_load %arg6[%get3A_1938, %get3A_1939, %get3A_1940] {strides = array<i32>} : memref<2x4x128xi32, #tpu.memory_space<vmem>>, vector<16xi32>,
      %and3A_1942 = arith.constant 16383 : i32
      %and3A_1943 = vector.broadcast %and3A_1942 : i32 to vector<16xi32>
      %and3A_1944 = arith.andi %get3A_1941, %and3A_1943 : vector<16xi32>
      %sub3A_1945 = arith.subi %get3A_1941, %and3A_1944 : vector<16xi32>
      %and3A_1946 = arith.constant 8191 : i32
      %and3A_1947 = vector.broadcast %and3A_1946 : i32 to vector<16xi32>
      %and3A_1948 = arith.andi %and3A_1944, %and3A_1947 : vector<16xi32>
      %shift_left3A_1949 = arith.constant 1 : i32
      %shift_left3A_1950 = vector.broadcast %shift_left3A_1949 : i32 to vector<16xi32>
      %shift_left3A_1951 = arith.shli %and3A_1948, %shift_left3A_1950 : vector<16xi32>
      %add3A_1952 = arith.addi %sub3A_1945, %shift_left3A_1951 : vector<16xi32>
      %shift_right_arithmetic3A_1953 = arith.constant 13 : i32
      %shift_right_arithmetic3A_1954 = vector.broadcast %shift_right_arithmetic3A_1953 : i32 to vector<16xi32>
      %shift_right_arithmetic3A_1955 = arith.shrsi %and3A_1944, %shift_right_arithmetic3A_1954 : vector<16xi32>
      %add3A_1956 = arith.addi %add3A_1952, %shift_right_arithmetic3A_1955 : vector<16xi32>
      %swap3A_1957 = arith.constant 1 : i32
      %swap3A_1958 = arith.constant 2 : i32
      %swap3A_1959 = arith.index_cast %swap3A_1957 : i32 to index
      %swap3A_1960 = arith.index_cast %swap3A_1958 : i32 to index
      %swap3A_1961 = arith.constant 112 : index
      %swap3A_1962 = tpu.vector_load %arg6[%swap3A_1959, %swap3A_1960, %swap3A_1961] {strides = array<i32>} : memref<2x4x128xi32, #tpu.memory_space<vmem>>, vector<16xi32>,
      tpu.vector_store %arg6[%swap3A_1959, %swap3A_1960, %swap3A_1961], %add3A_1956 {strides = array<i32>} : memref<2x4x128xi32, #tpu.memory_space<vmem>>, vector<16xi32>,
      %get3A_1963 = arith.constant 1 : i32
      %get3A_1964 = arith.constant 3 : i32
      %get3A_1965 = arith.index_cast %get3A_1963 : i32 to index
      %get3A_1966 = arith.index_cast %get3A_1964 : i32 to index
      %get3A_1967 = arith.constant 0 : index
      %get3A_1968 = tpu.vector_load %arg6[%get3A_1965, %get3A_1966, %get3A_1967] {strides = array<i32>} : memref<2x4x128xi32, #tpu.memory_space<vmem>>, vector<16xi32>,
      %and3A_1969 = arith.constant 16383 : i32
      %and3A_1970 = vector.broadcast %and3A_1969 : i32 to vector<16xi32>
      %and3A_1971 = arith.andi %get3A_1968, %and3A_1970 : vector<16xi32>
      %sub3A_1972 = arith.subi %get3A_1968, %and3A_1971 : vector<16xi32>
      %and3A_1973 = arith.constant 8191 : i32
      %and3A_1974 = vector.broadcast %and3A_1973 : i32 to vector<16xi32>
      %and3A_1975 = arith.andi %and3A_1971, %and3A_1974 : vector<16xi32>
      %shift_left3A_1976 = arith.constant 1 : i32
      %shift_left3A_1977 = vector.broadcast %shift_left3A_1976 : i32 to vector<16xi32>
      %shift_left3A_1978 = arith.shli %and3A_1975, %shift_left3A_1977 : vector<16xi32>
      %add3A_1979 = arith.addi %sub3A_1972, %shift_left3A_1978 : vector<16xi32>
      %shift_right_arithmetic3A_1980 = arith.constant 13 : i32
      %shift_right_arithmetic3A_1981 = vector.broadcast %shift_right_arithmetic3A_1980 : i32 to vector<16xi32>
      %shift_right_arithmetic3A_1982 = arith.shrsi %and3A_1971, %shift_right_arithmetic3A_1981 : vector<16xi32>
      %add3A_1983 = arith.addi %add3A_1979, %shift_right_arithmetic3A_1982 : vector<16xi32>
      %swap3A_1984 = arith.constant 1 : i32
      %swap3A_1985 = arith.constant 3 : i32
      %swap3A_1986 = arith.index_cast %swap3A_1984 : i32 to index
      %swap3A_1987 = arith.index_cast %swap3A_1985 : i32 to index
      %swap3A_1988 = arith.constant 0 : index
      %swap3A_1989 = tpu.vector_load %arg6[%swap3A_1986, %swap3A_1987, %swap3A_1988] {strides = array<i32>} : memref<2x4x128xi32, #tpu.memory_space<vmem>>, vector<16xi32>,
      tpu.vector_store %arg6[%swap3A_1986, %swap3A_1987, %swap3A_1988], %add3A_1983 {strides = array<i32>} : memref<2x4x128xi32, #tpu.memory_space<vmem>>, vector<16xi32>,
      %get3A_1990 = arith.constant 1 : i32
      %get3A_1991 = arith.constant 3 : i32
      %get3A_1992 = arith.index_cast %get3A_1990 : i32 to index
      %get3A_1993 = arith.index_cast %get3A_1991 : i32 to index
      %get3A_1994 = arith.constant 16 : index
      %get3A_1995 = tpu.vector_load %arg6[%get3A_1992, %get3A_1993, %get3A_1994] {strides = array<i32>} : memref<2x4x128xi32, #tpu.memory_space<vmem>>, vector<16xi32>,
      %and3A_1996 = arith.constant 16383 : i32
      %and3A_1997 = vector.broadcast %and3A_1996 : i32 to vector<16xi32>
      %and3A_1998 = arith.andi %get3A_1995, %and3A_1997 : vector<16xi32>
      %sub3A_1999 = arith.subi %get3A_1995, %and3A_1998 : vector<16xi32>
      %and3A_2000 = arith.constant 8191 : i32
      %and3A_2001 = vector.broadcast %and3A_2000 : i32 to vector<16xi32>
      %and3A_2002 = arith.andi %and3A_1998, %and3A_2001 : vector<16xi32>
      %shift_left3A_2003 = arith.constant 1 : i32
      %shift_left3A_2004 = vector.broadcast %shift_left3A_2003 : i32 to vector<16xi32>
      %shift_left3A_2005 = arith.shli %and3A_2002, %shift_left3A_2004 : vector<16xi32>
      %add3A_2006 = arith.addi %sub3A_1999, %shift_left3A_2005 : vector<16xi32>
      %shift_right_arithmetic3A_2007 = arith.constant 13 : i32
      %shift_right_arithmetic3A_2008 = vector.broadcast %shift_right_arithmetic3A_2007 : i32 to vector<16xi32>
      %shift_right_arithmetic3A_2009 = arith.shrsi %and3A_1998, %shift_right_arithmetic3A_2008 : vector<16xi32>
      %add3A_2010 = arith.addi %add3A_2006, %shift_right_arithmetic3A_2009 : vector<16xi32>
      %swap3A_2011 = arith.constant 1 : i32
      %swap3A_2012 = arith.constant 3 : i32
      %swap3A_2013 = arith.index_cast %swap3A_2011 : i32 to index
      %swap3A_2014 = arith.index_cast %swap3A_2012 : i32 to index
      %swap3A_2015 = arith.constant 16 : index
      %swap3A_2016 = tpu.vector_load %arg6[%swap3A_2013, %swap3A_2014, %swap3A_2015] {strides = array<i32>} : memref<2x4x128xi32, #tpu.memory_space<vmem>>, vector<16xi32>,
      tpu.vector_store %arg6[%swap3A_2013, %swap3A_2014, %swap3A_2015], %add3A_2010 {strides = array<i32>} : memref<2x4x128xi32, #tpu.memory_space<vmem>>, vector<16xi32>,
      %get3A_2017 = arith.constant 1 : i32
      %get3A_2018 = arith.constant 3 : i32
      %get3A_2019 = arith.index_cast %get3A_2017 : i32 to index
      %get3A_2020 = arith.index_cast %get3A_2018 : i32 to index
      %get3A_2021 = arith.constant 32 : index
      %get3A_2022 = tpu.vector_load %arg6[%get3A_2019, %get3A_2020, %get3A_2021] {strides = array<i32>} : memref<2x4x128xi32, #tpu.memory_space<vmem>>, vector<16xi32>,
      %and3A_2023 = arith.constant 16383 : i32
      %and3A_2024 = vector.broadcast %and3A_2023 : i32 to vector<16xi32>
      %and3A_2025 = arith.andi %get3A_2022, %and3A_2024 : vector<16xi32>
      %sub3A_2026 = arith.subi %get3A_2022, %and3A_2025 : vector<16xi32>
      %and3A_2027 = arith.constant 8191 : i32
      %and3A_2028 = vector.broadcast %and3A_2027 : i32 to vector<16xi32>
      %and3A_2029 = arith.andi %and3A_2025, %and3A_2028 : vector<16xi32>
      %shift_left3A_2030 = arith.constant 1 : i32
      %shift_left3A_2031 = vector.broadcast %shift_left3A_2030 : i32 to vector<16xi32>
      %shift_left3A_2032 = arith.shli %and3A_2029, %shift_left3A_2031 : vector<16xi32>
      %add3A_2033 = arith.addi %sub3A_2026, %shift_left3A_2032 : vector<16xi32>
      %shift_right_arithmetic3A_2034 = arith.constant 13 : i32
      %shift_right_arithmetic3A_2035 = vector.broadcast %shift_right_arithmetic3A_2034 : i32 to vector<16xi32>
      %shift_right_arithmetic3A_2036 = arith.shrsi %and3A_2025, %shift_right_arithmetic3A_2035 : vector<16xi32>
      %add3A_2037 = arith.addi %add3A_2033, %shift_right_arithmetic3A_2036 : vector<16xi32>
      %swap3A_2038 = arith.constant 1 : i32
      %swap3A_2039 = arith.constant 3 : i32
      %swap3A_2040 = arith.index_cast %swap3A_2038 : i32 to index
      %swap3A_2041 = arith.index_cast %swap3A_2039 : i32 to index
      %swap3A_2042 = arith.constant 32 : index
      %swap3A_2043 = tpu.vector_load %arg6[%swap3A_2040, %swap3A_2041, %swap3A_2042] {strides = array<i32>} : memref<2x4x128xi32, #tpu.memory_space<vmem>>, vector<16xi32>,
      tpu.vector_store %arg6[%swap3A_2040, %swap3A_2041, %swap3A_2042], %add3A_2037 {strides = array<i32>} : memref<2x4x128xi32, #tpu.memory_space<vmem>>, vector<16xi32>,
      %get3A_2044 = arith.constant 1 : i32
      %get3A_2045 = arith.constant 3 : i32
      %get3A_2046 = arith.index_cast %get3A_2044 : i32 to index
      %get3A_2047 = arith.index_cast %get3A_2045 : i32 to index
      %get3A_2048 = arith.constant 48 : index
      %get3A_2049 = tpu.vector_load %arg6[%get3A_2046, %get3A_2047, %get3A_2048] {strides = array<i32>} : memref<2x4x128xi32, #tpu.memory_space<vmem>>, vector<16xi32>,
      %and3A_2050 = arith.constant 16383 : i32
      %and3A_2051 = vector.broadcast %and3A_2050 : i32 to vector<16xi32>
      %and3A_2052 = arith.andi %get3A_2049, %and3A_2051 : vector<16xi32>
      %sub3A_2053 = arith.subi %get3A_2049, %and3A_2052 : vector<16xi32>
      %and3A_2054 = arith.constant 8191 : i32
      %and3A_2055 = vector.broadcast %and3A_2054 : i32 to vector<16xi32>
      %and3A_2056 = arith.andi %and3A_2052, %and3A_2055 : vector<16xi32>
      %shift_left3A_2057 = arith.constant 1 : i32
      %shift_left3A_2058 = vector.broadcast %shift_left3A_2057 : i32 to vector<16xi32>
      %shift_left3A_2059 = arith.shli %and3A_2056, %shift_left3A_2058 : vector<16xi32>
      %add3A_2060 = arith.addi %sub3A_2053, %shift_left3A_2059 : vector<16xi32>
      %shift_right_arithmetic3A_2061 = arith.constant 13 : i32
      %shift_right_arithmetic3A_2062 = vector.broadcast %shift_right_arithmetic3A_2061 : i32 to vector<16xi32>
      %shift_right_arithmetic3A_2063 = arith.shrsi %and3A_2052, %shift_right_arithmetic3A_2062 : vector<16xi32>
      %add3A_2064 = arith.addi %add3A_2060, %shift_right_arithmetic3A_2063 : vector<16xi32>
      %swap3A_2065 = arith.constant 1 : i32
      %swap3A_2066 = arith.constant 3 : i32
      %swap3A_2067 = arith.index_cast %swap3A_2065 : i32 to index
      %swap3A_2068 = arith.index_cast %swap3A_2066 : i32 to index
      %swap3A_2069 = arith.constant 48 : index
      %swap3A_2070 = tpu.vector_load %arg6[%swap3A_2067, %swap3A_2068, %swap3A_2069] {strides = array<i32>} : memref<2x4x128xi32, #tpu.memory_space<vmem>>, vector<16xi32>,
      tpu.vector_store %arg6[%swap3A_2067, %swap3A_2068, %swap3A_2069], %add3A_2064 {strides = array<i32>} : memref<2x4x128xi32, #tpu.memory_space<vmem>>, vector<16xi32>,
      %get3A_2071 = arith.constant 1 : i32
      %get3A_2072 = arith.constant 3 : i32
      %get3A_2073 = arith.index_cast %get3A_2071 : i32 to index
      %get3A_2074 = arith.index_cast %get3A_2072 : i32 to index
      %get3A_2075 = arith.constant 64 : index
      %get3A_2076 = tpu.vector_load %arg6[%get3A_2073, %get3A_2074, %get3A_2075] {strides = array<i32>} : memref<2x4x128xi32, #tpu.memory_space<vmem>>, vector<16xi32>,
      %and3A_2077 = arith.constant 16383 : i32
      %and3A_2078 = vector.broadcast %and3A_2077 : i32 to vector<16xi32>
      %and3A_2079 = arith.andi %get3A_2076, %and3A_2078 : vector<16xi32>
      %sub3A_2080 = arith.subi %get3A_2076, %and3A_2079 : vector<16xi32>
      %and3A_2081 = arith.constant 8191 : i32
      %and3A_2082 = vector.broadcast %and3A_2081 : i32 to vector<16xi32>
      %and3A_2083 = arith.andi %and3A_2079, %and3A_2082 : vector<16xi32>
      %shift_left3A_2084 = arith.constant 1 : i32
      %shift_left3A_2085 = vector.broadcast %shift_left3A_2084 : i32 to vector<16xi32>
      %shift_left3A_2086 = arith.shli %and3A_2083, %shift_left3A_2085 : vector<16xi32>
      %add3A_2087 = arith.addi %sub3A_2080, %shift_left3A_2086 : vector<16xi32>
      %shift_right_arithmetic3A_2088 = arith.constant 13 : i32
      %shift_right_arithmetic3A_2089 = vector.broadcast %shift_right_arithmetic3A_2088 : i32 to vector<16xi32>
      %shift_right_arithmetic3A_2090 = arith.shrsi %and3A_2079, %shift_right_arithmetic3A_2089 : vector<16xi32>
      %add3A_2091 = arith.addi %add3A_2087, %shift_right_arithmetic3A_2090 : vector<16xi32>
      %swap3A_2092 = arith.constant 1 : i32
      %swap3A_2093 = arith.constant 3 : i32
      %swap3A_2094 = arith.index_cast %swap3A_2092 : i32 to index
      %swap3A_2095 = arith.index_cast %swap3A_2093 : i32 to index
      %swap3A_2096 = arith.constant 64 : index
      %swap3A_2097 = tpu.vector_load %arg6[%swap3A_2094, %swap3A_2095, %swap3A_2096] {strides = array<i32>} : memref<2x4x128xi32, #tpu.memory_space<vmem>>, vector<16xi32>,
      tpu.vector_store %arg6[%swap3A_2094, %swap3A_2095, %swap3A_2096], %add3A_2091 {strides = array<i32>} : memref<2x4x128xi32, #tpu.memory_space<vmem>>, vector<16xi32>,
      %get3A_2098 = arith.constant 1 : i32
      %get3A_2099 = arith.constant 3 : i32
      %get3A_2100 = arith.index_cast %get3A_2098 : i32 to index
      %get3A_2101 = arith.index_cast %get3A_2099 : i32 to index
      %get3A_2102 = arith.constant 80 : index
      %get3A_2103 = tpu.vector_load %arg6[%get3A_2100, %get3A_2101, %get3A_2102] {strides = array<i32>} : memref<2x4x128xi32, #tpu.memory_space<vmem>>, vector<16xi32>,
      %and3A_2104 = arith.constant 16383 : i32
      %and3A_2105 = vector.broadcast %and3A_2104 : i32 to vector<16xi32>
      %and3A_2106 = arith.andi %get3A_2103, %and3A_2105 : vector<16xi32>
      %sub3A_2107 = arith.subi %get3A_2103, %and3A_2106 : vector<16xi32>
      %and3A_2108 = arith.constant 8191 : i32
      %and3A_2109 = vector.broadcast %and3A_2108 : i32 to vector<16xi32>
      %and3A_2110 = arith.andi %and3A_2106, %and3A_2109 : vector<16xi32>
      %shift_left3A_2111 = arith.constant 1 : i32
      %shift_left3A_2112 = vector.broadcast %shift_left3A_2111 : i32 to vector<16xi32>
      %shift_left3A_2113 = arith.shli %and3A_2110, %shift_left3A_2112 : vector<16xi32>
      %add3A_2114 = arith.addi %sub3A_2107, %shift_left3A_2113 : vector<16xi32>
      %shift_right_arithmetic3A_2115 = arith.constant 13 : i32
      %shift_right_arithmetic3A_2116 = vector.broadcast %shift_right_arithmetic3A_2115 : i32 to vector<16xi32>
      %shift_right_arithmetic3A_2117 = arith.shrsi %and3A_2106, %shift_right_arithmetic3A_2116 : vector<16xi32>
      %add3A_2118 = arith.addi %add3A_2114, %shift_right_arithmetic3A_2117 : vector<16xi32>
      %swap3A_2119 = arith.constant 1 : i32
      %swap3A_2120 = arith.constant 3 : i32
      %swap3A_2121 = arith.index_cast %swap3A_2119 : i32 to index
      %swap3A_2122 = arith.index_cast %swap3A_2120 : i32 to index
      %swap3A_2123 = arith.constant 80 : index
      %swap3A_2124 = tpu.vector_load %arg6[%swap3A_2121, %swap3A_2122, %swap3A_2123] {strides = array<i32>} : memref<2x4x128xi32, #tpu.memory_space<vmem>>, vector<16xi32>,
      tpu.vector_store %arg6[%swap3A_2121, %swap3A_2122, %swap3A_2123], %add3A_2118 {strides = array<i32>} : memref<2x4x128xi32, #tpu.memory_space<vmem>>, vector<16xi32>,
      %get3A_2125 = arith.constant 1 : i32
      %get3A_2126 = arith.constant 3 : i32
      %get3A_2127 = arith.index_cast %get3A_2125 : i32 to index
      %get3A_2128 = arith.index_cast %get3A_2126 : i32 to index
      %get3A_2129 = arith.constant 96 : index
      %get3A_2130 = tpu.vector_load %arg6[%get3A_2127, %get3A_2128, %get3A_2129] {strides = array<i32>} : memref<2x4x128xi32, #tpu.memory_space<vmem>>, vector<16xi32>,
      %and3A_2131 = arith.constant 16383 : i32
      %and3A_2132 = vector.broadcast %and3A_2131 : i32 to vector<16xi32>
      %and3A_2133 = arith.andi %get3A_2130, %and3A_2132 : vector<16xi32>
      %sub3A_2134 = arith.subi %get3A_2130, %and3A_2133 : vector<16xi32>
      %and3A_2135 = arith.constant 8191 : i32
      %and3A_2136 = vector.broadcast %and3A_2135 : i32 to vector<16xi32>
      %and3A_2137 = arith.andi %and3A_2133, %and3A_2136 : vector<16xi32>
      %shift_left3A_2138 = arith.constant 1 : i32
      %shift_left3A_2139 = vector.broadcast %shift_left3A_2138 : i32 to vector<16xi32>
      %shift_left3A_2140 = arith.shli %and3A_2137, %shift_left3A_2139 : vector<16xi32>
      %add3A_2141 = arith.addi %sub3A_2134, %shift_left3A_2140 : vector<16xi32>
      %shift_right_arithmetic3A_2142 = arith.constant 13 : i32
      %shift_right_arithmetic3A_2143 = vector.broadcast %shift_right_arithmetic3A_2142 : i32 to vector<16xi32>
      %shift_right_arithmetic3A_2144 = arith.shrsi %and3A_2133, %shift_right_arithmetic3A_2143 : vector<16xi32>
      %add3A_2145 = arith.addi %add3A_2141, %shift_right_arithmetic3A_2144 : vector<16xi32>
      %swap3A_2146 = arith.constant 1 : i32
      %swap3A_2147 = arith.constant 3 : i32
      %swap3A_2148 = arith.index_cast %swap3A_2146 : i32 to index
      %swap3A_2149 = arith.index_cast %swap3A_2147 : i32 to index
      %swap3A_2150 = arith.constant 96 : index
      %swap3A_2151 = tpu.vector_load %arg6[%swap3A_2148, %swap3A_2149, %swap3A_2150] {strides = array<i32>} : memref<2x4x128xi32, #tpu.memory_space<vmem>>, vector<16xi32>,
      tpu.vector_store %arg6[%swap3A_2148, %swap3A_2149, %swap3A_2150], %add3A_2145 {strides = array<i32>} : memref<2x4x128xi32, #tpu.memory_space<vmem>>, vector<16xi32>,
      %get3A_2152 = arith.constant 1 : i32
      %get3A_2153 = arith.constant 3 : i32
      %get3A_2154 = arith.index_cast %get3A_2152 : i32 to index
      %get3A_2155 = arith.index_cast %get3A_2153 : i32 to index
      %get3A_2156 = arith.constant 112 : index
      %get3A_2157 = tpu.vector_load %arg6[%get3A_2154, %get3A_2155, %get3A_2156] {strides = array<i32>} : memref<2x4x128xi32, #tpu.memory_space<vmem>>, vector<16xi32>,
      %and3A_2158 = arith.constant 16383 : i32
      %and3A_2159 = vector.broadcast %and3A_2158 : i32 to vector<16xi32>
      %and3A_2160 = arith.andi %get3A_2157, %and3A_2159 : vector<16xi32>
      %sub3A_2161 = arith.subi %get3A_2157, %and3A_2160 : vector<16xi32>
      %and3A_2162 = arith.constant 8191 : i32
      %and3A_2163 = vector.broadcast %and3A_2162 : i32 to vector<16xi32>
      %and3A_2164 = arith.andi %and3A_2160, %and3A_2163 : vector<16xi32>
      %shift_left3A_2165 = arith.constant 1 : i32
      %shift_left3A_2166 = vector.broadcast %shift_left3A_2165 : i32 to vector<16xi32>
      %shift_left3A_2167 = arith.shli %and3A_2164, %shift_left3A_2166 : vector<16xi32>
      %add3A_2168 = arith.addi %sub3A_2161, %shift_left3A_2167 : vector<16xi32>
      %shift_right_arithmetic3A_2169 = arith.constant 13 : i32
      %shift_right_arithmetic3A_2170 = vector.broadcast %shift_right_arithmetic3A_2169 : i32 to vector<16xi32>
      %shift_right_arithmetic3A_2171 = arith.shrsi %and3A_2160, %shift_right_arithmetic3A_2170 : vector<16xi32>
      %add3A_2172 = arith.addi %add3A_2168, %shift_right_arithmetic3A_2171 : vector<16xi32>
      %swap3A_2173 = arith.constant 1 : i32
      %swap3A_2174 = arith.constant 3 : i32
      %swap3A_2175 = arith.index_cast %swap3A_2173 : i32 to index
      %swap3A_2176 = arith.index_cast %swap3A_2174 : i32 to index
      %swap3A_2177 = arith.constant 112 : index
      %swap3A_2178 = tpu.vector_load %arg6[%swap3A_2175, %swap3A_2176, %swap3A_2177] {strides = array<i32>} : memref<2x4x128xi32, #tpu.memory_space<vmem>>, vector<16xi32>,
      tpu.vector_store %arg6[%swap3A_2175, %swap3A_2176, %swap3A_2177], %add3A_2172 {strides = array<i32>} : memref<2x4x128xi32, #tpu.memory_space<vmem>>, vector<16xi32>,
      %dma_start3A_2179 = arith.constant 1 : i32
      %dma_start3A_2180 = arith.constant 0 : i32
      %dma_start3A_2181 = arith.constant 1 : i32
      %dma_start3A_2182 = arith.constant 0 : i32
      %dma_start3A_2183 = arith.constant 0 : i32
      %dma_start3A_2184 = tpu.memref_slice %arg7[%dma_start3A_2181, %dma_start3A_2182, %dma_start3A_2183] : memref<2x512x64xf32, #tpu.memory_space<vmem>> -> memref<1x128x64xf32, #tpu.memory_space<vmem>>
      %dma_start3A_2185 = tpu.memref_squeeze %dma_start3A_2184 : memref<1x128x64xf32, #tpu.memory_space<vmem>> -> memref<128x64xf32, #tpu.memory_space<vmem>>
      %dma_start3A_2186 = arith.constant 0 : i32
      %dma_start3A_2187 = tpu.memref_slice %arg6[%dma_start3A_2179, %dma_start3A_2180, %dma_start3A_2186] : memref<2x4x128xi32, #tpu.memory_space<vmem>> -> memref<1x1x128xi32, #tpu.memory_space<vmem>>
      %dma_start3A_2188 = tpu.memref_squeeze %dma_start3A_2187 : memref<1x1x128xi32, #tpu.memory_space<vmem>> -> memref<128xi32, #tpu.memory_space<vmem>>
      %dma_start3A_2189 = arith.constant 0 : i32
      %dma_start3A_2190 = arith.constant 0 : i32
      %dma_start3A_2191 = tpu.memref_slice %arg3[%dma_start3A_2189, %dma_start3A_2190] : memref<1015808x64xf32, #tpu.memory_space<hbm>> -> memref<1015808x64xf32, #tpu.memory_space<hbm>>
      tpu.enqueue_indirect_dma source(%dma_start3A_2191 : memref<1015808x64xf32, #tpu.memory_space<hbm>>) target(%dma_start3A_2185 : memref<128x64xf32, #tpu.memory_space<vmem>>) offsets(%dma_start3A_2188 : memref<128xi32, #tpu.memory_space<vmem>>) semaphore(%arg11 : memref<!tpu.dma_semaphore, #tpu.memory_space<semaphore_mem>>)
      %dma_start3A_2192 = arith.constant 1 : i32
      %dma_start3A_2193 = arith.constant 1 : i32
      %dma_start3A_2194 = arith.constant 1 : i32
      %dma_start3A_2195 = arith.constant 128 : i32
      %dma_start3A_2196 = arith.constant 0 : i32
      %dma_start3A_2197 = tpu.memref_slice %arg7[%dma_start3A_2194, %dma_start3A_2195, %dma_start3A_2196] : memref<2x512x64xf32, #tpu.memory_space<vmem>> -> memref<1x128x64xf32, #tpu.memory_space<vmem>>
      %dma_start3A_2198 = tpu.memref_squeeze %dma_start3A_2197 : memref<1x128x64xf32, #tpu.memory_space<vmem>> -> memref<128x64xf32, #tpu.memory_space<vmem>>
      %dma_start3A_2199 = arith.constant 0 : i32
      %dma_start3A_2200 = tpu.memref_slice %arg6[%dma_start3A_2192, %dma_start3A_2193, %dma_start3A_2199] : memref<2x4x128xi32, #tpu.memory_space<vmem>> -> memref<1x1x128xi32, #tpu.memory_space<vmem>>
      %dma_start3A_2201 = tpu.memref_squeeze %dma_start3A_2200 : memref<1x1x128xi32, #tpu.memory_space<vmem>> -> memref<128xi32, #tpu.memory_space<vmem>>
      %dma_start3A_2202 = arith.constant 0 : i32
      %dma_start3A_2203 = arith.constant 0 : i32
      %dma_start3A_2204 = tpu.memref_slice %arg3[%dma_start3A_2202, %dma_start3A_2203] : memref<1015808x64xf32, #tpu.memory_space<hbm>> -> memref<1015808x64xf32, #tpu.memory_space<hbm>>
      tpu.enqueue_indirect_dma source(%dma_start3A_2204 : memref<1015808x64xf32, #tpu.memory_space<hbm>>) target(%dma_start3A_2198 : memref<128x64xf32, #tpu.memory_space<vmem>>) offsets(%dma_start3A_2201 : memref<128xi32, #tpu.memory_space<vmem>>) semaphore(%arg11 : memref<!tpu.dma_semaphore, #tpu.memory_space<semaphore_mem>>)
      %dma_start3A_2205 = arith.constant 1 : i32
      %dma_start3A_2206 = arith.constant 2 : i32
      %dma_start3A_2207 = arith.constant 1 : i32
      %dma_start3A_2208 = arith.constant 256 : i32
      %dma_start3A_2209 = arith.constant 0 : i32
      %dma_start3A_2210 = tpu.memref_slice %arg7[%dma_start3A_2207, %dma_start3A_2208, %dma_start3A_2209] : memref<2x512x64xf32, #tpu.memory_space<vmem>> -> memref<1x128x64xf32, #tpu.memory_space<vmem>>
      %dma_start3A_2211 = tpu.memref_squeeze %dma_start3A_2210 : memref<1x128x64xf32, #tpu.memory_space<vmem>> -> memref<128x64xf32, #tpu.memory_space<vmem>>
      %dma_start3A_2212 = arith.constant 0 : i32
      %dma_start3A_2213 = tpu.memref_slice %arg6[%dma_start3A_2205, %dma_start3A_2206, %dma_start3A_2212] : memref<2x4x128xi32, #tpu.memory_space<vmem>> -> memref<1x1x128xi32, #tpu.memory_space<vmem>>
      %dma_start3A_2214 = tpu.memref_squeeze %dma_start3A_2213 : memref<1x1x128xi32, #tpu.memory_space<vmem>> -> memref<128xi32, #tpu.memory_space<vmem>>
      %dma_start3A_2215 = arith.constant 0 : i32
      %dma_start3A_2216 = arith.constant 0 : i32
      %dma_start3A_2217 = tpu.memref_slice %arg3[%dma_start3A_2215, %dma_start3A_2216] : memref<1015808x64xf32, #tpu.memory_space<hbm>> -> memref<1015808x64xf32, #tpu.memory_space<hbm>>
      tpu.enqueue_indirect_dma source(%dma_start3A_2217 : memref<1015808x64xf32, #tpu.memory_space<hbm>>) target(%dma_start3A_2211 : memref<128x64xf32, #tpu.memory_space<vmem>>) offsets(%dma_start3A_2214 : memref<128xi32, #tpu.memory_space<vmem>>) semaphore(%arg11 : memref<!tpu.dma_semaphore, #tpu.memory_space<semaphore_mem>>)
      %dma_start3A_2218 = arith.constant 1 : i32
      %dma_start3A_2219 = arith.constant 3 : i32
      %dma_start3A_2220 = arith.constant 1 : i32
      %dma_start3A_2221 = arith.constant 384 : i32
      %dma_start3A_2222 = arith.constant 0 : i32
      %dma_start3A_2223 = tpu.memref_slice %arg7[%dma_start3A_2220, %dma_start3A_2221, %dma_start3A_2222] : memref<2x512x64xf32, #tpu.memory_space<vmem>> -> memref<1x128x64xf32, #tpu.memory_space<vmem>>
      %dma_start3A_2224 = tpu.memref_squeeze %dma_start3A_2223 : memref<1x128x64xf32, #tpu.memory_space<vmem>> -> memref<128x64xf32, #tpu.memory_space<vmem>>
      %dma_start3A_2225 = arith.constant 0 : i32
      %dma_start3A_2226 = tpu.memref_slice %arg6[%dma_start3A_2218, %dma_start3A_2219, %dma_start3A_2225] : memref<2x4x128xi32, #tpu.memory_space<vmem>> -> memref<1x1x128xi32, #tpu.memory_space<vmem>>
      %dma_start3A_2227 = tpu.memref_squeeze %dma_start3A_2226 : memref<1x1x128xi32, #tpu.memory_space<vmem>> -> memref<128xi32, #tpu.memory_space<vmem>>
      %dma_start3A_2228 = arith.constant 0 : i32
      %dma_start3A_2229 = arith.constant 0 : i32
      %dma_start3A_2230 = tpu.memref_slice %arg3[%dma_start3A_2228, %dma_start3A_2229] : memref<1015808x64xf32, #tpu.memory_space<hbm>> -> memref<1015808x64xf32, #tpu.memory_space<hbm>>
      tpu.enqueue_indirect_dma source(%dma_start3A_2230 : memref<1015808x64xf32, #tpu.memory_space<hbm>>) target(%dma_start3A_2224 : memref<128x64xf32, #tpu.memory_space<vmem>>) offsets(%dma_start3A_2227 : memref<128xi32, #tpu.memory_space<vmem>>) semaphore(%arg11 : memref<!tpu.dma_semaphore, #tpu.memory_space<semaphore_mem>>)
      %dma_wait3A_2231 = arith.constant 0 : i32
      %dma_wait3A_2232 = arith.constant 0 : i32
      %dma_wait3A_2233 = arith.constant 0 : i32
      %dma_wait3A_2234 = tpu.memref_slice %arg7[%dma_wait3A_2231, %dma_wait3A_2232, %dma_wait3A_2233] : memref<2x512x64xf32, #tpu.memory_space<vmem>> -> memref<1x128x64xf32, #tpu.memory_space<vmem>>
      %dma_wait3A_2235 = tpu.memref_squeeze %dma_wait3A_2234 : memref<1x128x64xf32, #tpu.memory_space<vmem>> -> memref<128x64xf32, #tpu.memory_space<vmem>>
      %dma_wait3A_2236 = arith.constant 0 : i32
      %dma_wait3A_2237 = arith.constant 0 : i32
      %dma_wait3A_2238 = tpu.memref_slice %arg3[%dma_wait3A_2236, %dma_wait3A_2237] : memref<1015808x64xf32, #tpu.memory_space<hbm>> -> memref<128x64xf32, #tpu.memory_space<hbm>>
      %dma_wait3A_2239 = arith.constant 0 : i32
      %dma_wait3A_2240 = arith.constant 0 : i32
      %dma_wait3A_2241 = tpu.memref_slice %arg7[%dma_wait3A_2231, %dma_wait3A_2239, %dma_wait3A_2240] : memref<2x512x64xf32, #tpu.memory_space<vmem>> -> memref<1x128x64xf32, #tpu.memory_space<vmem>>
      %dma_wait3A_2242 = tpu.memref_squeeze %dma_wait3A_2241 : memref<1x128x64xf32, #tpu.memory_space<vmem>> -> memref<128x64xf32, #tpu.memory_space<vmem>>
      %dma_wait3A_2243 = arith.constant 0 : i32
      %dma_wait3A_2244 = arith.constant 0 : i32
      %dma_wait3A_2245 = tpu.memref_slice %arg3[%dma_wait3A_2243, %dma_wait3A_2244] : memref<1015808x64xf32, #tpu.memory_space<hbm>> -> memref<128x64xf32, #tpu.memory_space<hbm>>
      tpu.wait_dma2 semaphore(%arg10 : memref<!tpu.dma_semaphore, #tpu.memory_space<semaphore_mem>>) src(%dma_wait3A_2245 : memref<128x64xf32, #tpu.memory_space<hbm>>) dst(%dma_wait3A_2242 : memref<128x64xf32, #tpu.memory_space<vmem>>)
      %dma_wait3A_2246 = arith.constant 0 : i32
      %dma_wait3A_2247 = arith.constant 128 : i32
      %dma_wait3A_2248 = arith.constant 0 : i32
      %dma_wait3A_2249 = tpu.memref_slice %arg7[%dma_wait3A_2246, %dma_wait3A_2247, %dma_wait3A_2248] : memref<2x512x64xf32, #tpu.memory_space<vmem>> -> memref<1x128x64xf32, #tpu.memory_space<vmem>>
      %dma_wait3A_2250 = tpu.memref_squeeze %dma_wait3A_2249 : memref<1x128x64xf32, #tpu.memory_space<vmem>> -> memref<128x64xf32, #tpu.memory_space<vmem>>
      %dma_wait3A_2251 = arith.constant 0 : i32
      %dma_wait3A_2252 = arith.constant 0 : i32
      %dma_wait3A_2253 = tpu.memref_slice %arg3[%dma_wait3A_2251, %dma_wait3A_2252] : memref<1015808x64xf32, #tpu.memory_space<hbm>> -> memref<128x64xf32, #tpu.memory_space<hbm>>
      %dma_wait3A_2254 = arith.constant 128 : i32
      %dma_wait3A_2255 = arith.constant 0 : i32
      %dma_wait3A_2256 = tpu.memref_slice %arg7[%dma_wait3A_2246, %dma_wait3A_2254, %dma_wait3A_2255] : memref<2x512x64xf32, #tpu.memory_space<vmem>> -> memref<1x128x64xf32, #tpu.memory_space<vmem>>
      %dma_wait3A_2257 = tpu.memref_squeeze %dma_wait3A_2256 : memref<1x128x64xf32, #tpu.memory_space<vmem>> -> memref<128x64xf32, #tpu.memory_space<vmem>>
      %dma_wait3A_2258 = arith.constant 0 : i32
      %dma_wait3A_2259 = arith.constant 0 : i32
      %dma_wait3A_2260 = tpu.memref_slice %arg3[%dma_wait3A_2258, %dma_wait3A_2259] : memref<1015808x64xf32, #tpu.memory_space<hbm>> -> memref<128x64xf32, #tpu.memory_space<hbm>>
      tpu.wait_dma2 semaphore(%arg10 : memref<!tpu.dma_semaphore, #tpu.memory_space<semaphore_mem>>) src(%dma_wait3A_2260 : memref<128x64xf32, #tpu.memory_space<hbm>>) dst(%dma_wait3A_2257 : memref<128x64xf32, #tpu.memory_space<vmem>>)
      %dma_wait3A_2261 = arith.constant 0 : i32
      %dma_wait3A_2262 = arith.constant 256 : i32
      %dma_wait3A_2263 = arith.constant 0 : i32
      %dma_wait3A_2264 = tpu.memref_slice %arg7[%dma_wait3A_2261, %dma_wait3A_2262, %dma_wait3A_2263] : memref<2x512x64xf32, #tpu.memory_space<vmem>> -> memref<1x128x64xf32, #tpu.memory_space<vmem>>
      %dma_wait3A_2265 = tpu.memref_squeeze %dma_wait3A_2264 : memref<1x128x64xf32, #tpu.memory_space<vmem>> -> memref<128x64xf32, #tpu.memory_space<vmem>>
      %dma_wait3A_2266 = arith.constant 0 : i32
      %dma_wait3A_2267 = arith.constant 0 : i32
      %dma_wait3A_2268 = tpu.memref_slice %arg3[%dma_wait3A_2266, %dma_wait3A_2267] : memref<1015808x64xf32, #tpu.memory_space<hbm>> -> memref<128x64xf32, #tpu.memory_space<hbm>>
      %dma_wait3A_2269 = arith.constant 256 : i32
      %dma_wait3A_2270 = arith.constant 0 : i32
      %dma_wait3A_2271 = tpu.memref_slice %arg7[%dma_wait3A_2261, %dma_wait3A_2269, %dma_wait3A_2270] : memref<2x512x64xf32, #tpu.memory_space<vmem>> -> memref<1x128x64xf32, #tpu.memory_space<vmem>>
      %dma_wait3A_2272 = tpu.memref_squeeze %dma_wait3A_2271 : memref<1x128x64xf32, #tpu.memory_space<vmem>> -> memref<128x64xf32, #tpu.memory_space<vmem>>
      %dma_wait3A_2273 = arith.constant 0 : i32
      %dma_wait3A_2274 = arith.constant 0 : i32
      %dma_wait3A_2275 = tpu.memref_slice %arg3[%dma_wait3A_2273, %dma_wait3A_2274] : memref<1015808x64xf32, #tpu.memory_space<hbm>> -> memref<128x64xf32, #tpu.memory_space<hbm>>
      tpu.wait_dma2 semaphore(%arg10 : memref<!tpu.dma_semaphore, #tpu.memory_space<semaphore_mem>>) src(%dma_wait3A_2275 : memref<128x64xf32, #tpu.memory_space<hbm>>) dst(%dma_wait3A_2272 : memref<128x64xf32, #tpu.memory_space<vmem>>)
      %dma_wait3A_2276 = arith.constant 0 : i32
      %dma_wait3A_2277 = arith.constant 384 : i32
      %dma_wait3A_2278 = arith.constant 0 : i32
      %dma_wait3A_2279 = tpu.memref_slice %arg7[%dma_wait3A_2276, %dma_wait3A_2277, %dma_wait3A_2278] : memref<2x512x64xf32, #tpu.memory_space<vmem>> -> memref<1x128x64xf32, #tpu.memory_space<vmem>>
      %dma_wait3A_2280 = tpu.memref_squeeze %dma_wait3A_2279 : memref<1x128x64xf32, #tpu.memory_space<vmem>> -> memref<128x64xf32, #tpu.memory_space<vmem>>
      %dma_wait3A_2281 = arith.constant 0 : i32
      %dma_wait3A_2282 = arith.constant 0 : i32
      %dma_wait3A_2283 = tpu.memref_slice %arg3[%dma_wait3A_2281, %dma_wait3A_2282] : memref<1015808x64xf32, #tpu.memory_space<hbm>> -> memref<128x64xf32, #tpu.memory_space<hbm>>
      %dma_wait3A_2284 = arith.constant 384 : i32
      %dma_wait3A_2285 = arith.constant 0 : i32
      %dma_wait3A_2286 = tpu.memref_slice %arg7[%dma_wait3A_2276, %dma_wait3A_2284, %dma_wait3A_2285] : memref<2x512x64xf32, #tpu.memory_space<vmem>> -> memref<1x128x64xf32, #tpu.memory_space<vmem>>
      %dma_wait3A_2287 = tpu.memref_squeeze %dma_wait3A_2286 : memref<1x128x64xf32, #tpu.memory_space<vmem>> -> memref<128x64xf32, #tpu.memory_space<vmem>>
      %dma_wait3A_2288 = arith.constant 0 : i32
      %dma_wait3A_2289 = arith.constant 0 : i32
      %dma_wait3A_2290 = tpu.memref_slice %arg3[%dma_wait3A_2288, %dma_wait3A_2289] : memref<1015808x64xf32, #tpu.memory_space<hbm>> -> memref<128x64xf32, #tpu.memory_space<hbm>>
      tpu.wait_dma2 semaphore(%arg10 : memref<!tpu.dma_semaphore, #tpu.memory_space<semaphore_mem>>) src(%dma_wait3A_2290 : memref<128x64xf32, #tpu.memory_space<hbm>>) dst(%dma_wait3A_2287 : memref<128x64xf32, #tpu.memory_space<vmem>>)
      %gt3A = arith.constant 0 : i32
      %gt3A_2291 = arith.cmpi sgt, %scan3A_1228, %gt3A : i32
      %convert_element_type3A = arith.extui %gt3A_2291 : i1 to i32
      %cond3A = arith.constant 0 : i32
      %cond3A_2292 = arith.cmpi ne, %convert_element_type3A, %cond3A : i32
      scf.if %cond3A_2292 {
        %dma_wait3A_3614 = arith.constant 0 : i32
        %dma_wait3A_3615 = arith.constant 0 : i32
        %dma_wait3A_3616 = arith.constant 0 : i32
        %dma_wait3A_3617 = arith.constant 0 : i32
        %dma_wait3A_3618 = arith.constant 0 : i32
        %dma_wait3A_3619 = tpu.memref_slice %arg8[%dma_wait3A_3615, %dma_wait3A_3616, %dma_wait3A_3617, %dma_wait3A_3618] : memref<8x5x8x129xf32, #tpu.memory_space<vmem>> -> memref<8x4x8x128xf32, #tpu.memory_space<vmem>>
        %dma_wait3A_3620 = arith.constant 0 : i32
        %dma_wait3A_3621 = arith.constant 0 : i32
        %dma_wait3A_3622 = arith.constant 0 : i32
        %dma_wait3A_3623 = arith.constant 0 : i32
        %dma_wait3A_3624 = tpu.memref_slice %arg5[%dma_wait3A_3614, %dma_wait3A_3620, %dma_wait3A_3621, %dma_wait3A_3622, %dma_wait3A_3623] : memref<200x8x32x8x128xf32, #tpu.memory_space<hbm>> -> memref<1x8x4x8x128xf32, #tpu.memory_space<hbm>>
        %dma_wait3A_3625 = tpu.memref_squeeze %dma_wait3A_3624 : memref<1x8x4x8x128xf32, #tpu.memory_space<hbm>> -> memref<8x4x8x128xf32, #tpu.memory_space<hbm>>
        %dma_wait3A_3626 = arith.constant 0 : i32
        %dma_wait3A_3627 = arith.constant 0 : i32
        %dma_wait3A_3628 = arith.constant 0 : i32
        %dma_wait3A_3629 = arith.constant 0 : i32
        %dma_wait3A_3630 = tpu.memref_slice %arg5[%dma_wait3A_3614, %dma_wait3A_3626, %dma_wait3A_3627, %dma_wait3A_3628, %dma_wait3A_3629] : memref<200x8x32x8x128xf32, #tpu.memory_space<hbm>> -> memref<1x8x4x8x128xf32, #tpu.memory_space<hbm>>
        %dma_wait3A_3631 = tpu.memref_squeeze %dma_wait3A_3630 : memref<1x8x4x8x128xf32, #tpu.memory_space<hbm>> -> memref<8x4x8x128xf32, #tpu.memory_space<hbm>>
        %dma_wait3A_3632 = arith.constant 0 : i32
        %dma_wait3A_3633 = arith.constant 0 : i32
        %dma_wait3A_3634 = arith.constant 0 : i32
        %dma_wait3A_3635 = arith.constant 0 : i32
        %dma_wait3A_3636 = tpu.memref_slice %arg8[%dma_wait3A_3632, %dma_wait3A_3633, %dma_wait3A_3634, %dma_wait3A_3635] : memref<8x5x8x129xf32, #tpu.memory_space<vmem>> -> memref<8x4x8x128xf32, #tpu.memory_space<vmem>>
        tpu.wait_dma2 semaphore(%arg12 : memref<!tpu.dma_semaphore, #tpu.memory_space<semaphore_mem>>) src(%dma_wait3A_3636 : memref<8x4x8x128xf32, #tpu.memory_space<vmem>>) dst(%dma_wait3A_3631 : memref<8x4x8x128xf32, #tpu.memory_space<hbm>>)
      } else {
      }
      %mul3A_2293 = arith.constant 512 : i32
      %mul3A_2294 = arith.muli %mul3A_1230, %mul3A_2293 : i32
      %add3A_2295 = arith.addi %mul3A_2, %mul3A_2294 : i32
      %multiple_of3A_2296 = tpu.assume_multiple %add3A_2295, 512 : i32
      %jit3A_2297 = arith.constant 4096 : i32
      %div3A_2298 = arith.divsi %multiple_of3A_2296, %jit3A_2297 : i32
      %sign3A_2299 = arith.constant 0 : i32
      %sign3A_2300 = arith.cmpi sgt, %multiple_of3A_2296, %sign3A_2299 : i32
      %sign3A_2301 = arith.extui %sign3A_2300 : i1 to i32
      %sign3A_2302 = arith.constant 0 : i32
      %sign3A_2303 = arith.cmpi slt, %multiple_of3A_2296, %sign3A_2302 : i32
      %sign3A_2304 = arith.extui %sign3A_2303 : i1 to i32
      %sign3A_2305 = arith.subi %sign3A_2301, %sign3A_2304 : i32
      %sign3A_2306 = arith.constant 0 : i32
      %sign3A_2307 = arith.cmpi sgt, %jit3A_2297, %sign3A_2306 : i32
      %sign3A_2308 = arith.extui %sign3A_2307 : i1 to i32
      %sign3A_2309 = arith.constant 0 : i32
      %sign3A_2310 = arith.cmpi slt, %jit3A_2297, %sign3A_2309 : i32
      %sign3A_2311 = arith.extui %sign3A_2310 : i1 to i32
      %sign3A_2312 = arith.subi %sign3A_2308, %sign3A_2311 : i32
      %ne3A_2313 = arith.cmpi ne, %sign3A_2305, %sign3A_2312 : i32
      %rem3A_2314 = arith.remsi %multiple_of3A_2296, %jit3A_2297 : i32
      %ne3A_2315 = arith.constant 0 : i32
      %ne3A_2316 = arith.cmpi ne, %rem3A_2314, %ne3A_2315 : i32
      %and3A_2317 = arith.andi %ne3A_2313, %ne3A_2316 : i1
      %sub3A_2318 = arith.constant 1 : i32
      %sub3A_2319 = arith.subi %div3A_2298, %sub3A_2318 : i32
      %select_n3A_2320 = arith.select %and3A_2317, %sub3A_2319, %div3A_2298 : i32
      %mul3A_2321 = arith.constant 4096 : i32
      %mul3A_2322 = arith.muli %select_n3A_2320, %mul3A_2321 : i32
      %sub3A_2323 = arith.subi %multiple_of3A_2296, %mul3A_2322 : i32
      %jit3A_2324 = arith.constant 128 : i32
      %div3A_2325 = arith.divsi %sub3A_2323, %jit3A_2324 : i32
      %sign3A_2326 = arith.constant 0 : i32
      %sign3A_2327 = arith.cmpi sgt, %sub3A_2323, %sign3A_2326 : i32
      %sign3A_2328 = arith.extui %sign3A_2327 : i1 to i32
      %sign3A_2329 = arith.constant 0 : i32
      %sign3A_2330 = arith.cmpi slt, %sub3A_2323, %sign3A_2329 : i32
      %sign3A_2331 = arith.extui %sign3A_2330 : i1 to i32
      %sign3A_2332 = arith.subi %sign3A_2328, %sign3A_2331 : i32
      %sign3A_2333 = arith.constant 0 : i32
      %sign3A_2334 = arith.cmpi sgt, %jit3A_2324, %sign3A_2333 : i32
      %sign3A_2335 = arith.extui %sign3A_2334 : i1 to i32
      %sign3A_2336 = arith.constant 0 : i32
      %sign3A_2337 = arith.cmpi slt, %jit3A_2324, %sign3A_2336 : i32
      %sign3A_2338 = arith.extui %sign3A_2337 : i1 to i32
      %sign3A_2339 = arith.subi %sign3A_2335, %sign3A_2338 : i32
      %ne3A_2340 = arith.cmpi ne, %sign3A_2332, %sign3A_2339 : i32
      %rem3A_2341 = arith.remsi %sub3A_2323, %jit3A_2324 : i32
      %ne3A_2342 = arith.constant 0 : i32
      %ne3A_2343 = arith.cmpi ne, %rem3A_2341, %ne3A_2342 : i32
      %and3A_2344 = arith.andi %ne3A_2340, %ne3A_2343 : i1
      %sub3A_2345 = arith.constant 1 : i32
      %sub3A_2346 = arith.subi %div3A_2325, %sub3A_2345 : i32
      %select_n3A_2347 = arith.select %and3A_2344, %sub3A_2346, %div3A_2325 : i32
      %multiple_of3A_2348 = tpu.assume_multiple %select_n3A_2347, 4 : i32
      %eq3A_2349 = arith.constant 0 : i32
      %eq3A_2350 = arith.cmpi eq, %mul3A_1230, %eq3A_2349 : i32
      %eq3A_2351 = arith.constant 0 : i32
      %eq3A_2352 = arith.cmpi eq, %multiple_of3A_2348, %eq3A_2351 : i32
      %or3A = arith.ori %eq3A_2350, %eq3A_2352 : i1
      %convert_element_type3A_2353 = arith.extui %or3A : i1 to i32
      %cond3A_2354 = arith.constant 0 : i32
      %cond3A_2355 = arith.cmpi ne, %convert_element_type3A_2353, %cond3A_2354 : i32
      scf.if %cond3A_2355 {
        %jit3A_3614 = arith.constant 8 : i32
        %div3A_3615 = arith.divsi %select_n3A_2320, %jit3A_3614 : i32
        %sign3A_3616 = arith.constant 0 : i32
        %sign3A_3617 = arith.cmpi sgt, %select_n3A_2320, %sign3A_3616 : i32
        %sign3A_3618 = arith.extui %sign3A_3617 : i1 to i32
        %sign3A_3619 = arith.constant 0 : i32
        %sign3A_3620 = arith.cmpi slt, %select_n3A_2320, %sign3A_3619 : i32
        %sign3A_3621 = arith.extui %sign3A_3620 : i1 to i32
        %sign3A_3622 = arith.subi %sign3A_3618, %sign3A_3621 : i32
        %sign3A_3623 = arith.constant 0 : i32
        %sign3A_3624 = arith.cmpi sgt, %jit3A_3614, %sign3A_3623 : i32
        %sign3A_3625 = arith.extui %sign3A_3624 : i1 to i32
        %sign3A_3626 = arith.constant 0 : i32
        %sign3A_3627 = arith.cmpi slt, %jit3A_3614, %sign3A_3626 : i32
        %sign3A_3628 = arith.extui %sign3A_3627 : i1 to i32
        %sign3A_3629 = arith.subi %sign3A_3625, %sign3A_3628 : i32
        %ne3A_3630 = arith.cmpi ne, %sign3A_3622, %sign3A_3629 : i32
        %rem3A_3631 = arith.remsi %select_n3A_2320, %jit3A_3614 : i32
        %ne3A_3632 = arith.constant 0 : i32
        %ne3A_3633 = arith.cmpi ne, %rem3A_3631, %ne3A_3632 : i32
        %and3A_3634 = arith.andi %ne3A_3630, %ne3A_3633 : i1
        %sub3A_3635 = arith.constant 1 : i32
        %sub3A_3636 = arith.subi %div3A_3615, %sub3A_3635 : i32
        %select_n3A_3637 = arith.select %and3A_3634, %sub3A_3636, %div3A_3615 : i32
        %mul3A_3638 = arith.constant 8 : i32
        %mul3A_3639 = arith.muli %select_n3A_3637, %mul3A_3638 : i32
        %multiple_of3A_3640 = tpu.assume_multiple %mul3A_3639, 8 : i32
        "tpu.region"() ({
          %run_scoped3A_3641 = tpu.sem_alloc : memref<!tpu.dma_semaphore, #tpu.memory_space<semaphore_mem>>
          %dma_start3A_3642 = arith.constant 0 : i32
          %dma_start3A_3643 = tpu.memref_slice %arg4[%multiple_of3A_3640, %dma_start3A_3642] : memref<5000x64xf32, #tpu.memory_space<hbm>> -> memref<8x64xf32, #tpu.memory_space<hbm>>
          %dma_start3A_3644 = arith.constant 0 : i32
          %dma_start3A_3645 = tpu.memref_slice %arg4[%multiple_of3A_3640, %dma_start3A_3644] : memref<5000x64xf32, #tpu.memory_space<hbm>> -> memref<8x64xf32, #tpu.memory_space<hbm>>
          tpu.enqueue_dma source(%dma_start3A_3645 : memref<8x64xf32, #tpu.memory_space<hbm>>) target(%arg9 : memref<8x64xf32, #tpu.memory_space<vmem>>) target_semaphore(%run_scoped3A_3641 : memref<!tpu.dma_semaphore, #tpu.memory_space<semaphore_mem>>)
          %dma_wait3A_3646 = arith.constant 0 : i32
          %dma_wait3A_3647 = tpu.memref_slice %arg4[%multiple_of3A_3640, %dma_wait3A_3646] : memref<5000x64xf32, #tpu.memory_space<hbm>> -> memref<8x64xf32, #tpu.memory_space<hbm>>
          %dma_wait3A_3648 = arith.constant 0 : i32
          %dma_wait3A_3649 = tpu.memref_slice %arg4[%multiple_of3A_3640, %dma_wait3A_3648] : memref<5000x64xf32, #tpu.memory_space<hbm>> -> memref<8x64xf32, #tpu.memory_space<hbm>>
          tpu.wait_dma2 semaphore(%run_scoped3A_3641 : memref<!tpu.dma_semaphore, #tpu.memory_space<semaphore_mem>>) src(%dma_wait3A_3649 : memref<8x64xf32, #tpu.memory_space<hbm>>) dst(%arg9 : memref<8x64xf32, #tpu.memory_space<vmem>>)
          tpu.yield
        }) : () -> ()
      } else {
      }
      %jit3A_2356 = arith.constant 8 : i32
      %eq3A_2357 = arith.constant 0 : i32
      %eq3A_2358 = arith.cmpi eq, %jit3A_2356, %eq3A_2357 : i32
      %jit3A_2359 = arith.constant 1 : i32
      %select_n3A_2360 = arith.select %eq3A_2358, %jit3A_2359, %jit3A_2356 : i32
      %rem3A_2361 = arith.remsi %select_n3A_2320, %select_n3A_2360 : i32
      %ne3A_2362 = arith.constant 0 : i32
      %ne3A_2363 = arith.cmpi ne, %rem3A_2361, %ne3A_2362 : i32
      %lt3A_2364 = arith.constant 0 : i32
      %lt3A_2365 = arith.cmpi slt, %rem3A_2361, %lt3A_2364 : i32
      %lt3A_2366 = arith.constant 0 : i32
      %lt3A_2367 = arith.cmpi slt, %select_n3A_2360, %lt3A_2366 : i32
      %ne3A_2368 = arith.xori %lt3A_2365, %lt3A_2367 : i1
      %and3A_2369 = arith.andi %ne3A_2368, %ne3A_2363 : i1
      %add3A_2370 = arith.addi %rem3A_2361, %select_n3A_2360 : i32
      %select_n3A_2371 = arith.select %and3A_2369, %add3A_2370, %rem3A_2361 : i32
      %get3A_2372 = arith.index_cast %select_n3A_2371 : i32 to index
      %get3A_2373 = arith.constant 0 : index
      %get3A_2374 = tpu.vector_load %arg9[%get3A_2372, %get3A_2373] {strides = array<i32>} : memref<8x64xf32, #tpu.memory_space<vmem>>, vector<16xf32>,
      %get3A_2375 = arith.index_cast %select_n3A_2371 : i32 to index
      %get3A_2376 = arith.constant 16 : index
      %get3A_2377 = tpu.vector_load %arg9[%get3A_2375, %get3A_2376] {strides = array<i32>} : memref<8x64xf32, #tpu.memory_space<vmem>>, vector<16xf32>,
      %get3A_2378 = arith.index_cast %select_n3A_2371 : i32 to index
      %get3A_2379 = arith.constant 32 : index
      %get3A_2380 = tpu.vector_load %arg9[%get3A_2378, %get3A_2379] {strides = array<i32>} : memref<8x64xf32, #tpu.memory_space<vmem>>, vector<16xf32>,
      %get3A_2381 = arith.index_cast %select_n3A_2371 : i32 to index
      %get3A_2382 = arith.constant 48 : index
      %get3A_2383 = tpu.vector_load %arg9[%get3A_2381, %get3A_2382] {strides = array<i32>} : memref<8x64xf32, #tpu.memory_space<vmem>>, vector<16xf32>,
      %scan3A_2384 = arith.constant 0 : i32
      %scan3A_2385 = arith.constant 0 : i32
      %scan3A_2386 = arith.constant 4 : i32
      %scan3A_2387 = arith.addi %scan3A_2385, %scan3A_2386 : i32
      %scan3A_2388 = arith.constant 1 : i32
      scf.for %scan3A_3614 = %scan3A_2385 to %scan3A_2387 step %scan3A_2388  : i32 {
        %broadcast_in_dim3A = vector.broadcast %scan3A_3614 : i32 to vector<16xi32>
        %parallel_loop3A = arith.constant 0 : i32
        %parallel_loop3A_3615 = arith.constant 128 : i32
        %parallel_loop3A_3616 = arith.constant 1 : i32
        scf.for %parallel_loop3A_3617 = %parallel_loop3A to %parallel_loop3A_3615 step %parallel_loop3A_3616  : i32 {
          %parallel_loop3A_3618 = vector.broadcast %parallel_loop3A_3617 : i32 to vector<16xi32>
          %parallel_loop3A_3619 = arith.constant 128 : i32
          %parallel_loop3A_3620 = arith.muli %scan3A_3614, %parallel_loop3A_3619 : i32
          %parallel_loop3A_3621 = arith.addi %parallel_loop3A_3620, %parallel_loop3A_3617 : i32
          %parallel_loop3A_3622 = arith.constant 0 : i32
          %parallel_loop3A_3623 = arith.index_cast %parallel_loop3A_3622 : i32 to index
          %parallel_loop3A_3624 = arith.index_cast %parallel_loop3A_3621 : i32 to index
          %parallel_loop3A_3625 = arith.constant 0 : index
          %parallel_loop3A_3626 = tpu.vector_load %arg7[%parallel_loop3A_3623, %parallel_loop3A_3624, %parallel_loop3A_3625] {strides = array<i32>} : memref<2x512x64xf32, #tpu.memory_space<vmem>>, vector<16xf32>,
          %parallel_loop3A_3627 = arith.addf %parallel_loop3A_3626, %get3A_2374 : vector<16xf32>
          tpu.vector_store_idx %arg8[%add3A_28, %broadcast_in_dim3A, %select_n3A_150, %parallel_loop3A_3618], %parallel_loop3A_3627 : memref<8x5x8x129xf32, #tpu.memory_space<vmem>>[vector<16xi32>, vector<16xi32>, vector<16xi32>, vector<16xi32>], vector<16xf32>,
          %parallel_loop3A_3628 = arith.constant 128 : i32
          %parallel_loop3A_3629 = arith.muli %scan3A_3614, %parallel_loop3A_3628 : i32
          %parallel_loop3A_3630 = arith.addi %parallel_loop3A_3629, %parallel_loop3A_3617 : i32
          %parallel_loop3A_3631 = arith.constant 0 : i32
          %parallel_loop3A_3632 = arith.index_cast %parallel_loop3A_3631 : i32 to index
          %parallel_loop3A_3633 = arith.index_cast %parallel_loop3A_3630 : i32 to index
          %parallel_loop3A_3634 = arith.constant 16 : index
          %parallel_loop3A_3635 = tpu.vector_load %arg7[%parallel_loop3A_3632, %parallel_loop3A_3633, %parallel_loop3A_3634] {strides = array<i32>} : memref<2x512x64xf32, #tpu.memory_space<vmem>>, vector<16xf32>,
          %parallel_loop3A_3636 = arith.addf %parallel_loop3A_3635, %get3A_2377 : vector<16xf32>
          tpu.vector_store_idx %arg8[%add3A_62, %broadcast_in_dim3A, %select_n3A_150, %parallel_loop3A_3618], %parallel_loop3A_3636 : memref<8x5x8x129xf32, #tpu.memory_space<vmem>>[vector<16xi32>, vector<16xi32>, vector<16xi32>, vector<16xi32>], vector<16xf32>,
          %parallel_loop3A_3637 = arith.constant 128 : i32
          %parallel_loop3A_3638 = arith.muli %scan3A_3614, %parallel_loop3A_3637 : i32
          %parallel_loop3A_3639 = arith.addi %parallel_loop3A_3638, %parallel_loop3A_3617 : i32
          %parallel_loop3A_3640 = arith.constant 0 : i32
          %parallel_loop3A_3641 = arith.index_cast %parallel_loop3A_3640 : i32 to index
          %parallel_loop3A_3642 = arith.index_cast %parallel_loop3A_3639 : i32 to index
          %parallel_loop3A_3643 = arith.constant 32 : index
          %parallel_loop3A_3644 = tpu.vector_load %arg7[%parallel_loop3A_3641, %parallel_loop3A_3642, %parallel_loop3A_3643] {strides = array<i32>} : memref<2x512x64xf32, #tpu.memory_space<vmem>>, vector<16xf32>,
          %parallel_loop3A_3645 = arith.addf %parallel_loop3A_3644, %get3A_2380 : vector<16xf32>
          tpu.vector_store_idx %arg8[%add3A_96, %broadcast_in_dim3A, %select_n3A_150, %parallel_loop3A_3618], %parallel_loop3A_3645 : memref<8x5x8x129xf32, #tpu.memory_space<vmem>>[vector<16xi32>, vector<16xi32>, vector<16xi32>, vector<16xi32>], vector<16xf32>,
          %parallel_loop3A_3646 = arith.constant 128 : i32
          %parallel_loop3A_3647 = arith.muli %scan3A_3614, %parallel_loop3A_3646 : i32
          %parallel_loop3A_3648 = arith.addi %parallel_loop3A_3647, %parallel_loop3A_3617 : i32
          %parallel_loop3A_3649 = arith.constant 0 : i32
          %parallel_loop3A_3650 = arith.index_cast %parallel_loop3A_3649 : i32 to index
          %parallel_loop3A_3651 = arith.index_cast %parallel_loop3A_3648 : i32 to index
          %parallel_loop3A_3652 = arith.constant 48 : index
          %parallel_loop3A_3653 = tpu.vector_load %arg7[%parallel_loop3A_3650, %parallel_loop3A_3651, %parallel_loop3A_3652] {strides = array<i32>} : memref<2x512x64xf32, #tpu.memory_space<vmem>>, vector<16xf32>,
          %parallel_loop3A_3654 = arith.addf %parallel_loop3A_3653, %get3A_2383 : vector<16xf32>
          tpu.vector_store_idx %arg8[%add3A_130, %broadcast_in_dim3A, %select_n3A_150, %parallel_loop3A_3618], %parallel_loop3A_3654 : memref<8x5x8x129xf32, #tpu.memory_space<vmem>>[vector<16xi32>, vector<16xi32>, vector<16xi32>, vector<16xi32>], vector<16xf32>,
        } {sc.loop_unroll_factor = 8 : i64, sc.parallel_access}
      }
      %scan3A_2389 = arith.constant 4 : i32
      %dma_start3A_2390 = arith.constant 0 : i32
      %dma_start3A_2391 = arith.constant 0 : i32
      %dma_start3A_2392 = arith.constant 0 : i32
      %dma_start3A_2393 = arith.constant 0 : i32
      %dma_start3A_2394 = tpu.memref_slice %arg8[%dma_start3A_2390, %dma_start3A_2391, %dma_start3A_2392, %dma_start3A_2393] : memref<8x5x8x129xf32, #tpu.memory_space<vmem>> -> memref<8x4x8x128xf32, #tpu.memory_space<vmem>>
      %dma_start3A_2395 = arith.constant 0 : i32
      %dma_start3A_2396 = arith.constant 0 : i32
      %dma_start3A_2397 = arith.constant 0 : i32
      %dma_start3A_2398 = tpu.memref_slice %arg5[%select_n3A_2320, %dma_start3A_2395, %multiple_of3A_2348, %dma_start3A_2396, %dma_start3A_2397] : memref<200x8x32x8x128xf32, #tpu.memory_space<hbm>> -> memref<1x8x4x8x128xf32, #tpu.memory_space<hbm>>
      %dma_start3A_2399 = tpu.memref_squeeze %dma_start3A_2398 : memref<1x8x4x8x128xf32, #tpu.memory_space<hbm>> -> memref<8x4x8x128xf32, #tpu.memory_space<hbm>>
      %dma_start3A_2400 = arith.constant 0 : i32
      %dma_start3A_2401 = arith.constant 0 : i32
      %dma_start3A_2402 = arith.constant 0 : i32
      %dma_start3A_2403 = tpu.memref_slice %arg5[%select_n3A_2320, %dma_start3A_2400, %multiple_of3A_2348, %dma_start3A_2401, %dma_start3A_2402] : memref<200x8x32x8x128xf32, #tpu.memory_space<hbm>> -> memref<1x8x4x8x128xf32, #tpu.memory_space<hbm>>
      %dma_start3A_2404 = tpu.memref_squeeze %dma_start3A_2403 : memref<1x8x4x8x128xf32, #tpu.memory_space<hbm>> -> memref<8x4x8x128xf32, #tpu.memory_space<hbm>>
      %dma_start3A_2405 = arith.constant 0 : i32
      %dma_start3A_2406 = arith.constant 0 : i32
      %dma_start3A_2407 = arith.constant 0 : i32
      %dma_start3A_2408 = arith.constant 0 : i32
      %dma_start3A_2409 = tpu.memref_slice %arg8[%dma_start3A_2405, %dma_start3A_2406, %dma_start3A_2407, %dma_start3A_2408] : memref<8x5x8x129xf32, #tpu.memory_space<vmem>> -> memref<8x4x8x128xf32, #tpu.memory_space<vmem>>
      tpu.enqueue_dma source(%dma_start3A_2409 : memref<8x4x8x128xf32, #tpu.memory_space<vmem>>) target(%dma_start3A_2404 : memref<8x4x8x128xf32, #tpu.memory_space<hbm>>) target_semaphore(%arg12 : memref<!tpu.dma_semaphore, #tpu.memory_space<semaphore_mem>>)
      %add3A_2410 = arith.constant 2 : i32
      %add3A_2411 = arith.addi %mul3A_1230, %add3A_2410 : i32
      %min3A = arith.constant 49 : i32
      %min3A_2412 = arith.minsi %add3A_2411, %min3A : i32
      %mul3A_2413 = arith.constant 512 : i32
      %mul3A_2414 = arith.muli %min3A_2412, %mul3A_2413 : i32
      %add3A_2415 = arith.addi %mul3A_2, %mul3A_2414 : i32
      %multiple_of3A_2416 = tpu.assume_multiple %add3A_2415, 512 : i32
      %jit3A_2417 = arith.constant 4096 : i32
      %div3A_2418 = arith.divsi %multiple_of3A_2416, %jit3A_2417 : i32
      %sign3A_2419 = arith.constant 0 : i32
      %sign3A_2420 = arith.cmpi sgt, %multiple_of3A_2416, %sign3A_2419 : i32
      %sign3A_2421 = arith.extui %sign3A_2420 : i1 to i32
      %sign3A_2422 = arith.constant 0 : i32
      %sign3A_2423 = arith.cmpi slt, %multiple_of3A_2416, %sign3A_2422 : i32
      %sign3A_2424 = arith.extui %sign3A_2423 : i1 to i32
      %sign3A_2425 = arith.subi %sign3A_2421, %sign3A_2424 : i32
      %sign3A_2426 = arith.constant 0 : i32
      %sign3A_2427 = arith.cmpi sgt, %jit3A_2417, %sign3A_2426 : i32
      %sign3A_2428 = arith.extui %sign3A_2427 : i1 to i32
      %sign3A_2429 = arith.constant 0 : i32
      %sign3A_2430 = arith.cmpi slt, %jit3A_2417, %sign3A_2429 : i32
      %sign3A_2431 = arith.extui %sign3A_2430 : i1 to i32
      %sign3A_2432 = arith.subi %sign3A_2428, %sign3A_2431 : i32
      %ne3A_2433 = arith.cmpi ne, %sign3A_2425, %sign3A_2432 : i32
      %rem3A_2434 = arith.remsi %multiple_of3A_2416, %jit3A_2417 : i32
      %ne3A_2435 = arith.constant 0 : i32
      %ne3A_2436 = arith.cmpi ne, %rem3A_2434, %ne3A_2435 : i32
      %and3A_2437 = arith.andi %ne3A_2433, %ne3A_2436 : i1
      %sub3A_2438 = arith.constant 1 : i32
      %sub3A_2439 = arith.subi %div3A_2418, %sub3A_2438 : i32
      %select_n3A_2440 = arith.select %and3A_2437, %sub3A_2439, %div3A_2418 : i32
      %mul3A_2441 = arith.constant 4096 : i32
      %mul3A_2442 = arith.muli %select_n3A_2440, %mul3A_2441 : i32
      %sub3A_2443 = arith.subi %multiple_of3A_2416, %mul3A_2442 : i32
      %jit3A_2444 = arith.constant 128 : i32
      %div3A_2445 = arith.divsi %sub3A_2443, %jit3A_2444 : i32
      %sign3A_2446 = arith.constant 0 : i32
      %sign3A_2447 = arith.cmpi sgt, %sub3A_2443, %sign3A_2446 : i32
      %sign3A_2448 = arith.extui %sign3A_2447 : i1 to i32
      %sign3A_2449 = arith.constant 0 : i32
      %sign3A_2450 = arith.cmpi slt, %sub3A_2443, %sign3A_2449 : i32
      %sign3A_2451 = arith.extui %sign3A_2450 : i1 to i32
      %sign3A_2452 = arith.subi %sign3A_2448, %sign3A_2451 : i32
      %sign3A_2453 = arith.constant 0 : i32
      %sign3A_2454 = arith.cmpi sgt, %jit3A_2444, %sign3A_2453 : i32
      %sign3A_2455 = arith.extui %sign3A_2454 : i1 to i32
      %sign3A_2456 = arith.constant 0 : i32
      %sign3A_2457 = arith.cmpi slt, %jit3A_2444, %sign3A_2456 : i32
      %sign3A_2458 = arith.extui %sign3A_2457 : i1 to i32
      %sign3A_2459 = arith.subi %sign3A_2455, %sign3A_2458 : i32
      %ne3A_2460 = arith.cmpi ne, %sign3A_2452, %sign3A_2459 : i32
      %rem3A_2461 = arith.remsi %sub3A_2443, %jit3A_2444 : i32
      %ne3A_2462 = arith.constant 0 : i32
      %ne3A_2463 = arith.cmpi ne, %rem3A_2461, %ne3A_2462 : i32
      %and3A_2464 = arith.andi %ne3A_2460, %ne3A_2463 : i1
      %sub3A_2465 = arith.constant 1 : i32
      %sub3A_2466 = arith.subi %div3A_2445, %sub3A_2465 : i32
      %select_n3A_2467 = arith.select %and3A_2464, %sub3A_2466, %div3A_2445 : i32
      %multiple_of3A_2468 = tpu.assume_multiple %select_n3A_2467, 4 : i32
      %jit3A_2469 = arith.constant 128 : i32
      %div3A_2470 = arith.divsi %multiple_of3A_2416, %jit3A_2469 : i32
      %sign3A_2471 = arith.constant 0 : i32
      %sign3A_2472 = arith.cmpi sgt, %multiple_of3A_2416, %sign3A_2471 : i32
      %sign3A_2473 = arith.extui %sign3A_2472 : i1 to i32
      %sign3A_2474 = arith.constant 0 : i32
      %sign3A_2475 = arith.cmpi slt, %multiple_of3A_2416, %sign3A_2474 : i32
      %sign3A_2476 = arith.extui %sign3A_2475 : i1 to i32
      %sign3A_2477 = arith.subi %sign3A_2473, %sign3A_2476 : i32
      %sign3A_2478 = arith.constant 0 : i32
      %sign3A_2479 = arith.cmpi sgt, %jit3A_2469, %sign3A_2478 : i32
      %sign3A_2480 = arith.extui %sign3A_2479 : i1 to i32
      %sign3A_2481 = arith.constant 0 : i32
      %sign3A_2482 = arith.cmpi slt, %jit3A_2469, %sign3A_2481 : i32
      %sign3A_2483 = arith.extui %sign3A_2482 : i1 to i32
      %sign3A_2484 = arith.subi %sign3A_2480, %sign3A_2483 : i32
      %ne3A_2485 = arith.cmpi ne, %sign3A_2477, %sign3A_2484 : i32
      %rem3A_2486 = arith.remsi %multiple_of3A_2416, %jit3A_2469 : i32
      %ne3A_2487 = arith.constant 0 : i32
      %ne3A_2488 = arith.cmpi ne, %rem3A_2486, %ne3A_2487 : i32
      %and3A_2489 = arith.andi %ne3A_2485, %ne3A_2488 : i1
      %sub3A_2490 = arith.constant 1 : i32
      %sub3A_2491 = arith.subi %div3A_2470, %sub3A_2490 : i32
      %select_n3A_2492 = arith.select %and3A_2489, %sub3A_2491, %div3A_2470 : i32
      %multiple_of3A_2493 = tpu.assume_multiple %select_n3A_2492, 4 : i32
      %run_scoped3A_2494 = arith.constant 0 : i32
      "tpu.region"() ({
        %run_scoped3A_3614 = tpu.sem_alloc : memref<!tpu.dma_semaphore, #tpu.memory_space<semaphore_mem>>
        %dma_start3A_3615 = arith.constant 0 : i32
        %dma_start3A_3616 = arith.constant 0 : i32
        %dma_start3A_3617 = tpu.memref_slice %arg6[%run_scoped3A_2494, %dma_start3A_3615, %dma_start3A_3616] : memref<2x4x128xi32, #tpu.memory_space<vmem>> -> memref<1x4x128xi32, #tpu.memory_space<vmem>>
        %dma_start3A_3618 = tpu.memref_squeeze %dma_start3A_3617 : memref<1x4x128xi32, #tpu.memory_space<vmem>> -> memref<4x128xi32, #tpu.memory_space<vmem>>
        %dma_start3A_3619 = arith.constant 0 : i32
        %dma_start3A_3620 = tpu.memref_slice %arg2[%multiple_of3A_2493, %dma_start3A_3619] : memref<6400x128xi32, #tpu.memory_space<hbm>> -> memref<4x128xi32, #tpu.memory_space<hbm>>
        %dma_start3A_3621 = arith.constant 0 : i32
        %dma_start3A_3622 = arith.constant 0 : i32
        %dma_start3A_3623 = tpu.memref_slice %arg6[%run_scoped3A_2494, %dma_start3A_3621, %dma_start3A_3622] : memref<2x4x128xi32, #tpu.memory_space<vmem>> -> memref<1x4x128xi32, #tpu.memory_space<vmem>>
        %dma_start3A_3624 = tpu.memref_squeeze %dma_start3A_3623 : memref<1x4x128xi32, #tpu.memory_space<vmem>> -> memref<4x128xi32, #tpu.memory_space<vmem>>
        %dma_start3A_3625 = arith.constant 0 : i32
        %dma_start3A_3626 = tpu.memref_slice %arg2[%multiple_of3A_2493, %dma_start3A_3625] : memref<6400x128xi32, #tpu.memory_space<hbm>> -> memref<4x128xi32, #tpu.memory_space<hbm>>
        tpu.enqueue_dma source(%dma_start3A_3626 : memref<4x128xi32, #tpu.memory_space<hbm>>) target(%dma_start3A_3624 : memref<4x128xi32, #tpu.memory_space<vmem>>) target_semaphore(%run_scoped3A_3614 : memref<!tpu.dma_semaphore, #tpu.memory_space<semaphore_mem>>)
        %dma_wait3A_3627 = arith.constant 0 : i32
        %dma_wait3A_3628 = arith.constant 0 : i32
        %dma_wait3A_3629 = tpu.memref_slice %arg6[%run_scoped3A_2494, %dma_wait3A_3627, %dma_wait3A_3628] : memref<2x4x128xi32, #tpu.memory_space<vmem>> -> memref<1x4x128xi32, #tpu.memory_space<vmem>>
        %dma_wait3A_3630 = tpu.memref_squeeze %dma_wait3A_3629 : memref<1x4x128xi32, #tpu.memory_space<vmem>> -> memref<4x128xi32, #tpu.memory_space<vmem>>
        %dma_wait3A_3631 = arith.constant 0 : i32
        %dma_wait3A_3632 = tpu.memref_slice %arg2[%multiple_of3A_2493, %dma_wait3A_3631] : memref<6400x128xi32, #tpu.memory_space<hbm>> -> memref<4x128xi32, #tpu.memory_space<hbm>>
        %dma_wait3A_3633 = arith.constant 0 : i32
        %dma_wait3A_3634 = arith.constant 0 : i32
        %dma_wait3A_3635 = tpu.memref_slice %arg6[%run_scoped3A_2494, %dma_wait3A_3633, %dma_wait3A_3634] : memref<2x4x128xi32, #tpu.memory_space<vmem>> -> memref<1x4x128xi32, #tpu.memory_space<vmem>>
        %dma_wait3A_3636 = tpu.memref_squeeze %dma_wait3A_3635 : memref<1x4x128xi32, #tpu.memory_space<vmem>> -> memref<4x128xi32, #tpu.memory_space<vmem>>
        %dma_wait3A_3637 = arith.constant 0 : i32
        %dma_wait3A_3638 = tpu.memref_slice %arg2[%multiple_of3A_2493, %dma_wait3A_3637] : memref<6400x128xi32, #tpu.memory_space<hbm>> -> memref<4x128xi32, #tpu.memory_space<hbm>>
        tpu.wait_dma2 semaphore(%run_scoped3A_3614 : memref<!tpu.dma_semaphore, #tpu.memory_space<semaphore_mem>>) src(%dma_wait3A_3638 : memref<4x128xi32, #tpu.memory_space<hbm>>) dst(%dma_wait3A_3636 : memref<4x128xi32, #tpu.memory_space<vmem>>)
        tpu.yield
      }) : () -> ()
      %get3A_2495 = arith.constant 0 : i32
      %get3A_2496 = arith.constant 0 : i32
      %get3A_2497 = arith.index_cast %get3A_2495 : i32 to index
      %get3A_2498 = arith.index_cast %get3A_2496 : i32 to index
      %get3A_2499 = arith.constant 0 : index
      %get3A_2500 = tpu.vector_load %arg6[%get3A_2497, %get3A_2498, %get3A_2499] {strides = array<i32>} : memref<2x4x128xi32, #tpu.memory_space<vmem>>, vector<16xi32>,
      %and3A_2501 = arith.constant 16383 : i32
      %and3A_2502 = vector.broadcast %and3A_2501 : i32 to vector<16xi32>
      %and3A_2503 = arith.andi %get3A_2500, %and3A_2502 : vector<16xi32>
      %sub3A_2504 = arith.subi %get3A_2500, %and3A_2503 : vector<16xi32>
      %and3A_2505 = arith.constant 8191 : i32
      %and3A_2506 = vector.broadcast %and3A_2505 : i32 to vector<16xi32>
      %and3A_2507 = arith.andi %and3A_2503, %and3A_2506 : vector<16xi32>
      %shift_left3A_2508 = arith.constant 1 : i32
      %shift_left3A_2509 = vector.broadcast %shift_left3A_2508 : i32 to vector<16xi32>
      %shift_left3A_2510 = arith.shli %and3A_2507, %shift_left3A_2509 : vector<16xi32>
      %add3A_2511 = arith.addi %sub3A_2504, %shift_left3A_2510 : vector<16xi32>
      %shift_right_arithmetic3A_2512 = arith.constant 13 : i32
      %shift_right_arithmetic3A_2513 = vector.broadcast %shift_right_arithmetic3A_2512 : i32 to vector<16xi32>
      %shift_right_arithmetic3A_2514 = arith.shrsi %and3A_2503, %shift_right_arithmetic3A_2513 : vector<16xi32>
      %add3A_2515 = arith.addi %add3A_2511, %shift_right_arithmetic3A_2514 : vector<16xi32>
      %swap3A_2516 = arith.constant 0 : i32
      %swap3A_2517 = arith.constant 0 : i32
      %swap3A_2518 = arith.index_cast %swap3A_2516 : i32 to index
      %swap3A_2519 = arith.index_cast %swap3A_2517 : i32 to index
      %swap3A_2520 = arith.constant 0 : index
      %swap3A_2521 = tpu.vector_load %arg6[%swap3A_2518, %swap3A_2519, %swap3A_2520] {strides = array<i32>} : memref<2x4x128xi32, #tpu.memory_space<vmem>>, vector<16xi32>,
      tpu.vector_store %arg6[%swap3A_2518, %swap3A_2519, %swap3A_2520], %add3A_2515 {strides = array<i32>} : memref<2x4x128xi32, #tpu.memory_space<vmem>>, vector<16xi32>,
      %get3A_2522 = arith.constant 0 : i32
      %get3A_2523 = arith.constant 0 : i32
      %get3A_2524 = arith.index_cast %get3A_2522 : i32 to index
      %get3A_2525 = arith.index_cast %get3A_2523 : i32 to index
      %get3A_2526 = arith.constant 16 : index
      %get3A_2527 = tpu.vector_load %arg6[%get3A_2524, %get3A_2525, %get3A_2526] {strides = array<i32>} : memref<2x4x128xi32, #tpu.memory_space<vmem>>, vector<16xi32>,
      %and3A_2528 = arith.constant 16383 : i32
      %and3A_2529 = vector.broadcast %and3A_2528 : i32 to vector<16xi32>
      %and3A_2530 = arith.andi %get3A_2527, %and3A_2529 : vector<16xi32>
      %sub3A_2531 = arith.subi %get3A_2527, %and3A_2530 : vector<16xi32>
      %and3A_2532 = arith.constant 8191 : i32
      %and3A_2533 = vector.broadcast %and3A_2532 : i32 to vector<16xi32>
      %and3A_2534 = arith.andi %and3A_2530, %and3A_2533 : vector<16xi32>
      %shift_left3A_2535 = arith.constant 1 : i32
      %shift_left3A_2536 = vector.broadcast %shift_left3A_2535 : i32 to vector<16xi32>
      %shift_left3A_2537 = arith.shli %and3A_2534, %shift_left3A_2536 : vector<16xi32>
      %add3A_2538 = arith.addi %sub3A_2531, %shift_left3A_2537 : vector<16xi32>
      %shift_right_arithmetic3A_2539 = arith.constant 13 : i32
      %shift_right_arithmetic3A_2540 = vector.broadcast %shift_right_arithmetic3A_2539 : i32 to vector<16xi32>
      %shift_right_arithmetic3A_2541 = arith.shrsi %and3A_2530, %shift_right_arithmetic3A_2540 : vector<16xi32>
      %add3A_2542 = arith.addi %add3A_2538, %shift_right_arithmetic3A_2541 : vector<16xi32>
      %swap3A_2543 = arith.constant 0 : i32
      %swap3A_2544 = arith.constant 0 : i32
      %swap3A_2545 = arith.index_cast %swap3A_2543 : i32 to index
      %swap3A_2546 = arith.index_cast %swap3A_2544 : i32 to index
      %swap3A_2547 = arith.constant 16 : index
      %swap3A_2548 = tpu.vector_load %arg6[%swap3A_2545, %swap3A_2546, %swap3A_2547] {strides = array<i32>} : memref<2x4x128xi32, #tpu.memory_space<vmem>>, vector<16xi32>,
      tpu.vector_store %arg6[%swap3A_2545, %swap3A_2546, %swap3A_2547], %add3A_2542 {strides = array<i32>} : memref<2x4x128xi32, #tpu.memory_space<vmem>>, vector<16xi32>,
      %get3A_2549 = arith.constant 0 : i32
      %get3A_2550 = arith.constant 0 : i32
      %get3A_2551 = arith.index_cast %get3A_2549 : i32 to index
      %get3A_2552 = arith.index_cast %get3A_2550 : i32 to index
      %get3A_2553 = arith.constant 32 : index
      %get3A_2554 = tpu.vector_load %arg6[%get3A_2551, %get3A_2552, %get3A_2553] {strides = array<i32>} : memref<2x4x128xi32, #tpu.memory_space<vmem>>, vector<16xi32>,
      %and3A_2555 = arith.constant 16383 : i32
      %and3A_2556 = vector.broadcast %and3A_2555 : i32 to vector<16xi32>
      %and3A_2557 = arith.andi %get3A_2554, %and3A_2556 : vector<16xi32>
      %sub3A_2558 = arith.subi %get3A_2554, %and3A_2557 : vector<16xi32>
      %and3A_2559 = arith.constant 8191 : i32
      %and3A_2560 = vector.broadcast %and3A_2559 : i32 to vector<16xi32>
      %and3A_2561 = arith.andi %and3A_2557, %and3A_2560 : vector<16xi32>
      %shift_left3A_2562 = arith.constant 1 : i32
      %shift_left3A_2563 = vector.broadcast %shift_left3A_2562 : i32 to vector<16xi32>
      %shift_left3A_2564 = arith.shli %and3A_2561, %shift_left3A_2563 : vector<16xi32>
      %add3A_2565 = arith.addi %sub3A_2558, %shift_left3A_2564 : vector<16xi32>
      %shift_right_arithmetic3A_2566 = arith.constant 13 : i32
      %shift_right_arithmetic3A_2567 = vector.broadcast %shift_right_arithmetic3A_2566 : i32 to vector<16xi32>
      %shift_right_arithmetic3A_2568 = arith.shrsi %and3A_2557, %shift_right_arithmetic3A_2567 : vector<16xi32>
      %add3A_2569 = arith.addi %add3A_2565, %shift_right_arithmetic3A_2568 : vector<16xi32>
      %swap3A_2570 = arith.constant 0 : i32
      %swap3A_2571 = arith.constant 0 : i32
      %swap3A_2572 = arith.index_cast %swap3A_2570 : i32 to index
      %swap3A_2573 = arith.index_cast %swap3A_2571 : i32 to index
      %swap3A_2574 = arith.constant 32 : index
      %swap3A_2575 = tpu.vector_load %arg6[%swap3A_2572, %swap3A_2573, %swap3A_2574] {strides = array<i32>} : memref<2x4x128xi32, #tpu.memory_space<vmem>>, vector<16xi32>,
      tpu.vector_store %arg6[%swap3A_2572, %swap3A_2573, %swap3A_2574], %add3A_2569 {strides = array<i32>} : memref<2x4x128xi32, #tpu.memory_space<vmem>>, vector<16xi32>,
      %get3A_2576 = arith.constant 0 : i32
      %get3A_2577 = arith.constant 0 : i32
      %get3A_2578 = arith.index_cast %get3A_2576 : i32 to index
      %get3A_2579 = arith.index_cast %get3A_2577 : i32 to index
      %get3A_2580 = arith.constant 48 : index
      %get3A_2581 = tpu.vector_load %arg6[%get3A_2578, %get3A_2579, %get3A_2580] {strides = array<i32>} : memref<2x4x128xi32, #tpu.memory_space<vmem>>, vector<16xi32>,
      %and3A_2582 = arith.constant 16383 : i32
      %and3A_2583 = vector.broadcast %and3A_2582 : i32 to vector<16xi32>
      %and3A_2584 = arith.andi %get3A_2581, %and3A_2583 : vector<16xi32>
      %sub3A_2585 = arith.subi %get3A_2581, %and3A_2584 : vector<16xi32>
      %and3A_2586 = arith.constant 8191 : i32
      %and3A_2587 = vector.broadcast %and3A_2586 : i32 to vector<16xi32>
      %and3A_2588 = arith.andi %and3A_2584, %and3A_2587 : vector<16xi32>
      %shift_left3A_2589 = arith.constant 1 : i32
      %shift_left3A_2590 = vector.broadcast %shift_left3A_2589 : i32 to vector<16xi32>
      %shift_left3A_2591 = arith.shli %and3A_2588, %shift_left3A_2590 : vector<16xi32>
      %add3A_2592 = arith.addi %sub3A_2585, %shift_left3A_2591 : vector<16xi32>
      %shift_right_arithmetic3A_2593 = arith.constant 13 : i32
      %shift_right_arithmetic3A_2594 = vector.broadcast %shift_right_arithmetic3A_2593 : i32 to vector<16xi32>
      %shift_right_arithmetic3A_2595 = arith.shrsi %and3A_2584, %shift_right_arithmetic3A_2594 : vector<16xi32>
      %add3A_2596 = arith.addi %add3A_2592, %shift_right_arithmetic3A_2595 : vector<16xi32>
      %swap3A_2597 = arith.constant 0 : i32
      %swap3A_2598 = arith.constant 0 : i32
      %swap3A_2599 = arith.index_cast %swap3A_2597 : i32 to index
      %swap3A_2600 = arith.index_cast %swap3A_2598 : i32 to index
      %swap3A_2601 = arith.constant 48 : index
      %swap3A_2602 = tpu.vector_load %arg6[%swap3A_2599, %swap3A_2600, %swap3A_2601] {strides = array<i32>} : memref<2x4x128xi32, #tpu.memory_space<vmem>>, vector<16xi32>,
      tpu.vector_store %arg6[%swap3A_2599, %swap3A_2600, %swap3A_2601], %add3A_2596 {strides = array<i32>} : memref<2x4x128xi32, #tpu.memory_space<vmem>>, vector<16xi32>,
      %get3A_2603 = arith.constant 0 : i32
      %get3A_2604 = arith.constant 0 : i32
      %get3A_2605 = arith.index_cast %get3A_2603 : i32 to index
      %get3A_2606 = arith.index_cast %get3A_2604 : i32 to index
      %get3A_2607 = arith.constant 64 : index
      %get3A_2608 = tpu.vector_load %arg6[%get3A_2605, %get3A_2606, %get3A_2607] {strides = array<i32>} : memref<2x4x128xi32, #tpu.memory_space<vmem>>, vector<16xi32>,
      %and3A_2609 = arith.constant 16383 : i32
      %and3A_2610 = vector.broadcast %and3A_2609 : i32 to vector<16xi32>
      %and3A_2611 = arith.andi %get3A_2608, %and3A_2610 : vector<16xi32>
      %sub3A_2612 = arith.subi %get3A_2608, %and3A_2611 : vector<16xi32>
      %and3A_2613 = arith.constant 8191 : i32
      %and3A_2614 = vector.broadcast %and3A_2613 : i32 to vector<16xi32>
      %and3A_2615 = arith.andi %and3A_2611, %and3A_2614 : vector<16xi32>
      %shift_left3A_2616 = arith.constant 1 : i32
      %shift_left3A_2617 = vector.broadcast %shift_left3A_2616 : i32 to vector<16xi32>
      %shift_left3A_2618 = arith.shli %and3A_2615, %shift_left3A_2617 : vector<16xi32>
      %add3A_2619 = arith.addi %sub3A_2612, %shift_left3A_2618 : vector<16xi32>
      %shift_right_arithmetic3A_2620 = arith.constant 13 : i32
      %shift_right_arithmetic3A_2621 = vector.broadcast %shift_right_arithmetic3A_2620 : i32 to vector<16xi32>
      %shift_right_arithmetic3A_2622 = arith.shrsi %and3A_2611, %shift_right_arithmetic3A_2621 : vector<16xi32>
      %add3A_2623 = arith.addi %add3A_2619, %shift_right_arithmetic3A_2622 : vector<16xi32>
      %swap3A_2624 = arith.constant 0 : i32
      %swap3A_2625 = arith.constant 0 : i32
      %swap3A_2626 = arith.index_cast %swap3A_2624 : i32 to index
      %swap3A_2627 = arith.index_cast %swap3A_2625 : i32 to index
      %swap3A_2628 = arith.constant 64 : index
      %swap3A_2629 = tpu.vector_load %arg6[%swap3A_2626, %swap3A_2627, %swap3A_2628] {strides = array<i32>} : memref<2x4x128xi32, #tpu.memory_space<vmem>>, vector<16xi32>,
      tpu.vector_store %arg6[%swap3A_2626, %swap3A_2627, %swap3A_2628], %add3A_2623 {strides = array<i32>} : memref<2x4x128xi32, #tpu.memory_space<vmem>>, vector<16xi32>,
      %get3A_2630 = arith.constant 0 : i32
      %get3A_2631 = arith.constant 0 : i32
      %get3A_2632 = arith.index_cast %get3A_2630 : i32 to index
      %get3A_2633 = arith.index_cast %get3A_2631 : i32 to index
      %get3A_2634 = arith.constant 80 : index
      %get3A_2635 = tpu.vector_load %arg6[%get3A_2632, %get3A_2633, %get3A_2634] {strides = array<i32>} : memref<2x4x128xi32, #tpu.memory_space<vmem>>, vector<16xi32>,
      %and3A_2636 = arith.constant 16383 : i32
      %and3A_2637 = vector.broadcast %and3A_2636 : i32 to vector<16xi32>
      %and3A_2638 = arith.andi %get3A_2635, %and3A_2637 : vector<16xi32>
      %sub3A_2639 = arith.subi %get3A_2635, %and3A_2638 : vector<16xi32>
      %and3A_2640 = arith.constant 8191 : i32
      %and3A_2641 = vector.broadcast %and3A_2640 : i32 to vector<16xi32>
      %and3A_2642 = arith.andi %and3A_2638, %and3A_2641 : vector<16xi32>
      %shift_left3A_2643 = arith.constant 1 : i32
      %shift_left3A_2644 = vector.broadcast %shift_left3A_2643 : i32 to vector<16xi32>
      %shift_left3A_2645 = arith.shli %and3A_2642, %shift_left3A_2644 : vector<16xi32>
      %add3A_2646 = arith.addi %sub3A_2639, %shift_left3A_2645 : vector<16xi32>
      %shift_right_arithmetic3A_2647 = arith.constant 13 : i32
      %shift_right_arithmetic3A_2648 = vector.broadcast %shift_right_arithmetic3A_2647 : i32 to vector<16xi32>
      %shift_right_arithmetic3A_2649 = arith.shrsi %and3A_2638, %shift_right_arithmetic3A_2648 : vector<16xi32>
      %add3A_2650 = arith.addi %add3A_2646, %shift_right_arithmetic3A_2649 : vector<16xi32>
      %swap3A_2651 = arith.constant 0 : i32
      %swap3A_2652 = arith.constant 0 : i32
      %swap3A_2653 = arith.index_cast %swap3A_2651 : i32 to index
      %swap3A_2654 = arith.index_cast %swap3A_2652 : i32 to index
      %swap3A_2655 = arith.constant 80 : index
      %swap3A_2656 = tpu.vector_load %arg6[%swap3A_2653, %swap3A_2654, %swap3A_2655] {strides = array<i32>} : memref<2x4x128xi32, #tpu.memory_space<vmem>>, vector<16xi32>,
      tpu.vector_store %arg6[%swap3A_2653, %swap3A_2654, %swap3A_2655], %add3A_2650 {strides = array<i32>} : memref<2x4x128xi32, #tpu.memory_space<vmem>>, vector<16xi32>,
      %get3A_2657 = arith.constant 0 : i32
      %get3A_2658 = arith.constant 0 : i32
      %get3A_2659 = arith.index_cast %get3A_2657 : i32 to index
      %get3A_2660 = arith.index_cast %get3A_2658 : i32 to index
      %get3A_2661 = arith.constant 96 : index
      %get3A_2662 = tpu.vector_load %arg6[%get3A_2659, %get3A_2660, %get3A_2661] {strides = array<i32>} : memref<2x4x128xi32, #tpu.memory_space<vmem>>, vector<16xi32>,
      %and3A_2663 = arith.constant 16383 : i32
      %and3A_2664 = vector.broadcast %and3A_2663 : i32 to vector<16xi32>
      %and3A_2665 = arith.andi %get3A_2662, %and3A_2664 : vector<16xi32>
      %sub3A_2666 = arith.subi %get3A_2662, %and3A_2665 : vector<16xi32>
      %and3A_2667 = arith.constant 8191 : i32
      %and3A_2668 = vector.broadcast %and3A_2667 : i32 to vector<16xi32>
      %and3A_2669 = arith.andi %and3A_2665, %and3A_2668 : vector<16xi32>
      %shift_left3A_2670 = arith.constant 1 : i32
      %shift_left3A_2671 = vector.broadcast %shift_left3A_2670 : i32 to vector<16xi32>
      %shift_left3A_2672 = arith.shli %and3A_2669, %shift_left3A_2671 : vector<16xi32>
      %add3A_2673 = arith.addi %sub3A_2666, %shift_left3A_2672 : vector<16xi32>
      %shift_right_arithmetic3A_2674 = arith.constant 13 : i32
      %shift_right_arithmetic3A_2675 = vector.broadcast %shift_right_arithmetic3A_2674 : i32 to vector<16xi32>
      %shift_right_arithmetic3A_2676 = arith.shrsi %and3A_2665, %shift_right_arithmetic3A_2675 : vector<16xi32>
      %add3A_2677 = arith.addi %add3A_2673, %shift_right_arithmetic3A_2676 : vector<16xi32>
      %swap3A_2678 = arith.constant 0 : i32
      %swap3A_2679 = arith.constant 0 : i32
      %swap3A_2680 = arith.index_cast %swap3A_2678 : i32 to index
      %swap3A_2681 = arith.index_cast %swap3A_2679 : i32 to index
      %swap3A_2682 = arith.constant 96 : index
      %swap3A_2683 = tpu.vector_load %arg6[%swap3A_2680, %swap3A_2681, %swap3A_2682] {strides = array<i32>} : memref<2x4x128xi32, #tpu.memory_space<vmem>>, vector<16xi32>,
      tpu.vector_store %arg6[%swap3A_2680, %swap3A_2681, %swap3A_2682], %add3A_2677 {strides = array<i32>} : memref<2x4x128xi32, #tpu.memory_space<vmem>>, vector<16xi32>,
      %get3A_2684 = arith.constant 0 : i32
      %get3A_2685 = arith.constant 0 : i32
      %get3A_2686 = arith.index_cast %get3A_2684 : i32 to index
      %get3A_2687 = arith.index_cast %get3A_2685 : i32 to index
      %get3A_2688 = arith.constant 112 : index
      %get3A_2689 = tpu.vector_load %arg6[%get3A_2686, %get3A_2687, %get3A_2688] {strides = array<i32>} : memref<2x4x128xi32, #tpu.memory_space<vmem>>, vector<16xi32>,
      %and3A_2690 = arith.constant 16383 : i32
      %and3A_2691 = vector.broadcast %and3A_2690 : i32 to vector<16xi32>
      %and3A_2692 = arith.andi %get3A_2689, %and3A_2691 : vector<16xi32>
      %sub3A_2693 = arith.subi %get3A_2689, %and3A_2692 : vector<16xi32>
      %and3A_2694 = arith.constant 8191 : i32
      %and3A_2695 = vector.broadcast %and3A_2694 : i32 to vector<16xi32>
      %and3A_2696 = arith.andi %and3A_2692, %and3A_2695 : vector<16xi32>
      %shift_left3A_2697 = arith.constant 1 : i32
      %shift_left3A_2698 = vector.broadcast %shift_left3A_2697 : i32 to vector<16xi32>
      %shift_left3A_2699 = arith.shli %and3A_2696, %shift_left3A_2698 : vector<16xi32>
      %add3A_2700 = arith.addi %sub3A_2693, %shift_left3A_2699 : vector<16xi32>
      %shift_right_arithmetic3A_2701 = arith.constant 13 : i32
      %shift_right_arithmetic3A_2702 = vector.broadcast %shift_right_arithmetic3A_2701 : i32 to vector<16xi32>
      %shift_right_arithmetic3A_2703 = arith.shrsi %and3A_2692, %shift_right_arithmetic3A_2702 : vector<16xi32>
      %add3A_2704 = arith.addi %add3A_2700, %shift_right_arithmetic3A_2703 : vector<16xi32>
      %swap3A_2705 = arith.constant 0 : i32
      %swap3A_2706 = arith.constant 0 : i32
      %swap3A_2707 = arith.index_cast %swap3A_2705 : i32 to index
      %swap3A_2708 = arith.index_cast %swap3A_2706 : i32 to index
      %swap3A_2709 = arith.constant 112 : index
      %swap3A_2710 = tpu.vector_load %arg6[%swap3A_2707, %swap3A_2708, %swap3A_2709] {strides = array<i32>} : memref<2x4x128xi32, #tpu.memory_space<vmem>>, vector<16xi32>,
      tpu.vector_store %arg6[%swap3A_2707, %swap3A_2708, %swap3A_2709], %add3A_2704 {strides = array<i32>} : memref<2x4x128xi32, #tpu.memory_space<vmem>>, vector<16xi32>,
      %get3A_2711 = arith.constant 0 : i32
      %get3A_2712 = arith.constant 1 : i32
      %get3A_2713 = arith.index_cast %get3A_2711 : i32 to index
      %get3A_2714 = arith.index_cast %get3A_2712 : i32 to index
      %get3A_2715 = arith.constant 0 : index
      %get3A_2716 = tpu.vector_load %arg6[%get3A_2713, %get3A_2714, %get3A_2715] {strides = array<i32>} : memref<2x4x128xi32, #tpu.memory_space<vmem>>, vector<16xi32>,
      %and3A_2717 = arith.constant 16383 : i32
      %and3A_2718 = vector.broadcast %and3A_2717 : i32 to vector<16xi32>
      %and3A_2719 = arith.andi %get3A_2716, %and3A_2718 : vector<16xi32>
      %sub3A_2720 = arith.subi %get3A_2716, %and3A_2719 : vector<16xi32>
      %and3A_2721 = arith.constant 8191 : i32
      %and3A_2722 = vector.broadcast %and3A_2721 : i32 to vector<16xi32>
      %and3A_2723 = arith.andi %and3A_2719, %and3A_2722 : vector<16xi32>
      %shift_left3A_2724 = arith.constant 1 : i32
      %shift_left3A_2725 = vector.broadcast %shift_left3A_2724 : i32 to vector<16xi32>
      %shift_left3A_2726 = arith.shli %and3A_2723, %shift_left3A_2725 : vector<16xi32>
      %add3A_2727 = arith.addi %sub3A_2720, %shift_left3A_2726 : vector<16xi32>
      %shift_right_arithmetic3A_2728 = arith.constant 13 : i32
      %shift_right_arithmetic3A_2729 = vector.broadcast %shift_right_arithmetic3A_2728 : i32 to vector<16xi32>
      %shift_right_arithmetic3A_2730 = arith.shrsi %and3A_2719, %shift_right_arithmetic3A_2729 : vector<16xi32>
      %add3A_2731 = arith.addi %add3A_2727, %shift_right_arithmetic3A_2730 : vector<16xi32>
      %swap3A_2732 = arith.constant 0 : i32
      %swap3A_2733 = arith.constant 1 : i32
      %swap3A_2734 = arith.index_cast %swap3A_2732 : i32 to index
      %swap3A_2735 = arith.index_cast %swap3A_2733 : i32 to index
      %swap3A_2736 = arith.constant 0 : index
      %swap3A_2737 = tpu.vector_load %arg6[%swap3A_2734, %swap3A_2735, %swap3A_2736] {strides = array<i32>} : memref<2x4x128xi32, #tpu.memory_space<vmem>>, vector<16xi32>,
      tpu.vector_store %arg6[%swap3A_2734, %swap3A_2735, %swap3A_2736], %add3A_2731 {strides = array<i32>} : memref<2x4x128xi32, #tpu.memory_space<vmem>>, vector<16xi32>,
      %get3A_2738 = arith.constant 0 : i32
      %get3A_2739 = arith.constant 1 : i32
      %get3A_2740 = arith.index_cast %get3A_2738 : i32 to index
      %get3A_2741 = arith.index_cast %get3A_2739 : i32 to index
      %get3A_2742 = arith.constant 16 : index
      %get3A_2743 = tpu.vector_load %arg6[%get3A_2740, %get3A_2741, %get3A_2742] {strides = array<i32>} : memref<2x4x128xi32, #tpu.memory_space<vmem>>, vector<16xi32>,
      %and3A_2744 = arith.constant 16383 : i32
      %and3A_2745 = vector.broadcast %and3A_2744 : i32 to vector<16xi32>
      %and3A_2746 = arith.andi %get3A_2743, %and3A_2745 : vector<16xi32>
      %sub3A_2747 = arith.subi %get3A_2743, %and3A_2746 : vector<16xi32>
      %and3A_2748 = arith.constant 8191 : i32
      %and3A_2749 = vector.broadcast %and3A_2748 : i32 to vector<16xi32>
      %and3A_2750 = arith.andi %and3A_2746, %and3A_2749 : vector<16xi32>
      %shift_left3A_2751 = arith.constant 1 : i32
      %shift_left3A_2752 = vector.broadcast %shift_left3A_2751 : i32 to vector<16xi32>
      %shift_left3A_2753 = arith.shli %and3A_2750, %shift_left3A_2752 : vector<16xi32>
      %add3A_2754 = arith.addi %sub3A_2747, %shift_left3A_2753 : vector<16xi32>
      %shift_right_arithmetic3A_2755 = arith.constant 13 : i32
      %shift_right_arithmetic3A_2756 = vector.broadcast %shift_right_arithmetic3A_2755 : i32 to vector<16xi32>
      %shift_right_arithmetic3A_2757 = arith.shrsi %and3A_2746, %shift_right_arithmetic3A_2756 : vector<16xi32>
      %add3A_2758 = arith.addi %add3A_2754, %shift_right_arithmetic3A_2757 : vector<16xi32>
      %swap3A_2759 = arith.constant 0 : i32
      %swap3A_2760 = arith.constant 1 : i32
      %swap3A_2761 = arith.index_cast %swap3A_2759 : i32 to index
      %swap3A_2762 = arith.index_cast %swap3A_2760 : i32 to index
      %swap3A_2763 = arith.constant 16 : index
      %swap3A_2764 = tpu.vector_load %arg6[%swap3A_2761, %swap3A_2762, %swap3A_2763] {strides = array<i32>} : memref<2x4x128xi32, #tpu.memory_space<vmem>>, vector<16xi32>,
      tpu.vector_store %arg6[%swap3A_2761, %swap3A_2762, %swap3A_2763], %add3A_2758 {strides = array<i32>} : memref<2x4x128xi32, #tpu.memory_space<vmem>>, vector<16xi32>,
      %get3A_2765 = arith.constant 0 : i32
      %get3A_2766 = arith.constant 1 : i32
      %get3A_2767 = arith.index_cast %get3A_2765 : i32 to index
      %get3A_2768 = arith.index_cast %get3A_2766 : i32 to index
      %get3A_2769 = arith.constant 32 : index
      %get3A_2770 = tpu.vector_load %arg6[%get3A_2767, %get3A_2768, %get3A_2769] {strides = array<i32>} : memref<2x4x128xi32, #tpu.memory_space<vmem>>, vector<16xi32>,
      %and3A_2771 = arith.constant 16383 : i32
      %and3A_2772 = vector.broadcast %and3A_2771 : i32 to vector<16xi32>
      %and3A_2773 = arith.andi %get3A_2770, %and3A_2772 : vector<16xi32>
      %sub3A_2774 = arith.subi %get3A_2770, %and3A_2773 : vector<16xi32>
      %and3A_2775 = arith.constant 8191 : i32
      %and3A_2776 = vector.broadcast %and3A_2775 : i32 to vector<16xi32>
      %and3A_2777 = arith.andi %and3A_2773, %and3A_2776 : vector<16xi32>
      %shift_left3A_2778 = arith.constant 1 : i32
      %shift_left3A_2779 = vector.broadcast %shift_left3A_2778 : i32 to vector<16xi32>
      %shift_left3A_2780 = arith.shli %and3A_2777, %shift_left3A_2779 : vector<16xi32>
      %add3A_2781 = arith.addi %sub3A_2774, %shift_left3A_2780 : vector<16xi32>
      %shift_right_arithmetic3A_2782 = arith.constant 13 : i32
      %shift_right_arithmetic3A_2783 = vector.broadcast %shift_right_arithmetic3A_2782 : i32 to vector<16xi32>
      %shift_right_arithmetic3A_2784 = arith.shrsi %and3A_2773, %shift_right_arithmetic3A_2783 : vector<16xi32>
      %add3A_2785 = arith.addi %add3A_2781, %shift_right_arithmetic3A_2784 : vector<16xi32>
      %swap3A_2786 = arith.constant 0 : i32
      %swap3A_2787 = arith.constant 1 : i32
      %swap3A_2788 = arith.index_cast %swap3A_2786 : i32 to index
      %swap3A_2789 = arith.index_cast %swap3A_2787 : i32 to index
      %swap3A_2790 = arith.constant 32 : index
      %swap3A_2791 = tpu.vector_load %arg6[%swap3A_2788, %swap3A_2789, %swap3A_2790] {strides = array<i32>} : memref<2x4x128xi32, #tpu.memory_space<vmem>>, vector<16xi32>,
      tpu.vector_store %arg6[%swap3A_2788, %swap3A_2789, %swap3A_2790], %add3A_2785 {strides = array<i32>} : memref<2x4x128xi32, #tpu.memory_space<vmem>>, vector<16xi32>,
      %get3A_2792 = arith.constant 0 : i32
      %get3A_2793 = arith.constant 1 : i32
      %get3A_2794 = arith.index_cast %get3A_2792 : i32 to index
      %get3A_2795 = arith.index_cast %get3A_2793 : i32 to index
      %get3A_2796 = arith.constant 48 : index
      %get3A_2797 = tpu.vector_load %arg6[%get3A_2794, %get3A_2795, %get3A_2796] {strides = array<i32>} : memref<2x4x128xi32, #tpu.memory_space<vmem>>, vector<16xi32>,
      %and3A_2798 = arith.constant 16383 : i32
      %and3A_2799 = vector.broadcast %and3A_2798 : i32 to vector<16xi32>
      %and3A_2800 = arith.andi %get3A_2797, %and3A_2799 : vector<16xi32>
      %sub3A_2801 = arith.subi %get3A_2797, %and3A_2800 : vector<16xi32>
      %and3A_2802 = arith.constant 8191 : i32
      %and3A_2803 = vector.broadcast %and3A_2802 : i32 to vector<16xi32>
      %and3A_2804 = arith.andi %and3A_2800, %and3A_2803 : vector<16xi32>
      %shift_left3A_2805 = arith.constant 1 : i32
      %shift_left3A_2806 = vector.broadcast %shift_left3A_2805 : i32 to vector<16xi32>
      %shift_left3A_2807 = arith.shli %and3A_2804, %shift_left3A_2806 : vector<16xi32>
      %add3A_2808 = arith.addi %sub3A_2801, %shift_left3A_2807 : vector<16xi32>
      %shift_right_arithmetic3A_2809 = arith.constant 13 : i32
      %shift_right_arithmetic3A_2810 = vector.broadcast %shift_right_arithmetic3A_2809 : i32 to vector<16xi32>
      %shift_right_arithmetic3A_2811 = arith.shrsi %and3A_2800, %shift_right_arithmetic3A_2810 : vector<16xi32>
      %add3A_2812 = arith.addi %add3A_2808, %shift_right_arithmetic3A_2811 : vector<16xi32>
      %swap3A_2813 = arith.constant 0 : i32
      %swap3A_2814 = arith.constant 1 : i32
      %swap3A_2815 = arith.index_cast %swap3A_2813 : i32 to index
      %swap3A_2816 = arith.index_cast %swap3A_2814 : i32 to index
      %swap3A_2817 = arith.constant 48 : index
      %swap3A_2818 = tpu.vector_load %arg6[%swap3A_2815, %swap3A_2816, %swap3A_2817] {strides = array<i32>} : memref<2x4x128xi32, #tpu.memory_space<vmem>>, vector<16xi32>,
      tpu.vector_store %arg6[%swap3A_2815, %swap3A_2816, %swap3A_2817], %add3A_2812 {strides = array<i32>} : memref<2x4x128xi32, #tpu.memory_space<vmem>>, vector<16xi32>,
      %get3A_2819 = arith.constant 0 : i32
      %get3A_2820 = arith.constant 1 : i32
      %get3A_2821 = arith.index_cast %get3A_2819 : i32 to index
      %get3A_2822 = arith.index_cast %get3A_2820 : i32 to index
      %get3A_2823 = arith.constant 64 : index
      %get3A_2824 = tpu.vector_load %arg6[%get3A_2821, %get3A_2822, %get3A_2823] {strides = array<i32>} : memref<2x4x128xi32, #tpu.memory_space<vmem>>, vector<16xi32>,
      %and3A_2825 = arith.constant 16383 : i32
      %and3A_2826 = vector.broadcast %and3A_2825 : i32 to vector<16xi32>
      %and3A_2827 = arith.andi %get3A_2824, %and3A_2826 : vector<16xi32>
      %sub3A_2828 = arith.subi %get3A_2824, %and3A_2827 : vector<16xi32>
      %and3A_2829 = arith.constant 8191 : i32
      %and3A_2830 = vector.broadcast %and3A_2829 : i32 to vector<16xi32>
      %and3A_2831 = arith.andi %and3A_2827, %and3A_2830 : vector<16xi32>
      %shift_left3A_2832 = arith.constant 1 : i32
      %shift_left3A_2833 = vector.broadcast %shift_left3A_2832 : i32 to vector<16xi32>
      %shift_left3A_2834 = arith.shli %and3A_2831, %shift_left3A_2833 : vector<16xi32>
      %add3A_2835 = arith.addi %sub3A_2828, %shift_left3A_2834 : vector<16xi32>
      %shift_right_arithmetic3A_2836 = arith.constant 13 : i32
      %shift_right_arithmetic3A_2837 = vector.broadcast %shift_right_arithmetic3A_2836 : i32 to vector<16xi32>
      %shift_right_arithmetic3A_2838 = arith.shrsi %and3A_2827, %shift_right_arithmetic3A_2837 : vector<16xi32>
      %add3A_2839 = arith.addi %add3A_2835, %shift_right_arithmetic3A_2838 : vector<16xi32>
      %swap3A_2840 = arith.constant 0 : i32
      %swap3A_2841 = arith.constant 1 : i32
      %swap3A_2842 = arith.index_cast %swap3A_2840 : i32 to index
      %swap3A_2843 = arith.index_cast %swap3A_2841 : i32 to index
      %swap3A_2844 = arith.constant 64 : index
      %swap3A_2845 = tpu.vector_load %arg6[%swap3A_2842, %swap3A_2843, %swap3A_2844] {strides = array<i32>} : memref<2x4x128xi32, #tpu.memory_space<vmem>>, vector<16xi32>,
      tpu.vector_store %arg6[%swap3A_2842, %swap3A_2843, %swap3A_2844], %add3A_2839 {strides = array<i32>} : memref<2x4x128xi32, #tpu.memory_space<vmem>>, vector<16xi32>,
      %get3A_2846 = arith.constant 0 : i32
      %get3A_2847 = arith.constant 1 : i32
      %get3A_2848 = arith.index_cast %get3A_2846 : i32 to index
      %get3A_2849 = arith.index_cast %get3A_2847 : i32 to index
      %get3A_2850 = arith.constant 80 : index
      %get3A_2851 = tpu.vector_load %arg6[%get3A_2848, %get3A_2849, %get3A_2850] {strides = array<i32>} : memref<2x4x128xi32, #tpu.memory_space<vmem>>, vector<16xi32>,
      %and3A_2852 = arith.constant 16383 : i32
      %and3A_2853 = vector.broadcast %and3A_2852 : i32 to vector<16xi32>
      %and3A_2854 = arith.andi %get3A_2851, %and3A_2853 : vector<16xi32>
      %sub3A_2855 = arith.subi %get3A_2851, %and3A_2854 : vector<16xi32>
      %and3A_2856 = arith.constant 8191 : i32
      %and3A_2857 = vector.broadcast %and3A_2856 : i32 to vector<16xi32>
      %and3A_2858 = arith.andi %and3A_2854, %and3A_2857 : vector<16xi32>
      %shift_left3A_2859 = arith.constant 1 : i32
      %shift_left3A_2860 = vector.broadcast %shift_left3A_2859 : i32 to vector<16xi32>
      %shift_left3A_2861 = arith.shli %and3A_2858, %shift_left3A_2860 : vector<16xi32>
      %add3A_2862 = arith.addi %sub3A_2855, %shift_left3A_2861 : vector<16xi32>
      %shift_right_arithmetic3A_2863 = arith.constant 13 : i32
      %shift_right_arithmetic3A_2864 = vector.broadcast %shift_right_arithmetic3A_2863 : i32 to vector<16xi32>
      %shift_right_arithmetic3A_2865 = arith.shrsi %and3A_2854, %shift_right_arithmetic3A_2864 : vector<16xi32>
      %add3A_2866 = arith.addi %add3A_2862, %shift_right_arithmetic3A_2865 : vector<16xi32>
      %swap3A_2867 = arith.constant 0 : i32
      %swap3A_2868 = arith.constant 1 : i32
      %swap3A_2869 = arith.index_cast %swap3A_2867 : i32 to index
      %swap3A_2870 = arith.index_cast %swap3A_2868 : i32 to index
      %swap3A_2871 = arith.constant 80 : index
      %swap3A_2872 = tpu.vector_load %arg6[%swap3A_2869, %swap3A_2870, %swap3A_2871] {strides = array<i32>} : memref<2x4x128xi32, #tpu.memory_space<vmem>>, vector<16xi32>,
      tpu.vector_store %arg6[%swap3A_2869, %swap3A_2870, %swap3A_2871], %add3A_2866 {strides = array<i32>} : memref<2x4x128xi32, #tpu.memory_space<vmem>>, vector<16xi32>,
      %get3A_2873 = arith.constant 0 : i32
      %get3A_2874 = arith.constant 1 : i32
      %get3A_2875 = arith.index_cast %get3A_2873 : i32 to index
      %get3A_2876 = arith.index_cast %get3A_2874 : i32 to index
      %get3A_2877 = arith.constant 96 : index
      %get3A_2878 = tpu.vector_load %arg6[%get3A_2875, %get3A_2876, %get3A_2877] {strides = array<i32>} : memref<2x4x128xi32, #tpu.memory_space<vmem>>, vector<16xi32>,
      %and3A_2879 = arith.constant 16383 : i32
      %and3A_2880 = vector.broadcast %and3A_2879 : i32 to vector<16xi32>
      %and3A_2881 = arith.andi %get3A_2878, %and3A_2880 : vector<16xi32>
      %sub3A_2882 = arith.subi %get3A_2878, %and3A_2881 : vector<16xi32>
      %and3A_2883 = arith.constant 8191 : i32
      %and3A_2884 = vector.broadcast %and3A_2883 : i32 to vector<16xi32>
      %and3A_2885 = arith.andi %and3A_2881, %and3A_2884 : vector<16xi32>
      %shift_left3A_2886 = arith.constant 1 : i32
      %shift_left3A_2887 = vector.broadcast %shift_left3A_2886 : i32 to vector<16xi32>
      %shift_left3A_2888 = arith.shli %and3A_2885, %shift_left3A_2887 : vector<16xi32>
      %add3A_2889 = arith.addi %sub3A_2882, %shift_left3A_2888 : vector<16xi32>
      %shift_right_arithmetic3A_2890 = arith.constant 13 : i32
      %shift_right_arithmetic3A_2891 = vector.broadcast %shift_right_arithmetic3A_2890 : i32 to vector<16xi32>
      %shift_right_arithmetic3A_2892 = arith.shrsi %and3A_2881, %shift_right_arithmetic3A_2891 : vector<16xi32>
      %add3A_2893 = arith.addi %add3A_2889, %shift_right_arithmetic3A_2892 : vector<16xi32>
      %swap3A_2894 = arith.constant 0 : i32
      %swap3A_2895 = arith.constant 1 : i32
      %swap3A_2896 = arith.index_cast %swap3A_2894 : i32 to index
      %swap3A_2897 = arith.index_cast %swap3A_2895 : i32 to index
      %swap3A_2898 = arith.constant 96 : index
      %swap3A_2899 = tpu.vector_load %arg6[%swap3A_2896, %swap3A_2897, %swap3A_2898] {strides = array<i32>} : memref<2x4x128xi32, #tpu.memory_space<vmem>>, vector<16xi32>,
      tpu.vector_store %arg6[%swap3A_2896, %swap3A_2897, %swap3A_2898], %add3A_2893 {strides = array<i32>} : memref<2x4x128xi32, #tpu.memory_space<vmem>>, vector<16xi32>,
      %get3A_2900 = arith.constant 0 : i32
      %get3A_2901 = arith.constant 1 : i32
      %get3A_2902 = arith.index_cast %get3A_2900 : i32 to index
      %get3A_2903 = arith.index_cast %get3A_2901 : i32 to index
      %get3A_2904 = arith.constant 112 : index
      %get3A_2905 = tpu.vector_load %arg6[%get3A_2902, %get3A_2903, %get3A_2904] {strides = array<i32>} : memref<2x4x128xi32, #tpu.memory_space<vmem>>, vector<16xi32>,
      %and3A_2906 = arith.constant 16383 : i32
      %and3A_2907 = vector.broadcast %and3A_2906 : i32 to vector<16xi32>
      %and3A_2908 = arith.andi %get3A_2905, %and3A_2907 : vector<16xi32>
      %sub3A_2909 = arith.subi %get3A_2905, %and3A_2908 : vector<16xi32>
      %and3A_2910 = arith.constant 8191 : i32
      %and3A_2911 = vector.broadcast %and3A_2910 : i32 to vector<16xi32>
      %and3A_2912 = arith.andi %and3A_2908, %and3A_2911 : vector<16xi32>
      %shift_left3A_2913 = arith.constant 1 : i32
      %shift_left3A_2914 = vector.broadcast %shift_left3A_2913 : i32 to vector<16xi32>
      %shift_left3A_2915 = arith.shli %and3A_2912, %shift_left3A_2914 : vector<16xi32>
      %add3A_2916 = arith.addi %sub3A_2909, %shift_left3A_2915 : vector<16xi32>
      %shift_right_arithmetic3A_2917 = arith.constant 13 : i32
      %shift_right_arithmetic3A_2918 = vector.broadcast %shift_right_arithmetic3A_2917 : i32 to vector<16xi32>
      %shift_right_arithmetic3A_2919 = arith.shrsi %and3A_2908, %shift_right_arithmetic3A_2918 : vector<16xi32>
      %add3A_2920 = arith.addi %add3A_2916, %shift_right_arithmetic3A_2919 : vector<16xi32>
      %swap3A_2921 = arith.constant 0 : i32
      %swap3A_2922 = arith.constant 1 : i32
      %swap3A_2923 = arith.index_cast %swap3A_2921 : i32 to index
      %swap3A_2924 = arith.index_cast %swap3A_2922 : i32 to index
      %swap3A_2925 = arith.constant 112 : index
      %swap3A_2926 = tpu.vector_load %arg6[%swap3A_2923, %swap3A_2924, %swap3A_2925] {strides = array<i32>} : memref<2x4x128xi32, #tpu.memory_space<vmem>>, vector<16xi32>,
      tpu.vector_store %arg6[%swap3A_2923, %swap3A_2924, %swap3A_2925], %add3A_2920 {strides = array<i32>} : memref<2x4x128xi32, #tpu.memory_space<vmem>>, vector<16xi32>,
      %get3A_2927 = arith.constant 0 : i32
      %get3A_2928 = arith.constant 2 : i32
      %get3A_2929 = arith.index_cast %get3A_2927 : i32 to index
      %get3A_2930 = arith.index_cast %get3A_2928 : i32 to index
      %get3A_2931 = arith.constant 0 : index
      %get3A_2932 = tpu.vector_load %arg6[%get3A_2929, %get3A_2930, %get3A_2931] {strides = array<i32>} : memref<2x4x128xi32, #tpu.memory_space<vmem>>, vector<16xi32>,
      %and3A_2933 = arith.constant 16383 : i32
      %and3A_2934 = vector.broadcast %and3A_2933 : i32 to vector<16xi32>
      %and3A_2935 = arith.andi %get3A_2932, %and3A_2934 : vector<16xi32>
      %sub3A_2936 = arith.subi %get3A_2932, %and3A_2935 : vector<16xi32>
      %and3A_2937 = arith.constant 8191 : i32
      %and3A_2938 = vector.broadcast %and3A_2937 : i32 to vector<16xi32>
      %and3A_2939 = arith.andi %and3A_2935, %and3A_2938 : vector<16xi32>
      %shift_left3A_2940 = arith.constant 1 : i32
      %shift_left3A_2941 = vector.broadcast %shift_left3A_2940 : i32 to vector<16xi32>
      %shift_left3A_2942 = arith.shli %and3A_2939, %shift_left3A_2941 : vector<16xi32>
      %add3A_2943 = arith.addi %sub3A_2936, %shift_left3A_2942 : vector<16xi32>
      %shift_right_arithmetic3A_2944 = arith.constant 13 : i32
      %shift_right_arithmetic3A_2945 = vector.broadcast %shift_right_arithmetic3A_2944 : i32 to vector<16xi32>
      %shift_right_arithmetic3A_2946 = arith.shrsi %and3A_2935, %shift_right_arithmetic3A_2945 : vector<16xi32>
      %add3A_2947 = arith.addi %add3A_2943, %shift_right_arithmetic3A_2946 : vector<16xi32>
      %swap3A_2948 = arith.constant 0 : i32
      %swap3A_2949 = arith.constant 2 : i32
      %swap3A_2950 = arith.index_cast %swap3A_2948 : i32 to index
      %swap3A_2951 = arith.index_cast %swap3A_2949 : i32 to index
      %swap3A_2952 = arith.constant 0 : index
      %swap3A_2953 = tpu.vector_load %arg6[%swap3A_2950, %swap3A_2951, %swap3A_2952] {strides = array<i32>} : memref<2x4x128xi32, #tpu.memory_space<vmem>>, vector<16xi32>,
      tpu.vector_store %arg6[%swap3A_2950, %swap3A_2951, %swap3A_2952], %add3A_2947 {strides = array<i32>} : memref<2x4x128xi32, #tpu.memory_space<vmem>>, vector<16xi32>,
      %get3A_2954 = arith.constant 0 : i32
      %get3A_2955 = arith.constant 2 : i32
      %get3A_2956 = arith.index_cast %get3A_2954 : i32 to index
      %get3A_2957 = arith.index_cast %get3A_2955 : i32 to index
      %get3A_2958 = arith.constant 16 : index
      %get3A_2959 = tpu.vector_load %arg6[%get3A_2956, %get3A_2957, %get3A_2958] {strides = array<i32>} : memref<2x4x128xi32, #tpu.memory_space<vmem>>, vector<16xi32>,
      %and3A_2960 = arith.constant 16383 : i32
      %and3A_2961 = vector.broadcast %and3A_2960 : i32 to vector<16xi32>
      %and3A_2962 = arith.andi %get3A_2959, %and3A_2961 : vector<16xi32>
      %sub3A_2963 = arith.subi %get3A_2959, %and3A_2962 : vector<16xi32>
      %and3A_2964 = arith.constant 8191 : i32
      %and3A_2965 = vector.broadcast %and3A_2964 : i32 to vector<16xi32>
      %and3A_2966 = arith.andi %and3A_2962, %and3A_2965 : vector<16xi32>
      %shift_left3A_2967 = arith.constant 1 : i32
      %shift_left3A_2968 = vector.broadcast %shift_left3A_2967 : i32 to vector<16xi32>
      %shift_left3A_2969 = arith.shli %and3A_2966, %shift_left3A_2968 : vector<16xi32>
      %add3A_2970 = arith.addi %sub3A_2963, %shift_left3A_2969 : vector<16xi32>
      %shift_right_arithmetic3A_2971 = arith.constant 13 : i32
      %shift_right_arithmetic3A_2972 = vector.broadcast %shift_right_arithmetic3A_2971 : i32 to vector<16xi32>
      %shift_right_arithmetic3A_2973 = arith.shrsi %and3A_2962, %shift_right_arithmetic3A_2972 : vector<16xi32>
      %add3A_2974 = arith.addi %add3A_2970, %shift_right_arithmetic3A_2973 : vector<16xi32>
      %swap3A_2975 = arith.constant 0 : i32
      %swap3A_2976 = arith.constant 2 : i32
      %swap3A_2977 = arith.index_cast %swap3A_2975 : i32 to index
      %swap3A_2978 = arith.index_cast %swap3A_2976 : i32 to index
      %swap3A_2979 = arith.constant 16 : index
      %swap3A_2980 = tpu.vector_load %arg6[%swap3A_2977, %swap3A_2978, %swap3A_2979] {strides = array<i32>} : memref<2x4x128xi32, #tpu.memory_space<vmem>>, vector<16xi32>,
      tpu.vector_store %arg6[%swap3A_2977, %swap3A_2978, %swap3A_2979], %add3A_2974 {strides = array<i32>} : memref<2x4x128xi32, #tpu.memory_space<vmem>>, vector<16xi32>,
      %get3A_2981 = arith.constant 0 : i32
      %get3A_2982 = arith.constant 2 : i32
      %get3A_2983 = arith.index_cast %get3A_2981 : i32 to index
      %get3A_2984 = arith.index_cast %get3A_2982 : i32 to index
      %get3A_2985 = arith.constant 32 : index
      %get3A_2986 = tpu.vector_load %arg6[%get3A_2983, %get3A_2984, %get3A_2985] {strides = array<i32>} : memref<2x4x128xi32, #tpu.memory_space<vmem>>, vector<16xi32>,
      %and3A_2987 = arith.constant 16383 : i32
      %and3A_2988 = vector.broadcast %and3A_2987 : i32 to vector<16xi32>
      %and3A_2989 = arith.andi %get3A_2986, %and3A_2988 : vector<16xi32>
      %sub3A_2990 = arith.subi %get3A_2986, %and3A_2989 : vector<16xi32>
      %and3A_2991 = arith.constant 8191 : i32
      %and3A_2992 = vector.broadcast %and3A_2991 : i32 to vector<16xi32>
      %and3A_2993 = arith.andi %and3A_2989, %and3A_2992 : vector<16xi32>
      %shift_left3A_2994 = arith.constant 1 : i32
      %shift_left3A_2995 = vector.broadcast %shift_left3A_2994 : i32 to vector<16xi32>
      %shift_left3A_2996 = arith.shli %and3A_2993, %shift_left3A_2995 : vector<16xi32>
      %add3A_2997 = arith.addi %sub3A_2990, %shift_left3A_2996 : vector<16xi32>
      %shift_right_arithmetic3A_2998 = arith.constant 13 : i32
      %shift_right_arithmetic3A_2999 = vector.broadcast %shift_right_arithmetic3A_2998 : i32 to vector<16xi32>
      %shift_right_arithmetic3A_3000 = arith.shrsi %and3A_2989, %shift_right_arithmetic3A_2999 : vector<16xi32>
      %add3A_3001 = arith.addi %add3A_2997, %shift_right_arithmetic3A_3000 : vector<16xi32>
      %swap3A_3002 = arith.constant 0 : i32
      %swap3A_3003 = arith.constant 2 : i32
      %swap3A_3004 = arith.index_cast %swap3A_3002 : i32 to index
      %swap3A_3005 = arith.index_cast %swap3A_3003 : i32 to index
      %swap3A_3006 = arith.constant 32 : index
      %swap3A_3007 = tpu.vector_load %arg6[%swap3A_3004, %swap3A_3005, %swap3A_3006] {strides = array<i32>} : memref<2x4x128xi32, #tpu.memory_space<vmem>>, vector<16xi32>,
      tpu.vector_store %arg6[%swap3A_3004, %swap3A_3005, %swap3A_3006], %add3A_3001 {strides = array<i32>} : memref<2x4x128xi32, #tpu.memory_space<vmem>>, vector<16xi32>,
      %get3A_3008 = arith.constant 0 : i32
      %get3A_3009 = arith.constant 2 : i32
      %get3A_3010 = arith.index_cast %get3A_3008 : i32 to index
      %get3A_3011 = arith.index_cast %get3A_3009 : i32 to index
      %get3A_3012 = arith.constant 48 : index
      %get3A_3013 = tpu.vector_load %arg6[%get3A_3010, %get3A_3011, %get3A_3012] {strides = array<i32>} : memref<2x4x128xi32, #tpu.memory_space<vmem>>, vector<16xi32>,
      %and3A_3014 = arith.constant 16383 : i32
      %and3A_3015 = vector.broadcast %and3A_3014 : i32 to vector<16xi32>
      %and3A_3016 = arith.andi %get3A_3013, %and3A_3015 : vector<16xi32>
      %sub3A_3017 = arith.subi %get3A_3013, %and3A_3016 : vector<16xi32>
      %and3A_3018 = arith.constant 8191 : i32
      %and3A_3019 = vector.broadcast %and3A_3018 : i32 to vector<16xi32>
      %and3A_3020 = arith.andi %and3A_3016, %and3A_3019 : vector<16xi32>
      %shift_left3A_3021 = arith.constant 1 : i32
      %shift_left3A_3022 = vector.broadcast %shift_left3A_3021 : i32 to vector<16xi32>
      %shift_left3A_3023 = arith.shli %and3A_3020, %shift_left3A_3022 : vector<16xi32>
      %add3A_3024 = arith.addi %sub3A_3017, %shift_left3A_3023 : vector<16xi32>
      %shift_right_arithmetic3A_3025 = arith.constant 13 : i32
      %shift_right_arithmetic3A_3026 = vector.broadcast %shift_right_arithmetic3A_3025 : i32 to vector<16xi32>
      %shift_right_arithmetic3A_3027 = arith.shrsi %and3A_3016, %shift_right_arithmetic3A_3026 : vector<16xi32>
      %add3A_3028 = arith.addi %add3A_3024, %shift_right_arithmetic3A_3027 : vector<16xi32>
      %swap3A_3029 = arith.constant 0 : i32
      %swap3A_3030 = arith.constant 2 : i32
      %swap3A_3031 = arith.index_cast %swap3A_3029 : i32 to index
      %swap3A_3032 = arith.index_cast %swap3A_3030 : i32 to index
      %swap3A_3033 = arith.constant 48 : index
      %swap3A_3034 = tpu.vector_load %arg6[%swap3A_3031, %swap3A_3032, %swap3A_3033] {strides = array<i32>} : memref<2x4x128xi32, #tpu.memory_space<vmem>>, vector<16xi32>,
      tpu.vector_store %arg6[%swap3A_3031, %swap3A_3032, %swap3A_3033], %add3A_3028 {strides = array<i32>} : memref<2x4x128xi32, #tpu.memory_space<vmem>>, vector<16xi32>,
      %get3A_3035 = arith.constant 0 : i32
      %get3A_3036 = arith.constant 2 : i32
      %get3A_3037 = arith.index_cast %get3A_3035 : i32 to index
      %get3A_3038 = arith.index_cast %get3A_3036 : i32 to index
      %get3A_3039 = arith.constant 64 : index
      %get3A_3040 = tpu.vector_load %arg6[%get3A_3037, %get3A_3038, %get3A_3039] {strides = array<i32>} : memref<2x4x128xi32, #tpu.memory_space<vmem>>, vector<16xi32>,
      %and3A_3041 = arith.constant 16383 : i32
      %and3A_3042 = vector.broadcast %and3A_3041 : i32 to vector<16xi32>
      %and3A_3043 = arith.andi %get3A_3040, %and3A_3042 : vector<16xi32>
      %sub3A_3044 = arith.subi %get3A_3040, %and3A_3043 : vector<16xi32>
      %and3A_3045 = arith.constant 8191 : i32
      %and3A_3046 = vector.broadcast %and3A_3045 : i32 to vector<16xi32>
      %and3A_3047 = arith.andi %and3A_3043, %and3A_3046 : vector<16xi32>
      %shift_left3A_3048 = arith.constant 1 : i32
      %shift_left3A_3049 = vector.broadcast %shift_left3A_3048 : i32 to vector<16xi32>
      %shift_left3A_3050 = arith.shli %and3A_3047, %shift_left3A_3049 : vector<16xi32>
      %add3A_3051 = arith.addi %sub3A_3044, %shift_left3A_3050 : vector<16xi32>
      %shift_right_arithmetic3A_3052 = arith.constant 13 : i32
      %shift_right_arithmetic3A_3053 = vector.broadcast %shift_right_arithmetic3A_3052 : i32 to vector<16xi32>
      %shift_right_arithmetic3A_3054 = arith.shrsi %and3A_3043, %shift_right_arithmetic3A_3053 : vector<16xi32>
      %add3A_3055 = arith.addi %add3A_3051, %shift_right_arithmetic3A_3054 : vector<16xi32>
      %swap3A_3056 = arith.constant 0 : i32
      %swap3A_3057 = arith.constant 2 : i32
      %swap3A_3058 = arith.index_cast %swap3A_3056 : i32 to index
      %swap3A_3059 = arith.index_cast %swap3A_3057 : i32 to index
      %swap3A_3060 = arith.constant 64 : index
      %swap3A_3061 = tpu.vector_load %arg6[%swap3A_3058, %swap3A_3059, %swap3A_3060] {strides = array<i32>} : memref<2x4x128xi32, #tpu.memory_space<vmem>>, vector<16xi32>,
      tpu.vector_store %arg6[%swap3A_3058, %swap3A_3059, %swap3A_3060], %add3A_3055 {strides = array<i32>} : memref<2x4x128xi32, #tpu.memory_space<vmem>>, vector<16xi32>,
      %get3A_3062 = arith.constant 0 : i32
      %get3A_3063 = arith.constant 2 : i32
      %get3A_3064 = arith.index_cast %get3A_3062 : i32 to index
      %get3A_3065 = arith.index_cast %get3A_3063 : i32 to index
      %get3A_3066 = arith.constant 80 : index
      %get3A_3067 = tpu.vector_load %arg6[%get3A_3064, %get3A_3065, %get3A_3066] {strides = array<i32>} : memref<2x4x128xi32, #tpu.memory_space<vmem>>, vector<16xi32>,
      %and3A_3068 = arith.constant 16383 : i32
      %and3A_3069 = vector.broadcast %and3A_3068 : i32 to vector<16xi32>
      %and3A_3070 = arith.andi %get3A_3067, %and3A_3069 : vector<16xi32>
      %sub3A_3071 = arith.subi %get3A_3067, %and3A_3070 : vector<16xi32>
      %and3A_3072 = arith.constant 8191 : i32
      %and3A_3073 = vector.broadcast %and3A_3072 : i32 to vector<16xi32>
      %and3A_3074 = arith.andi %and3A_3070, %and3A_3073 : vector<16xi32>
      %shift_left3A_3075 = arith.constant 1 : i32
      %shift_left3A_3076 = vector.broadcast %shift_left3A_3075 : i32 to vector<16xi32>
      %shift_left3A_3077 = arith.shli %and3A_3074, %shift_left3A_3076 : vector<16xi32>
      %add3A_3078 = arith.addi %sub3A_3071, %shift_left3A_3077 : vector<16xi32>
      %shift_right_arithmetic3A_3079 = arith.constant 13 : i32
      %shift_right_arithmetic3A_3080 = vector.broadcast %shift_right_arithmetic3A_3079 : i32 to vector<16xi32>
      %shift_right_arithmetic3A_3081 = arith.shrsi %and3A_3070, %shift_right_arithmetic3A_3080 : vector<16xi32>
      %add3A_3082 = arith.addi %add3A_3078, %shift_right_arithmetic3A_3081 : vector<16xi32>
      %swap3A_3083 = arith.constant 0 : i32
      %swap3A_3084 = arith.constant 2 : i32
      %swap3A_3085 = arith.index_cast %swap3A_3083 : i32 to index
      %swap3A_3086 = arith.index_cast %swap3A_3084 : i32 to index
      %swap3A_3087 = arith.constant 80 : index
      %swap3A_3088 = tpu.vector_load %arg6[%swap3A_3085, %swap3A_3086, %swap3A_3087] {strides = array<i32>} : memref<2x4x128xi32, #tpu.memory_space<vmem>>, vector<16xi32>,
      tpu.vector_store %arg6[%swap3A_3085, %swap3A_3086, %swap3A_3087], %add3A_3082 {strides = array<i32>} : memref<2x4x128xi32, #tpu.memory_space<vmem>>, vector<16xi32>,
      %get3A_3089 = arith.constant 0 : i32
      %get3A_3090 = arith.constant 2 : i32
      %get3A_3091 = arith.index_cast %get3A_3089 : i32 to index
      %get3A_3092 = arith.index_cast %get3A_3090 : i32 to index
      %get3A_3093 = arith.constant 96 : index
      %get3A_3094 = tpu.vector_load %arg6[%get3A_3091, %get3A_3092, %get3A_3093] {strides = array<i32>} : memref<2x4x128xi32, #tpu.memory_space<vmem>>, vector<16xi32>,
      %and3A_3095 = arith.constant 16383 : i32
      %and3A_3096 = vector.broadcast %and3A_3095 : i32 to vector<16xi32>
      %and3A_3097 = arith.andi %get3A_3094, %and3A_3096 : vector<16xi32>
      %sub3A_3098 = arith.subi %get3A_3094, %and3A_3097 : vector<16xi32>
      %and3A_3099 = arith.constant 8191 : i32
      %and3A_3100 = vector.broadcast %and3A_3099 : i32 to vector<16xi32>
      %and3A_3101 = arith.andi %and3A_3097, %and3A_3100 : vector<16xi32>
      %shift_left3A_3102 = arith.constant 1 : i32
      %shift_left3A_3103 = vector.broadcast %shift_left3A_3102 : i32 to vector<16xi32>
      %shift_left3A_3104 = arith.shli %and3A_3101, %shift_left3A_3103 : vector<16xi32>
      %add3A_3105 = arith.addi %sub3A_3098, %shift_left3A_3104 : vector<16xi32>
      %shift_right_arithmetic3A_3106 = arith.constant 13 : i32
      %shift_right_arithmetic3A_3107 = vector.broadcast %shift_right_arithmetic3A_3106 : i32 to vector<16xi32>
      %shift_right_arithmetic3A_3108 = arith.shrsi %and3A_3097, %shift_right_arithmetic3A_3107 : vector<16xi32>
      %add3A_3109 = arith.addi %add3A_3105, %shift_right_arithmetic3A_3108 : vector<16xi32>
      %swap3A_3110 = arith.constant 0 : i32
      %swap3A_3111 = arith.constant 2 : i32
      %swap3A_3112 = arith.index_cast %swap3A_3110 : i32 to index
      %swap3A_3113 = arith.index_cast %swap3A_3111 : i32 to index
      %swap3A_3114 = arith.constant 96 : index
      %swap3A_3115 = tpu.vector_load %arg6[%swap3A_3112, %swap3A_3113, %swap3A_3114] {strides = array<i32>} : memref<2x4x128xi32, #tpu.memory_space<vmem>>, vector<16xi32>,
      tpu.vector_store %arg6[%swap3A_3112, %swap3A_3113, %swap3A_3114], %add3A_3109 {strides = array<i32>} : memref<2x4x128xi32, #tpu.memory_space<vmem>>, vector<16xi32>,
      %get3A_3116 = arith.constant 0 : i32
      %get3A_3117 = arith.constant 2 : i32
      %get3A_3118 = arith.index_cast %get3A_3116 : i32 to index
      %get3A_3119 = arith.index_cast %get3A_3117 : i32 to index
      %get3A_3120 = arith.constant 112 : index
      %get3A_3121 = tpu.vector_load %arg6[%get3A_3118, %get3A_3119, %get3A_3120] {strides = array<i32>} : memref<2x4x128xi32, #tpu.memory_space<vmem>>, vector<16xi32>,
      %and3A_3122 = arith.constant 16383 : i32
      %and3A_3123 = vector.broadcast %and3A_3122 : i32 to vector<16xi32>
      %and3A_3124 = arith.andi %get3A_3121, %and3A_3123 : vector<16xi32>
      %sub3A_3125 = arith.subi %get3A_3121, %and3A_3124 : vector<16xi32>
      %and3A_3126 = arith.constant 8191 : i32
      %and3A_3127 = vector.broadcast %and3A_3126 : i32 to vector<16xi32>
      %and3A_3128 = arith.andi %and3A_3124, %and3A_3127 : vector<16xi32>
      %shift_left3A_3129 = arith.constant 1 : i32
      %shift_left3A_3130 = vector.broadcast %shift_left3A_3129 : i32 to vector<16xi32>
      %shift_left3A_3131 = arith.shli %and3A_3128, %shift_left3A_3130 : vector<16xi32>
      %add3A_3132 = arith.addi %sub3A_3125, %shift_left3A_3131 : vector<16xi32>
      %shift_right_arithmetic3A_3133 = arith.constant 13 : i32
      %shift_right_arithmetic3A_3134 = vector.broadcast %shift_right_arithmetic3A_3133 : i32 to vector<16xi32>
      %shift_right_arithmetic3A_3135 = arith.shrsi %and3A_3124, %shift_right_arithmetic3A_3134 : vector<16xi32>
      %add3A_3136 = arith.addi %add3A_3132, %shift_right_arithmetic3A_3135 : vector<16xi32>
      %swap3A_3137 = arith.constant 0 : i32
      %swap3A_3138 = arith.constant 2 : i32
      %swap3A_3139 = arith.index_cast %swap3A_3137 : i32 to index
      %swap3A_3140 = arith.index_cast %swap3A_3138 : i32 to index
      %swap3A_3141 = arith.constant 112 : index
      %swap3A_3142 = tpu.vector_load %arg6[%swap3A_3139, %swap3A_3140, %swap3A_3141] {strides = array<i32>} : memref<2x4x128xi32, #tpu.memory_space<vmem>>, vector<16xi32>,
      tpu.vector_store %arg6[%swap3A_3139, %swap3A_3140, %swap3A_3141], %add3A_3136 {strides = array<i32>} : memref<2x4x128xi32, #tpu.memory_space<vmem>>, vector<16xi32>,
      %get3A_3143 = arith.constant 0 : i32
      %get3A_3144 = arith.constant 3 : i32
      %get3A_3145 = arith.index_cast %get3A_3143 : i32 to index
      %get3A_3146 = arith.index_cast %get3A_3144 : i32 to index
      %get3A_3147 = arith.constant 0 : index
      %get3A_3148 = tpu.vector_load %arg6[%get3A_3145, %get3A_3146, %get3A_3147] {strides = array<i32>} : memref<2x4x128xi32, #tpu.memory_space<vmem>>, vector<16xi32>,
      %and3A_3149 = arith.constant 16383 : i32
      %and3A_3150 = vector.broadcast %and3A_3149 : i32 to vector<16xi32>
      %and3A_3151 = arith.andi %get3A_3148, %and3A_3150 : vector<16xi32>
      %sub3A_3152 = arith.subi %get3A_3148, %and3A_3151 : vector<16xi32>
      %and3A_3153 = arith.constant 8191 : i32
      %and3A_3154 = vector.broadcast %and3A_3153 : i32 to vector<16xi32>
      %and3A_3155 = arith.andi %and3A_3151, %and3A_3154 : vector<16xi32>
      %shift_left3A_3156 = arith.constant 1 : i32
      %shift_left3A_3157 = vector.broadcast %shift_left3A_3156 : i32 to vector<16xi32>
      %shift_left3A_3158 = arith.shli %and3A_3155, %shift_left3A_3157 : vector<16xi32>
      %add3A_3159 = arith.addi %sub3A_3152, %shift_left3A_3158 : vector<16xi32>
      %shift_right_arithmetic3A_3160 = arith.constant 13 : i32
      %shift_right_arithmetic3A_3161 = vector.broadcast %shift_right_arithmetic3A_3160 : i32 to vector<16xi32>
      %shift_right_arithmetic3A_3162 = arith.shrsi %and3A_3151, %shift_right_arithmetic3A_3161 : vector<16xi32>
      %add3A_3163 = arith.addi %add3A_3159, %shift_right_arithmetic3A_3162 : vector<16xi32>
      %swap3A_3164 = arith.constant 0 : i32
      %swap3A_3165 = arith.constant 3 : i32
      %swap3A_3166 = arith.index_cast %swap3A_3164 : i32 to index
      %swap3A_3167 = arith.index_cast %swap3A_3165 : i32 to index
      %swap3A_3168 = arith.constant 0 : index
      %swap3A_3169 = tpu.vector_load %arg6[%swap3A_3166, %swap3A_3167, %swap3A_3168] {strides = array<i32>} : memref<2x4x128xi32, #tpu.memory_space<vmem>>, vector<16xi32>,
      tpu.vector_store %arg6[%swap3A_3166, %swap3A_3167, %swap3A_3168], %add3A_3163 {strides = array<i32>} : memref<2x4x128xi32, #tpu.memory_space<vmem>>, vector<16xi32>,
      %get3A_3170 = arith.constant 0 : i32
      %get3A_3171 = arith.constant 3 : i32
      %get3A_3172 = arith.index_cast %get3A_3170 : i32 to index
      %get3A_3173 = arith.index_cast %get3A_3171 : i32 to index
      %get3A_3174 = arith.constant 16 : index
      %get3A_3175 = tpu.vector_load %arg6[%get3A_3172, %get3A_3173, %get3A_3174] {strides = array<i32>} : memref<2x4x128xi32, #tpu.memory_space<vmem>>, vector<16xi32>,
      %and3A_3176 = arith.constant 16383 : i32
      %and3A_3177 = vector.broadcast %and3A_3176 : i32 to vector<16xi32>
      %and3A_3178 = arith.andi %get3A_3175, %and3A_3177 : vector<16xi32>
      %sub3A_3179 = arith.subi %get3A_3175, %and3A_3178 : vector<16xi32>
      %and3A_3180 = arith.constant 8191 : i32
      %and3A_3181 = vector.broadcast %and3A_3180 : i32 to vector<16xi32>
      %and3A_3182 = arith.andi %and3A_3178, %and3A_3181 : vector<16xi32>
      %shift_left3A_3183 = arith.constant 1 : i32
      %shift_left3A_3184 = vector.broadcast %shift_left3A_3183 : i32 to vector<16xi32>
      %shift_left3A_3185 = arith.shli %and3A_3182, %shift_left3A_3184 : vector<16xi32>
      %add3A_3186 = arith.addi %sub3A_3179, %shift_left3A_3185 : vector<16xi32>
      %shift_right_arithmetic3A_3187 = arith.constant 13 : i32
      %shift_right_arithmetic3A_3188 = vector.broadcast %shift_right_arithmetic3A_3187 : i32 to vector<16xi32>
      %shift_right_arithmetic3A_3189 = arith.shrsi %and3A_3178, %shift_right_arithmetic3A_3188 : vector<16xi32>
      %add3A_3190 = arith.addi %add3A_3186, %shift_right_arithmetic3A_3189 : vector<16xi32>
      %swap3A_3191 = arith.constant 0 : i32
      %swap3A_3192 = arith.constant 3 : i32
      %swap3A_3193 = arith.index_cast %swap3A_3191 : i32 to index
      %swap3A_3194 = arith.index_cast %swap3A_3192 : i32 to index
      %swap3A_3195 = arith.constant 16 : index
      %swap3A_3196 = tpu.vector_load %arg6[%swap3A_3193, %swap3A_3194, %swap3A_3195] {strides = array<i32>} : memref<2x4x128xi32, #tpu.memory_space<vmem>>, vector<16xi32>,
      tpu.vector_store %arg6[%swap3A_3193, %swap3A_3194, %swap3A_3195], %add3A_3190 {strides = array<i32>} : memref<2x4x128xi32, #tpu.memory_space<vmem>>, vector<16xi32>,
      %get3A_3197 = arith.constant 0 : i32
      %get3A_3198 = arith.constant 3 : i32
      %get3A_3199 = arith.index_cast %get3A_3197 : i32 to index
      %get3A_3200 = arith.index_cast %get3A_3198 : i32 to index
      %get3A_3201 = arith.constant 32 : index
      %get3A_3202 = tpu.vector_load %arg6[%get3A_3199, %get3A_3200, %get3A_3201] {strides = array<i32>} : memref<2x4x128xi32, #tpu.memory_space<vmem>>, vector<16xi32>,
      %and3A_3203 = arith.constant 16383 : i32
      %and3A_3204 = vector.broadcast %and3A_3203 : i32 to vector<16xi32>
      %and3A_3205 = arith.andi %get3A_3202, %and3A_3204 : vector<16xi32>
      %sub3A_3206 = arith.subi %get3A_3202, %and3A_3205 : vector<16xi32>
      %and3A_3207 = arith.constant 8191 : i32
      %and3A_3208 = vector.broadcast %and3A_3207 : i32 to vector<16xi32>
      %and3A_3209 = arith.andi %and3A_3205, %and3A_3208 : vector<16xi32>
      %shift_left3A_3210 = arith.constant 1 : i32
      %shift_left3A_3211 = vector.broadcast %shift_left3A_3210 : i32 to vector<16xi32>
      %shift_left3A_3212 = arith.shli %and3A_3209, %shift_left3A_3211 : vector<16xi32>
      %add3A_3213 = arith.addi %sub3A_3206, %shift_left3A_3212 : vector<16xi32>
      %shift_right_arithmetic3A_3214 = arith.constant 13 : i32
      %shift_right_arithmetic3A_3215 = vector.broadcast %shift_right_arithmetic3A_3214 : i32 to vector<16xi32>
      %shift_right_arithmetic3A_3216 = arith.shrsi %and3A_3205, %shift_right_arithmetic3A_3215 : vector<16xi32>
      %add3A_3217 = arith.addi %add3A_3213, %shift_right_arithmetic3A_3216 : vector<16xi32>
      %swap3A_3218 = arith.constant 0 : i32
      %swap3A_3219 = arith.constant 3 : i32
      %swap3A_3220 = arith.index_cast %swap3A_3218 : i32 to index
      %swap3A_3221 = arith.index_cast %swap3A_3219 : i32 to index
      %swap3A_3222 = arith.constant 32 : index
      %swap3A_3223 = tpu.vector_load %arg6[%swap3A_3220, %swap3A_3221, %swap3A_3222] {strides = array<i32>} : memref<2x4x128xi32, #tpu.memory_space<vmem>>, vector<16xi32>,
      tpu.vector_store %arg6[%swap3A_3220, %swap3A_3221, %swap3A_3222], %add3A_3217 {strides = array<i32>} : memref<2x4x128xi32, #tpu.memory_space<vmem>>, vector<16xi32>,
      %get3A_3224 = arith.constant 0 : i32
      %get3A_3225 = arith.constant 3 : i32
      %get3A_3226 = arith.index_cast %get3A_3224 : i32 to index
      %get3A_3227 = arith.index_cast %get3A_3225 : i32 to index
      %get3A_3228 = arith.constant 48 : index
      %get3A_3229 = tpu.vector_load %arg6[%get3A_3226, %get3A_3227, %get3A_3228] {strides = array<i32>} : memref<2x4x128xi32, #tpu.memory_space<vmem>>, vector<16xi32>,
      %and3A_3230 = arith.constant 16383 : i32
      %and3A_3231 = vector.broadcast %and3A_3230 : i32 to vector<16xi32>
      %and3A_3232 = arith.andi %get3A_3229, %and3A_3231 : vector<16xi32>
      %sub3A_3233 = arith.subi %get3A_3229, %and3A_3232 : vector<16xi32>
      %and3A_3234 = arith.constant 8191 : i32
      %and3A_3235 = vector.broadcast %and3A_3234 : i32 to vector<16xi32>
      %and3A_3236 = arith.andi %and3A_3232, %and3A_3235 : vector<16xi32>
      %shift_left3A_3237 = arith.constant 1 : i32
      %shift_left3A_3238 = vector.broadcast %shift_left3A_3237 : i32 to vector<16xi32>
      %shift_left3A_3239 = arith.shli %and3A_3236, %shift_left3A_3238 : vector<16xi32>
      %add3A_3240 = arith.addi %sub3A_3233, %shift_left3A_3239 : vector<16xi32>
      %shift_right_arithmetic3A_3241 = arith.constant 13 : i32
      %shift_right_arithmetic3A_3242 = vector.broadcast %shift_right_arithmetic3A_3241 : i32 to vector<16xi32>
      %shift_right_arithmetic3A_3243 = arith.shrsi %and3A_3232, %shift_right_arithmetic3A_3242 : vector<16xi32>
      %add3A_3244 = arith.addi %add3A_3240, %shift_right_arithmetic3A_3243 : vector<16xi32>
      %swap3A_3245 = arith.constant 0 : i32
      %swap3A_3246 = arith.constant 3 : i32
      %swap3A_3247 = arith.index_cast %swap3A_3245 : i32 to index
      %swap3A_3248 = arith.index_cast %swap3A_3246 : i32 to index
      %swap3A_3249 = arith.constant 48 : index
      %swap3A_3250 = tpu.vector_load %arg6[%swap3A_3247, %swap3A_3248, %swap3A_3249] {strides = array<i32>} : memref<2x4x128xi32, #tpu.memory_space<vmem>>, vector<16xi32>,
      tpu.vector_store %arg6[%swap3A_3247, %swap3A_3248, %swap3A_3249], %add3A_3244 {strides = array<i32>} : memref<2x4x128xi32, #tpu.memory_space<vmem>>, vector<16xi32>,
      %get3A_3251 = arith.constant 0 : i32
      %get3A_3252 = arith.constant 3 : i32
      %get3A_3253 = arith.index_cast %get3A_3251 : i32 to index
      %get3A_3254 = arith.index_cast %get3A_3252 : i32 to index
      %get3A_3255 = arith.constant 64 : index
      %get3A_3256 = tpu.vector_load %arg6[%get3A_3253, %get3A_3254, %get3A_3255] {strides = array<i32>} : memref<2x4x128xi32, #tpu.memory_space<vmem>>, vector<16xi32>,
      %and3A_3257 = arith.constant 16383 : i32
      %and3A_3258 = vector.broadcast %and3A_3257 : i32 to vector<16xi32>
      %and3A_3259 = arith.andi %get3A_3256, %and3A_3258 : vector<16xi32>
      %sub3A_3260 = arith.subi %get3A_3256, %and3A_3259 : vector<16xi32>
      %and3A_3261 = arith.constant 8191 : i32
      %and3A_3262 = vector.broadcast %and3A_3261 : i32 to vector<16xi32>
      %and3A_3263 = arith.andi %and3A_3259, %and3A_3262 : vector<16xi32>
      %shift_left3A_3264 = arith.constant 1 : i32
      %shift_left3A_3265 = vector.broadcast %shift_left3A_3264 : i32 to vector<16xi32>
      %shift_left3A_3266 = arith.shli %and3A_3263, %shift_left3A_3265 : vector<16xi32>
      %add3A_3267 = arith.addi %sub3A_3260, %shift_left3A_3266 : vector<16xi32>
      %shift_right_arithmetic3A_3268 = arith.constant 13 : i32
      %shift_right_arithmetic3A_3269 = vector.broadcast %shift_right_arithmetic3A_3268 : i32 to vector<16xi32>
      %shift_right_arithmetic3A_3270 = arith.shrsi %and3A_3259, %shift_right_arithmetic3A_3269 : vector<16xi32>
      %add3A_3271 = arith.addi %add3A_3267, %shift_right_arithmetic3A_3270 : vector<16xi32>
      %swap3A_3272 = arith.constant 0 : i32
      %swap3A_3273 = arith.constant 3 : i32
      %swap3A_3274 = arith.index_cast %swap3A_3272 : i32 to index
      %swap3A_3275 = arith.index_cast %swap3A_3273 : i32 to index
      %swap3A_3276 = arith.constant 64 : index
      %swap3A_3277 = tpu.vector_load %arg6[%swap3A_3274, %swap3A_3275, %swap3A_3276] {strides = array<i32>} : memref<2x4x128xi32, #tpu.memory_space<vmem>>, vector<16xi32>,
      tpu.vector_store %arg6[%swap3A_3274, %swap3A_3275, %swap3A_3276], %add3A_3271 {strides = array<i32>} : memref<2x4x128xi32, #tpu.memory_space<vmem>>, vector<16xi32>,
      %get3A_3278 = arith.constant 0 : i32
      %get3A_3279 = arith.constant 3 : i32
      %get3A_3280 = arith.index_cast %get3A_3278 : i32 to index
      %get3A_3281 = arith.index_cast %get3A_3279 : i32 to index
      %get3A_3282 = arith.constant 80 : index
      %get3A_3283 = tpu.vector_load %arg6[%get3A_3280, %get3A_3281, %get3A_3282] {strides = array<i32>} : memref<2x4x128xi32, #tpu.memory_space<vmem>>, vector<16xi32>,
      %and3A_3284 = arith.constant 16383 : i32
      %and3A_3285 = vector.broadcast %and3A_3284 : i32 to vector<16xi32>
      %and3A_3286 = arith.andi %get3A_3283, %and3A_3285 : vector<16xi32>
      %sub3A_3287 = arith.subi %get3A_3283, %and3A_3286 : vector<16xi32>
      %and3A_3288 = arith.constant 8191 : i32
      %and3A_3289 = vector.broadcast %and3A_3288 : i32 to vector<16xi32>
      %and3A_3290 = arith.andi %and3A_3286, %and3A_3289 : vector<16xi32>
      %shift_left3A_3291 = arith.constant 1 : i32
      %shift_left3A_3292 = vector.broadcast %shift_left3A_3291 : i32 to vector<16xi32>
      %shift_left3A_3293 = arith.shli %and3A_3290, %shift_left3A_3292 : vector<16xi32>
      %add3A_3294 = arith.addi %sub3A_3287, %shift_left3A_3293 : vector<16xi32>
      %shift_right_arithmetic3A_3295 = arith.constant 13 : i32
      %shift_right_arithmetic3A_3296 = vector.broadcast %shift_right_arithmetic3A_3295 : i32 to vector<16xi32>
      %shift_right_arithmetic3A_3297 = arith.shrsi %and3A_3286, %shift_right_arithmetic3A_3296 : vector<16xi32>
      %add3A_3298 = arith.addi %add3A_3294, %shift_right_arithmetic3A_3297 : vector<16xi32>
      %swap3A_3299 = arith.constant 0 : i32
      %swap3A_3300 = arith.constant 3 : i32
      %swap3A_3301 = arith.index_cast %swap3A_3299 : i32 to index
      %swap3A_3302 = arith.index_cast %swap3A_3300 : i32 to index
      %swap3A_3303 = arith.constant 80 : index
      %swap3A_3304 = tpu.vector_load %arg6[%swap3A_3301, %swap3A_3302, %swap3A_3303] {strides = array<i32>} : memref<2x4x128xi32, #tpu.memory_space<vmem>>, vector<16xi32>,
      tpu.vector_store %arg6[%swap3A_3301, %swap3A_3302, %swap3A_3303], %add3A_3298 {strides = array<i32>} : memref<2x4x128xi32, #tpu.memory_space<vmem>>, vector<16xi32>,
      %get3A_3305 = arith.constant 0 : i32
      %get3A_3306 = arith.constant 3 : i32
      %get3A_3307 = arith.index_cast %get3A_3305 : i32 to index
      %get3A_3308 = arith.index_cast %get3A_3306 : i32 to index
      %get3A_3309 = arith.constant 96 : index
      %get3A_3310 = tpu.vector_load %arg6[%get3A_3307, %get3A_3308, %get3A_3309] {strides = array<i32>} : memref<2x4x128xi32, #tpu.memory_space<vmem>>, vector<16xi32>,
      %and3A_3311 = arith.constant 16383 : i32
      %and3A_3312 = vector.broadcast %and3A_3311 : i32 to vector<16xi32>
      %and3A_3313 = arith.andi %get3A_3310, %and3A_3312 : vector<16xi32>
      %sub3A_3314 = arith.subi %get3A_3310, %and3A_3313 : vector<16xi32>
      %and3A_3315 = arith.constant 8191 : i32
      %and3A_3316 = vector.broadcast %and3A_3315 : i32 to vector<16xi32>
      %and3A_3317 = arith.andi %and3A_3313, %and3A_3316 : vector<16xi32>
      %shift_left3A_3318 = arith.constant 1 : i32
      %shift_left3A_3319 = vector.broadcast %shift_left3A_3318 : i32 to vector<16xi32>
      %shift_left3A_3320 = arith.shli %and3A_3317, %shift_left3A_3319 : vector<16xi32>
      %add3A_3321 = arith.addi %sub3A_3314, %shift_left3A_3320 : vector<16xi32>
      %shift_right_arithmetic3A_3322 = arith.constant 13 : i32
      %shift_right_arithmetic3A_3323 = vector.broadcast %shift_right_arithmetic3A_3322 : i32 to vector<16xi32>
      %shift_right_arithmetic3A_3324 = arith.shrsi %and3A_3313, %shift_right_arithmetic3A_3323 : vector<16xi32>
      %add3A_3325 = arith.addi %add3A_3321, %shift_right_arithmetic3A_3324 : vector<16xi32>
      %swap3A_3326 = arith.constant 0 : i32
      %swap3A_3327 = arith.constant 3 : i32
      %swap3A_3328 = arith.index_cast %swap3A_3326 : i32 to index
      %swap3A_3329 = arith.index_cast %swap3A_3327 : i32 to index
      %swap3A_3330 = arith.constant 96 : index
      %swap3A_3331 = tpu.vector_load %arg6[%swap3A_3328, %swap3A_3329, %swap3A_3330] {strides = array<i32>} : memref<2x4x128xi32, #tpu.memory_space<vmem>>, vector<16xi32>,
      tpu.vector_store %arg6[%swap3A_3328, %swap3A_3329, %swap3A_3330], %add3A_3325 {strides = array<i32>} : memref<2x4x128xi32, #tpu.memory_space<vmem>>, vector<16xi32>,
      %get3A_3332 = arith.constant 0 : i32
      %get3A_3333 = arith.constant 3 : i32
      %get3A_3334 = arith.index_cast %get3A_3332 : i32 to index
      %get3A_3335 = arith.index_cast %get3A_3333 : i32 to index
      %get3A_3336 = arith.constant 112 : index
      %get3A_3337 = tpu.vector_load %arg6[%get3A_3334, %get3A_3335, %get3A_3336] {strides = array<i32>} : memref<2x4x128xi32, #tpu.memory_space<vmem>>, vector<16xi32>,
      %and3A_3338 = arith.constant 16383 : i32
      %and3A_3339 = vector.broadcast %and3A_3338 : i32 to vector<16xi32>
      %and3A_3340 = arith.andi %get3A_3337, %and3A_3339 : vector<16xi32>
      %sub3A_3341 = arith.subi %get3A_3337, %and3A_3340 : vector<16xi32>
      %and3A_3342 = arith.constant 8191 : i32
      %and3A_3343 = vector.broadcast %and3A_3342 : i32 to vector<16xi32>
      %and3A_3344 = arith.andi %and3A_3340, %and3A_3343 : vector<16xi32>
      %shift_left3A_3345 = arith.constant 1 : i32
      %shift_left3A_3346 = vector.broadcast %shift_left3A_3345 : i32 to vector<16xi32>
      %shift_left3A_3347 = arith.shli %and3A_3344, %shift_left3A_3346 : vector<16xi32>
      %add3A_3348 = arith.addi %sub3A_3341, %shift_left3A_3347 : vector<16xi32>
      %shift_right_arithmetic3A_3349 = arith.constant 13 : i32
      %shift_right_arithmetic3A_3350 = vector.broadcast %shift_right_arithmetic3A_3349 : i32 to vector<16xi32>
      %shift_right_arithmetic3A_3351 = arith.shrsi %and3A_3340, %shift_right_arithmetic3A_3350 : vector<16xi32>
      %add3A_3352 = arith.addi %add3A_3348, %shift_right_arithmetic3A_3351 : vector<16xi32>
      %swap3A_3353 = arith.constant 0 : i32
      %swap3A_3354 = arith.constant 3 : i32
      %swap3A_3355 = arith.index_cast %swap3A_3353 : i32 to index
      %swap3A_3356 = arith.index_cast %swap3A_3354 : i32 to index
      %swap3A_3357 = arith.constant 112 : index
      %swap3A_3358 = tpu.vector_load %arg6[%swap3A_3355, %swap3A_3356, %swap3A_3357] {strides = array<i32>} : memref<2x4x128xi32, #tpu.memory_space<vmem>>, vector<16xi32>,
      tpu.vector_store %arg6[%swap3A_3355, %swap3A_3356, %swap3A_3357], %add3A_3352 {strides = array<i32>} : memref<2x4x128xi32, #tpu.memory_space<vmem>>, vector<16xi32>,
      %dma_start3A_3359 = arith.constant 0 : i32
      %dma_start3A_3360 = arith.constant 0 : i32
      %dma_start3A_3361 = arith.constant 0 : i32
      %dma_start3A_3362 = arith.constant 0 : i32
      %dma_start3A_3363 = arith.constant 0 : i32
      %dma_start3A_3364 = tpu.memref_slice %arg7[%dma_start3A_3361, %dma_start3A_3362, %dma_start3A_3363] : memref<2x512x64xf32, #tpu.memory_space<vmem>> -> memref<1x128x64xf32, #tpu.memory_space<vmem>>
      %dma_start3A_3365 = tpu.memref_squeeze %dma_start3A_3364 : memref<1x128x64xf32, #tpu.memory_space<vmem>> -> memref<128x64xf32, #tpu.memory_space<vmem>>
      %dma_start3A_3366 = arith.constant 0 : i32
      %dma_start3A_3367 = tpu.memref_slice %arg6[%dma_start3A_3359, %dma_start3A_3360, %dma_start3A_3366] : memref<2x4x128xi32, #tpu.memory_space<vmem>> -> memref<1x1x128xi32, #tpu.memory_space<vmem>>
      %dma_start3A_3368 = tpu.memref_squeeze %dma_start3A_3367 : memref<1x1x128xi32, #tpu.memory_space<vmem>> -> memref<128xi32, #tpu.memory_space<vmem>>
      %dma_start3A_3369 = arith.constant 0 : i32
      %dma_start3A_3370 = arith.constant 0 : i32
      %dma_start3A_3371 = tpu.memref_slice %arg3[%dma_start3A_3369, %dma_start3A_3370] : memref<1015808x64xf32, #tpu.memory_space<hbm>> -> memref<1015808x64xf32, #tpu.memory_space<hbm>>
      tpu.enqueue_indirect_dma source(%dma_start3A_3371 : memref<1015808x64xf32, #tpu.memory_space<hbm>>) target(%dma_start3A_3365 : memref<128x64xf32, #tpu.memory_space<vmem>>) offsets(%dma_start3A_3368 : memref<128xi32, #tpu.memory_space<vmem>>) semaphore(%arg10 : memref<!tpu.dma_semaphore, #tpu.memory_space<semaphore_mem>>)
      %dma_start3A_3372 = arith.constant 0 : i32
      %dma_start3A_3373 = arith.constant 1 : i32
      %dma_start3A_3374 = arith.constant 0 : i32
      %dma_start3A_3375 = arith.constant 128 : i32
      %dma_start3A_3376 = arith.constant 0 : i32
      %dma_start3A_3377 = tpu.memref_slice %arg7[%dma_start3A_3374, %dma_start3A_3375, %dma_start3A_3376] : memref<2x512x64xf32, #tpu.memory_space<vmem>> -> memref<1x128x64xf32, #tpu.memory_space<vmem>>
      %dma_start3A_3378 = tpu.memref_squeeze %dma_start3A_3377 : memref<1x128x64xf32, #tpu.memory_space<vmem>> -> memref<128x64xf32, #tpu.memory_space<vmem>>
      %dma_start3A_3379 = arith.constant 0 : i32
      %dma_start3A_3380 = tpu.memref_slice %arg6[%dma_start3A_3372, %dma_start3A_3373, %dma_start3A_3379] : memref<2x4x128xi32, #tpu.memory_space<vmem>> -> memref<1x1x128xi32, #tpu.memory_space<vmem>>
      %dma_start3A_3381 = tpu.memref_squeeze %dma_start3A_3380 : memref<1x1x128xi32, #tpu.memory_space<vmem>> -> memref<128xi32, #tpu.memory_space<vmem>>
      %dma_start3A_3382 = arith.constant 0 : i32
      %dma_start3A_3383 = arith.constant 0 : i32
      %dma_start3A_3384 = tpu.memref_slice %arg3[%dma_start3A_3382, %dma_start3A_3383] : memref<1015808x64xf32, #tpu.memory_space<hbm>> -> memref<1015808x64xf32, #tpu.memory_space<hbm>>
      tpu.enqueue_indirect_dma source(%dma_start3A_3384 : memref<1015808x64xf32, #tpu.memory_space<hbm>>) target(%dma_start3A_3378 : memref<128x64xf32, #tpu.memory_space<vmem>>) offsets(%dma_start3A_3381 : memref<128xi32, #tpu.memory_space<vmem>>) semaphore(%arg10 : memref<!tpu.dma_semaphore, #tpu.memory_space<semaphore_mem>>)
      %dma_start3A_3385 = arith.constant 0 : i32
      %dma_start3A_3386 = arith.constant 2 : i32
      %dma_start3A_3387 = arith.constant 0 : i32
      %dma_start3A_3388 = arith.constant 256 : i32
      %dma_start3A_3389 = arith.constant 0 : i32
      %dma_start3A_3390 = tpu.memref_slice %arg7[%dma_start3A_3387, %dma_start3A_3388, %dma_start3A_3389] : memref<2x512x64xf32, #tpu.memory_space<vmem>> -> memref<1x128x64xf32, #tpu.memory_space<vmem>>
      %dma_start3A_3391 = tpu.memref_squeeze %dma_start3A_3390 : memref<1x128x64xf32, #tpu.memory_space<vmem>> -> memref<128x64xf32, #tpu.memory_space<vmem>>
      %dma_start3A_3392 = arith.constant 0 : i32
      %dma_start3A_3393 = tpu.memref_slice %arg6[%dma_start3A_3385, %dma_start3A_3386, %dma_start3A_3392] : memref<2x4x128xi32, #tpu.memory_space<vmem>> -> memref<1x1x128xi32, #tpu.memory_space<vmem>>
      %dma_start3A_3394 = tpu.memref_squeeze %dma_start3A_3393 : memref<1x1x128xi32, #tpu.memory_space<vmem>> -> memref<128xi32, #tpu.memory_space<vmem>>
      %dma_start3A_3395 = arith.constant 0 : i32
      %dma_start3A_3396 = arith.constant 0 : i32
      %dma_start3A_3397 = tpu.memref_slice %arg3[%dma_start3A_3395, %dma_start3A_3396] : memref<1015808x64xf32, #tpu.memory_space<hbm>> -> memref<1015808x64xf32, #tpu.memory_space<hbm>>
      tpu.enqueue_indirect_dma source(%dma_start3A_3397 : memref<1015808x64xf32, #tpu.memory_space<hbm>>) target(%dma_start3A_3391 : memref<128x64xf32, #tpu.memory_space<vmem>>) offsets(%dma_start3A_3394 : memref<128xi32, #tpu.memory_space<vmem>>) semaphore(%arg10 : memref<!tpu.dma_semaphore, #tpu.memory_space<semaphore_mem>>)
      %dma_start3A_3398 = arith.constant 0 : i32
      %dma_start3A_3399 = arith.constant 3 : i32
      %dma_start3A_3400 = arith.constant 0 : i32
      %dma_start3A_3401 = arith.constant 384 : i32
      %dma_start3A_3402 = arith.constant 0 : i32
      %dma_start3A_3403 = tpu.memref_slice %arg7[%dma_start3A_3400, %dma_start3A_3401, %dma_start3A_3402] : memref<2x512x64xf32, #tpu.memory_space<vmem>> -> memref<1x128x64xf32, #tpu.memory_space<vmem>>
      %dma_start3A_3404 = tpu.memref_squeeze %dma_start3A_3403 : memref<1x128x64xf32, #tpu.memory_space<vmem>> -> memref<128x64xf32, #tpu.memory_space<vmem>>
      %dma_start3A_3405 = arith.constant 0 : i32
      %dma_start3A_3406 = tpu.memref_slice %arg6[%dma_start3A_3398, %dma_start3A_3399, %dma_start3A_3405] : memref<2x4x128xi32, #tpu.memory_space<vmem>> -> memref<1x1x128xi32, #tpu.memory_space<vmem>>
      %dma_start3A_3407 = tpu.memref_squeeze %dma_start3A_3406 : memref<1x1x128xi32, #tpu.memory_space<vmem>> -> memref<128xi32, #tpu.memory_space<vmem>>
      %dma_start3A_3408 = arith.constant 0 : i32
      %dma_start3A_3409 = arith.constant 0 : i32
      %dma_start3A_3410 = tpu.memref_slice %arg3[%dma_start3A_3408, %dma_start3A_3409] : memref<1015808x64xf32, #tpu.memory_space<hbm>> -> memref<1015808x64xf32, #tpu.memory_space<hbm>>
      tpu.enqueue_indirect_dma source(%dma_start3A_3410 : memref<1015808x64xf32, #tpu.memory_space<hbm>>) target(%dma_start3A_3404 : memref<128x64xf32, #tpu.memory_space<vmem>>) offsets(%dma_start3A_3407 : memref<128xi32, #tpu.memory_space<vmem>>) semaphore(%arg10 : memref<!tpu.dma_semaphore, #tpu.memory_space<semaphore_mem>>)
      %dma_wait3A_3411 = arith.constant 1 : i32
      %dma_wait3A_3412 = arith.constant 0 : i32
      %dma_wait3A_3413 = arith.constant 0 : i32
      %dma_wait3A_3414 = tpu.memref_slice %arg7[%dma_wait3A_3411, %dma_wait3A_3412, %dma_wait3A_3413] : memref<2x512x64xf32, #tpu.memory_space<vmem>> -> memref<1x128x64xf32, #tpu.memory_space<vmem>>
      %dma_wait3A_3415 = tpu.memref_squeeze %dma_wait3A_3414 : memref<1x128x64xf32, #tpu.memory_space<vmem>> -> memref<128x64xf32, #tpu.memory_space<vmem>>
      %dma_wait3A_3416 = arith.constant 0 : i32
      %dma_wait3A_3417 = arith.constant 0 : i32
      %dma_wait3A_3418 = tpu.memref_slice %arg3[%dma_wait3A_3416, %dma_wait3A_3417] : memref<1015808x64xf32, #tpu.memory_space<hbm>> -> memref<128x64xf32, #tpu.memory_space<hbm>>
      %dma_wait3A_3419 = arith.constant 0 : i32
      %dma_wait3A_3420 = arith.constant 0 : i32
      %dma_wait3A_3421 = tpu.memref_slice %arg7[%dma_wait3A_3411, %dma_wait3A_3419, %dma_wait3A_3420] : memref<2x512x64xf32, #tpu.memory_space<vmem>> -> memref<1x128x64xf32, #tpu.memory_space<vmem>>
      %dma_wait3A_3422 = tpu.memref_squeeze %dma_wait3A_3421 : memref<1x128x64xf32, #tpu.memory_space<vmem>> -> memref<128x64xf32, #tpu.memory_space<vmem>>
      %dma_wait3A_3423 = arith.constant 0 : i32
      %dma_wait3A_3424 = arith.constant 0 : i32
      %dma_wait3A_3425 = tpu.memref_slice %arg3[%dma_wait3A_3423, %dma_wait3A_3424] : memref<1015808x64xf32, #tpu.memory_space<hbm>> -> memref<128x64xf32, #tpu.memory_space<hbm>>
      tpu.wait_dma2 semaphore(%arg11 : memref<!tpu.dma_semaphore, #tpu.memory_space<semaphore_mem>>) src(%dma_wait3A_3425 : memref<128x64xf32, #tpu.memory_space<hbm>>) dst(%dma_wait3A_3422 : memref<128x64xf32, #tpu.memory_space<vmem>>)
      %dma_wait3A_3426 = arith.constant 1 : i32
      %dma_wait3A_3427 = arith.constant 128 : i32
      %dma_wait3A_3428 = arith.constant 0 : i32
      %dma_wait3A_3429 = tpu.memref_slice %arg7[%dma_wait3A_3426, %dma_wait3A_3427, %dma_wait3A_3428] : memref<2x512x64xf32, #tpu.memory_space<vmem>> -> memref<1x128x64xf32, #tpu.memory_space<vmem>>
      %dma_wait3A_3430 = tpu.memref_squeeze %dma_wait3A_3429 : memref<1x128x64xf32, #tpu.memory_space<vmem>> -> memref<128x64xf32, #tpu.memory_space<vmem>>
      %dma_wait3A_3431 = arith.constant 0 : i32
      %dma_wait3A_3432 = arith.constant 0 : i32
      %dma_wait3A_3433 = tpu.memref_slice %arg3[%dma_wait3A_3431, %dma_wait3A_3432] : memref<1015808x64xf32, #tpu.memory_space<hbm>> -> memref<128x64xf32, #tpu.memory_space<hbm>>
      %dma_wait3A_3434 = arith.constant 128 : i32
      %dma_wait3A_3435 = arith.constant 0 : i32
      %dma_wait3A_3436 = tpu.memref_slice %arg7[%dma_wait3A_3426, %dma_wait3A_3434, %dma_wait3A_3435] : memref<2x512x64xf32, #tpu.memory_space<vmem>> -> memref<1x128x64xf32, #tpu.memory_space<vmem>>
      %dma_wait3A_3437 = tpu.memref_squeeze %dma_wait3A_3436 : memref<1x128x64xf32, #tpu.memory_space<vmem>> -> memref<128x64xf32, #tpu.memory_space<vmem>>
      %dma_wait3A_3438 = arith.constant 0 : i32
      %dma_wait3A_3439 = arith.constant 0 : i32
      %dma_wait3A_3440 = tpu.memref_slice %arg3[%dma_wait3A_3438, %dma_wait3A_3439] : memref<1015808x64xf32, #tpu.memory_space<hbm>> -> memref<128x64xf32, #tpu.memory_space<hbm>>
      tpu.wait_dma2 semaphore(%arg11 : memref<!tpu.dma_semaphore, #tpu.memory_space<semaphore_mem>>) src(%dma_wait3A_3440 : memref<128x64xf32, #tpu.memory_space<hbm>>) dst(%dma_wait3A_3437 : memref<128x64xf32, #tpu.memory_space<vmem>>)
      %dma_wait3A_3441 = arith.constant 1 : i32
      %dma_wait3A_3442 = arith.constant 256 : i32
      %dma_wait3A_3443 = arith.constant 0 : i32
      %dma_wait3A_3444 = tpu.memref_slice %arg7[%dma_wait3A_3441, %dma_wait3A_3442, %dma_wait3A_3443] : memref<2x512x64xf32, #tpu.memory_space<vmem>> -> memref<1x128x64xf32, #tpu.memory_space<vmem>>
      %dma_wait3A_3445 = tpu.memref_squeeze %dma_wait3A_3444 : memref<1x128x64xf32, #tpu.memory_space<vmem>> -> memref<128x64xf32, #tpu.memory_space<vmem>>
      %dma_wait3A_3446 = arith.constant 0 : i32
      %dma_wait3A_3447 = arith.constant 0 : i32
      %dma_wait3A_3448 = tpu.memref_slice %arg3[%dma_wait3A_3446, %dma_wait3A_3447] : memref<1015808x64xf32, #tpu.memory_space<hbm>> -> memref<128x64xf32, #tpu.memory_space<hbm>>
      %dma_wait3A_3449 = arith.constant 256 : i32
      %dma_wait3A_3450 = arith.constant 0 : i32
      %dma_wait3A_3451 = tpu.memref_slice %arg7[%dma_wait3A_3441, %dma_wait3A_3449, %dma_wait3A_3450] : memref<2x512x64xf32, #tpu.memory_space<vmem>> -> memref<1x128x64xf32, #tpu.memory_space<vmem>>
      %dma_wait3A_3452 = tpu.memref_squeeze %dma_wait3A_3451 : memref<1x128x64xf32, #tpu.memory_space<vmem>> -> memref<128x64xf32, #tpu.memory_space<vmem>>
      %dma_wait3A_3453 = arith.constant 0 : i32
      %dma_wait3A_3454 = arith.constant 0 : i32
      %dma_wait3A_3455 = tpu.memref_slice %arg3[%dma_wait3A_3453, %dma_wait3A_3454] : memref<1015808x64xf32, #tpu.memory_space<hbm>> -> memref<128x64xf32, #tpu.memory_space<hbm>>
      tpu.wait_dma2 semaphore(%arg11 : memref<!tpu.dma_semaphore, #tpu.memory_space<semaphore_mem>>) src(%dma_wait3A_3455 : memref<128x64xf32, #tpu.memory_space<hbm>>) dst(%dma_wait3A_3452 : memref<128x64xf32, #tpu.memory_space<vmem>>)
      %dma_wait3A_3456 = arith.constant 1 : i32
      %dma_wait3A_3457 = arith.constant 384 : i32
      %dma_wait3A_3458 = arith.constant 0 : i32
      %dma_wait3A_3459 = tpu.memref_slice %arg7[%dma_wait3A_3456, %dma_wait3A_3457, %dma_wait3A_3458] : memref<2x512x64xf32, #tpu.memory_space<vmem>> -> memref<1x128x64xf32, #tpu.memory_space<vmem>>
      %dma_wait3A_3460 = tpu.memref_squeeze %dma_wait3A_3459 : memref<1x128x64xf32, #tpu.memory_space<vmem>> -> memref<128x64xf32, #tpu.memory_space<vmem>>
      %dma_wait3A_3461 = arith.constant 0 : i32
      %dma_wait3A_3462 = arith.constant 0 : i32
      %dma_wait3A_3463 = tpu.memref_slice %arg3[%dma_wait3A_3461, %dma_wait3A_3462] : memref<1015808x64xf32, #tpu.memory_space<hbm>> -> memref<128x64xf32, #tpu.memory_space<hbm>>
      %dma_wait3A_3464 = arith.constant 384 : i32
      %dma_wait3A_3465 = arith.constant 0 : i32
      %dma_wait3A_3466 = tpu.memref_slice %arg7[%dma_wait3A_3456, %dma_wait3A_3464, %dma_wait3A_3465] : memref<2x512x64xf32, #tpu.memory_space<vmem>> -> memref<1x128x64xf32, #tpu.memory_space<vmem>>
      %dma_wait3A_3467 = tpu.memref_squeeze %dma_wait3A_3466 : memref<1x128x64xf32, #tpu.memory_space<vmem>> -> memref<128x64xf32, #tpu.memory_space<vmem>>
      %dma_wait3A_3468 = arith.constant 0 : i32
      %dma_wait3A_3469 = arith.constant 0 : i32
      %dma_wait3A_3470 = tpu.memref_slice %arg3[%dma_wait3A_3468, %dma_wait3A_3469] : memref<1015808x64xf32, #tpu.memory_space<hbm>> -> memref<128x64xf32, #tpu.memory_space<hbm>>
      tpu.wait_dma2 semaphore(%arg11 : memref<!tpu.dma_semaphore, #tpu.memory_space<semaphore_mem>>) src(%dma_wait3A_3470 : memref<128x64xf32, #tpu.memory_space<hbm>>) dst(%dma_wait3A_3467 : memref<128x64xf32, #tpu.memory_space<vmem>>)
      %dma_wait3A_3471 = arith.constant 0 : i32
      %dma_wait3A_3472 = arith.constant 0 : i32
      %dma_wait3A_3473 = arith.constant 0 : i32
      %dma_wait3A_3474 = arith.constant 0 : i32
      %dma_wait3A_3475 = arith.constant 0 : i32
      %dma_wait3A_3476 = tpu.memref_slice %arg8[%dma_wait3A_3472, %dma_wait3A_3473, %dma_wait3A_3474, %dma_wait3A_3475] : memref<8x5x8x129xf32, #tpu.memory_space<vmem>> -> memref<8x4x8x128xf32, #tpu.memory_space<vmem>>
      %dma_wait3A_3477 = arith.constant 0 : i32
      %dma_wait3A_3478 = arith.constant 0 : i32
      %dma_wait3A_3479 = arith.constant 0 : i32
      %dma_wait3A_3480 = arith.constant 0 : i32
      %dma_wait3A_3481 = tpu.memref_slice %arg5[%dma_wait3A_3471, %dma_wait3A_3477, %dma_wait3A_3478, %dma_wait3A_3479, %dma_wait3A_3480] : memref<200x8x32x8x128xf32, #tpu.memory_space<hbm>> -> memref<1x8x4x8x128xf32, #tpu.memory_space<hbm>>
      %dma_wait3A_3482 = tpu.memref_squeeze %dma_wait3A_3481 : memref<1x8x4x8x128xf32, #tpu.memory_space<hbm>> -> memref<8x4x8x128xf32, #tpu.memory_space<hbm>>
      %dma_wait3A_3483 = arith.constant 0 : i32
      %dma_wait3A_3484 = arith.constant 0 : i32
      %dma_wait3A_3485 = arith.constant 0 : i32
      %dma_wait3A_3486 = arith.constant 0 : i32
      %dma_wait3A_3487 = tpu.memref_slice %arg5[%dma_wait3A_3471, %dma_wait3A_3483, %dma_wait3A_3484, %dma_wait3A_3485, %dma_wait3A_3486] : memref<200x8x32x8x128xf32, #tpu.memory_space<hbm>> -> memref<1x8x4x8x128xf32, #tpu.memory_space<hbm>>
      %dma_wait3A_3488 = tpu.memref_squeeze %dma_wait3A_3487 : memref<1x8x4x8x128xf32, #tpu.memory_space<hbm>> -> memref<8x4x8x128xf32, #tpu.memory_space<hbm>>
      %dma_wait3A_3489 = arith.constant 0 : i32
      %dma_wait3A_3490 = arith.constant 0 : i32
      %dma_wait3A_3491 = arith.constant 0 : i32
      %dma_wait3A_3492 = arith.constant 0 : i32
      %dma_wait3A_3493 = tpu.memref_slice %arg8[%dma_wait3A_3489, %dma_wait3A_3490, %dma_wait3A_3491, %dma_wait3A_3492] : memref<8x5x8x129xf32, #tpu.memory_space<vmem>> -> memref<8x4x8x128xf32, #tpu.memory_space<vmem>>
      tpu.wait_dma2 semaphore(%arg12 : memref<!tpu.dma_semaphore, #tpu.memory_space<semaphore_mem>>) src(%dma_wait3A_3493 : memref<8x4x8x128xf32, #tpu.memory_space<vmem>>) dst(%dma_wait3A_3488 : memref<8x4x8x128xf32, #tpu.memory_space<hbm>>)
      %add3A_3494 = arith.constant 1 : i32
      %add3A_3495 = arith.addi %mul3A_1230, %add3A_3494 : i32
      %mul3A_3496 = arith.constant 512 : i32
      %mul3A_3497 = arith.muli %add3A_3495, %mul3A_3496 : i32
      %add3A_3498 = arith.addi %mul3A_2, %mul3A_3497 : i32
      %multiple_of3A_3499 = tpu.assume_multiple %add3A_3498, 512 : i32
      %jit3A_3500 = arith.constant 4096 : i32
      %div3A_3501 = arith.divsi %multiple_of3A_3499, %jit3A_3500 : i32
      %sign3A_3502 = arith.constant 0 : i32
      %sign3A_3503 = arith.cmpi sgt, %multiple_of3A_3499, %sign3A_3502 : i32
      %sign3A_3504 = arith.extui %sign3A_3503 : i1 to i32
      %sign3A_3505 = arith.constant 0 : i32
      %sign3A_3506 = arith.cmpi slt, %multiple_of3A_3499, %sign3A_3505 : i32
      %sign3A_3507 = arith.extui %sign3A_3506 : i1 to i32
      %sign3A_3508 = arith.subi %sign3A_3504, %sign3A_3507 : i32
      %sign3A_3509 = arith.constant 0 : i32
      %sign3A_3510 = arith.cmpi sgt, %jit3A_3500, %sign3A_3509 : i32
      %sign3A_3511 = arith.extui %sign3A_3510 : i1 to i32
      %sign3A_3512 = arith.constant 0 : i32
      %sign3A_3513 = arith.cmpi slt, %jit3A_3500, %sign3A_3512 : i32
      %sign3A_3514 = arith.extui %sign3A_3513 : i1 to i32
      %sign3A_3515 = arith.subi %sign3A_3511, %sign3A_3514 : i32
      %ne3A_3516 = arith.cmpi ne, %sign3A_3508, %sign3A_3515 : i32
      %rem3A_3517 = arith.remsi %multiple_of3A_3499, %jit3A_3500 : i32
      %ne3A_3518 = arith.constant 0 : i32
      %ne3A_3519 = arith.cmpi ne, %rem3A_3517, %ne3A_3518 : i32
      %and3A_3520 = arith.andi %ne3A_3516, %ne3A_3519 : i1
      %sub3A_3521 = arith.constant 1 : i32
      %sub3A_3522 = arith.subi %div3A_3501, %sub3A_3521 : i32
      %select_n3A_3523 = arith.select %and3A_3520, %sub3A_3522, %div3A_3501 : i32
      %mul3A_3524 = arith.constant 4096 : i32
      %mul3A_3525 = arith.muli %select_n3A_3523, %mul3A_3524 : i32
      %sub3A_3526 = arith.subi %multiple_of3A_3499, %mul3A_3525 : i32
      %jit3A_3527 = arith.constant 128 : i32
      %div3A_3528 = arith.divsi %sub3A_3526, %jit3A_3527 : i32
      %sign3A_3529 = arith.constant 0 : i32
      %sign3A_3530 = arith.cmpi sgt, %sub3A_3526, %sign3A_3529 : i32
      %sign3A_3531 = arith.extui %sign3A_3530 : i1 to i32
      %sign3A_3532 = arith.constant 0 : i32
      %sign3A_3533 = arith.cmpi slt, %sub3A_3526, %sign3A_3532 : i32
      %sign3A_3534 = arith.extui %sign3A_3533 : i1 to i32
      %sign3A_3535 = arith.subi %sign3A_3531, %sign3A_3534 : i32
      %sign3A_3536 = arith.constant 0 : i32
      %sign3A_3537 = arith.cmpi sgt, %jit3A_3527, %sign3A_3536 : i32
      %sign3A_3538 = arith.extui %sign3A_3537 : i1 to i32
      %sign3A_3539 = arith.constant 0 : i32
      %sign3A_3540 = arith.cmpi slt, %jit3A_3527, %sign3A_3539 : i32
      %sign3A_3541 = arith.extui %sign3A_3540 : i1 to i32
      %sign3A_3542 = arith.subi %sign3A_3538, %sign3A_3541 : i32
      %ne3A_3543 = arith.cmpi ne, %sign3A_3535, %sign3A_3542 : i32
      %rem3A_3544 = arith.remsi %sub3A_3526, %jit3A_3527 : i32
      %ne3A_3545 = arith.constant 0 : i32
      %ne3A_3546 = arith.cmpi ne, %rem3A_3544, %ne3A_3545 : i32
      %and3A_3547 = arith.andi %ne3A_3543, %ne3A_3546 : i1
      %sub3A_3548 = arith.constant 1 : i32
      %sub3A_3549 = arith.subi %div3A_3528, %sub3A_3548 : i32
      %select_n3A_3550 = arith.select %and3A_3547, %sub3A_3549, %div3A_3528 : i32
      %multiple_of3A_3551 = tpu.assume_multiple %select_n3A_3550, 4 : i32
      %eq3A_3552 = arith.constant 0 : i32
      %eq3A_3553 = arith.cmpi eq, %add3A_3495, %eq3A_3552 : i32
      %eq3A_3554 = arith.constant 0 : i32
      %eq3A_3555 = arith.cmpi eq, %multiple_of3A_3551, %eq3A_3554 : i32
      %or3A_3556 = arith.ori %eq3A_3553, %eq3A_3555 : i1
      %convert_element_type3A_3557 = arith.extui %or3A_3556 : i1 to i32
      %cond3A_3558 = arith.constant 0 : i32
      %cond3A_3559 = arith.cmpi ne, %convert_element_type3A_3557, %cond3A_3558 : i32
      scf.if %cond3A_3559 {
        %jit3A_3614 = arith.constant 8 : i32
        %div3A_3615 = arith.divsi %select_n3A_3523, %jit3A_3614 : i32
        %sign3A_3616 = arith.constant 0 : i32
        %sign3A_3617 = arith.cmpi sgt, %select_n3A_3523, %sign3A_3616 : i32
        %sign3A_3618 = arith.extui %sign3A_3617 : i1 to i32
        %sign3A_3619 = arith.constant 0 : i32
        %sign3A_3620 = arith.cmpi slt, %select_n3A_3523, %sign3A_3619 : i32
        %sign3A_3621 = arith.extui %sign3A_3620 : i1 to i32
        %sign3A_3622 = arith.subi %sign3A_3618, %sign3A_3621 : i32
        %sign3A_3623 = arith.constant 0 : i32
        %sign3A_3624 = arith.cmpi sgt, %jit3A_3614, %sign3A_3623 : i32
        %sign3A_3625 = arith.extui %sign3A_3624 : i1 to i32
        %sign3A_3626 = arith.constant 0 : i32
        %sign3A_3627 = arith.cmpi slt, %jit3A_3614, %sign3A_3626 : i32
        %sign3A_3628 = arith.extui %sign3A_3627 : i1 to i32
        %sign3A_3629 = arith.subi %sign3A_3625, %sign3A_3628 : i32
        %ne3A_3630 = arith.cmpi ne, %sign3A_3622, %sign3A_3629 : i32
        %rem3A_3631 = arith.remsi %select_n3A_3523, %jit3A_3614 : i32
        %ne3A_3632 = arith.constant 0 : i32
        %ne3A_3633 = arith.cmpi ne, %rem3A_3631, %ne3A_3632 : i32
        %and3A_3634 = arith.andi %ne3A_3630, %ne3A_3633 : i1
        %sub3A_3635 = arith.constant 1 : i32
        %sub3A_3636 = arith.subi %div3A_3615, %sub3A_3635 : i32
        %select_n3A_3637 = arith.select %and3A_3634, %sub3A_3636, %div3A_3615 : i32
        %mul3A_3638 = arith.constant 8 : i32
        %mul3A_3639 = arith.muli %select_n3A_3637, %mul3A_3638 : i32
        %multiple_of3A_3640 = tpu.assume_multiple %mul3A_3639, 8 : i32
        "tpu.region"() ({
          %run_scoped3A_3641 = tpu.sem_alloc : memref<!tpu.dma_semaphore, #tpu.memory_space<semaphore_mem>>
          %dma_start3A_3642 = arith.constant 0 : i32
          %dma_start3A_3643 = tpu.memref_slice %arg4[%multiple_of3A_3640, %dma_start3A_3642] : memref<5000x64xf32, #tpu.memory_space<hbm>> -> memref<8x64xf32, #tpu.memory_space<hbm>>
          %dma_start3A_3644 = arith.constant 0 : i32
          %dma_start3A_3645 = tpu.memref_slice %arg4[%multiple_of3A_3640, %dma_start3A_3644] : memref<5000x64xf32, #tpu.memory_space<hbm>> -> memref<8x64xf32, #tpu.memory_space<hbm>>
          tpu.enqueue_dma source(%dma_start3A_3645 : memref<8x64xf32, #tpu.memory_space<hbm>>) target(%arg9 : memref<8x64xf32, #tpu.memory_space<vmem>>) target_semaphore(%run_scoped3A_3641 : memref<!tpu.dma_semaphore, #tpu.memory_space<semaphore_mem>>)
          %dma_wait3A_3646 = arith.constant 0 : i32
          %dma_wait3A_3647 = tpu.memref_slice %arg4[%multiple_of3A_3640, %dma_wait3A_3646] : memref<5000x64xf32, #tpu.memory_space<hbm>> -> memref<8x64xf32, #tpu.memory_space<hbm>>
          %dma_wait3A_3648 = arith.constant 0 : i32
          %dma_wait3A_3649 = tpu.memref_slice %arg4[%multiple_of3A_3640, %dma_wait3A_3648] : memref<5000x64xf32, #tpu.memory_space<hbm>> -> memref<8x64xf32, #tpu.memory_space<hbm>>
          tpu.wait_dma2 semaphore(%run_scoped3A_3641 : memref<!tpu.dma_semaphore, #tpu.memory_space<semaphore_mem>>) src(%dma_wait3A_3649 : memref<8x64xf32, #tpu.memory_space<hbm>>) dst(%arg9 : memref<8x64xf32, #tpu.memory_space<vmem>>)
          tpu.yield
        }) : () -> ()
      } else {
      }
      %jit3A_3560 = arith.constant 8 : i32
      %eq3A_3561 = arith.constant 0 : i32
      %eq3A_3562 = arith.cmpi eq, %jit3A_3560, %eq3A_3561 : i32
      %jit3A_3563 = arith.constant 1 : i32
      %select_n3A_3564 = arith.select %eq3A_3562, %jit3A_3563, %jit3A_3560 : i32
      %rem3A_3565 = arith.remsi %select_n3A_3523, %select_n3A_3564 : i32
      %ne3A_3566 = arith.constant 0 : i32
      %ne3A_3567 = arith.cmpi ne, %rem3A_3565, %ne3A_3566 : i32
      %lt3A_3568 = arith.constant 0 : i32
      %lt3A_3569 = arith.cmpi slt, %rem3A_3565, %lt3A_3568 : i32
      %lt3A_3570 = arith.constant 0 : i32
      %lt3A_3571 = arith.cmpi slt, %select_n3A_3564, %lt3A_3570 : i32
      %ne3A_3572 = arith.xori %lt3A_3569, %lt3A_3571 : i1
      %and3A_3573 = arith.andi %ne3A_3572, %ne3A_3567 : i1
      %add3A_3574 = arith.addi %rem3A_3565, %select_n3A_3564 : i32
      %select_n3A_3575 = arith.select %and3A_3573, %add3A_3574, %rem3A_3565 : i32
      %get3A_3576 = arith.index_cast %select_n3A_3575 : i32 to index
      %get3A_3577 = arith.constant 0 : index
      %get3A_3578 = tpu.vector_load %arg9[%get3A_3576, %get3A_3577] {strides = array<i32>} : memref<8x64xf32, #tpu.memory_space<vmem>>, vector<16xf32>,
      %get3A_3579 = arith.index_cast %select_n3A_3575 : i32 to index
      %get3A_3580 = arith.constant 16 : index
      %get3A_3581 = tpu.vector_load %arg9[%get3A_3579, %get3A_3580] {strides = array<i32>} : memref<8x64xf32, #tpu.memory_space<vmem>>, vector<16xf32>,
      %get3A_3582 = arith.index_cast %select_n3A_3575 : i32 to index
      %get3A_3583 = arith.constant 32 : index
      %get3A_3584 = tpu.vector_load %arg9[%get3A_3582, %get3A_3583] {strides = array<i32>} : memref<8x64xf32, #tpu.memory_space<vmem>>, vector<16xf32>,
      %get3A_3585 = arith.index_cast %select_n3A_3575 : i32 to index
      %get3A_3586 = arith.constant 48 : index
      %get3A_3587 = tpu.vector_load %arg9[%get3A_3585, %get3A_3586] {strides = array<i32>} : memref<8x64xf32, #tpu.memory_space<vmem>>, vector<16xf32>,
      %scan3A_3588 = arith.constant 0 : i32
      %scan3A_3589 = arith.constant 0 : i32
      %scan3A_3590 = arith.constant 4 : i32
      %scan3A_3591 = arith.addi %scan3A_3589, %scan3A_3590 : i32
      %scan3A_3592 = arith.constant 1 : i32
      scf.for %scan3A_3614 = %scan3A_3589 to %scan3A_3591 step %scan3A_3592  : i32 {
        %broadcast_in_dim3A = vector.broadcast %scan3A_3614 : i32 to vector<16xi32>
        %parallel_loop3A = arith.constant 0 : i32
        %parallel_loop3A_3615 = arith.constant 128 : i32
        %parallel_loop3A_3616 = arith.constant 1 : i32
        scf.for %parallel_loop3A_3617 = %parallel_loop3A to %parallel_loop3A_3615 step %parallel_loop3A_3616  : i32 {
          %parallel_loop3A_3618 = vector.broadcast %parallel_loop3A_3617 : i32 to vector<16xi32>
          %parallel_loop3A_3619 = arith.constant 128 : i32
          %parallel_loop3A_3620 = arith.muli %scan3A_3614, %parallel_loop3A_3619 : i32
          %parallel_loop3A_3621 = arith.addi %parallel_loop3A_3620, %parallel_loop3A_3617 : i32
          %parallel_loop3A_3622 = arith.constant 1 : i32
          %parallel_loop3A_3623 = arith.index_cast %parallel_loop3A_3622 : i32 to index
          %parallel_loop3A_3624 = arith.index_cast %parallel_loop3A_3621 : i32 to index
          %parallel_loop3A_3625 = arith.constant 0 : index
          %parallel_loop3A_3626 = tpu.vector_load %arg7[%parallel_loop3A_3623, %parallel_loop3A_3624, %parallel_loop3A_3625] {strides = array<i32>} : memref<2x512x64xf32, #tpu.memory_space<vmem>>, vector<16xf32>,
          %parallel_loop3A_3627 = arith.addf %parallel_loop3A_3626, %get3A_3578 : vector<16xf32>
          tpu.vector_store_idx %arg8[%add3A_28, %broadcast_in_dim3A, %select_n3A_150, %parallel_loop3A_3618], %parallel_loop3A_3627 : memref<8x5x8x129xf32, #tpu.memory_space<vmem>>[vector<16xi32>, vector<16xi32>, vector<16xi32>, vector<16xi32>], vector<16xf32>,
          %parallel_loop3A_3628 = arith.constant 128 : i32
          %parallel_loop3A_3629 = arith.muli %scan3A_3614, %parallel_loop3A_3628 : i32
          %parallel_loop3A_3630 = arith.addi %parallel_loop3A_3629, %parallel_loop3A_3617 : i32
          %parallel_loop3A_3631 = arith.constant 1 : i32
          %parallel_loop3A_3632 = arith.index_cast %parallel_loop3A_3631 : i32 to index
          %parallel_loop3A_3633 = arith.index_cast %parallel_loop3A_3630 : i32 to index
          %parallel_loop3A_3634 = arith.constant 16 : index
          %parallel_loop3A_3635 = tpu.vector_load %arg7[%parallel_loop3A_3632, %parallel_loop3A_3633, %parallel_loop3A_3634] {strides = array<i32>} : memref<2x512x64xf32, #tpu.memory_space<vmem>>, vector<16xf32>,
          %parallel_loop3A_3636 = arith.addf %parallel_loop3A_3635, %get3A_3581 : vector<16xf32>
          tpu.vector_store_idx %arg8[%add3A_62, %broadcast_in_dim3A, %select_n3A_150, %parallel_loop3A_3618], %parallel_loop3A_3636 : memref<8x5x8x129xf32, #tpu.memory_space<vmem>>[vector<16xi32>, vector<16xi32>, vector<16xi32>, vector<16xi32>], vector<16xf32>,
          %parallel_loop3A_3637 = arith.constant 128 : i32
          %parallel_loop3A_3638 = arith.muli %scan3A_3614, %parallel_loop3A_3637 : i32
          %parallel_loop3A_3639 = arith.addi %parallel_loop3A_3638, %parallel_loop3A_3617 : i32
          %parallel_loop3A_3640 = arith.constant 1 : i32
          %parallel_loop3A_3641 = arith.index_cast %parallel_loop3A_3640 : i32 to index
          %parallel_loop3A_3642 = arith.index_cast %parallel_loop3A_3639 : i32 to index
          %parallel_loop3A_3643 = arith.constant 32 : index
          %parallel_loop3A_3644 = tpu.vector_load %arg7[%parallel_loop3A_3641, %parallel_loop3A_3642, %parallel_loop3A_3643] {strides = array<i32>} : memref<2x512x64xf32, #tpu.memory_space<vmem>>, vector<16xf32>,
          %parallel_loop3A_3645 = arith.addf %parallel_loop3A_3644, %get3A_3584 : vector<16xf32>
          tpu.vector_store_idx %arg8[%add3A_96, %broadcast_in_dim3A, %select_n3A_150, %parallel_loop3A_3618], %parallel_loop3A_3645 : memref<8x5x8x129xf32, #tpu.memory_space<vmem>>[vector<16xi32>, vector<16xi32>, vector<16xi32>, vector<16xi32>], vector<16xf32>,
          %parallel_loop3A_3646 = arith.constant 128 : i32
          %parallel_loop3A_3647 = arith.muli %scan3A_3614, %parallel_loop3A_3646 : i32
          %parallel_loop3A_3648 = arith.addi %parallel_loop3A_3647, %parallel_loop3A_3617 : i32
          %parallel_loop3A_3649 = arith.constant 1 : i32
          %parallel_loop3A_3650 = arith.index_cast %parallel_loop3A_3649 : i32 to index
          %parallel_loop3A_3651 = arith.index_cast %parallel_loop3A_3648 : i32 to index
          %parallel_loop3A_3652 = arith.constant 48 : index
          %parallel_loop3A_3653 = tpu.vector_load %arg7[%parallel_loop3A_3650, %parallel_loop3A_3651, %parallel_loop3A_3652] {strides = array<i32>} : memref<2x512x64xf32, #tpu.memory_space<vmem>>, vector<16xf32>,
          %parallel_loop3A_3654 = arith.addf %parallel_loop3A_3653, %get3A_3587 : vector<16xf32>
          tpu.vector_store_idx %arg8[%add3A_130, %broadcast_in_dim3A, %select_n3A_150, %parallel_loop3A_3618], %parallel_loop3A_3654 : memref<8x5x8x129xf32, #tpu.memory_space<vmem>>[vector<16xi32>, vector<16xi32>, vector<16xi32>, vector<16xi32>], vector<16xf32>,
        } {sc.loop_unroll_factor = 8 : i64, sc.parallel_access}
      }
      %scan3A_3593 = arith.constant 4 : i32
      %dma_start3A_3594 = arith.constant 0 : i32
      %dma_start3A_3595 = arith.constant 0 : i32
      %dma_start3A_3596 = arith.constant 0 : i32
      %dma_start3A_3597 = arith.constant 0 : i32
      %dma_start3A_3598 = tpu.memref_slice %arg8[%dma_start3A_3594, %dma_start3A_3595, %dma_start3A_3596, %dma_start3A_3597] : memref<8x5x8x129xf32, #tpu.memory_space<vmem>> -> memref<8x4x8x128xf32, #tpu.memory_space<vmem>>
      %dma_start3A_3599 = arith.constant 0 : i32
      %dma_start3A_3600 = arith.constant 0 : i32
      %dma_start3A_3601 = arith.constant 0 : i32
      %dma_start3A_3602 = tpu.memref_slice %arg5[%select_n3A_3523, %dma_start3A_3599, %multiple_of3A_3551, %dma_start3A_3600, %dma_start3A_3601] : memref<200x8x32x8x128xf32, #tpu.memory_space<hbm>> -> memref<1x8x4x8x128xf32, #tpu.memory_space<hbm>>
      %dma_start3A_3603 = tpu.memref_squeeze %dma_start3A_3602 : memref<1x8x4x8x128xf32, #tpu.memory_space<hbm>> -> memref<8x4x8x128xf32, #tpu.memory_space<hbm>>
      %dma_start3A_3604 = arith.constant 0 : i32
      %dma_start3A_3605 = arith.constant 0 : i32
      %dma_start3A_3606 = arith.constant 0 : i32
      %dma_start3A_3607 = tpu.memref_slice %arg5[%select_n3A_3523, %dma_start3A_3604, %multiple_of3A_3551, %dma_start3A_3605, %dma_start3A_3606] : memref<200x8x32x8x128xf32, #tpu.memory_space<hbm>> -> memref<1x8x4x8x128xf32, #tpu.memory_space<hbm>>
      %dma_start3A_3608 = tpu.memref_squeeze %dma_start3A_3607 : memref<1x8x4x8x128xf32, #tpu.memory_space<hbm>> -> memref<8x4x8x128xf32, #tpu.memory_space<hbm>>
      %dma_start3A_3609 = arith.constant 0 : i32
      %dma_start3A_3610 = arith.constant 0 : i32
      %dma_start3A_3611 = arith.constant 0 : i32
      %dma_start3A_3612 = arith.constant 0 : i32
      %dma_start3A_3613 = tpu.memref_slice %arg8[%dma_start3A_3609, %dma_start3A_3610, %dma_start3A_3611, %dma_start3A_3612] : memref<8x5x8x129xf32, #tpu.memory_space<vmem>> -> memref<8x4x8x128xf32, #tpu.memory_space<vmem>>
      tpu.enqueue_dma source(%dma_start3A_3613 : memref<8x4x8x128xf32, #tpu.memory_space<vmem>>) target(%dma_start3A_3608 : memref<8x4x8x128xf32, #tpu.memory_space<hbm>>) target_semaphore(%arg12 : memref<!tpu.dma_semaphore, #tpu.memory_space<semaphore_mem>>)
    }
    %scan3A_1145 = arith.constant 25 : i32
    %dma_wait3A = arith.constant 0 : i32
    %dma_wait3A_1146 = arith.constant 0 : i32
    %dma_wait3A_1147 = arith.constant 0 : i32
    %dma_wait3A_1148 = arith.constant 0 : i32
    %dma_wait3A_1149 = arith.constant 0 : i32
    %dma_wait3A_1150 = tpu.memref_slice %arg8[%dma_wait3A_1146, %dma_wait3A_1147, %dma_wait3A_1148, %dma_wait3A_1149] : memref<8x5x8x129xf32, #tpu.memory_space<vmem>> -> memref<8x4x8x128xf32, #tpu.memory_space<vmem>>
    %dma_wait3A_1151 = arith.constant 0 : i32
    %dma_wait3A_1152 = arith.constant 0 : i32
    %dma_wait3A_1153 = arith.constant 0 : i32
    %dma_wait3A_1154 = arith.constant 0 : i32
    %dma_wait3A_1155 = tpu.memref_slice %arg5[%dma_wait3A, %dma_wait3A_1151, %dma_wait3A_1152, %dma_wait3A_1153, %dma_wait3A_1154] : memref<200x8x32x8x128xf32, #tpu.memory_space<hbm>> -> memref<1x8x4x8x128xf32, #tpu.memory_space<hbm>>
    %dma_wait3A_1156 = tpu.memref_squeeze %dma_wait3A_1155 : memref<1x8x4x8x128xf32, #tpu.memory_space<hbm>> -> memref<8x4x8x128xf32, #tpu.memory_space<hbm>>
    %dma_wait3A_1157 = arith.constant 0 : i32
    %dma_wait3A_1158 = arith.constant 0 : i32
    %dma_wait3A_1159 = arith.constant 0 : i32
    %dma_wait3A_1160 = arith.constant 0 : i32
    %dma_wait3A_1161 = tpu.memref_slice %arg5[%dma_wait3A, %dma_wait3A_1157, %dma_wait3A_1158, %dma_wait3A_1159, %dma_wait3A_1160] : memref<200x8x32x8x128xf32, #tpu.memory_space<hbm>> -> memref<1x8x4x8x128xf32, #tpu.memory_space<hbm>>
    %dma_wait3A_1162 = tpu.memref_squeeze %dma_wait3A_1161 : memref<1x8x4x8x128xf32, #tpu.memory_space<hbm>> -> memref<8x4x8x128xf32, #tpu.memory_space<hbm>>
    %dma_wait3A_1163 = arith.constant 0 : i32
    %dma_wait3A_1164 = arith.constant 0 : i32
    %dma_wait3A_1165 = arith.constant 0 : i32
    %dma_wait3A_1166 = arith.constant 0 : i32
    %dma_wait3A_1167 = tpu.memref_slice %arg8[%dma_wait3A_1163, %dma_wait3A_1164, %dma_wait3A_1165, %dma_wait3A_1166] : memref<8x5x8x129xf32, #tpu.memory_space<vmem>> -> memref<8x4x8x128xf32, #tpu.memory_space<vmem>>
    tpu.wait_dma2 semaphore(%arg12 : memref<!tpu.dma_semaphore, #tpu.memory_space<semaphore_mem>>) src(%dma_wait3A_1167 : memref<8x4x8x128xf32, #tpu.memory_space<vmem>>) dst(%dma_wait3A_1162 : memref<8x4x8x128xf32, #tpu.memory_space<hbm>>)
    %dma_wait3A_1168 = arith.constant 0 : i32
    %dma_wait3A_1169 = arith.constant 0 : i32
    %dma_wait3A_1170 = arith.constant 0 : i32
    %dma_wait3A_1171 = tpu.memref_slice %arg7[%dma_wait3A_1168, %dma_wait3A_1169, %dma_wait3A_1170] : memref<2x512x64xf32, #tpu.memory_space<vmem>> -> memref<1x128x64xf32, #tpu.memory_space<vmem>>
    %dma_wait3A_1172 = tpu.memref_squeeze %dma_wait3A_1171 : memref<1x128x64xf32, #tpu.memory_space<vmem>> -> memref<128x64xf32, #tpu.memory_space<vmem>>
    %dma_wait3A_1173 = arith.constant 0 : i32
    %dma_wait3A_1174 = arith.constant 0 : i32
    %dma_wait3A_1175 = tpu.memref_slice %arg3[%dma_wait3A_1173, %dma_wait3A_1174] : memref<1015808x64xf32, #tpu.memory_space<hbm>> -> memref<128x64xf32, #tpu.memory_space<hbm>>
    %dma_wait3A_1176 = arith.constant 0 : i32
    %dma_wait3A_1177 = arith.constant 0 : i32
    %dma_wait3A_1178 = tpu.memref_slice %arg7[%dma_wait3A_1168, %dma_wait3A_1176, %dma_wait3A_1177] : memref<2x512x64xf32, #tpu.memory_space<vmem>> -> memref<1x128x64xf32, #tpu.memory_space<vmem>>
    %dma_wait3A_1179 = tpu.memref_squeeze %dma_wait3A_1178 : memref<1x128x64xf32, #tpu.memory_space<vmem>> -> memref<128x64xf32, #tpu.memory_space<vmem>>
    %dma_wait3A_1180 = arith.constant 0 : i32
    %dma_wait3A_1181 = arith.constant 0 : i32
    %dma_wait3A_1182 = tpu.memref_slice %arg3[%dma_wait3A_1180, %dma_wait3A_1181] : memref<1015808x64xf32, #tpu.memory_space<hbm>> -> memref<128x64xf32, #tpu.memory_space<hbm>>
    tpu.wait_dma2 semaphore(%arg10 : memref<!tpu.dma_semaphore, #tpu.memory_space<semaphore_mem>>) src(%dma_wait3A_1182 : memref<128x64xf32, #tpu.memory_space<hbm>>) dst(%dma_wait3A_1179 : memref<128x64xf32, #tpu.memory_space<vmem>>)
    %dma_wait3A_1183 = arith.constant 0 : i32
    %dma_wait3A_1184 = arith.constant 128 : i32
    %dma_wait3A_1185 = arith.constant 0 : i32
    %dma_wait3A_1186 = tpu.memref_slice %arg7[%dma_wait3A_1183, %dma_wait3A_1184, %dma_wait3A_1185] : memref<2x512x64xf32, #tpu.memory_space<vmem>> -> memref<1x128x64xf32, #tpu.memory_space<vmem>>
    %dma_wait3A_1187 = tpu.memref_squeeze %dma_wait3A_1186 : memref<1x128x64xf32, #tpu.memory_space<vmem>> -> memref<128x64xf32, #tpu.memory_space<vmem>>
    %dma_wait3A_1188 = arith.constant 0 : i32
    %dma_wait3A_1189 = arith.constant 0 : i32
    %dma_wait3A_1190 = tpu.memref_slice %arg3[%dma_wait3A_1188, %dma_wait3A_1189] : memref<1015808x64xf32, #tpu.memory_space<hbm>> -> memref<128x64xf32, #tpu.memory_space<hbm>>
    %dma_wait3A_1191 = arith.constant 128 : i32
    %dma_wait3A_1192 = arith.constant 0 : i32
    %dma_wait3A_1193 = tpu.memref_slice %arg7[%dma_wait3A_1183, %dma_wait3A_1191, %dma_wait3A_1192] : memref<2x512x64xf32, #tpu.memory_space<vmem>> -> memref<1x128x64xf32, #tpu.memory_space<vmem>>
    %dma_wait3A_1194 = tpu.memref_squeeze %dma_wait3A_1193 : memref<1x128x64xf32, #tpu.memory_space<vmem>> -> memref<128x64xf32, #tpu.memory_space<vmem>>
    %dma_wait3A_1195 = arith.constant 0 : i32
    %dma_wait3A_1196 = arith.constant 0 : i32
    %dma_wait3A_1197 = tpu.memref_slice %arg3[%dma_wait3A_1195, %dma_wait3A_1196] : memref<1015808x64xf32, #tpu.memory_space<hbm>> -> memref<128x64xf32, #tpu.memory_space<hbm>>
    tpu.wait_dma2 semaphore(%arg10 : memref<!tpu.dma_semaphore, #tpu.memory_space<semaphore_mem>>) src(%dma_wait3A_1197 : memref<128x64xf32, #tpu.memory_space<hbm>>) dst(%dma_wait3A_1194 : memref<128x64xf32, #tpu.memory_space<vmem>>)
    %dma_wait3A_1198 = arith.constant 0 : i32
    %dma_wait3A_1199 = arith.constant 256 : i32
    %dma_wait3A_1200 = arith.constant 0 : i32
    %dma_wait3A_1201 = tpu.memref_slice %arg7[%dma_wait3A_1198, %dma_wait3A_1199, %dma_wait3A_1200] : memref<2x512x64xf32, #tpu.memory_space<vmem>> -> memref<1x128x64xf32, #tpu.memory_space<vmem>>
    %dma_wait3A_1202 = tpu.memref_squeeze %dma_wait3A_1201 : memref<1x128x64xf32, #tpu.memory_space<vmem>> -> memref<128x64xf32, #tpu.memory_space<vmem>>
    %dma_wait3A_1203 = arith.constant 0 : i32
    %dma_wait3A_1204 = arith.constant 0 : i32
    %dma_wait3A_1205 = tpu.memref_slice %arg3[%dma_wait3A_1203, %dma_wait3A_1204] : memref<1015808x64xf32, #tpu.memory_space<hbm>> -> memref<128x64xf32, #tpu.memory_space<hbm>>
    %dma_wait3A_1206 = arith.constant 256 : i32
    %dma_wait3A_1207 = arith.constant 0 : i32
    %dma_wait3A_1208 = tpu.memref_slice %arg7[%dma_wait3A_1198, %dma_wait3A_1206, %dma_wait3A_1207] : memref<2x512x64xf32, #tpu.memory_space<vmem>> -> memref<1x128x64xf32, #tpu.memory_space<vmem>>
    %dma_wait3A_1209 = tpu.memref_squeeze %dma_wait3A_1208 : memref<1x128x64xf32, #tpu.memory_space<vmem>> -> memref<128x64xf32, #tpu.memory_space<vmem>>
    %dma_wait3A_1210 = arith.constant 0 : i32
    %dma_wait3A_1211 = arith.constant 0 : i32
    %dma_wait3A_1212 = tpu.memref_slice %arg3[%dma_wait3A_1210, %dma_wait3A_1211] : memref<1015808x64xf32, #tpu.memory_space<hbm>> -> memref<128x64xf32, #tpu.memory_space<hbm>>
    tpu.wait_dma2 semaphore(%arg10 : memref<!tpu.dma_semaphore, #tpu.memory_space<semaphore_mem>>) src(%dma_wait3A_1212 : memref<128x64xf32, #tpu.memory_space<hbm>>) dst(%dma_wait3A_1209 : memref<128x64xf32, #tpu.memory_space<vmem>>)
    %dma_wait3A_1213 = arith.constant 0 : i32
    %dma_wait3A_1214 = arith.constant 384 : i32
    %dma_wait3A_1215 = arith.constant 0 : i32
    %dma_wait3A_1216 = tpu.memref_slice %arg7[%dma_wait3A_1213, %dma_wait3A_1214, %dma_wait3A_1215] : memref<2x512x64xf32, #tpu.memory_space<vmem>> -> memref<1x128x64xf32, #tpu.memory_space<vmem>>
    %dma_wait3A_1217 = tpu.memref_squeeze %dma_wait3A_1216 : memref<1x128x64xf32, #tpu.memory_space<vmem>> -> memref<128x64xf32, #tpu.memory_space<vmem>>
    %dma_wait3A_1218 = arith.constant 0 : i32
    %dma_wait3A_1219 = arith.constant 0 : i32
    %dma_wait3A_1220 = tpu.memref_slice %arg3[%dma_wait3A_1218, %dma_wait3A_1219] : memref<1015808x64xf32, #tpu.memory_space<hbm>> -> memref<128x64xf32, #tpu.memory_space<hbm>>
    %dma_wait3A_1221 = arith.constant 384 : i32
    %dma_wait3A_1222 = arith.constant 0 : i32
    %dma_wait3A_1223 = tpu.memref_slice %arg7[%dma_wait3A_1213, %dma_wait3A_1221, %dma_wait3A_1222] : memref<2x512x64xf32, #tpu.memory_space<vmem>> -> memref<1x128x64xf32, #tpu.memory_space<vmem>>
    %dma_wait3A_1224 = tpu.memref_squeeze %dma_wait3A_1223 : memref<1x128x64xf32, #tpu.memory_space<vmem>> -> memref<128x64xf32, #tpu.memory_space<vmem>>
    %dma_wait3A_1225 = arith.constant 0 : i32
    %dma_wait3A_1226 = arith.constant 0 : i32
    %dma_wait3A_1227 = tpu.memref_slice %arg3[%dma_wait3A_1225, %dma_wait3A_1226] : memref<1015808x64xf32, #tpu.memory_space<hbm>> -> memref<128x64xf32, #tpu.memory_space<hbm>>
    tpu.wait_dma2 semaphore(%arg10 : memref<!tpu.dma_semaphore, #tpu.memory_space<semaphore_mem>>) src(%dma_wait3A_1227 : memref<128x64xf32, #tpu.memory_space<hbm>>) dst(%dma_wait3A_1224 : memref<128x64xf32, #tpu.memory_space<vmem>>)
    return
  }
}

module attributes {stable_mosaic.version = 14 : i64} {
  func.func @body(%arg0: i32, %arg1: memref<64x8192xf32, #tpu.memory_space<vmem>>, %arg2: memref<64x8192xf32, #tpu.memory_space<vmem>>, %arg3: memref<8192x128xf32, #tpu.memory_space<vmem>>) attributes {dimension_semantics = [#tpu.dimension_semantics<arbitrary>], iteration_bounds = array<i64: 62>, scalar_prefetch = 0 : i64, scratch_operands = 0 : i64, tpu.core_type = #tpu.core_type<tc>, window_params = [{transform_indices = @transform_0, window_bounds = array<i64: 64, 8192>}, {transform_indices = @transform_1, window_bounds = array<i64: 64, 8192>}, {transform_indices = @transform_2, window_bounds = array<i64: 8192, 128>}]} {
    %get3A = arith.constant 0 : index
    %get3A_0 = arith.constant 0 : index
    %get3A_1 = vector.load %arg1[%get3A, %get3A_0] : memref<64x8192xf32, #tpu.memory_space<vmem>>, vector<64x8192xf32>
    %transpose3A = tpu.transpose %get3A_1, [1, 0] : vector<64x8192xf32> -> vector<8192x64xf32>
    %get3A_2 = arith.constant 0 : index
    %get3A_3 = arith.constant 0 : index
    %get3A_4 = vector.load %arg2[%get3A_2, %get3A_3] : memref<64x8192xf32, #tpu.memory_space<vmem>>, vector<64x8192xf32>
    %transpose3A_5 = tpu.transpose %get3A_4, [1, 0] : vector<64x8192xf32> -> vector<8192x64xf32>
    %concatenate3A = tpu.concatenate %transpose3A, %transpose3A_5 in 1 : vector<8192x64xf32>, vector<8192x64xf32> -> vector<8192x128xf32>
    %mul3A = arith.constant 8.000000e+00 : f32
    %mul3A_6 = vector.broadcast %mul3A : f32 to vector<8192x128xf32>
    %mul3A_7 = arith.mulf %concatenate3A, %mul3A_6 : vector<8192x128xf32>
    %swap3A = arith.constant 0 : index
    %swap3A_8 = arith.constant 0 : index
    %swap3A_9 = vector.load %arg3[%swap3A, %swap3A_8] : memref<8192x128xf32, #tpu.memory_space<vmem>>, vector<8192x128xf32>
    tpu.vector_store %arg3[%swap3A, %swap3A_8], %mul3A_7 {strides = array<i32>} : memref<8192x128xf32, #tpu.memory_space<vmem>>, vector<8192x128xf32>,
    return
  }
  func.func @transform_0(%arg0: i32) -> (i32, i32) {
    %mul3A = arith.constant 2 : i32
    %mul3A_0 = arith.muli %mul3A, %arg0 : i32
    %c0_i32 = arith.constant 0 : i32
    %c0_i32_1 = arith.constant 0 : i32
    return %c0_i32, %mul3A_0 : i32, i32
  }
  func.func @transform_1(%arg0: i32) -> (i32, i32) {
    %mul3A = arith.constant 2 : i32
    %mul3A_0 = arith.muli %mul3A, %arg0 : i32
    %add3A = arith.constant 1 : i32
    %add3A_1 = arith.addi %mul3A_0, %add3A : i32
    %min3A = arith.constant 122 : i32
    %min3A_2 = arith.minsi %add3A_1, %min3A : i32
    %c0_i32 = arith.constant 0 : i32
    %c0_i32_3 = arith.constant 0 : i32
    return %c0_i32, %min3A_2 : i32, i32
  }
  func.func @transform_2(%arg0: i32) -> (i32, i32) {
    %c0_i32 = arith.constant 0 : i32
    %c0_i32_0 = arith.constant 0 : i32
    return %arg0, %c0_i32 : i32, i32
  }
}

</mosaic_0001>

<sc_bundles>
// kernel: kernel.4.cloned.1.call-start
scs
__scs_entry_jumppad:
0x0: {  	(pc) =	sbr.rel $0x88, $3  }
0x1: {  	(tag) =	ssettag $0x0;
	lr =	simm.s32 $0x1  }
0x2: {  	[smem:$0x3F9E] =	sst lr;
	_ =	strace $0xD0000000  }
0x3: {  	_ = 	snop  }
0x4: {  	_ = 	snop  }
0x5: {  	_ = 	snop  }
0x6: {  	_ = 	snop  }
0x7: {  	_ = 	snop  }
__scs_overlays_trampoline_lowered:
0x8: {  	[smem:$0x3FAD] =	sst s0  }
0x9: {  	[smem:$0x3FAE] =	sst s1  }
0xa: {  	[smem:$0x3FAF] =	sst s2  }
0xb: {  	[smem:$0x3FB0] =	sst s3  }
0xc: {  	[smem:$0x3FB1] =	sst s4  }
0xd: {  	[smem:$0x3FB2] =	sst s5  }
0xe: {  	[smem:$0x3FB3] =	sst s6  }
0xf: {  	[smem:$0x3FB4] =	sst s7  }
0x10: {  	[smem:$0x3FB5] =	sst s8  }
0x11: {  	[smem:$0x3FB6] =	sst s9;
	s0 =	simm.s32 @!p0 $0x0  }
0x12: {  	s1 =	sld [smem:$0x3F9C];
	s0 =	simm.s32 @p0 $0x1  }
0x13: {  	[smem:$0x3FB7] =	sst s0;
	s0 =	simm.s32 @!p1 $0x0  }
0x14: {  	s2 =	sld [smem:$0x3F9B];
	s0 =	simm.s32 @p1 $0x1  }
0x15: {  	[smem:$0x3FB8] =	sst s0;
	s0 =	simm.s32 @!p2 $0x0  }
0x16: {  	s3 =	sld [smem:$0x3FDB];
	s0 =	simm.s32 @p2 $0x1  }
0x17: {  	s4 =	simm.s32 $0x1BF5;
	[smem:$0x3FBA] =	sst s0  }
0x18: {  	s0 =	sld [smem:$0x3F9D];
	_ =	swait.ge [sflag:s4], $0x0  }
0x19: {  	s7 =	sld [smem:$0x3F9E]  }
0x1a: {  	s8 =	sadd.s32 $0xFFFFE003, lr  }
0x1b: {  	s9 =	sadd.s32 $0xFFFFFEF7, lr;
	s5 =	simm.s32 $0xFFFFFFFF;
	p2 =	slt.u32 s8, $0xFFFFF086  }
0x1c: {  	p1 =	slt.u32 s9, $0xF7A;
	s5 =	simm.s32 @!p2 $0x0  }
0x1d: {  	s5 =	simm.s32 @p1 $0x1;
	p0 =	seq.s32 s7, s2  }
0x1e: {  	s7 =	smul.u32 @!p0 $0xF7A, s2;
	p2 =	seq.s32 @!p0 s5, $0x0  }
0x1f: {  	s9 =	smul.u32 $0xF7A, s1;
	s8 =	simm.s32 @!p0 $0x1BF5;
	p2 =	por !p2, p0  }
0x20: {  	[sflag:s8] =	ssyncset.s32 @!p0 $0xFFFFF086;
	s6 =	sadd.s32 @!p0 s3, s7;
	s7 =	simm.s32 @!p0 $0x108  }
0x21: {  	s3 =	sadd.s32 s3, s9;
	s6 =	sadd.s32 @!p0 $0x88, s6;
	s7 =	simm.s32 @p2 $0x1082  }
0x22: {  	[simem:s7], [sflag:s8] =	dma.local @!p0 [hbm:s6], $0xF7A  }
0x23: {  	s9 =	sor.u32 $0xD0000000, s2;
	s6 =	simm.s32 $0x108;
	_ =	swait.ge @!p0 [sflag:s8], $0x0  }
0x24: {  	s3 =	sadd.s32 $0x88, s3;
	s6 =	simm.s32 @!p1 $0x1082;
	[sflag:s4] =	ssyncset.s32 $0xFFFFF086  }
0x25: {  	[simem:s6], [sflag:s4] =	dma.local [hbm:s3], $0xF7A  }
0x26: {  	[smem:$0x3F9E] =	sst s1;
	(tag) =	ssettag s2;
	_ =	strace s9  }
0x27: {  	s1 =	sld [smem:$0x3FAE]  }
0x28: {  	s2 =	sld [smem:$0x3FAF]  }
0x29: {  	s4 =	sld [smem:$0x3FB1]  }
0x2a: {  	p0 =	seq.s32 s5, $0x0;
	s5 =	sld [smem:$0x3FB2]  }
0x2b: {  	s6 =	sld [smem:$0x3FB3]  }
0x2c: {  	s7 =	sld [smem:$0x3FB4]  }
0x2d: {  	s3 =	simm.s32 $0x108;
	s8 =	sld [smem:$0x3FB5]  }
0x2e: {  	s3 =	simm.s32 @!p0 $0x1082;
	s9 =	sld [smem:$0x3FB6]  }
0x2f: {  	lr =	sadd.s32 s0, s3;
	s0 =	sld [smem:$0x3FAD]  }
0x30: {  	s3 =	sld [smem:$0x3FB0]  }
0x31: {  	[smem:$0x3FB9] =	sst s10  }
0x32: {  	s10 =	sld [smem:$0x3FB7];
	_ =	sdelay $0x3  }
0x33: {  	p0 =	seq.s32 s10, $0x1;
	s10 =	sld [smem:$0x3FB9];
	_ =	sdelay $0x3  }
0x34: {  	[smem:$0x3FB9] =	sst s10  }
0x35: {  	s10 =	sld [smem:$0x3FB8];
	_ =	sdelay $0x3  }
0x36: {  	p1 =	seq.s32 s10, $0x1;
	s10 =	sld [smem:$0x3FB9];
	_ =	sdelay $0x3  }
0x37: {  	[smem:$0x3FB9] =	sst s10  }
0x38: {  	s10 =	sld [smem:$0x3FBA]  }
0x39: {  	_ = 	snop;
	(pc) =	sbr.ind lr, $3  }
0x3a: {  	_ = 	snop  }
0x3b: {  	_ = 	snop  }
0x3c: {  	p2 =	seq.s32 s10, $0x1;
	s10 =	sld [smem:$0x3FB9]  }
0x3d: {  	_ =	shalt  }
0x3e: {  	_ =	shalt  }
0x3f: {  	_ =	shalt  }
0x40: {  	_ =	shalt  }
0x41: {  	_ =	shalt  }
0x42: {  	_ =	shalt  }
0x43: {  	_ =	shalt  }
0x44: {  	_ =	shalt  }
0x45: {  	_ =	shalt  }
0x46: {  	_ =	shalt  }
0x47: {  	_ =	shalt  }
0x48: {  	_ =	shalt  }
0x49: {  	_ =	shalt  }
0x4a: {  	_ =	shalt  }
0x4b: {  	_ =	shalt  }
0x4c: {  	_ =	shalt  }
0x4d: {  	_ =	shalt  }
0x4e: {  	_ =	shalt  }
0x4f: {  	_ =	shalt  }
0x50: {  	_ =	shalt  }
0x51: {  	_ =	shalt  }
0x52: {  	_ =	shalt  }
0x53: {  	_ =	shalt  }
0x54: {  	_ =	shalt  }
0x55: {  	_ =	shalt  }
0x56: {  	_ =	shalt  }
0x57: {  	_ =	shalt  }
0x58: {  	_ =	shalt  }
0x59: {  	_ =	shalt  }
0x5a: {  	_ =	shalt  }
0x5b: {  	_ =	shalt  }
0x5c: {  	_ =	shalt  }
0x5d: {  	_ =	shalt  }
0x5e: {  	_ =	shalt  }
0x5f: {  	_ =	shalt  }
0x60: {  	_ =	shalt  }
0x61: {  	_ =	shalt  }
0x62: {  	_ =	shalt  }
0x63: {  	_ =	shalt  }
0x64: {  	_ =	shalt  }
0x65: {  	_ =	shalt  }
0x66: {  	_ =	shalt  }
0x67: {  	_ =	shalt  }
0x68: {  	_ =	shalt  }
0x69: {  	_ =	shalt  }
0x6a: {  	_ =	shalt  }
0x6b: {  	_ =	shalt  }
0x6c: {  	_ =	shalt  }
0x6d: {  	_ =	shalt  }
0x6e: {  	_ =	shalt  }
0x6f: {  	_ =	shalt  }
0x70: {  	_ =	shalt  }
0x71: {  	_ =	shalt  }
0x72: {  	_ =	shalt  }
0x73: {  	_ =	shalt  }
0x74: {  	_ =	shalt  }
0x75: {  	_ =	shalt  }
0x76: {  	_ =	shalt  }
0x77: {  	_ =	shalt  }
0x78: {  	_ =	shalt  }
0x79: {  	_ =	shalt  }
0x7a: {  	_ =	shalt  }
0x7b: {  	_ =	shalt  }
0x7c: {  	_ =	shalt  }
0x7d: {  	_ =	shalt  }
0x7e: {  	_ =	shalt  }
0x7f: {  	_ =	shalt  }
0x80: {  	_ =	shalt  }
0x81: {  	_ =	shalt  }
0x82: {  	_ =	shalt  }
0x83: {  	_ =	shalt  }
0x84: {  	_ =	shalt  }
0x85: {  	_ =	shalt  }
0x86: {  	_ =	shalt  }
0x87: {  	_ =	shalt  }
.Lfunc_end0:
.L_simem_size_0:
called_computation_lowered:
.L_overlay_start_0:
0x88: {  	s2 =	sld [smem:$0x3FD9]  }
0x89: {  	s3 =	sld [smem:$0x3FFE];
	_ =	sdelay $0x1  }
0x8a: {  	s1 =	srdreg.scid  }
0x8b: {  	s0 =	sand.u32 $0x1, s1  }
0x8c: {  	s17 =	sshll.u32 s0, $0xA;
	s2 =	sadd.s32 s3, s2  }
0x8d: {  	s2 =	sadd.s32 s2, s17  }
0x8e: {  	[smem:$0x3FC5] =	sst s2  }
0x8f: {  	_ = 	snop  }
0x90: {  	s2 =	sld [smem:$0x3FD0];
	(tm) =	ssettm $0x1  }
0x91: {  	s18 =	sld [smem:$0x3FFB];
	_ =	sdelay $0x3  }
0x92: {  	_ =	strace s18  }
0x93: {  	s3 =	sld [smem:$0x3FFC];
	_ =	sdelay $0x3  }
0x94: {  	_ =	strace s3  }
0x95: {  	s3 =	sld [smem:$0x3FFD];
	_ =	sdelay $0x3  }
0x96: {  	_ =	strace s3  }
0x97: {  	_ =	strace $0x8FFFFFFF  }
0x98: {  	s19 =	sld [smem:$0x3FDB];
	_ =	sdelay $0x1  }
0x99: {  	s4 =	simm.s32 $_scs_section_size  }
0x9a: {  	s5 =	simm.s32 $_size__tile_overlayer_lowered;
	s6 =	simm.s32 $_tile_overlayer_lowered  }
0x9b: {  	s22 =	simm.s32 $0x1BFF;
	s21 =	sshll.u32 s6, $0x1;
	s3 =	sadd.s32 s4, s19  }
0x9c: {  	s7 =	simm.s32 $0x0;
	s20 =	sshll.u32 s5, $0x1;
	s5 =	sadd.s32 s21, s3  }
0x9d: {  	[timem:s7], [sflag:s22] =	dma.local [hbm:s5], s20  }
0x9e: {  	_ =	swait.ge [sflag:s22], s20  }
0x9f: {  	s4 =	ssub.s32 $0x0, s20;
	[sflag:s22] =	ssyncset.done $0x0  }
0xa0: {  	[sflag:s22] =	ssyncadd.s32 s4;
	_ =	sdelay $0x1  }
0xa1: {  	s23 =	simm.s32 $0x1B8B  }
0xa2: {  	_ =	swait.ge [sflag:s23], $0x1  }
0xa3: {  	[sflag:s23] =	ssyncset.done $0x0  }
0xa4: {  	s25 =	simm.s32 $0x1B8E;
	s24 =	sld [smem:$0x3FFE];
	[sflag:s23] =	ssyncadd.s32 $0xFFFFFFFF  }
0xa5: {  	s26 =	simm.s32 $execute0_lowered;
	[smem:$0x3FD2] =	sst s25  }
0xa6: {  	s5 =	sshll.u32 s26, $0x1;
	_ =	strace $0x80000046;
	[dreg:$0x1] =	wrdreg $0xFFFFFFFF  }
0xa7: {  	s28 =	simm.s32 $_size_execute0_lowered;
	s3 =	sadd.s32 s3, s5;
	[dreg:$0x0] =	wrdreg $0x0  }
0xa8: {  	s5 =	sshll.u32 s28, $0x1;
	[dreg:$0x2] =	wrdreg s3  }
0xa9: {  	[dreg:$0x3] =	wrdreg s5  }
0xaa: {  	[dreg:$0x4] =	wrdreg $0xC0  }
0xab: {  	_ =	task [dreg:s7], $0x5FFFF  }
0xac: {  	[dreg:$0x1] =	wrdreg $0xFFFFFFFF  }
0xad: {  	[dreg:$0x0] =	wrdreg $0x60  }
0xae: {  	[dreg:$0x2] =	wrdreg s24  }
0xaf: {  	[dreg:$0x3] =	wrdreg s2  }
0xb0: {  	[dreg:$0x4] =	wrdreg $0x9  }
0xb1: {  	_ =	task.clear_ibuf [dreg:s7], $0x5FFFF;
	_ =	strace $0x90000046  }
0xb2: {  	s29 =	simm.s32 $0x9;
	_ =	strace $0x80000048  }
0xb3: {  	_ =	swait.ge [sflag:s29], $0x1  }
0xb4: {  	[sflag:s29] =	ssyncadd.s32 $0xFFFFFFFF  }
0xb5: {  	_ =	strace $0x90000048  }
0xb6: {  	_ =	sfence  }
0xb7: {  	s30 =	sld [smem:$0x0];
	_ =	sdelay $0x2  }
0xb8: {  	s31 =	sshll.u32 s1, $0xD;
	s1 =	sshrl.u32 s1, $0x2  }
0xb9: {  	s3 =	sand.u32 $0x4000, s31;
	s1 =	sadd.s32 s1, s30  }
0xba: {  	s0 =	sor.u32 s3, s0;
	s1 =	sshll.u32 s1, $0x11  }
0xbb: {  	s0 =	sor.u32 s1, s0  }
0xbc: {  	s0 =	sadd.s32 $0x8F2B, s0  }
0xbd: {  	[sflag:s0] =	ssyncadd.remote.s32 $0x1  }
0xbe: {  	_ =	sfence.sel $0xFFFF  }
0xbf: {  	[dreg:$0x0] =	wrdreg $0xFFFFFFFF;
	(pc) =	sbr.abs _section_cstart, $3  }
0xc0: {  	[dreg:$0x1] =	wrdreg $0xFFFFFFFF  }
0xc1: {  	_ =	task.clear_ibuf [dreg:s7], $0x2FFFF;
	_ =	strace $0x9FFFFFFF  }
0xc2: {  	(tm) =	ssettm $0x7FFFFFFF  }
0xc3: {  	_ =	shalt  }
tec
execute0_lowered:
.L_overlay_start_1:
0x0: {  	(tag) =	ssettag $0x1  }
0x1: {  	v0 =	vimm.s32 $0x18F8;
	vm0 =	vcmask $0x300  }
0x2: {  	vm14 =	vcmask $0x704;
	v1 =	vimm.s32 $0x18F9;
	vm13 =	vcmask $0xB08  }
0x3: {  	vm12 =	vcmask $0xF0C;
	vm11 =	vcmask $0x1310;
	v0 =	vsel vm0, $0x0, v0  }
0x4: {  	vm10 =	vcmask $0x1714;
	vm9 =	vcmask $0x1B18;
	v0 =	vsel vm14, $0x88, v0  }
0x5: {  	vm8 =	vcmask $0x1F1C;
	v1 =	vsel vm0, $0x1, v1;
	v0 =	vsel vm13, $0x110, v0  }
0x6: {  	vm7 =	vcmask $0x2320;
	v1 =	vsel vm14, $0x89, v1;
	v0 =	vsel vm12, $0x198, v0  }
0x7: {  	vm6 =	vcmask $0x2724;
	v1 =	vsel vm13, $0x111, v1;
	v0 =	vsel vm11, $0x220, v0  }
0x8: {  	vm5 =	vcmask $0x2B28;
	v1 =	vsel vm12, $0x199, v1;
	v0 =	vsel vm10, $0x2A8, v0  }
0x9: {  	vm3 =	vcmask $0x2F2C;
	v1 =	vsel vm11, $0x221, v1;
	v0 =	vsel vm9, $0x330, v0  }
0xa: {  	vm4 =	vcmask $0x3330;
	v1 =	vsel vm10, $0x2A9, v1;
	v0 =	vsel vm8, $0x3B8, v0  }
0xb: {  	vm2 =	vcmask $0x3734;
	v1 =	vsel vm9, $0x331, v1;
	v0 =	vsel vm7, $0x1540, v0  }
0xc: {  	vm1 =	vcmask $0x3B38;
	v1 =	vsel vm8, $0x3B9, v1;
	v0 =	vsel vm6, $0x15C8, v0  }
0xd: {  	v2 =	vimm.s32 $0x18FA;
	v1 =	vsel vm7, $0x1541, v1;
	v0 =	vsel vm5, $0x1650, v0  }
0xe: {  	v55 =	vimm.s32 $0x18FB;
	v1 =	vsel vm6, $0x15C9, v1;
	v0 =	vsel vm3, $0x16D8, v0  }
0xf: {  	v56 =	vimm.s32 $0x18FC;
	v1 =	vsel vm5, $0x1651, v1;
	v0 =	vsel vm4, $0x1760, v0  }
0x10: {  	v59 =	vimm.s32 $0x18FD;
	v1 =	vsel vm3, $0x16D9, v1;
	v0 =	vsel vm2, $0x17E8, v0  }
0x11: {  	v54 =	vsel vm0, $0x2, v2;
	v1 =	vsel vm4, $0x1761, v1;
	v0 =	vsel vm1, $0x1870, v0  }
0x12: {  	v62 =	vimm.s32 $0x18FE;
	v1 =	vsel vm2, $0x17E9, v1;
	[tilespmem:$0x1FE00] =	vst v0;
	v0 =	vsel vm14, $0x8A, v54  }
0x13: {  	v53 =	vsel vm1, $0x1871, v1;
	v1 =	vsel vm0, $0x3, v55;
	v0 =	vsel vm13, $0x112, v0  }
0x14: {  	v63 =	vimm.s32 $0x18FF;
	v1 =	vsel vm14, $0x8B, v1;
	v0 =	vsel vm12, $0x19A, v0  }
0x15: {  	v2 =	vsel vm0, $0x4, v56;
	v1 =	vsel vm13, $0x113, v1;
	v0 =	vsel vm11, $0x222, v0  }
0x16: {  	v2 =	vsel vm14, $0x8C, v2;
	v1 =	vsel vm12, $0x19B, v1;
	v0 =	vsel vm10, $0x2AA, v0  }
0x17: {  	v2 =	vsel vm13, $0x114, v2;
	v1 =	vsel vm11, $0x223, v1;
	v0 =	vsel vm9, $0x332, v0  }
0x18: {  	v2 =	vsel vm12, $0x19C, v2;
	v1 =	vsel vm10, $0x2AB, v1;
	v0 =	vsel vm8, $0x3BA, v0  }
0x19: {  	v2 =	vsel vm11, $0x224, v2;
	v1 =	vsel vm9, $0x333, v1;
	v0 =	vsel vm7, $0x1542, v0  }
0x1a: {  	v2 =	vsel vm10, $0x2AC, v2;
	v1 =	vsel vm8, $0x3BB, v1;
	v0 =	vsel vm6, $0x15CA, v0  }
0x1b: {  	v2 =	vsel vm9, $0x334, v2;
	v1 =	vsel vm7, $0x1543, v1;
	v0 =	vsel vm5, $0x1652, v0  }
0x1c: {  	v2 =	vsel vm8, $0x3BC, v2;
	v1 =	vsel vm6, $0x15CB, v1;
	v0 =	vsel vm3, $0x16DA, v0  }
0x1d: {  	v2 =	vsel vm7, $0x1544, v2;
	v1 =	vsel vm5, $0x1653, v1;
	v0 =	vsel vm4, $0x1762, v0  }
0x1e: {  	v2 =	vsel vm6, $0x15CC, v2;
	v1 =	vsel vm3, $0x16DB, v1;
	v0 =	vsel vm2, $0x17EA, v0  }
0x1f: {  	v2 =	vsel vm5, $0x1654, v2;
	v57 =	vsel vm4, $0x1763, v1;
	v0 =	vsel vm1, $0x1872, v0  }
0x20: {  	v6 =	vimm.s32 $0x4378;
	v2 =	vsel vm3, $0x16DC, v2;
	[tilespmem:$0x1FE20] =	vst v0;
	v0 =	vsel vm2, $0x17EB, v57  }
0x21: {  	v61 =	vsel vm0, $0x5, v59;
	v58 =	vsel vm4, $0x1764, v2;
	v0 =	vsel vm1, $0x1873, v0  }
0x22: {  	v9 =	vimm.s32 $0x6DF8;
	v1 =	vsel vm2, $0x17EC, v58;
	[tilespmem:$0x1FE30] =	vst v0;
	v0 =	vsel vm14, $0x8D, v61  }
0x23: {  	v60 =	vsel vm1, $0x1874, v1;
	v1 =	vsel vm0, $0x6, v62;
	v0 =	vsel vm13, $0x115, v0  }
0x24: {  	v10 =	vimm.s32 $0x9878;
	v1 =	vsel vm14, $0x8E, v1;
	v0 =	vsel vm12, $0x19D, v0  }
0x25: {  	v2 =	vsel vm0, $0x7, v63;
	v1 =	vsel vm13, $0x116, v1;
	v0 =	vsel vm11, $0x225, v0  }
0x26: {  	v2 =	vsel vm14, $0x8F, v2;
	v1 =	vsel vm12, $0x19E, v1;
	v0 =	vsel vm10, $0x2AD, v0  }
0x27: {  	v2 =	vsel vm13, $0x117, v2;
	v1 =	vsel vm11, $0x226, v1;
	v0 =	vsel vm9, $0x335, v0  }
0x28: {  	v2 =	vsel vm12, $0x19F, v2;
	v1 =	vsel vm10, $0x2AE, v1;
	v0 =	vsel vm8, $0x3BD, v0  }
0x29: {  	v2 =	vsel vm11, $0x227, v2;
	v1 =	vsel vm9, $0x336, v1;
	v0 =	vsel vm7, $0x1545, v0  }
0x2a: {  	v2 =	vsel vm10, $0x2AF, v2;
	v1 =	vsel vm8, $0x3BE, v1;
	v0 =	vsel vm6, $0x15CD, v0  }
0x2b: {  	v2 =	vsel vm9, $0x337, v2;
	v1 =	vsel vm7, $0x1546, v1;
	v0 =	vsel vm5, $0x1655, v0  }
0x2c: {  	v2 =	vsel vm8, $0x3BF, v2;
	v1 =	vsel vm6, $0x15CE, v1;
	v0 =	vsel vm3, $0x16DD, v0  }
0x2d: {  	v2 =	vsel vm7, $0x1547, v2;
	v1 =	vsel vm5, $0x1656, v1;
	v0 =	vsel vm4, $0x1765, v0  }
0x2e: {  	v2 =	vsel vm6, $0x15CF, v2;
	v1 =	vsel vm3, $0x16DE, v1;
	v0 =	vsel vm2, $0x17ED, v0  }
0x2f: {  	v2 =	vsel vm5, $0x1657, v2;
	v4 =	vsel vm4, $0x1766, v1;
	v0 =	vsel vm1, $0x1875, v0  }
0x30: {  	v13 =	vimm.s32 $0x4379;
	v2 =	vsel vm3, $0x16DF, v2;
	[tilespmem:$0x1FE50] =	vst v0;
	v0 =	vsel vm2, $0x17EE, v4  }
0x31: {  	v8 =	vsel vm0, $0x2A80, v6;
	v5 =	vsel vm4, $0x1767, v2;
	v0 =	vsel vm1, $0x1876, v0  }
0x32: {  	v16 =	vimm.s32 $0x6DF9;
	v1 =	vsel vm2, $0x17EF, v5;
	[tilespmem:$0x1FE60] =	vst v0;
	v0 =	vsel vm14, $0x2B08, v8  }
0x33: {  	v7 =	vsel vm1, $0x1877, v1;
	v1 =	vsel vm0, $0x5500, v9;
	v0 =	vsel vm13, $0x2B90, v0  }
0x34: {  	v17 =	vimm.s32 $0x9879;
	v1 =	vsel vm14, $0x5588, v1;
	v0 =	vsel vm12, $0x2C18, v0  }
0x35: {  	v2 =	vsel vm0, $0x7F80, v10;
	v1 =	vsel vm13, $0x5610, v1;
	v0 =	vsel vm11, $0x2CA0, v0  }
0x36: {  	v2 =	vsel vm14, $0x8008, v2;
	v1 =	vsel vm12, $0x5698, v1;
	v0 =	vsel vm10, $0x2D28, v0  }
0x37: {  	v2 =	vsel vm13, $0x8090, v2;
	v1 =	vsel vm11, $0x5720, v1;
	v0 =	vsel vm9, $0x2DB0, v0  }
0x38: {  	v2 =	vsel vm12, $0x8118, v2;
	v1 =	vsel vm10, $0x57A8, v1;
	v0 =	vsel vm8, $0x2E38, v0  }
0x39: {  	v2 =	vsel vm11, $0x81A0, v2;
	v1 =	vsel vm9, $0x5830, v1;
	v0 =	vsel vm7, $0x3FC0, v0  }
0x3a: {  	v2 =	vsel vm10, $0x8228, v2;
	v1 =	vsel vm8, $0x58B8, v1;
	v0 =	vsel vm6, $0x4048, v0  }
0x3b: {  	v2 =	vsel vm9, $0x82B0, v2;
	v1 =	vsel vm7, $0x6A40, v1;
	v0 =	vsel vm5, $0x40D0, v0  }
0x3c: {  	v2 =	vsel vm8, $0x8338, v2;
	v1 =	vsel vm6, $0x6AC8, v1;
	v0 =	vsel vm3, $0x4158, v0  }
0x3d: {  	v2 =	vsel vm7, $0x94C0, v2;
	v1 =	vsel vm5, $0x6B50, v1;
	v0 =	vsel vm4, $0x41E0, v0  }
0x3e: {  	v2 =	vsel vm6, $0x9548, v2;
	v1 =	vsel vm3, $0x6BD8, v1;
	v0 =	vsel vm2, $0x4268, v0  }
0x3f: {  	v2 =	vsel vm5, $0x95D0, v2;
	v11 =	vsel vm4, $0x6C60, v1;
	v0 =	vsel vm1, $0x42F0, v0  }
0x40: {  	v20 =	vimm.s32 $0x437A;
	v2 =	vsel vm3, $0x9658, v2;
	[tilespmem:$0x1FE80] =	vst v0;
	v0 =	vsel vm2, $0x6CE8, v11  }
0x41: {  	v15 =	vsel vm0, $0x2A81, v13;
	v12 =	vsel vm4, $0x96E0, v2;
	v0 =	vsel vm1, $0x6D70, v0  }
0x42: {  	v23 =	vimm.s32 $0x6DFA;
	v1 =	vsel vm2, $0x9768, v12;
	[tilespmem:$0x1FE90] =	vst v0;
	v0 =	vsel vm14, $0x2B09, v15  }
0x43: {  	v14 =	vsel vm1, $0x97F0, v1;
	v1 =	vsel vm0, $0x5501, v16;
	v0 =	vsel vm13, $0x2B91, v0  }
0x44: {  	v24 =	vimm.s32 $0x987A;
	v1 =	vsel vm14, $0x5589, v1;
	v0 =	vsel vm12, $0x2C19, v0  }
0x45: {  	v2 =	vsel vm0, $0x7F81, v17;
	v1 =	vsel vm13, $0x5611, v1;
	v0 =	vsel vm11, $0x2CA1, v0  }
0x46: {  	v2 =	vsel vm14, $0x8009, v2;
	v1 =	vsel vm12, $0x5699, v1;
	v0 =	vsel vm10, $0x2D29, v0  }
0x47: {  	v2 =	vsel vm13, $0x8091, v2;
	v1 =	vsel vm11, $0x5721, v1;
	v0 =	vsel vm9, $0x2DB1, v0  }
0x48: {  	v2 =	vsel vm12, $0x8119, v2;
	v1 =	vsel vm10, $0x57A9, v1;
	v0 =	vsel vm8, $0x2E39, v0  }
0x49: {  	v2 =	vsel vm11, $0x81A1, v2;
	v1 =	vsel vm9, $0x5831, v1;
	v0 =	vsel vm7, $0x3FC1, v0  }
0x4a: {  	v2 =	vsel vm10, $0x8229, v2;
	v1 =	vsel vm8, $0x58B9, v1;
	v0 =	vsel vm6, $0x4049, v0  }
0x4b: {  	v2 =	vsel vm9, $0x82B1, v2;
	v1 =	vsel vm7, $0x6A41, v1;
	v0 =	vsel vm5, $0x40D1, v0  }
0x4c: {  	v2 =	vsel vm8, $0x8339, v2;
	v1 =	vsel vm6, $0x6AC9, v1;
	v0 =	vsel vm3, $0x4159, v0  }
0x4d: {  	v2 =	vsel vm7, $0x94C1, v2;
	v1 =	vsel vm5, $0x6B51, v1;
	v0 =	vsel vm4, $0x41E1, v0  }
0x4e: {  	v2 =	vsel vm6, $0x9549, v2;
	v1 =	vsel vm3, $0x6BD9, v1;
	v0 =	vsel vm2, $0x4269, v0  }
0x4f: {  	v2 =	vsel vm5, $0x95D1, v2;
	v18 =	vsel vm4, $0x6C61, v1;
	v0 =	vsel vm1, $0x42F1, v0  }
0x50: {  	v27 =	vimm.s32 $0x437B;
	v2 =	vsel vm3, $0x9659, v2;
	[tilespmem:$0x1FEB0] =	vst v0;
	v0 =	vsel vm2, $0x6CE9, v18  }
0x51: {  	v22 =	vsel vm0, $0x2A82, v20;
	v19 =	vsel vm4, $0x96E1, v2;
	v0 =	vsel vm1, $0x6D71, v0  }
0x52: {  	v30 =	vimm.s32 $0x6DFB;
	v1 =	vsel vm2, $0x9769, v19;
	[tilespmem:$0x1FEC0] =	vst v0;
	v0 =	vsel vm14, $0x2B0A, v22  }
0x53: {  	v21 =	vsel vm1, $0x97F1, v1;
	v1 =	vsel vm0, $0x5502, v23;
	v0 =	vsel vm13, $0x2B92, v0  }
0x54: {  	v31 =	vimm.s32 $0x987B;
	v1 =	vsel vm14, $0x558A, v1;
	v0 =	vsel vm12, $0x2C1A, v0  }
0x55: {  	v2 =	vsel vm0, $0x7F82, v24;
	v1 =	vsel vm13, $0x5612, v1;
	v0 =	vsel vm11, $0x2CA2, v0  }
0x56: {  	v2 =	vsel vm14, $0x800A, v2;
	v1 =	vsel vm12, $0x569A, v1;
	v0 =	vsel vm10, $0x2D2A, v0  }
0x57: {  	v2 =	vsel vm13, $0x8092, v2;
	v1 =	vsel vm11, $0x5722, v1;
	v0 =	vsel vm9, $0x2DB2, v0  }
0x58: {  	v2 =	vsel vm12, $0x811A, v2;
	v1 =	vsel vm10, $0x57AA, v1;
	v0 =	vsel vm8, $0x2E3A, v0  }
0x59: {  	v2 =	vsel vm11, $0x81A2, v2;
	v1 =	vsel vm9, $0x5832, v1;
	v0 =	vsel vm7, $0x3FC2, v0  }
0x5a: {  	v2 =	vsel vm10, $0x822A, v2;
	v1 =	vsel vm8, $0x58BA, v1;
	v0 =	vsel vm6, $0x404A, v0  }
0x5b: {  	v2 =	vsel vm9, $0x82B2, v2;
	v1 =	vsel vm7, $0x6A42, v1;
	v0 =	vsel vm5, $0x40D2, v0  }
0x5c: {  	v2 =	vsel vm8, $0x833A, v2;
	v1 =	vsel vm6, $0x6ACA, v1;
	v0 =	vsel vm3, $0x415A, v0  }
0x5d: {  	v2 =	vsel vm7, $0x94C2, v2;
	v1 =	vsel vm5, $0x6B52, v1;
	v0 =	vsel vm4, $0x41E2, v0  }
0x5e: {  	v2 =	vsel vm6, $0x954A, v2;
	v1 =	vsel vm3, $0x6BDA, v1;
	v0 =	vsel vm2, $0x426A, v0  }
0x5f: {  	v2 =	vsel vm5, $0x95D2, v2;
	v25 =	vsel vm4, $0x6C62, v1;
	v0 =	vsel vm1, $0x42F2, v0  }
0x60: {  	v34 =	vimm.s32 $0x437C;
	v2 =	vsel vm3, $0x965A, v2;
	[tilespmem:$0x1FEE0] =	vst v0;
	v0 =	vsel vm2, $0x6CEA, v25  }
0x61: {  	v29 =	vsel vm0, $0x2A83, v27;
	v26 =	vsel vm4, $0x96E2, v2;
	v0 =	vsel vm1, $0x6D72, v0  }
0x62: {  	v37 =	vimm.s32 $0x6DFC;
	v1 =	vsel vm2, $0x976A, v26;
	[tilespmem:$0x1FEF0] =	vst v0;
	v0 =	vsel vm14, $0x2B0B, v29  }
0x63: {  	v28 =	vsel vm1, $0x97F2, v1;
	v1 =	vsel vm0, $0x5503, v30;
	v0 =	vsel vm13, $0x2B93, v0  }
0x64: {  	v38 =	vimm.s32 $0x987C;
	v1 =	vsel vm14, $0x558B, v1;
	v0 =	vsel vm12, $0x2C1B, v0  }
0x65: {  	v2 =	vsel vm0, $0x7F83, v31;
	v1 =	vsel vm13, $0x5613, v1;
	v0 =	vsel vm11, $0x2CA3, v0  }
0x66: {  	v2 =	vsel vm14, $0x800B, v2;
	v1 =	vsel vm12, $0x569B, v1;
	v0 =	vsel vm10, $0x2D2B, v0  }
0x67: {  	v2 =	vsel vm13, $0x8093, v2;
	v1 =	vsel vm11, $0x5723, v1;
	v0 =	vsel vm9, $0x2DB3, v0  }
0x68: {  	v2 =	vsel vm12, $0x811B, v2;
	v1 =	vsel vm10, $0x57AB, v1;
	v0 =	vsel vm8, $0x2E3B, v0  }
0x69: {  	v2 =	vsel vm11, $0x81A3, v2;
	v1 =	vsel vm9, $0x5833, v1;
	v0 =	vsel vm7, $0x3FC3, v0  }
0x6a: {  	v2 =	vsel vm10, $0x822B, v2;
	v1 =	vsel vm8, $0x58BB, v1;
	v0 =	vsel vm6, $0x404B, v0  }
0x6b: {  	v2 =	vsel vm9, $0x82B3, v2;
	v1 =	vsel vm7, $0x6A43, v1;
	v0 =	vsel vm5, $0x40D3, v0  }
0x6c: {  	v2 =	vsel vm8, $0x833B, v2;
	v1 =	vsel vm6, $0x6ACB, v1;
	v0 =	vsel vm3, $0x415B, v0  }
0x6d: {  	v2 =	vsel vm7, $0x94C3, v2;
	v1 =	vsel vm5, $0x6B53, v1;
	v0 =	vsel vm4, $0x41E3, v0  }
0x6e: {  	v2 =	vsel vm6, $0x954B, v2;
	v1 =	vsel vm3, $0x6BDB, v1;
	v0 =	vsel vm2, $0x426B, v0  }
0x6f: {  	v2 =	vsel vm5, $0x95D3, v2;
	v32 =	vsel vm4, $0x6C63, v1;
	v0 =	vsel vm1, $0x42F3, v0  }
0x70: {  	v41 =	vimm.s32 $0x437D;
	v2 =	vsel vm3, $0x965B, v2;
	[tilespmem:$0x1FF10] =	vst v0;
	v0 =	vsel vm2, $0x6CEB, v32  }
0x71: {  	v36 =	vsel vm0, $0x2A84, v34;
	v33 =	vsel vm4, $0x96E3, v2;
	v0 =	vsel vm1, $0x6D73, v0  }
0x72: {  	v44 =	vimm.s32 $0x6DFD;
	v1 =	vsel vm2, $0x976B, v33;
	[tilespmem:$0x1FF20] =	vst v0;
	v0 =	vsel vm14, $0x2B0C, v36  }
0x73: {  	v35 =	vsel vm1, $0x97F3, v1;
	v1 =	vsel vm0, $0x5504, v37;
	v0 =	vsel vm13, $0x2B94, v0  }
0x74: {  	v45 =	vimm.s32 $0x987D;
	v1 =	vsel vm14, $0x558C, v1;
	v0 =	vsel vm12, $0x2C1C, v0  }
0x75: {  	v2 =	vsel vm0, $0x7F84, v38;
	v1 =	vsel vm13, $0x5614, v1;
	v0 =	vsel vm11, $0x2CA4, v0  }
0x76: {  	v2 =	vsel vm14, $0x800C, v2;
	v1 =	vsel vm12, $0x569C, v1;
	v0 =	vsel vm10, $0x2D2C, v0  }
0x77: {  	v2 =	vsel vm13, $0x8094, v2;
	v1 =	vsel vm11, $0x5724, v1;
	v0 =	vsel vm9, $0x2DB4, v0  }
0x78: {  	v2 =	vsel vm12, $0x811C, v2;
	v1 =	vsel vm10, $0x57AC, v1;
	v0 =	vsel vm8, $0x2E3C, v0  }
0x79: {  	v2 =	vsel vm11, $0x81A4, v2;
	v1 =	vsel vm9, $0x5834, v1;
	v0 =	vsel vm7, $0x3FC4, v0  }
0x7a: {  	v2 =	vsel vm10, $0x822C, v2;
	v1 =	vsel vm8, $0x58BC, v1;
	v0 =	vsel vm6, $0x404C, v0  }
0x7b: {  	v2 =	vsel vm9, $0x82B4, v2;
	v1 =	vsel vm7, $0x6A44, v1;
	v0 =	vsel vm5, $0x40D4, v0  }
0x7c: {  	v2 =	vsel vm8, $0x833C, v2;
	v1 =	vsel vm6, $0x6ACC, v1;
	v0 =	vsel vm3, $0x415C, v0  }
0x7d: {  	v2 =	vsel vm7, $0x94C4, v2;
	v1 =	vsel vm5, $0x6B54, v1;
	v0 =	vsel vm4, $0x41E4, v0  }
0x7e: {  	v2 =	vsel vm6, $0x954C, v2;
	v1 =	vsel vm3, $0x6BDC, v1;
	v0 =	vsel vm2, $0x426C, v0  }
0x7f: {  	v2 =	vsel vm5, $0x95D4, v2;
	v39 =	vsel vm4, $0x6C64, v1;
	v0 =	vsel vm1, $0x42F4, v0  }
0x80: {  	v48 =	vimm.s32 $0x437E;
	v2 =	vsel vm3, $0x965C, v2;
	[tilespmem:$0x1FF40] =	vst v0;
	v0 =	vsel vm2, $0x6CEC, v39  }
0x81: {  	v43 =	vsel vm0, $0x2A85, v41;
	v40 =	vsel vm4, $0x96E4, v2;
	v0 =	vsel vm1, $0x6D74, v0  }
0x82: {  	v51 =	vimm.s32 $0x6DFE;
	v1 =	vsel vm2, $0x976C, v40;
	[tilespmem:$0x1FF50] =	vst v0;
	v0 =	vsel vm14, $0x2B0D, v43  }
0x83: {  	v42 =	vsel vm1, $0x97F4, v1;
	v1 =	vsel vm0, $0x5505, v44;
	v0 =	vsel vm13, $0x2B95, v0  }
0x84: {  	v52 =	vimm.s32 $0x987E;
	v1 =	vsel vm14, $0x558D, v1;
	v0 =	vsel vm12, $0x2C1D, v0  }
0x85: {  	v2 =	vsel vm0, $0x7F85, v45;
	v1 =	vsel vm13, $0x5615, v1;
	v0 =	vsel vm11, $0x2CA5, v0  }
0x86: {  	v2 =	vsel vm14, $0x800D, v2;
	v1 =	vsel vm12, $0x569D, v1;
	v0 =	vsel vm10, $0x2D2D, v0  }
0x87: {  	v2 =	vsel vm13, $0x8095, v2;
	v1 =	vsel vm11, $0x5725, v1;
	v0 =	vsel vm9, $0x2DB5, v0  }
0x88: {  	v2 =	vsel vm12, $0x811D, v2;
	v1 =	vsel vm10, $0x57AD, v1;
	v0 =	vsel vm8, $0x2E3D, v0  }
0x89: {  	v2 =	vsel vm11, $0x81A5, v2;
	v1 =	vsel vm9, $0x5835, v1;
	v0 =	vsel vm7, $0x3FC5, v0  }
0x8a: {  	v2 =	vsel vm10, $0x822D, v2;
	v1 =	vsel vm8, $0x58BD, v1;
	v0 =	vsel vm6, $0x404D, v0  }
0x8b: {  	v2 =	vsel vm9, $0x82B5, v2;
	v1 =	vsel vm7, $0x6A45, v1;
	v0 =	vsel vm5, $0x40D5, v0  }
0x8c: {  	v2 =	vsel vm8, $0x833D, v2;
	v1 =	vsel vm6, $0x6ACD, v1;
	v0 =	vsel vm3, $0x415D, v0  }
0x8d: {  	v2 =	vsel vm7, $0x94C5, v2;
	v1 =	vsel vm5, $0x6B55, v1;
	v0 =	vsel vm4, $0x41E5, v0  }
0x8e: {  	v2 =	vsel vm6, $0x954D, v2;
	v1 =	vsel vm3, $0x6BDD, v1;
	v0 =	vsel vm2, $0x426D, v0  }
0x8f: {  	v2 =	vsel vm5, $0x95D5, v2;
	v46 =	vsel vm4, $0x6C65, v1;
	v0 =	vsel vm1, $0x42F5, v0  }
0x90: {  	v50 =	vsel vm0, $0x2A86, v48;
	v2 =	vsel vm3, $0x965D, v2;
	[tilespmem:$0x1FF70] =	vst v0;
	v0 =	vsel vm2, $0x6CED, v46  }
0x91: {  	v59 =	vimm.s32 $0x987F;
	v47 =	vsel vm4, $0x96E5, v2;
	v0 =	vsel vm1, $0x6D75, v0  }
0x92: {  	v55 =	vimm.s32 $0x437F;
	v1 =	vsel vm2, $0x976D, v47;
	[tilespmem:$0x1FF80] =	vst v0;
	v0 =	vsel vm14, $0x2B0E, v50  }
0x93: {  	v49 =	vsel vm1, $0x97F5, v1;
	v1 =	vsel vm0, $0x5506, v51;
	v0 =	vsel vm13, $0x2B96, v0  }
0x94: {  	v58 =	vimm.s32 $0x6DFF;
	v1 =	vsel vm14, $0x558E, v1;
	v0 =	vsel vm12, $0x2C1E, v0  }
0x95: {  	v2 =	vsel vm0, $0x7F86, v52;
	v1 =	vsel vm13, $0x5616, v1;
	v0 =	vsel vm11, $0x2CA6, v0  }
0x96: {  	v2 =	vsel vm14, $0x800E, v2;
	v1 =	vsel vm12, $0x569E, v1;
	v0 =	vsel vm10, $0x2D2E, v0  }
0x97: {  	v2 =	vsel vm13, $0x8096, v2;
	v1 =	vsel vm11, $0x5726, v1;
	v0 =	vsel vm9, $0x2DB6, v0  }
0x98: {  	v2 =	vsel vm12, $0x811E, v2;
	v1 =	vsel vm10, $0x57AE, v1;
	v0 =	vsel vm8, $0x2E3E, v0  }
0x99: {  	v2 =	vsel vm11, $0x81A6, v2;
	v1 =	vsel vm9, $0x5836, v1;
	v0 =	vsel vm7, $0x3FC6, v0  }
0x9a: {  	v2 =	vsel vm10, $0x822E, v2;
	v1 =	vsel vm8, $0x58BE, v1;
	v0 =	vsel vm6, $0x404E, v0  }
0x9b: {  	v2 =	vsel vm9, $0x82B6, v2;
	v1 =	vsel vm7, $0x6A46, v1;
	v0 =	vsel vm5, $0x40D6, v0  }
0x9c: {  	v2 =	vsel vm8, $0x833E, v2;
	v1 =	vsel vm6, $0x6ACE, v1;
	v0 =	vsel vm3, $0x415E, v0  }
0x9d: {  	v2 =	vsel vm7, $0x94C6, v2;
	v1 =	vsel vm5, $0x6B56, v1;
	v0 =	vsel vm4, $0x41E6, v0  }
0x9e: {  	v2 =	vsel vm6, $0x954E, v2;
	v1 =	vsel vm3, $0x6BDE, v1;
	v0 =	vsel vm2, $0x426E, v0  }
0x9f: {  	[tilespmem:$0x1FE10] =	vst v53;
	v2 =	vsel vm5, $0x95D6, v2;
	v53 =	vsel vm4, $0x6C66, v1;
	v0 =	vsel vm1, $0x42F6, v0  }
0xa0: {  	v57 =	vsel vm0, $0x2A87, v55;
	v2 =	vsel vm3, $0x965E, v2;
	[tilespmem:$0x1FFA0] =	vst v0;
	v0 =	vsel vm2, $0x6CEE, v53  }
0xa1: {  	v54 =	vsel vm4, $0x96E6, v2;
	v2 =	vsel vm0, $0x7F87, v59;
	v0 =	vsel vm1, $0x6D76, v0  }
0xa2: {  	v2 =	vsel vm14, $0x800F, v2;
	v1 =	vsel vm2, $0x976E, v54;
	[tilespmem:$0x1FFB0] =	vst v0;
	v0 =	vsel vm14, $0x2B0F, v57  }
0xa3: {  	v56 =	vsel vm1, $0x97F6, v1;
	v1 =	vsel vm0, $0x5507, v58;
	v0 =	vsel vm13, $0x2B97, v0  }
0xa4: {  	v2 =	vsel vm13, $0x8097, v2;
	v1 =	vsel vm14, $0x558F, v1;
	v0 =	vsel vm12, $0x2C1F, v0  }
0xa5: {  	s0 =	rddreg [dreg:$0x0];
	[tilespmem:$0x1FE40] =	vst v60;
	v2 =	vsel vm12, $0x811F, v2;
	v1 =	vsel vm13, $0x5617, v1;
	v0 =	vsel vm11, $0x2CA7, v0  }
0xa6: {  	s1 =	rddreg [dreg:$0x1];
	[tilespmem:$0x1FE70] =	vst v7;
	v2 =	vsel vm11, $0x81A7, v2;
	v1 =	vsel vm12, $0x569F, v1;
	v0 =	vsel vm10, $0x2D2F, v0  }
0xa7: {  	s2 =	srdreg.scid;
	s4 =	stileid.u32;
	[tilespmem:$0x1FEA0] =	vst v14;
	v2 =	vsel vm10, $0x822F, v2;
	v1 =	vsel vm11, $0x5727, v1;
	v0 =	vsel vm9, $0x2DB7, v0  }
0xa8: {  	s3 =	simm.s32 $0x0;
	s13 =	simm.s32 $0x4;
	s14 =	simm.s32 $0x80;
	[tilespmem:$0x1FED0] =	vst v21;
	v2 =	vsel vm9, $0x82B7, v2;
	v1 =	vsel vm10, $0x57AF, v1;
	v0 =	vsel vm8, $0x2E3F, v0  }
0xa9: {  	s20 =	simm.s32 $0x6400;
	s2 =	sand.u32 $0x1, s2;
	s4 =	sshll.u32 s4, $0x1;
	[tilespmem:$0x1FF00] =	vst v28;
	v2 =	vsel vm8, $0x833F, v2;
	v1 =	vsel vm9, $0x5837, v1;
	v0 =	vsel vm7, $0x3FC7, v0  }
0xaa: {  	s21 =	simm.s32 $0x200;
	s30 =	simm.s32 $0x1;
	s4 =	sor.u32 s2, s4;
	[tilespmem:$0x1FF30] =	vst v35;
	v2 =	vsel vm7, $0x94C7, v2;
	v1 =	vsel vm8, $0x58BF, v1;
	v0 =	vsel vm6, $0x404F, v0  }
0xab: {  	[smem:$0x7FF] =	sst s3;
	s2 =	ssub.s32 $0x2, s2;
	s4 =	smul.u32 $0x6400, s4;
	[tilespmem:$0x1FF60] =	vst v42;
	v2 =	vsel vm6, $0x954F, v2;
	v1 =	vsel vm7, $0x6A47, v1;
	v0 =	vsel vm5, $0x40D7, v0  }
0xac: {  	s5 =	sadd.s32 $0xA400, s0;
	s6 =	sadd.s32 $0x23400, s0;
	s7 =	sshrl.u32 s2, $0x1;
	v2 =	vsel vm5, $0x95D7, v2;
	[tilespmem:$0x1FF90] =	vst v49;
	v1 =	vsel vm6, $0x6ACF, v1;
	v0 =	vsel vm3, $0x415F, v0  }
0xad: {  	s0 =	sadd.s32 $0x600, s0;
	s26 =	ssub.s32 s2, s7;
	s28 =	sshrl.u32 s4, $0x3;
	v2 =	vsel vm3, $0x965F, v2;
	[tilespmem:$0x1FFC0] =	vst v56;
	v1 =	vsel vm5, $0x6B57, v1;
	v0 =	vsel vm4, $0x41E7, v0  }
0xae: {  	s2 =	sadd.s32 s5, s28;
	v61 =	vsel vm4, $0x96E7, v2;
	v1 =	vsel vm3, $0x6BDF, v1;
	_ =	strace $0x80000047;
	[dreg:$0x3] =	wrdreg s0;
	v0 =	vsel vm2, $0x426F, v0  }
0xaf: {  	s8 =	simm.s32 $0x3;
	s29 =	sshrl.u32 s4, $0xC;
	v60 =	vsel vm4, $0x6C67, v1;
	v1 =	vsel vm2, $0x976F, v61;
	[dreg:$0x4] =	wrdreg s2;
	v0 =	vsel vm1, $0x42F7, v0  }
0xb0: {  	s9 =	simm.s32 $0x0;
	s31 =	sand.u32 $0xC00, s4;
	v63 =	vsel vm1, $0x97F7, v1;
	[dreg:$0x5] =	wrdreg s29;
	[tilespmem:$0x1FFD0] =	vst v0;
	v0 =	vsel vm2, $0x6CEF, v60  }
0xb1: {  	s11 =	sadd.s32 $0x400, s4;
	v62 =	vimm.s32 $0x0;
	[dreg:$0x6] =	wrdreg s31;
	s0 =	smax.u32 s26, $0x1;
	[tilespmem:$0x1FFF0] =	vst v63;
	v0 =	vsel vm1, $0x6D77, v0  }
0xb2: {  	v32 =	vsel vm0, $0x3, v62;
	s2 =	simm.s32 $0x2;
	[dreg:$0x7] =	wrdreg s0;
	s0 =	simm.s32 $0x10400;
	[tilespmem:$0x1FFE0] =	vst v0  }
.LBB2_1:
0xb3: {  	[dreg:$0x8] =	wrdreg s9  }
0xb4: {  	s7 =	rddreg [dreg:$0x4]  }
0xb5: {  	[tilespmem:s3], [sflag:$0x4] =	stream.linear.gather [hbm4b:s7+s3], $0x200, $0x38;
	[tilespmem:$0x1B000] =	vst v63  }
0xb6: {  	_ =	swait.ge [sflag:s13], $0x200  }
0xb7: {  	[sflag:s13] =	ssyncset.done $0x0  }
0xb8: {  	[sflag:s13] =	ssyncadd.s32 $0xFFFFFE00  }
0xb9: {  	v0 =	vld [tilespmem:$0x0]  }
0xba: {  	v1 =	vld [tilespmem:$0x10]  }
0xbb: {  	v2 =	vld [tilespmem:$0x20]  }
0xbc: {  	v5 =	vld [tilespmem:$0x30]  }
0xbd: {  	v6 =	vld [tilespmem:$0x40]  }
0xbe: {  	v8 =	vld [tilespmem:$0x50]  }
0xbf: {  	v44 =	vld [tilespmem:$0x60];
	v3 =	vshll.u32 v0, $0x1  }
0xc0: {  	v9 =	vld [tilespmem:$0x70];
	v4 =	vand.u32 $0xFFFFC000, v0;
	v0 =	vshrl.u32 v0, $0xD;
	v36 =	vshll.u32 v1, $0x1  }
0xc1: {  	v48 =	vld [tilespmem:$0x80];
	v37 =	vand.u32 $0xFFFFC000, v1;
	v1 =	vshrl.u32 v1, $0xD;
	v38 =	vshll.u32 v2, $0x1  }
0xc2: {  	v11 =	vld [tilespmem:$0x90];
	v7 =	vand.u32 $0xFFFFC000, v2;
	v2 =	vshrl.u32 v2, $0xD;
	v40 =	vshll.u32 v5, $0x1  }
0xc3: {  	v12 =	vld [tilespmem:$0xA0];
	v41 =	vand.u32 $0xFFFFC000, v5;
	v5 =	vshrl.u32 v5, $0xD;
	v43 =	vshll.u32 v6, $0x1  }
0xc4: {  	v55 =	vld [tilespmem:$0xB0];
	v45 =	vand.u32 $0xFFFFC000, v6;
	v46 =	vshrl.u32 v6, $0xD;
	v47 =	vshll.u32 v8, $0x1  }
0xc5: {  	v14 =	vld [tilespmem:$0xC0];
	v10 =	vand.u32 $0xFFFFC000, v8;
	v8 =	vshrl.u32 v8, $0xD;
	v49 =	vshll.u32 v44, $0x1  }
0xc6: {  	v15 =	vld [tilespmem:$0xD0];
	v50 =	vand.u32 $0xFFFFC000, v44;
	v51 =	vshll.u32 v9, $0x1;
	v52 =	vand.u32 $0xFFFFC000, v9  }
0xc7: {  	v63 =	vld [tilespmem:$0xE0];
	v53 =	vshrl.u32 v9, $0xD;
	v54 =	vshll.u32 v48, $0x1;
	v13 =	vand.u32 $0xFFFFC000, v48  }
0xc8: {  	v17 =	vld [tilespmem:$0xF0];
	v56 =	vshll.u32 v11, $0x1;
	v57 =	vand.u32 $0xFFFFC000, v11;
	v11 =	vshrl.u32 v11, $0xD  }
0xc9: {  	v18 =	vld [tilespmem:$0x100];
	v59 =	vshll.u32 v12, $0x1;
	v60 =	vand.u32 $0xFFFFC000, v12;
	v61 =	vshrl.u32 v12, $0xD  }
0xca: {  	v27 =	vld [tilespmem:$0x110];
	v62 =	vshll.u32 v55, $0x1;
	v16 =	vand.u32 $0xFFFFC000, v55;
	v20 =	vshll.u32 v14, $0x1  }
0xcb: {  	v21 =	vand.u32 $0xFFFFC000, v14;
	v14 =	vshrl.u32 v14, $0xD;
	v23 =	vshll.u32 v15, $0x1  }
0xcc: {  	v24 =	vand.u32 $0xFFFFC000, v15;
	v25 =	vshrl.u32 v15, $0xD;
	v26 =	vshll.u32 v63, $0x1  }
0xcd: {  	v19 =	vand.u32 $0xFFFFC000, v63;
	v28 =	vshll.u32 v17, $0x1;
	v29 =	vand.u32 $0xFFFFC000, v17  }
0xce: {  	v17 =	vshrl.u32 v17, $0xD;
	v31 =	vshll.u32 v18, $0x1;
	v33 =	vand.u32 $0xFFFFC000, v18  }
0xcf: {  	v34 =	vshrl.u32 v18, $0xD;
	v35 =	vshll.u32 v27, $0x1;
	v3 =	vand.u32 $0x3FFE, v3  }
0xd0: {  	v0 =	vand.u32 $0x1, v0;
	v1 =	vand.u32 $0x1, v1;
	v39 =	vand.u32 $0x1, v2  }
0xd1: {  	v42 =	vand.u32 $0x1, v5;
	v5 =	vand.u32 $0x3FFE, v43;
	v6 =	vand.u32 $0x3FFE, v47  }
0xd2: {  	v8 =	vand.u32 $0x1, v8;
	v9 =	vand.u32 $0x3FFE, v54;
	v58 =	vand.u32 $0x1, v11  }
0xd3: {  	v11 =	vand.u32 $0x3FFE, v59;
	v12 =	vand.u32 $0x3FFE, v62;
	v22 =	vand.u32 $0x1, v14  }
0xd4: {  	v14 =	vand.u32 $0x3FFE, v23;
	v15 =	vand.u32 $0x3FFE, v26;
	v30 =	vand.u32 $0x1, v17  }
0xd5: {  	v17 =	vand.u32 $0x3FFE, v31;
	v18 =	vand.u32 $0x3FFE, v35;
	v3 =	vor.u32 v4, v3  }
0xd6: {  	v4 =	vand.u32 $0x3FFE, v36;
	v6 =	vor.u32 v10, v6;
	v10 =	vshrl.u32 v48, $0xD  }
0xd7: {  	v9 =	vor.u32 v13, v9;
	v13 =	vshrl.u32 v55, $0xD;
	v12 =	vor.u32 v16, v12  }
0xd8: {  	v16 =	vshrl.u32 v63, $0xD;
	v15 =	vor.u32 v19, v15;
	v19 =	vshrl.u32 v27, $0xD  }
0xd9: {  	v0 =	vor.u32 v0, v3;
	v3 =	vor.u32 v37, v4;
	v4 =	vand.u32 $0x3FFE, v38  }
0xda: {  	v23 =	vld [tilespmem:$0x150];
	v10 =	vand.u32 $0x1, v10;
	v13 =	vand.u32 $0x1, v13;
	v16 =	vand.u32 $0x1, v16  }
0xdb: {  	v59 =	vld [tilespmem:$0x180];
	v19 =	vand.u32 $0x1, v19;
	v4 =	vor.u32 v7, v4;
	v2 =	vor.u32 v1, v3  }
0xdc: {  	v36 =	vld [tilespmem:$0x140];
	v3 =	vand.u32 $0x3FFE, v40;
	v7 =	vshrl.u32 v44, $0xD;
	v1 =	vor.u32 v39, v4  }
0xdd: {  	v3 =	vor.u32 v41, v3;
	v4 =	vor.u32 v45, v5;
	v5 =	vand.u32 $0x1, v46  }
0xde: {  	v7 =	vand.u32 $0x1, v7;
	v3 =	vor.u32 v42, v3;
	v4 =	vor.u32 v5, v4  }
0xdf: {  	v35 =	vld [tilespmem:$0x1D0];
	v5 =	vor.u32 v8, v6;
	v6 =	vand.u32 $0x3FFE, v49;
	v8 =	vand.u32 $0x3FFE, v51  }
0xe0: {  	v54 =	vshll.u32 v23, $0x1;
	v55 =	vand.u32 $0xFFFFC000, v23;
	v26 =	vshll.u32 v59, $0x1  }
0xe1: {  	v48 =	vld [tilespmem:$0x160];
	v6 =	vor.u32 v50, v6;
	v47 =	vshll.u32 v36, $0x1;
	v49 =	vand.u32 $0xFFFFC000, v36  }
0xe2: {  	v50 =	vshrl.u32 v36, $0xD;
	[tilespmem:$0x30] =	vst v3;
	v3 =	vand.u32 $0x3FFE, v54;
	v6 =	vor.u32 v7, v6  }
0xe3: {  	v7 =	vor.u32 v52, v8;
	v8 =	vand.u32 $0x1, v53;
	v52 =	vand.u32 $0x1, v50  }
0xe4: {  	v3 =	vor.u32 v55, v3;
	v50 =	vand.u32 $0xFFFFC000, v35;
	v7 =	vor.u32 v8, v7  }
0xe5: {  	v63 =	vld [tilespmem:$0x190];
	v8 =	vor.u32 v10, v9;
	v9 =	vand.u32 $0x3FFE, v56;
	v10 =	vor.u32 v60, v11  }
0xe6: {  	v11 =	vand.u32 $0x1, v61;
	v56 =	vshrl.u32 v23, $0xD;
	v60 =	vand.u32 $0xFFFFC000, v48  }
0xe7: {  	[tilespmem:$0x60] =	vst v6;
	v61 =	vshrl.u32 v48, $0xD;
	v6 =	vshrl.u32 v59, $0xD;
	v9 =	vor.u32 v57, v9  }
0xe8: {  	v10 =	vor.u32 v11, v10;
	v11 =	vor.u32 v13, v12;
	v12 =	vand.u32 $0x3FFE, v20  }
0xe9: {  	v13 =	vor.u32 v24, v14;
	v14 =	vand.u32 $0x1, v25;
	v57 =	vand.u32 $0x1, v56  }
0xea: {  	[tilespmem:$0x80] =	vst v8;
	v6 =	vand.u32 $0x1, v6;
	v8 =	vshrl.u32 v63, $0xD;
	v9 =	vor.u32 v58, v9  }
0xeb: {  	v12 =	vor.u32 v21, v12;
	v13 =	vor.u32 v14, v13;
	v14 =	vor.u32 v16, v15  }
0xec: {  	v15 =	vand.u32 $0x3FFE, v28;
	v16 =	vor.u32 v33, v17;
	v17 =	vand.u32 $0x1, v34  }
0xed: {  	v53 =	vld [tilespmem:$0x170];
	v58 =	vshll.u32 v48, $0x1;
	v3 =	vor.u32 v57, v3;
	v28 =	vshll.u32 v63, $0x1  }
0xee: {  	v8 =	vand.u32 $0x1, v8;
	v48 =	vshll.u32 v35, $0x1;
	v12 =	vor.u32 v22, v12  }
0xef: {  	[tilespmem:$0x50] =	vst v5;
	v15 =	vor.u32 v29, v15;
	v22 =	vand.u32 $0xFFFFC000, v27;
	v16 =	vor.u32 v17, v16  }
0xf0: {  	v20 =	vld [tilespmem:$0x120];
	v5 =	vand.u32 $0x3FFE, v58;
	[tilespmem:$0x90] =	vst v9;
	v27 =	vand.u32 $0xFFFFC000, v59;
	v9 =	vand.u32 $0x3FFE, v28  }
0xf1: {  	[tilespmem:$0x40] =	vst v4;
	v24 =	vld [tilespmem:$0x1A0];
	v15 =	vor.u32 v30, v15;
	v18 =	vor.u32 v22, v18;
	v4 =	vor.u32 v60, v5  }
0xf2: {  	[tilespmem:$0x0] =	vst v0;
	v62 =	vshll.u32 v53, $0x1;
	v22 =	vshrl.u32 v53, $0xD;
	v5 =	vand.u32 $0x1, v61  }
0xf3: {  	[tilespmem:$0x10] =	vst v2;
	v21 =	vld [tilespmem:$0x130];
	v30 =	vand.u32 $0xFFFFC000, v63;
	v37 =	vor.u32 v19, v18;
	v19 =	vand.u32 $0x3FFE, v47  }
0xf4: {  	[tilespmem:$0x70] =	vst v7;
	v7 =	vand.u32 $0x3FFE, v62;
	v23 =	vand.u32 $0x1, v22;
	v4 =	vor.u32 v5, v4  }
0xf5: {  	[tilespmem:$0x20] =	vst v1;
	v33 =	vld [tilespmem:$0x1C0];
	v38 =	vshll.u32 v20, $0x1;
	v39 =	vand.u32 $0xFFFFC000, v20;
	v20 =	vshrl.u32 v20, $0xD  }
0xf6: {  	[tilespmem:$0xA0] =	vst v10;
	v1 =	vor.u32 v49, v19;
	v31 =	vshll.u32 v24, $0x1;
	v34 =	vand.u32 $0xFFFFC000, v24  }
0xf7: {  	v29 =	vld [tilespmem:$0x1B0];
	v10 =	vshrl.u32 v24, $0xD;
	[tilespmem:$0x160] =	vst v4;
	v4 =	vand.u32 $0x3FFE, v48;
	v18 =	vand.u32 $0x3FFE, v38  }
0xf8: {  	[tilespmem:$0xB0] =	vst v11;
	v40 =	vand.u32 $0x1, v20;
	v41 =	vshll.u32 v21, $0x1;
	v43 =	vand.u32 $0xFFFFC000, v21  }
0xf9: {  	[tilespmem:$0xD0] =	vst v13;
	v46 =	vshrl.u32 v21, $0xD;
	v1 =	vor.u32 v52, v1;
	v21 =	vand.u32 $0xFFFFC000, v53  }
0xfa: {  	[tilespmem:$0xE0] =	vst v14;
	v10 =	vand.u32 $0x1, v10;
	v47 =	vshrl.u32 v33, $0xD;
	v4 =	vor.u32 v50, v4  }
0xfb: {  	[tilespmem:$0x150] =	vst v3;
	v18 =	vor.u32 v39, v18;
	v44 =	vand.u32 $0x3FFE, v41;
	v51 =	vand.u32 $0x1, v46  }
0xfc: {  	[tilespmem:$0xC0] =	vst v12;
	v7 =	vor.u32 v21, v7;
	v38 =	vshll.u32 v29, $0x1;
	v39 =	vand.u32 $0xFFFFC000, v29  }
0xfd: {  	[tilespmem:$0x100] =	vst v16;
	v3 =	vand.u32 $0x1, v47;
	v42 =	vor.u32 v40, v18;
	v45 =	vor.u32 v43, v44  }
0xfe: {  	[tilespmem:$0xF0] =	vst v15;
	v49 =	vld [tilespmem:$0x1F0];
	v25 =	vor.u32 v23, v7;
	v7 =	vand.u32 $0x3FFE, v26;
	v40 =	vshrl.u32 v29, $0xD  }
0xff: {  	[tilespmem:$0x110] =	vst v37;
	v43 =	vshll.u32 v33, $0x1;
	v2 =	vor.u32 v51, v45;
	v7 =	vor.u32 v27, v7  }
0x100: {  	[tilespmem:$0x120] =	vst v42;
	v42 =	vand.u32 $0x1, v40;
	v45 =	vand.u32 $0xFFFFC000, v33;
	v46 =	vand.u32 $0x3FFE, v43  }
0x101: {  	[tilespmem:$0x140] =	vst v1;
	v51 =	vshrl.u32 v35, $0xD;
	v6 =	vor.u32 v6, v7;
	v7 =	vor.u32 v30, v9  }
0x102: {  	v44 =	vld [tilespmem:$0x1E0];
	v9 =	vand.u32 $0x3FFE, v31;
	[tilespmem:$0x130] =	vst v2;
	v2 =	vor.u32 v45, v46;
	v52 =	vand.u32 $0x1, v51  }
0x103: {  	[tilespmem:$0x170] =	vst v25;
	v60 =	vshll.u32 v49, $0x1;
	v61 =	vand.u32 $0xFFFFC000, v49;
	v62 =	vshrl.u32 v49, $0xD  }
0x104: {  	v9 =	vor.u32 v34, v9;
	v36 =	vor.u32 v8, v7;
	v8 =	vand.u32 $0x3FFE, v38;
	[tilespmem:$0x180] =	vst v6  }
0x105: {  	v53 =	vor.u32 v3, v2;
	v54 =	vor.u32 v52, v4;
	v4 =	vand.u32 $0x3FFE, v60;
	[tilespmem:$0x190] =	vst v36  }
0x106: {  	v63 =	vand.u32 $0x1, v62;
	v37 =	vor.u32 v10, v9;
	v41 =	vor.u32 v39, v8;
	[tilespmem:$0x1C0] =	vst v53  }
0x107: {  	[tilespmem:$0x1D0] =	vst v54;
	v0 =	vor.u32 v61, v4;
	v1 =	vor.u32 v42, v41;
	v55 =	vshll.u32 v44, $0x1  }
0x108: {  	[tilespmem:$0x1A0] =	vst v37;
	v56 =	vand.u32 $0xFFFFC000, v44;
	v57 =	vshrl.u32 v44, $0xD;
	v3 =	vand.u32 $0x3FFE, v55  }
0x109: {  	v0 =	vor.u32 v63, v0;
	[tilespmem:$0x1B0] =	vst v1;
	v59 =	vand.u32 $0x1, v57;
	v58 =	vor.u32 v56, v3  }
0x10a: {  	[tilespmem:$0x1F0] =	vst v0;
	v1 =	vor.u32 v59, v58  }
0x10b: {  	s24 =	simm.s32 $0x400;
	[tilespmem:$0x1E0] =	vst v1  }
0x10c: {  	[tilespmem:s24], [sflag:$0x1] =	stream.indirect.gather [hbm4b:s6+s14], $0x40, s3, s14, $0xb8;
	[tilespmem:$0x1B000] =	vst v63  }
0x10d: {  	s25 =	simm.s32 $0x2400  }
0x10e: {  	[tilespmem:s25], [sflag:$0x1] =	stream.indirect.gather [hbm4b:s6+s14], $0x40, s14, s14, $0xb8;
	[tilespmem:$0x1B000] =	vst v63  }
0x10f: {  	s26 =	simm.s32 $0x100;
	s28 =	simm.s32 $0x4400  }
0x110: {  	[tilespmem:s28], [sflag:$0x1] =	stream.indirect.gather [hbm4b:s6+s14], $0x40, s26, s14, $0xb8;
	[tilespmem:$0x1B000] =	vst v63  }
0x111: {  	s29 =	simm.s32 $0x180;
	s31 =	simm.s32 $0x0  }
0x112: {  	[tilespmem:s20], [sflag:$0x1] =	stream.indirect.gather [hbm4b:s6+s14], $0x40, s29, s14, $0xb8;
	[tilespmem:$0x1B000] =	vst v63  }
.LBB2_2:
0x113: {  	s7 =	sshll.u32 s31, $0xA  }
0x114: {  	s9 =	sadd.s32 s7, s4  }
0x115: {  	s12 =	sadd.s32 $0x200, s9  }
0x116: {  	s9 =	sshrl.u32 s12, $0x3  }
0x117: {  	s9 =	sadd.s32 s5, s9  }
0x118: {  	[tilespmem:s21], [sflag:$0x4] =	stream.linear.gather [hbm4b:s9+s3], $0x200, $0x38;
	[tilespmem:$0x1B000] =	vst v63  }
0x119: {  	_ =	swait.ge [sflag:s13], $0x200  }
0x11a: {  	[sflag:s13] =	ssyncset.done $0x0  }
0x11b: {  	[sflag:s13] =	ssyncadd.s32 $0xFFFFFE00  }
0x11c: {  	v0 =	vld [tilespmem:$0x200]  }
0x11d: {  	v1 =	vld [tilespmem:$0x210]  }
0x11e: {  	v2 =	vld [tilespmem:$0x220]  }
0x11f: {  	v5 =	vld [tilespmem:$0x230]  }
0x120: {  	v6 =	vld [tilespmem:$0x240]  }
0x121: {  	v8 =	vld [tilespmem:$0x250]  }
0x122: {  	v44 =	vld [tilespmem:$0x260];
	v3 =	vshll.u32 v0, $0x1  }
0x123: {  	v9 =	vld [tilespmem:$0x270];
	v4 =	vand.u32 $0xFFFFC000, v0;
	v0 =	vshrl.u32 v0, $0xD;
	v36 =	vshll.u32 v1, $0x1  }
0x124: {  	v48 =	vld [tilespmem:$0x280];
	v37 =	vand.u32 $0xFFFFC000, v1;
	v1 =	vshrl.u32 v1, $0xD;
	v38 =	vshll.u32 v2, $0x1  }
0x125: {  	v11 =	vld [tilespmem:$0x290];
	v7 =	vand.u32 $0xFFFFC000, v2;
	v2 =	vshrl.u32 v2, $0xD;
	v40 =	vshll.u32 v5, $0x1  }
0x126: {  	v12 =	vld [tilespmem:$0x2A0];
	v41 =	vand.u32 $0xFFFFC000, v5;
	v5 =	vshrl.u32 v5, $0xD;
	v43 =	vshll.u32 v6, $0x1  }
0x127: {  	v55 =	vld [tilespmem:$0x2B0];
	v45 =	vand.u32 $0xFFFFC000, v6;
	v46 =	vshrl.u32 v6, $0xD;
	v47 =	vshll.u32 v8, $0x1  }
0x128: {  	v14 =	vld [tilespmem:$0x2C0];
	v10 =	vand.u32 $0xFFFFC000, v8;
	v8 =	vshrl.u32 v8, $0xD;
	v49 =	vshll.u32 v44, $0x1  }
0x129: {  	v15 =	vld [tilespmem:$0x2D0];
	v50 =	vand.u32 $0xFFFFC000, v44;
	v51 =	vshll.u32 v9, $0x1;
	v52 =	vand.u32 $0xFFFFC000, v9  }
0x12a: {  	v63 =	vld [tilespmem:$0x2E0];
	v53 =	vshrl.u32 v9, $0xD;
	v54 =	vshll.u32 v48, $0x1;
	v13 =	vand.u32 $0xFFFFC000, v48  }
0x12b: {  	v17 =	vld [tilespmem:$0x2F0];
	v56 =	vshll.u32 v11, $0x1;
	v57 =	vand.u32 $0xFFFFC000, v11;
	v11 =	vshrl.u32 v11, $0xD  }
0x12c: {  	v18 =	vld [tilespmem:$0x300];
	v59 =	vshll.u32 v12, $0x1;
	v60 =	vand.u32 $0xFFFFC000, v12;
	v61 =	vshrl.u32 v12, $0xD  }
0x12d: {  	v27 =	vld [tilespmem:$0x310];
	v62 =	vshll.u32 v55, $0x1;
	v16 =	vand.u32 $0xFFFFC000, v55;
	v20 =	vshll.u32 v14, $0x1  }
0x12e: {  	v21 =	vand.u32 $0xFFFFC000, v14;
	v14 =	vshrl.u32 v14, $0xD;
	v23 =	vshll.u32 v15, $0x1  }
0x12f: {  	v24 =	vand.u32 $0xFFFFC000, v15;
	v25 =	vshrl.u32 v15, $0xD;
	v26 =	vshll.u32 v63, $0x1  }
0x130: {  	v19 =	vand.u32 $0xFFFFC000, v63;
	v28 =	vshll.u32 v17, $0x1;
	v29 =	vand.u32 $0xFFFFC000, v17  }
0x131: {  	v17 =	vshrl.u32 v17, $0xD;
	v31 =	vshll.u32 v18, $0x1;
	v33 =	vand.u32 $0xFFFFC000, v18  }
0x132: {  	v34 =	vshrl.u32 v18, $0xD;
	v35 =	vshll.u32 v27, $0x1;
	v3 =	vand.u32 $0x3FFE, v3  }
0x133: {  	v0 =	vand.u32 $0x1, v0;
	v1 =	vand.u32 $0x1, v1;
	v39 =	vand.u32 $0x1, v2  }
0x134: {  	v42 =	vand.u32 $0x1, v5;
	v5 =	vand.u32 $0x3FFE, v43;
	v6 =	vand.u32 $0x3FFE, v47  }
0x135: {  	v8 =	vand.u32 $0x1, v8;
	v9 =	vand.u32 $0x3FFE, v54;
	v58 =	vand.u32 $0x1, v11  }
0x136: {  	v11 =	vand.u32 $0x3FFE, v59;
	v12 =	vand.u32 $0x3FFE, v62;
	v22 =	vand.u32 $0x1, v14  }
0x137: {  	v14 =	vand.u32 $0x3FFE, v23;
	v15 =	vand.u32 $0x3FFE, v26;
	v30 =	vand.u32 $0x1, v17  }
0x138: {  	v17 =	vand.u32 $0x3FFE, v31;
	v18 =	vand.u32 $0x3FFE, v35;
	v3 =	vor.u32 v4, v3  }
0x139: {  	v4 =	vand.u32 $0x3FFE, v36;
	v6 =	vor.u32 v10, v6;
	v10 =	vshrl.u32 v48, $0xD  }
0x13a: {  	v9 =	vor.u32 v13, v9;
	v13 =	vshrl.u32 v55, $0xD;
	v12 =	vor.u32 v16, v12  }
0x13b: {  	v16 =	vshrl.u32 v63, $0xD;
	v15 =	vor.u32 v19, v15;
	v19 =	vshrl.u32 v27, $0xD  }
0x13c: {  	v0 =	vor.u32 v0, v3;
	v3 =	vor.u32 v37, v4;
	v4 =	vand.u32 $0x3FFE, v38  }
0x13d: {  	v23 =	vld [tilespmem:$0x350];
	v10 =	vand.u32 $0x1, v10;
	v13 =	vand.u32 $0x1, v13;
	v16 =	vand.u32 $0x1, v16  }
0x13e: {  	v59 =	vld [tilespmem:$0x380];
	v19 =	vand.u32 $0x1, v19;
	v4 =	vor.u32 v7, v4;
	v2 =	vor.u32 v1, v3  }
0x13f: {  	v36 =	vld [tilespmem:$0x340];
	v3 =	vand.u32 $0x3FFE, v40;
	v7 =	vshrl.u32 v44, $0xD;
	v1 =	vor.u32 v39, v4  }
0x140: {  	v3 =	vor.u32 v41, v3;
	v4 =	vor.u32 v45, v5;
	v5 =	vand.u32 $0x1, v46  }
0x141: {  	v7 =	vand.u32 $0x1, v7;
	v3 =	vor.u32 v42, v3;
	v4 =	vor.u32 v5, v4  }
0x142: {  	v35 =	vld [tilespmem:$0x3D0];
	v5 =	vor.u32 v8, v6;
	v6 =	vand.u32 $0x3FFE, v49;
	v8 =	vand.u32 $0x3FFE, v51  }
0x143: {  	v54 =	vshll.u32 v23, $0x1;
	v55 =	vand.u32 $0xFFFFC000, v23;
	v26 =	vshll.u32 v59, $0x1  }
0x144: {  	v48 =	vld [tilespmem:$0x360];
	v6 =	vor.u32 v50, v6;
	v47 =	vshll.u32 v36, $0x1;
	v49 =	vand.u32 $0xFFFFC000, v36  }
0x145: {  	v50 =	vshrl.u32 v36, $0xD;
	[tilespmem:$0x230] =	vst v3;
	v3 =	vand.u32 $0x3FFE, v54;
	v6 =	vor.u32 v7, v6  }
0x146: {  	v7 =	vor.u32 v52, v8;
	v8 =	vand.u32 $0x1, v53;
	v52 =	vand.u32 $0x1, v50  }
0x147: {  	v3 =	vor.u32 v55, v3;
	v50 =	vand.u32 $0xFFFFC000, v35;
	v7 =	vor.u32 v8, v7  }
0x148: {  	v63 =	vld [tilespmem:$0x390];
	v8 =	vor.u32 v10, v9;
	v9 =	vand.u32 $0x3FFE, v56;
	v10 =	vor.u32 v60, v11  }
0x149: {  	v11 =	vand.u32 $0x1, v61;
	v56 =	vshrl.u32 v23, $0xD;
	v60 =	vand.u32 $0xFFFFC000, v48  }
0x14a: {  	[tilespmem:$0x260] =	vst v6;
	v61 =	vshrl.u32 v48, $0xD;
	v6 =	vshrl.u32 v59, $0xD;
	v9 =	vor.u32 v57, v9  }
0x14b: {  	v10 =	vor.u32 v11, v10;
	v11 =	vor.u32 v13, v12;
	v12 =	vand.u32 $0x3FFE, v20  }
0x14c: {  	v13 =	vor.u32 v24, v14;
	v14 =	vand.u32 $0x1, v25;
	v57 =	vand.u32 $0x1, v56  }
0x14d: {  	[tilespmem:$0x280] =	vst v8;
	v6 =	vand.u32 $0x1, v6;
	v8 =	vshrl.u32 v63, $0xD;
	v9 =	vor.u32 v58, v9  }
0x14e: {  	v12 =	vor.u32 v21, v12;
	v13 =	vor.u32 v14, v13;
	v14 =	vor.u32 v16, v15  }
0x14f: {  	v15 =	vand.u32 $0x3FFE, v28;
	v16 =	vor.u32 v33, v17;
	v17 =	vand.u32 $0x1, v34  }
0x150: {  	v53 =	vld [tilespmem:$0x370];
	v58 =	vshll.u32 v48, $0x1;
	v3 =	vor.u32 v57, v3;
	v28 =	vshll.u32 v63, $0x1  }
0x151: {  	v8 =	vand.u32 $0x1, v8;
	v48 =	vshll.u32 v35, $0x1;
	v12 =	vor.u32 v22, v12  }
0x152: {  	[tilespmem:$0x250] =	vst v5;
	v15 =	vor.u32 v29, v15;
	v22 =	vand.u32 $0xFFFFC000, v27;
	v16 =	vor.u32 v17, v16  }
0x153: {  	v20 =	vld [tilespmem:$0x320];
	v5 =	vand.u32 $0x3FFE, v58;
	[tilespmem:$0x290] =	vst v9;
	v27 =	vand.u32 $0xFFFFC000, v59;
	v9 =	vand.u32 $0x3FFE, v28  }
0x154: {  	[tilespmem:$0x240] =	vst v4;
	v24 =	vld [tilespmem:$0x3A0];
	v15 =	vor.u32 v30, v15;
	v18 =	vor.u32 v22, v18;
	v4 =	vor.u32 v60, v5  }
0x155: {  	[tilespmem:$0x200] =	vst v0;
	v62 =	vshll.u32 v53, $0x1;
	v22 =	vshrl.u32 v53, $0xD;
	v5 =	vand.u32 $0x1, v61  }
0x156: {  	[tilespmem:$0x210] =	vst v2;
	v21 =	vld [tilespmem:$0x330];
	v30 =	vand.u32 $0xFFFFC000, v63;
	v37 =	vor.u32 v19, v18;
	v19 =	vand.u32 $0x3FFE, v47  }
0x157: {  	[tilespmem:$0x270] =	vst v7;
	v7 =	vand.u32 $0x3FFE, v62;
	v23 =	vand.u32 $0x1, v22;
	v4 =	vor.u32 v5, v4  }
0x158: {  	[tilespmem:$0x220] =	vst v1;
	v33 =	vld [tilespmem:$0x3C0];
	v38 =	vshll.u32 v20, $0x1;
	v39 =	vand.u32 $0xFFFFC000, v20;
	v20 =	vshrl.u32 v20, $0xD  }
0x159: {  	[tilespmem:$0x2A0] =	vst v10;
	v1 =	vor.u32 v49, v19;
	v31 =	vshll.u32 v24, $0x1;
	v34 =	vand.u32 $0xFFFFC000, v24  }
0x15a: {  	v29 =	vld [tilespmem:$0x3B0];
	v10 =	vshrl.u32 v24, $0xD;
	[tilespmem:$0x360] =	vst v4;
	v4 =	vand.u32 $0x3FFE, v48;
	v18 =	vand.u32 $0x3FFE, v38  }
0x15b: {  	[tilespmem:$0x2B0] =	vst v11;
	v40 =	vand.u32 $0x1, v20;
	v41 =	vshll.u32 v21, $0x1;
	v43 =	vand.u32 $0xFFFFC000, v21  }
0x15c: {  	[tilespmem:$0x2D0] =	vst v13;
	v46 =	vshrl.u32 v21, $0xD;
	v1 =	vor.u32 v52, v1;
	v21 =	vand.u32 $0xFFFFC000, v53  }
0x15d: {  	[tilespmem:$0x2E0] =	vst v14;
	v10 =	vand.u32 $0x1, v10;
	v47 =	vshrl.u32 v33, $0xD;
	v4 =	vor.u32 v50, v4  }
0x15e: {  	[tilespmem:$0x350] =	vst v3;
	v18 =	vor.u32 v39, v18;
	v44 =	vand.u32 $0x3FFE, v41;
	v51 =	vand.u32 $0x1, v46  }
0x15f: {  	[tilespmem:$0x2C0] =	vst v12;
	v7 =	vor.u32 v21, v7;
	v38 =	vshll.u32 v29, $0x1;
	v39 =	vand.u32 $0xFFFFC000, v29  }
0x160: {  	[tilespmem:$0x300] =	vst v16;
	v3 =	vand.u32 $0x1, v47;
	v42 =	vor.u32 v40, v18;
	v45 =	vor.u32 v43, v44  }
0x161: {  	[tilespmem:$0x2F0] =	vst v15;
	v49 =	vld [tilespmem:$0x3F0];
	v25 =	vor.u32 v23, v7;
	v7 =	vand.u32 $0x3FFE, v26;
	v40 =	vshrl.u32 v29, $0xD  }
0x162: {  	[tilespmem:$0x310] =	vst v37;
	v43 =	vshll.u32 v33, $0x1;
	v2 =	vor.u32 v51, v45;
	v7 =	vor.u32 v27, v7  }
0x163: {  	[tilespmem:$0x320] =	vst v42;
	v42 =	vand.u32 $0x1, v40;
	v45 =	vand.u32 $0xFFFFC000, v33;
	v46 =	vand.u32 $0x3FFE, v43  }
0x164: {  	[tilespmem:$0x340] =	vst v1;
	v51 =	vshrl.u32 v35, $0xD;
	v6 =	vor.u32 v6, v7;
	v7 =	vor.u32 v30, v9  }
0x165: {  	v44 =	vld [tilespmem:$0x3E0];
	v9 =	vand.u32 $0x3FFE, v31;
	[tilespmem:$0x330] =	vst v2;
	v2 =	vor.u32 v45, v46;
	v52 =	vand.u32 $0x1, v51  }
0x166: {  	[tilespmem:$0x370] =	vst v25;
	v60 =	vshll.u32 v49, $0x1;
	v61 =	vand.u32 $0xFFFFC000, v49;
	v62 =	vshrl.u32 v49, $0xD  }
0x167: {  	v9 =	vor.u32 v34, v9;
	v36 =	vor.u32 v8, v7;
	v8 =	vand.u32 $0x3FFE, v38;
	[tilespmem:$0x380] =	vst v6  }
0x168: {  	v53 =	vor.u32 v3, v2;
	v54 =	vor.u32 v52, v4;
	v4 =	vand.u32 $0x3FFE, v60;
	[tilespmem:$0x390] =	vst v36  }
0x169: {  	v63 =	vand.u32 $0x1, v62;
	v37 =	vor.u32 v10, v9;
	v41 =	vor.u32 v39, v8;
	[tilespmem:$0x3C0] =	vst v53  }
0x16a: {  	[tilespmem:$0x3D0] =	vst v54;
	v0 =	vor.u32 v61, v4;
	v1 =	vor.u32 v42, v41;
	v55 =	vshll.u32 v44, $0x1  }
0x16b: {  	[tilespmem:$0x3A0] =	vst v37;
	v56 =	vand.u32 $0xFFFFC000, v44;
	v57 =	vshrl.u32 v44, $0xD;
	v3 =	vand.u32 $0x3FFE, v55  }
0x16c: {  	v0 =	vor.u32 v63, v0;
	[tilespmem:$0x3B0] =	vst v1;
	v59 =	vand.u32 $0x1, v57;
	v58 =	vor.u32 v56, v3  }
0x16d: {  	[tilespmem:$0x3F0] =	vst v0;
	v1 =	vor.u32 v59, v58  }
0x16e: {  	s23 =	simm.s32 $0x8400;
	[tilespmem:$0x3E0] =	vst v1  }
0x16f: {  	[tilespmem:s23], [sflag:$0x2] =	stream.indirect.gather [hbm4b:s6+s14], $0x40, s21, s14, $0xb8;
	[tilespmem:$0x1B000] =	vst v63  }
0x170: {  	s24 =	simm.s32 $0x280;
	s10 =	simm.s32 $0xA400  }
0x171: {  	[tilespmem:s10], [sflag:$0x2] =	stream.indirect.gather [hbm4b:s6+s14], $0x40, s24, s14, $0xb8;
	[tilespmem:$0x1B000] =	vst v63  }
0x172: {  	s25 =	simm.s32 $0x300;
	s26 =	simm.s32 $0xC400  }
0x173: {  	[tilespmem:s26], [sflag:$0x2] =	stream.indirect.gather [hbm4b:s6+s14], $0x40, s25, s14, $0xb8;
	[tilespmem:$0x1B000] =	vst v63  }
0x174: {  	s28 =	simm.s32 $0x380;
	s29 =	simm.s32 $0xE400  }
0x175: {  	[tilespmem:s29], [sflag:$0x2] =	stream.indirect.gather [hbm4b:s6+s14], $0x40, s28, s14, $0xb8;
	[tilespmem:$0x1B000] =	vst v63  }
0x176: {  	_ =	swait.ge [sflag:s30], $0x2000  }
0x177: {  	[sflag:s30] =	ssyncset.done $0x0  }
0x178: {  	[sflag:s30] =	ssyncadd.s32 $0xFFFFE000  }
0x179: {  	_ =	swait.ge [sflag:s30], $0x2000  }
0x17a: {  	[sflag:s30] =	ssyncset.done $0x0  }
0x17b: {  	p0 =	seq.s32 s31, $0x0;
	[sflag:s30] =	ssyncadd.s32 $0xFFFFE000  }
0x17c: {  	s7 =	sadd.s32 @!p0 s4, s7;
	_ =	swait.ge [sflag:s30], $0x2000  }
0x17d: {  	s10 =	sand.u32 @!p0 $0xC00, s7;
	[sflag:s30] =	ssyncset.done $0x0  }
0x17e: {  	p1 =	sne.s32 @!p0 s10, $0x0;
	[sflag:s30] =	ssyncadd.s32 $0xFFFFE000  }
0x17f: {  	p1 =	por p0, !p1;
	_ =	swait.ge [sflag:s30], $0x2000  }
.Ltmp0:
0x180: {  	[sflag:s30] =	ssyncset.done $0x0;
	(pc) =	sbr.rel @!p1 .LBB2_4-.Ltmp0, $4  }
0x181: {  	s9 =	simm.s32 @!p0 $0x3;
	[sflag:s30] =	ssyncadd.s32 $0xFFFFE000  }
0x182: {  	_ =	swait.ge @!p0 [sflag:s9], $0x8000  }
0x183: {  	[sflag:s9] =	ssyncset.done @!p0 $0x0  }
0x184: {  	[sflag:s9] =	ssyncadd.s32 @!p0 $0xFFFF8000;
	s9 =	sshrl.u32 @!p0 s7, $0xC  }
0x185: {  	s7 =	smov.u32 @p0 s4;
	s10 =	rddreg [dreg:$0x5]  }
0x186: {  	s9 =	smov.u32 @p0 s10;
	s26 =	sand.u32 $0x7000, s7  }
0x187: {  	p1 =	seq.s32 s9, $0x0;
	p2 =	sne.s32 s26, $0x0  }
0x188: {  	p1 =	por !p1, !p2  }
0x189: {  	s10 =	simm.s32 $0x1;
	p1 =	por !p1, !p1  }
0x18a: {  	s7 =	sshrl.u32 s7, $0xF;
	s10 =	simm.s32 @!p1 $0x0  }
0x18b: {  	s7 =	ssub.s32 s7, s10  }
0x18c: {  	s7 =	sshll.u32 s7, $0x6  }
0x18d: {  	s28 =	rddreg [dreg:$0x3];
	s7 =	sand.u32 $0x1FFFFFC0, s7  }
0x18e: {  	s29 =	simm.s32 $0x1AE00;
	s7 =	sadd.s32 s28, s7  }
0x18f: {  	[tilespmem:s29], [sflag:$0x4] =	stream.linear.gather [hbm4b:s7+s3], $0x200, $0x38;
	[tilespmem:$0x1B000] =	vst v63  }
0x190: {  	_ =	swait.ge [sflag:s13], $0x200  }
0x191: {  	s10 =	rddreg [dreg:$0x6];
	[sflag:s13] =	ssyncset.done $0x0  }
0x192: {  	s10 =	simm.s32 @!p0 $0x0;
	[sflag:s13] =	ssyncadd.s32 $0xFFFFFE00  }
.LBB2_4:
0x193: {  	s7 =	sshll.u32 s9, $0x6  }
0x194: {  	s22 =	sand.u32 $0x1C0, s7  }
0x195: {  	v33 =	vld [tilespmem:s22+$0x1AE00]  }
0x196: {  	v34 =	vld [tilespmem:s22+$0x1AE10]  }
0x197: {  	s23 =	simm.s32 $0x500;
	v35 =	vld [tilespmem:s22+$0x1AE20]  }
0x198: {  	s24 =	simm.s32 $0x0;
	s7 =	sshll.u32 s31, $0x1;
	v36 =	vld [tilespmem:s22+$0x1AE30];
	s22 =	simm.s32 $0x0  }
.LBB2_5:
0x199: {  	v0 =	vmov s24  }
0x19a: {  	v0 =	vmul.u32 $0x440, v0;
	_ =	sdelay $0x1  }
0x19b: {  	v5 =	vbroadcast v0, $0x0;
	v0 =	vld [tilespmem:$0x1FE00];
	_ =	sdelay $0x4  }
0x19c: {  	v50 =	vadd.s32 v0, v5;
	v0 =	vld [tilespmem:$0x1FE10];
	_ =	sdelay $0x4  }
0x19d: {  	v42 =	vadd.s32 v0, v5;
	v0 =	vld [tilespmem:$0x1FE20];
	_ =	sdelay $0x4  }
0x19e: {  	v41 =	vadd.s32 v0, v5;
	v0 =	vld [tilespmem:$0x1FE30];
	_ =	sdelay $0x4  }
0x19f: {  	v52 =	vadd.s32 v0, v5;
	v0 =	vld [tilespmem:$0x1FE40];
	_ =	sdelay $0x4  }
0x1a0: {  	v53 =	vadd.s32 v0, v5;
	v0 =	vld [tilespmem:$0x1FE50];
	_ =	sdelay $0x4  }
0x1a1: {  	v37 =	vadd.s32 v0, v5;
	v0 =	vld [tilespmem:$0x1FE60];
	_ =	sdelay $0x4  }
0x1a2: {  	v55 =	vadd.s32 v0, v5;
	v0 =	vld [tilespmem:$0x1FE70];
	_ =	sdelay $0x4  }
0x1a3: {  	v56 =	vadd.s32 v0, v5;
	v0 =	vld [tilespmem:$0x1FE80];
	_ =	sdelay $0x4  }
0x1a4: {  	v63 =	vadd.s32 v0, v5;
	v0 =	vld [tilespmem:$0x1FE90];
	_ =	sdelay $0x4  }
0x1a5: {  	v43 =	vadd.s32 v0, v5;
	v0 =	vld [tilespmem:$0x1FEA0];
	_ =	sdelay $0x4  }
0x1a6: {  	v0 =	vadd.s32 v0, v5  }
0x1a7: {  	[tilespmem:$0x1FDE0] =	vst v0;
	v0 =	vld [tilespmem:$0x1FEB0];
	_ =	sdelay $0x4  }
0x1a8: {  	v58 =	vadd.s32 v0, v5;
	v0 =	vld [tilespmem:$0x1FEC0];
	_ =	sdelay $0x4  }
0x1a9: {  	v61 =	vadd.s32 v0, v5;
	v0 =	vld [tilespmem:$0x1FED0];
	_ =	sdelay $0x4  }
0x1aa: {  	v59 =	vadd.s32 v0, v5;
	v0 =	vld [tilespmem:$0x1FEE0];
	_ =	sdelay $0x4  }
0x1ab: {  	v62 =	vadd.s32 v0, v5;
	v0 =	vld [tilespmem:$0x1FEF0];
	_ =	sdelay $0x4  }
0x1ac: {  	v38 =	vadd.s32 v0, v5;
	v0 =	vld [tilespmem:$0x1FF00];
	_ =	sdelay $0x4  }
0x1ad: {  	v0 =	vadd.s32 v0, v5  }
0x1ae: {  	[tilespmem:$0x1FC90] =	vst v0;
	v0 =	vld [tilespmem:$0x1FF10];
	_ =	sdelay $0x4  }
0x1af: {  	v47 =	vadd.s32 v0, v5;
	v0 =	vld [tilespmem:$0x1FF20];
	_ =	sdelay $0x4  }
0x1b0: {  	v60 =	vadd.s32 v0, v5;
	v0 =	vld [tilespmem:$0x1FF30];
	_ =	sdelay $0x4  }
0x1b1: {  	v0 =	vadd.s32 v0, v5  }
0x1b2: {  	[tilespmem:$0x1FDB0] =	vst v0;
	v0 =	vld [tilespmem:$0x1FF40];
	_ =	sdelay $0x4  }
0x1b3: {  	v40 =	vadd.s32 v0, v5;
	v0 =	vld [tilespmem:$0x1FF50];
	_ =	sdelay $0x4  }
0x1b4: {  	v44 =	vadd.s32 v0, v5;
	v0 =	vld [tilespmem:$0x1FF60];
	_ =	sdelay $0x4  }
0x1b5: {  	v46 =	vadd.s32 v0, v5;
	v0 =	vld [tilespmem:$0x1FF70];
	_ =	sdelay $0x2  }
0x1b6: {  	v1 =	vld [tilespmem:$0x1FF90]  }
0x1b7: {  	v3 =	vld [tilespmem:$0x1FFC0]  }
0x1b8: {  	v45 =	vadd.s32 v0, v5;
	v0 =	vld [tilespmem:$0x1FF80]  }
0x1b9: {  	v2 =	vld [tilespmem:$0x1FFB0]  }
0x1ba: {  	v4 =	vld [tilespmem:$0x1FFE0]  }
0x1bb: {  	v6 =	vld [tilespmem:$0x1FFF0]  }
0x1bc: {  	s26 =	simm.s32 $0x4;
	v49 =	vadd.s32 v1, v5;
	v1 =	vld [tilespmem:$0x1FFA0]  }
0x1bd: {  	s19 =	simm.s32 $0x2;
	v7 =	vmov s26;
	v54 =	vadd.s32 v0, v5;
	v0 =	vadd.s32 v3, v5;
	v3 =	vld [tilespmem:$0x1FFD0]  }
0x1be: {  	s28 =	simm.s32 $0x1;
	v9 =	vmov s19;
	v7 =	vshrl.u32 v7, $0x3  }
0x1bf: {  	v8 =	vmov s28;
	v9 =	vshrl.u32 v9, $0x3;
	v7 =	vshll.u32 v7, v32  }
0x1c0: {  	v8 =	vshrl.u32 v8, $0x3;
	v9 =	vshll.u32 v9, v32;
	v11 =	vbroadcast v7, $0x0;
	[tilespmem:$0x1FDF0] =	vst v38  }
0x1c1: {  	s25 =	simm.s32 $0x7;
	v57 =	vadd.s32 v2, v5;
	v48 =	vadd.s32 v4, v5;
	v4 =	vadd.s32 v6, v5;
	[tilespmem:$0x1FDD0] =	vst v0  }
0x1c2: {  	v51 =	vadd.s32 v1, v5;
	v12 =	vld [tilespmem:s23+$0x0];
	v2 =	vadd.s32 v3, v5;
	v5 =	vmov s25  }
0x1c3: {  	v8 =	vshll.u32 v8, v32;
	v13 =	vld [tilespmem:s23+$0xFFFFFF80];
	v14 =	vshrl.u32 v5, $0x3;
	v5 =	vbroadcast v9, $0x0  }
0x1c4: {  	s29 =	simm.s32 $0x3;
	v8 =	vbroadcast v8, $0x0;
	v18 =	vadd.s32 v53, v11;
	v9 =	vld [tilespmem:s23+$0xFFFFFF40]  }
0x1c5: {  	s15 =	simm.s32 $0x6;
	v16 =	vmov s29;
	v19 =	vld [tilespmem:s23+$0xFFFFFF00];
	v20 =	vadd.s32 v41, v5  }
0x1c6: {  	v23 =	vmov s15;
	v16 =	vshrl.u32 v16, $0x3;
	v15 =	vadd.s32 v42, v8  }
0x1c7: {  	s26 =	simm.s32 $0x5;
	v23 =	vshrl.u32 v23, $0x3;
	v16 =	vshll.u32 v16, v32;
	v22 =	vld [tilespmem:s23+$0xFFFFFFC0];
	v12 =	vadd.f32 v12, v33  }
0x1c8: {  	v7 =	vmov s26;
	v17 =	vbroadcast v16, $0x0;
	v13 =	vadd.f32 v13, v33  }
0x1c9: {  	v7 =	vshrl.u32 v7, $0x3;
	[tilespmem:v18+s0+$0x0] =	vst.idx.msk $0xffff, v12;
	v18 =	vshll.u32 v23, v32;
	v9 =	vadd.f32 v9, v33  }
0x1ca: {  	v7 =	vshll.u32 v7, v32;
	v16 =	vld [tilespmem:s23+$0x80];
	v25 =	vadd.f32 v19, v33;
	v19 =	vbroadcast v18, $0x0;
	[tilespmem:v20+s0+$0x0] =	vst.idx.msk $0xffff, v13  }
0x1cb: {  	v12 =	vadd.s32 v52, v17;
	v23 =	vbroadcast v7, $0x0;
	[tilespmem:v15+s0+$0x0] =	vst.idx.msk $0xffff, v9;
	v7 =	vld [tilespmem:s23+$0xFFFFFF90]  }
0x1cc: {  	v14 =	vshll.u32 v14, v32;
	v18 =	vadd.f32 v22, v33;
	v26 =	vadd.s32 v55, v19;
	v22 =	vld [tilespmem:s23+$0xFFFFFF50]  }
0x1cd: {  	v21 =	vld [tilespmem:s23+$0xC0];
	v20 =	vbroadcast v14, $0x0;
	v14 =	vadd.s32 v62, v5  }
0x1ce: {  	v13 =	vld [tilespmem:s23+$0x10];
	v15 =	vadd.s32 v58, v8  }
0x1cf: {  	v24 =	vld [tilespmem:s23+$0x40];
	v16 =	vadd.f32 v16, v33  }
0x1d0: {  	v6 =	vmov s22;
	v27 =	vadd.s32 v40, v11;
	[tilespmem:v12+s0+$0x0] =	vst.idx.msk $0xffff, v18;
	v7 =	vadd.f32 v7, v34  }
0x1d1: {  	v6 =	vshrl.u32 v6, $0x3;
	s25 =	sadd.s32 $0x200, s23;
	v31 =	vadd.s32 v37, v23;
	v18 =	vld [tilespmem:s23+$0xFFFFFFD0];
	[tilespmem:v26+s0+$0x0] =	vst.idx.msk $0xffff, v16;
	v22 =	vadd.f32 v22, v34  }
0x1d2: {  	v6 =	vshll.u32 v6, v32;
	v1 =	vld [tilespmem:s25+$0x80];
	v12 =	vadd.s32 v56, v20;
	[tilespmem:v14+s0+$0x0] =	vst.idx.msk $0xffff, v7  }
0x1d3: {  	v13 =	vadd.f32 v13, v34;
	v7 =	vadd.s32 v47, v17;
	[tilespmem:v15+s0+$0x0] =	vst.idx.msk $0xffff, v22;
	v15 =	vld [tilespmem:s23+$0x90]  }
0x1d4: {  	s29 =	simm.s32 $0xA;
	v9 =	vadd.f32 v21, v33;
	v21 =	vbroadcast v6, $0x0;
	v6 =	vadd.f32 v24, v33;
	v16 =	vld [tilespmem:s23+$0xFFFFFFA0]  }
0x1d5: {  	s28 =	simm.s32 $0x9;
	v39 =	vmov s29;
	v10 =	vadd.s32 v59, v8;
	v30 =	vadd.s32 v51, v19;
	[tilespmem:v27+s0+$0x0] =	vst.idx.msk $0xffff, v13;
	v13 =	vld [tilespmem:s25+$0xFFFFFF40]  }
0x1d6: {  	s16 =	simm.s32 $0xC;
	[tilespmem:v31+s0+$0x0] =	vst.idx.msk $0xffff, v6;
	v18 =	vadd.f32 v18, v34;
	v27 =	vmov s28;
	v22 =	vadd.s32 v38, v5;
	v38 =	vld [tilespmem:s23+$0xFFFFFF60]  }
0x1d7: {  	v3 =	vmovc v37;
	v37 =	vmov s16;
	[tilespmem:v12+s0+$0x0] =	vst.idx.msk $0xffff, v9;
	v6 =	vshrl.u32 v27, $0x3;
	v27 =	vshrl.u32 v39, $0x3;
	v39 =	vld [tilespmem:s25+$0x0]  }
0x1d8: {  	v37 =	vshrl.u32 v37, $0x3;
	v8 =	vadd.s32 v61, v8;
	[tilespmem:v7+s0+$0x0] =	vst.idx.msk $0xffff, v18;
	v12 =	vadd.f32 v15, v34;
	v15 =	vld [tilespmem:s23+$0xD0]  }
0x1d9: {  	v31 =	vshll.u32 v37, v32;
	v18 =	vld [tilespmem:s25+$0xFFFFFF80];
	v16 =	vadd.f32 v16, v35;
	[tilespmem:$0x1FCA0] =	vst v53  }
0x1da: {  	v29 =	vadd.s32 v50, v21;
	v37 =	vshll.u32 v6, v32;
	v6 =	vbroadcast v31, $0x0;
	[tilespmem:v30+s0+$0x0] =	vst.idx.msk $0xffff, v12  }
0x1db: {  	v9 =	vshll.u32 v27, v32;
	v31 =	vld [tilespmem:s23+$0x50];
	[tilespmem:v22+s0+$0x0] =	vst.idx.msk $0xffff, v16;
	v16 =	vadd.f32 v38, v35  }
0x1dc: {  	v7 =	vbroadcast v9, $0x0;
	v9 =	vadd.s32 v53, v6;
	v30 =	vld [tilespmem:s25+$0xFFFFFF00];
	[tilespmem:$0x1FCB0] =	vst v41  }
0x1dd: {  	[tilespmem:v8+s0+$0x0] =	vst.idx.msk $0xffff, v16  }
0x1de: {  	v14 =	vadd.s32 v2, v20;
	[tilespmem:$0x1FCC0] =	vst v42  }
0x1df: {  	v37 =	vbroadcast v37, $0x0;
	v39 =	vadd.f32 v39, v33;
	v38 =	vadd.s32 v41, v7;
	[tilespmem:v29+s0+$0x0] =	vst.idx.msk $0xffff, v25  }
0x1e0: {  	v53 =	vld [tilespmem:s23+$0x20];
	[tilespmem:$0x1FCD0] =	vst v43  }
0x1e1: {  	s17 =	simm.s32 $0xB;
	v16 =	vadd.s32 v42, v37;
	v15 =	vadd.f32 v15, v34;
	[tilespmem:v9+s0+$0x0] =	vst.idx.msk $0xffff, v39  }
0x1e2: {  	v41 =	vmov s17;
	v29 =	vld [tilespmem:s23+$0xFFFFFF10];
	v9 =	vadd.f32 v18, v33;
	[tilespmem:$0x1FCE0] =	vst v44  }
0x1e3: {  	v28 =	vadd.s32 v45, v23;
	v8 =	vshrl.u32 v41, $0x3;
	[tilespmem:v14+s0+$0x0] =	vst.idx.msk $0xffff, v15  }
0x1e4: {  	v13 =	vadd.f32 v13, v33;
	v8 =	vshll.u32 v8, v32;
	v41 =	vld [tilespmem:s25+$0xFFFFFFC0];
	[tilespmem:v38+s0+$0x0] =	vst.idx.msk $0xffff, v9  }
0x1e5: {  	v24 =	vadd.s32 v60, v17;
	v8 =	vbroadcast v8, $0x0;
	v39 =	vadd.s32 v44, v11;
	v18 =	vld [tilespmem:s23+$0xFFFFFF70];
	[tilespmem:$0x1FCF0] =	vst v52  }
0x1e6: {  	v26 =	vadd.s32 v63, v21;
	s28 =	simm.s32 $0xF;
	v25 =	vadd.s32 v43, v21;
	[tilespmem:v16+s0+$0x0] =	vst.idx.msk $0xffff, v13  }
0x1e7: {  	s18 =	simm.s32 $0x8;
	v31 =	vadd.f32 v31, v34;
	v43 =	vadd.s32 v52, v8;
	v15 =	vmov s28;
	v52 =	vld [tilespmem:s23+$0xE0];
	[tilespmem:$0x1FD00] =	vst v59  }
0x1e8: {  	v14 =	vmov s18;
	v13 =	vshrl.u32 v15, $0x3;
	v15 =	vadd.f32 v53, v35;
	v53 =	vld [tilespmem:s23+$0xFFFFFFE0]  }
0x1e9: {  	v27 =	vadd.s32 v48, v20;
	v14 =	vshrl.u32 v14, $0x3;
	v16 =	vadd.f32 v29, v34;
	[tilespmem:v28+s0+$0x0] =	vst.idx.msk $0xffff, v31;
	v28 =	vld [tilespmem:s23+$0xA0]  }
0x1ea: {  	v29 =	vshll.u32 v14, v32;
	[tilespmem:v39+s0+$0x0] =	vst.idx.msk $0xffff, v15;
	v14 =	vld [tilespmem:s25+$0xC0];
	v15 =	vadd.f32 v41, v33  }
0x1eb: {  	s19 =	simm.s32 $0xD;
	s29 =	simm.s32 $0xE;
	v9 =	vadd.s32 v59, v37;
	v59 =	vld [tilespmem:s25+$0x10];
	[tilespmem:v26+s0+$0x0] =	vst.idx.msk $0xffff, v16;
	v18 =	vadd.f32 v18, v36  }
0x1ec: {  	v38 =	vmov s19;
	v31 =	vmov s29;
	v16 =	vadd.f32 v30, v33;
	v30 =	vld [tilespmem:s23+$0x60];
	[tilespmem:v43+s0+$0x0] =	vst.idx.msk $0xffff, v15  }
0x1ed: {  	v26 =	vshrl.u32 v31, $0x3;
	v31 =	vshrl.u32 v38, $0x3;
	v38 =	vld [tilespmem:s23+$0x30];
	v15 =	vadd.f32 v52, v35;
	[tilespmem:v10+s0+$0x0] =	vst.idx.msk $0xffff, v18  }
0x1ee: {  	v12 =	vadd.s32 v57, v19;
	v52 =	vadd.f32 v53, v35;
	v53 =	vld [tilespmem:s25+$0x40];
	[tilespmem:$0x1FD10] =	vst v46  }
0x1ef: {  	[tilespmem:v27+s0+$0x0] =	vst.idx.msk $0xffff, v15  }
0x1f0: {  	v22 =	vadd.s32 v54, v23;
	v26 =	vshll.u32 v26, v32;
	[tilespmem:$0x1FD20] =	vst v40  }
0x1f1: {  	v31 =	vshll.u32 v31, v32;
	v28 =	vadd.f32 v28, v35;
	[tilespmem:v24+s0+$0x0] =	vst.idx.msk $0xffff, v52  }
0x1f2: {  	v10 =	vbroadcast v26, $0x0;
	v26 =	vadd.s32 v46, v11;
	v11 =	vbroadcast v31, $0x0;
	v31 =	vld [tilespmem:s23+$0xFFFFFF20];
	[tilespmem:$0x1FD30] =	vst v58  }
0x1f3: {  	v24 =	vadd.s32 v58, v37;
	v58 =	vld [tilespmem:s25+$0xFFFFFF50];
	[tilespmem:v12+s0+$0x0] =	vst.idx.msk $0xffff, v28  }
0x1f4: {  	v18 =	vadd.f32 v14, v33;
	v14 =	vadd.f32 v30, v35;
	v28 =	vld [tilespmem:s23+$0xFFFFFFB0];
	[tilespmem:$0x1FD40] =	vst v55  }
0x1f5: {  	[tilespmem:$0x1FD50] =	vst v45  }
0x1f6: {  	v27 =	vadd.s32 v40, v6;
	[tilespmem:v22+s0+$0x0] =	vst.idx.msk $0xffff, v14  }
0x1f7: {  	v12 =	vadd.f32 v38, v36;
	[tilespmem:$0x1FD60] =	vst v56  }
0x1f8: {  	[tilespmem:$0x1FD70] =	vst v60  }
0x1f9: {  	v39 =	vadd.f32 v59, v34;
	[tilespmem:v26+s0+$0x0] =	vst.idx.msk $0xffff, v12  }
0x1fa: {  	[tilespmem:$0x1FD80] =	vst v62  }
0x1fb: {  	v26 =	vadd.f32 v31, v35;
	v59 =	vld [tilespmem:s25+$0xFFFFFF90];
	[tilespmem:v27+s0+$0x0] =	vst.idx.msk $0xffff, v39  }
0x1fc: {  	v14 =	vadd.s32 v60, v8;
	v60 =	vld [tilespmem:s25+$0xFFFFFFD0];
	[tilespmem:$0x1FD90] =	vst v49  }
0x1fd: {  	[tilespmem:v25+s0+$0x0] =	vst.idx.msk $0xffff, v26  }
0x1fe: {  	v44 =	vadd.f32 v1, v33;
	v1 =	vld [tilespmem:$0x1FDB0];
	_ =	sdelay $0x1  }
0x1ff: {  	v31 =	vadd.f32 v58, v34  }
0x200: {  	v42 =	vadd.s32 v62, v7;
	v62 =	vld [tilespmem:s23+$0xF0];
	[tilespmem:$0x1FDA0] =	vst v50  }
0x201: {  	v15 =	vadd.s32 v45, v11;
	[tilespmem:v24+s0+$0x0] =	vst.idx.msk $0xffff, v31;
	v31 =	vadd.s32 v47, v8  }
0x202: {  	[tilespmem:$0x1FDC0] =	vst v4;
	v45 =	vadd.s32 v1, v17;
	v1 =	vmov v47;
	v47 =	vadd.s32 v4, v20;
	v4 =	vld [tilespmem:$0x1FDD0]  }
0x203: {  	v13 =	vshll.u32 v13, v32  }
0x204: {  	v13 =	vbroadcast v13, $0x0  }
0x205: {  	v30 =	vadd.s32 v55, v10;
	v52 =	vadd.s32 v3, v11  }
0x206: {  	v38 =	vadd.f32 v53, v33;
	v25 =	vadd.s32 v2, v13;
	v43 =	vadd.f32 v60, v34;
	v60 =	vmovc v2;
	v2 =	vld [tilespmem:$0x1FDF0]  }
0x207: {  	v22 =	vadd.s32 v56, v13;
	v12 =	vbroadcast v29, $0x0;
	v46 =	vadd.s32 v4, v19;
	v4 =	vld [tilespmem:$0x1FDE0]  }
0x208: {  	v29 =	vadd.f32 v28, v36;
	v28 =	vadd.s32 v61, v37;
	v27 =	vadd.s32 v49, v23  }
0x209: {  	v0 =	vmovc v51;
	v23 =	vadd.s32 v50, v12;
	v26 =	vadd.s32 v51, v10;
	v50 =	vadd.f32 v59, v34;
	v51 =	vld [tilespmem:s23+$0xFFFFFFF0]  }
0x20a: {  	v59 =	vmovc v61;
	v49 =	vld [tilespmem:s23+$0xB0];
	v53 =	vadd.f32 v62, v36;
	v17 =	vadd.s32 v54, v11;
	v20 =	vadd.s32 v48, v13  }
0x20b: {  	v61 =	vmovc v63;
	v37 =	vld [tilespmem:s23+$0x70];
	v62 =	vmovc v2;
	v39 =	vadd.s32 v2, v7;
	v2 =	vmov v57;
	v19 =	vadd.s32 v57, v10  }
0x20c: {  	s26 =	simm.s32 $0x10;
	s28 =	sadd.s32 $0x200, s25;
	v41 =	vadd.s32 v4, v21;
	v21 =	vadd.s32 v63, v12;
	v63 =	vmovc v3;
	v4 =	vmovc v54;
	v3 =	vmov v48;
	v48 =	vld [tilespmem:s23+$0xFFFFFF30]  }
.LBB2_6:
0x20d: {  	v54 =	vld [tilespmem:s28+$0xFFFFFF40]  }
0x20e: {  	v24 =	vld [tilespmem:$0x1FCD0]  }
0x20f: {  	v40 =	vld [tilespmem:$0x1FCE0];
	[tilespmem:v30+s0+$0x0] =	vst.idx.msk $0xffff, v44  }
0x210: {  	s16 =	smov.u32 s26;
	v57 =	vld [tilespmem:$0x1FC90];
	[tilespmem:v42+s0+$0x0] =	vst.idx.msk $0xffff, v50  }
0x211: {  	s19 =	sadd.s32 $0x2, s16;
	[tilespmem:v47+s0+$0x0] =	vst.idx.msk $0xffff, v53;
	v56 =	vld [tilespmem:s25+$0xFFFFFFA0];
	v42 =	vadd.f32 v51, v36  }
0x212: {  	s15 =	sadd.s32 $0x7, s26;
	[tilespmem:v52+s0+$0x0] =	vst.idx.msk $0xffff, v38;
	v47 =	vmov s19;
	v52 =	vld [tilespmem:s25+$0x90];
	v48 =	vadd.f32 v48, v36  }
0x213: {  	v55 =	vmov s15;
	v47 =	vshrl.u32 v47, $0x3;
	v58 =	vadd.f32 v49, v36;
	v49 =	vld [tilespmem:s25+$0x50];
	[tilespmem:v45+s0+$0x0] =	vst.idx.msk $0xffff, v42  }
0x214: {  	v45 =	vshll.u32 v47, v32;
	v47 =	vshrl.u32 v55, $0x3;
	v55 =	vld [tilespmem:$0x1FD00];
	[tilespmem:v41+s0+$0x0] =	vst.idx.msk $0xffff, v48  }
0x215: {  	s15 =	sadd.s32 $0x1, s16;
	v57 =	vadd.s32 v57, v5;
	v42 =	vadd.f32 v37, v36;
	v41 =	vld [tilespmem:s28+$0xFFFFFF00]  }
0x216: {  	v5 =	vmov v7;
	v7 =	vmov s15;
	[tilespmem:v23+s0+$0x0] =	vst.idx.msk $0xffff, v16;
	v16 =	vld [tilespmem:$0x1FD30]  }
0x217: {  	v7 =	vshrl.u32 v7, $0x3;
	[tilespmem:v27+s0+$0x0] =	vst.idx.msk $0xffff, v42;
	v42 =	vadd.f32 v56, v35;
	v56 =	vld [tilespmem:$0x1FCB0]  }
0x218: {  	v30 =	vmov s16;
	s17 =	sadd.s32 $0x4, s16;
	v44 =	vld [tilespmem:s28+$0x80];
	v7 =	vshll.u32 v7, v32  }
0x219: {  	v50 =	vmov s17;
	v53 =	vld [tilespmem:s28+$0xFFFFFF80];
	v30 =	vshrl.u32 v30, $0x3;
	[tilespmem:v46+s0+$0x0] =	vst.idx.msk $0xffff, v58;
	v37 =	vbroadcast v7, $0x0  }
0x21a: {  	s18 =	sadd.s32 $0x5, s16;
	s29 =	sadd.s32 $0x6, s16;
	s16 =	sadd.s32 $0x3, s16;
	v58 =	vshrl.u32 v50, $0x3;
	v46 =	vld [tilespmem:s25+$0xFFFFFF60];
	v52 =	vadd.f32 v52, v34;
	v7 =	vbroadcast v45, $0x0;
	[tilespmem:v57+s0+$0x0] =	vst.idx.msk $0xffff, v29  }
0x21b: {  	v50 =	vld [tilespmem:s28+$0x0];
	v57 =	vmov s29;
	v45 =	vadd.s32 v55, v37;
	v55 =	vmov s16;
	[tilespmem:v39+s0+$0x0] =	vst.idx.msk $0xffff, v42  }
0x21c: {  	v39 =	vadd.f32 v54, v33;
	v54 =	vadd.s32 v16, v37;
	v16 =	vld [tilespmem:$0x1FD40];
	v48 =	vadd.s32 v56, v7  }
0x21d: {  	v56 =	vshll.u32 v30, v32;
	v30 =	vshrl.u32 v55, $0x3;
	v55 =	vld [tilespmem:s28+$0xC0];
	[tilespmem:v22+s0+$0x0] =	vst.idx.msk $0xffff, v18;
	v22 =	vshrl.u32 v57, $0x3  }
0x21e: {  	[tilespmem:v31+s0+$0x0] =	vst.idx.msk $0xffff, v43;
	v31 =	vld [tilespmem:$0x1FCA0];
	v22 =	vshll.u32 v22, v32  }
0x21f: {  	v43 =	vshll.u32 v47, v32;
	v47 =	vld [tilespmem:s25+$0x20];
	[tilespmem:v26+s0+$0x0] =	vst.idx.msk $0xffff, v52;
	v52 =	vbroadcast v22, $0x0  }
0x220: {  	v27 =	vshll.u32 v58, v32;
	v58 =	vadd.f32 v53, v33;
	v53 =	vld [tilespmem:s25+$0xFFFFFF10]  }
0x221: {  	v22 =	vshll.u32 v30, v32;
	v30 =	vadd.s32 v16, v52;
	v16 =	vld [tilespmem:$0x1FD20]  }
0x222: {  	v27 =	vbroadcast v27, $0x0;
	v29 =	vld [tilespmem:$0x1FCC0];
	v46 =	vadd.f32 v46, v35  }
0x223: {  	v38 =	vld [tilespmem:s28+$0x40]  }
0x224: {  	v31 =	vadd.s32 v31, v27;
	[tilespmem:v28+s0+$0x0] =	vst.idx.msk $0xffff, v46;
	v28 =	vld [tilespmem:s25+$0xFFFFFFB0]  }
0x225: {  	v26 =	vld [tilespmem:s25+$0xD0]  }
0x226: {  	v51 =	vmov s18;
	[tilespmem:v48+s0+$0x0] =	vst.idx.msk $0xffff, v58;
	v48 =	vadd.s32 v16, v27;
	v16 =	vld [tilespmem:$0x1FD50]  }
0x227: {  	v51 =	vshrl.u32 v51, $0x3;
	v42 =	vld [tilespmem:s28+$0xFFFFFFC0];
	v18 =	vadd.f32 v50, v33;
	v29 =	vadd.s32 v29, v37  }
0x228: {  	v57 =	vshll.u32 v51, v32;
	v51 =	vld [tilespmem:s25+$0xFFFFFF70]  }
0x229: {  	v41 =	vadd.f32 v41, v33;
	v23 =	vbroadcast v57, $0x0;
	[tilespmem:v31+s0+$0x0] =	vst.idx.msk $0xffff, v18;
	v31 =	vld [tilespmem:s25+$0xA0]  }
0x22a: {  	v40 =	vadd.s32 v40, v6;
	v46 =	vld [tilespmem:s28+$0x10]  }
0x22b: {  	v26 =	vadd.f32 v26, v34;
	v50 =	vadd.s32 v16, v23;
	v16 =	vmovc v41;
	v41 =	vbroadcast v22, $0x0;
	v22 =	vld [tilespmem:$0x1FD10]  }
0x22c: {  	v49 =	vadd.f32 v49, v34;
	v18 =	vadd.f32 v55, v33;
	v55 =	vld [tilespmem:s25+$0xFFFFFFE0];
	[tilespmem:v29+s0+$0x0] =	vst.idx.msk $0xffff, v39  }
0x22d: {  	v29 =	vadd.f32 v47, v35;
	[tilespmem:v25+s0+$0x0] =	vst.idx.msk $0xffff, v26;
	v25 =	vld [tilespmem:$0x1FCF0]  }
0x22e: {  	[tilespmem:v15+s0+$0x0] =	vst.idx.msk $0xffff, v49;
	v26 =	vld [tilespmem:$0x1FD70]  }
0x22f: {  	[tilespmem:v40+s0+$0x0] =	vst.idx.msk $0xffff, v29;
	v40 =	vld [tilespmem:s25+$0x60]  }
0x230: {  	v29 =	vadd.f32 v53, v34;
	v57 =	vadd.s32 v22, v6;
	v6 =	vld [tilespmem:$0x1FD60]  }
0x231: {  	v58 =	vld [tilespmem:s28+$0xFFFFFF50]  }
0x232: {  	v49 =	vld [tilespmem:s25+$0x30];
	[tilespmem:v21+s0+$0x0] =	vst.idx.msk $0xffff, v29  }
0x233: {  	v43 =	vbroadcast v43, $0x0;
	v29 =	vadd.f32 v28, v36;
	v28 =	vld [tilespmem:s25+$0xFFFFFF20]  }
0x234: {  	v25 =	vadd.s32 v25, v41;
	v47 =	vadd.s32 v26, v41;
	v26 =	vld [tilespmem:s25+$0xE0]  }
0x235: {  	v40 =	vadd.f32 v40, v35;
	v22 =	vadd.s32 v6, v43;
	v6 =	vmov v27;
	v27 =	vld [tilespmem:$0x1FD80]  }
0x236: {  	v21 =	vadd.f32 v31, v35;
	v15 =	vmov v50;
	v50 =	vld [tilespmem:s28+$0xFFFFFF90]  }
0x237: {  	v39 =	vadd.f32 v42, v33;
	[tilespmem:v17+s0+$0x0] =	vst.idx.msk $0xffff, v40;
	v17 =	vld [tilespmem:$0x1FDD0]  }
0x238: {  	v24 =	vadd.s32 v24, v12;
	v53 =	vadd.f32 v46, v34;
	[tilespmem:v19+s0+$0x0] =	vst.idx.msk $0xffff, v21;
	v19 =	vld [tilespmem:$0x1FDC0]  }
0x239: {  	v46 =	vadd.f32 v51, v36;
	[tilespmem:v25+s0+$0x0] =	vst.idx.msk $0xffff, v39;
	v39 =	vadd.f32 v58, v34;
	v58 =	vld [tilespmem:$0x1FDB0]  }
0x23a: {  	v44 =	vadd.f32 v44, v33;
	v31 =	vadd.f32 v26, v35;
	v42 =	vadd.s32 v27, v7;
	v27 =	vld [tilespmem:$0x1FD90]  }
0x23b: {  	v56 =	vbroadcast v56, $0x0;
	v38 =	vadd.f32 v38, v33;
	[tilespmem:v9+s0+$0x0] =	vst.idx.msk $0xffff, v46;
	v25 =	vadd.f32 v55, v35  }
0x23c: {  	v9 =	vmov v45;
	v50 =	vadd.f32 v50, v34;
	v46 =	vadd.s32 v17, v10;
	v17 =	vld [tilespmem:$0x1FDE0];
	[tilespmem:v20+s0+$0x0] =	vst.idx.msk $0xffff, v31  }
0x23d: {  	v26 =	vadd.s32 v0, v52;
	v55 =	vld [tilespmem:s28+$0xFFFFFFD0];
	[tilespmem:v14+s0+$0x0] =	vst.idx.msk $0xffff, v25;
	v20 =	vadd.f32 v49, v36;
	v14 =	vmov v47  }
0x23e: {  	v47 =	vadd.s32 v19, v13;
	v13 =	vmovc v43;
	v19 =	vadd.f32 v28, v35;
	v45 =	vadd.s32 v58, v8;
	v58 =	vld [tilespmem:s25+$0xF0]  }
0x23f: {  	p0 =	slt.u32 s26, $0x78;
	v28 =	vadd.s32 v59, v37;
	[tilespmem:v54+s0+$0x0] =	vst.idx.msk $0xffff, v39;
	v27 =	vadd.s32 v27, v11;
	v11 =	vmov v23;
	v23 =	vld [tilespmem:$0x1FDA0]  }
.Ltmp1:
0x240: {  	v10 =	vmov v52;
	v39 =	vadd.s32 v62, v7;
	v25 =	vadd.s32 v60, v13;
	[tilespmem:v57+s0+$0x0] =	vst.idx.msk $0xffff, v20;
	(pc) =	sbr.rel @p0 .LBB2_6-.Ltmp1, $4  }
0x241: {  	v49 =	vld [tilespmem:s25+$0xB0];
	v20 =	vadd.s32 v3, v13;
	[tilespmem:v24+s0+$0x0] =	vst.idx.msk $0xffff, v19;
	v19 =	vadd.s32 v2, v10;
	v8 =	vmov v41  }
0x242: {  	v37 =	vld [tilespmem:s25+$0x70];
	v41 =	vadd.s32 v17, v12;
	v12 =	vmov v56;
	[tilespmem:v48+s0+$0x0] =	vst.idx.msk $0xffff, v53;
	v31 =	vadd.s32 v1, v8  }
0x243: {  	v51 =	vld [tilespmem:s25+$0xFFFFFFF0];
	v43 =	vadd.f32 v55, v34;
	v21 =	vadd.s32 v61, v12;
	v53 =	vadd.f32 v58, v36  }
0x244: {  	s26 =	sadd.s32 $0x8, s26;
	v48 =	vld [tilespmem:s25+$0xFFFFFF30];
	s25 =	smov.u32 s28;
	s28 =	sadd.s32 $0x200, s28;
	v52 =	vadd.s32 v63, v11;
	v17 =	vadd.s32 v4, v11;
	v23 =	vadd.s32 v23, v56  }
0x245: {  	_ =	sdelay $0x3  }
0x246: {  	[tilespmem:v30+s0+$0x0] =	vst.idx.msk $0xffff, v44  }
0x247: {  	[tilespmem:v42+s0+$0x0] =	vst.idx.msk $0xffff, v50  }
0x248: {  	[tilespmem:v22+s0+$0x0] =	vst.idx.msk $0xffff, v18  }
0x249: {  	[tilespmem:v47+s0+$0x0] =	vst.idx.msk $0xffff, v53  }
0x24a: {  	v24 =	vld [tilespmem:$0x1FC90];
	_ =	sdelay $0x1  }
0x24b: {  	v22 =	vld [tilespmem:s25+$0xD0]  }
0x24c: {  	[tilespmem:v52+s0+$0x0] =	vst.idx.msk $0xffff, v38  }
0x24d: {  	v3 =	vadd.f32 v49, v36;
	[tilespmem:v23+s0+$0x0] =	vst.idx.msk $0xffff, v16  }
0x24e: {  	[tilespmem:v31+s0+$0x0] =	vst.idx.msk $0xffff, v43;
	v53 =	vadd.f32 v37, v36;
	v50 =	vadd.s32 v24, v5  }
0x24f: {  	v4 =	vadd.f32 v51, v36;
	[tilespmem:v46+s0+$0x0] =	vst.idx.msk $0xffff, v3  }
0x250: {  	[tilespmem:v27+s0+$0x0] =	vst.idx.msk $0xffff, v53;
	v55 =	vadd.f32 v22, v34  }
0x251: {  	[tilespmem:v45+s0+$0x0] =	vst.idx.msk $0xffff, v4  }
0x252: {  	v51 =	vld [tilespmem:s25+$0x90];
	[tilespmem:v25+s0+$0x0] =	vst.idx.msk $0xffff, v55  }
0x253: {  	v52 =	vld [tilespmem:s25+$0x50];
	[tilespmem:v50+s0+$0x0] =	vst.idx.msk $0xffff, v29  }
0x254: {  	v2 =	vld [tilespmem:$0x1FCE0]  }
0x255: {  	v56 =	vld [tilespmem:s25+$0xFFFFFF60]  }
0x256: {  	v54 =	vld [tilespmem:s25+$0xFFFFFF10]  }
0x257: {  	v57 =	vld [tilespmem:s25+$0x20];
	v58 =	vadd.f32 v51, v34  }
0x258: {  	v59 =	vadd.f32 v52, v34;
	v60 =	vld [tilespmem:s25+$0xE0]  }
0x259: {  	v63 =	vld [tilespmem:s25+$0xFFFFFFE0];
	v62 =	vadd.f32 v48, v36;
	[tilespmem:v26+s0+$0x0] =	vst.idx.msk $0xffff, v58;
	v61 =	vadd.s32 v2, v6  }
0x25a: {  	v30 =	vadd.f32 v56, v35;
	[tilespmem:v15+s0+$0x0] =	vst.idx.msk $0xffff, v59  }
0x25b: {  	v29 =	vadd.f32 v54, v34;
	[tilespmem:v41+s0+$0x0] =	vst.idx.msk $0xffff, v62  }
0x25c: {  	v38 =	vadd.f32 v57, v35;
	[tilespmem:v28+s0+$0x0] =	vst.idx.msk $0xffff, v30  }
0x25d: {  	v22 =	vld [tilespmem:s25+$0xA0];
	[tilespmem:v21+s0+$0x0] =	vst.idx.msk $0xffff, v29;
	v40 =	vadd.f32 v60, v35  }
0x25e: {  	v42 =	vadd.f32 v63, v35;
	v31 =	vld [tilespmem:s25+$0x60];
	[tilespmem:v61+s0+$0x0] =	vst.idx.msk $0xffff, v38  }
0x25f: {  	v2 =	vld [tilespmem:$0x1FCD0];
	[tilespmem:v20+s0+$0x0] =	vst.idx.msk $0xffff, v40  }
0x260: {  	v37 =	vld [tilespmem:s25+$0xFFFFFFA0];
	[tilespmem:v14+s0+$0x0] =	vst.idx.msk $0xffff, v42  }
0x261: {  	v0 =	vld [tilespmem:$0x1FD10]  }
0x262: {  	v25 =	vld [tilespmem:s25+$0xFFFFFF20]  }
0x263: {  	v41 =	vld [tilespmem:s25+$0xFFFFFF70];
	v43 =	vadd.f32 v22, v35  }
0x264: {  	v44 =	vadd.f32 v31, v35;
	v16 =	vld [tilespmem:s25+$0x30];
	v2 =	vadd.s32 v2, v12  }
0x265: {  	v45 =	vadd.f32 v37, v35;
	v20 =	vld [tilespmem:s25+$0xF0];
	[tilespmem:v19+s0+$0x0] =	vst.idx.msk $0xffff, v43  }
0x266: {  	v47 =	vld [tilespmem:$0x1FDC0];
	[tilespmem:v17+s0+$0x0] =	vst.idx.msk $0xffff, v44;
	v46 =	vadd.s32 v0, v6  }
0x267: {  	v1 =	vadd.f32 v25, v35;
	v14 =	vld [tilespmem:s25+$0xFFFFFFF0];
	[tilespmem:v39+s0+$0x0] =	vst.idx.msk $0xffff, v45  }
0x268: {  	v4 =	vadd.f32 v41, v36;
	v49 =	vld [tilespmem:$0x1FDB0]  }
0x269: {  	v53 =	vld [tilespmem:$0x1FDD0];
	v16 =	vadd.f32 v16, v36;
	[tilespmem:v2+s0+$0x0] =	vst.idx.msk $0xffff, v1  }
0x26a: {  	v54 =	vld [tilespmem:$0x1FD90];
	[tilespmem:v9+s0+$0x0] =	vst.idx.msk $0xffff, v4  }
0x26b: {  	v52 =	vld [tilespmem:s25+$0xFFFFFFB0];
	[tilespmem:v46+s0+$0x0] =	vst.idx.msk $0xffff, v16  }
0x26c: {  	v13 =	vadd.s32 v47, v13;
	v59 =	vld [tilespmem:$0x1FDE0]  }
0x26d: {  	v58 =	vadd.s32 v24, v7;
	v48 =	vld [tilespmem:s25+$0xB0]  }
0x26e: {  	v51 =	vld [tilespmem:s25+$0x70];
	v50 =	vadd.s32 v49, v8  }
0x26f: {  	v56 =	vadd.f32 v20, v36;
	v10 =	vadd.s32 v53, v10;
	v2 =	vld [tilespmem:s25+$0xFFFFFF30]  }
0x270: {  	s24 =	sadd.s32 $0x1, s24;
	v62 =	vadd.f32 v52, v36;
	v55 =	vadd.s32 v54, v11  }
0x271: {  	p0 =	sne.s32 s24, $0x4;
	v57 =	vadd.f32 v14, v36;
	[tilespmem:v13+s0+$0x0] =	vst.idx.msk $0xffff, v56;
	v7 =	vadd.s32 v59, v12  }
.Ltmp2:
0x272: {  	v60 =	vadd.f32 v48, v36;
	[tilespmem:v58+s0+$0x0] =	vst.idx.msk $0xffff, v62;
	(pc) =	sbr.rel @p0 .LBB2_5-.Ltmp2, $4  }
0x273: {  	v61 =	vadd.f32 v51, v36;
	[tilespmem:v50+s0+$0x0] =	vst.idx.msk $0xffff, v57  }
0x274: {  	[tilespmem:v10+s0+$0x0] =	vst.idx.msk $0xffff, v60;
	v63 =	vadd.f32 v2, v36  }
0x275: {  	[tilespmem:v55+s0+$0x0] =	vst.idx.msk $0xffff, v61  }
0x276: {  	s23 =	sadd.s32 $0x2000, s23;
	[tilespmem:v7+s0+$0x0] =	vst.idx.msk $0xffff, v63  }
0x277: {  	s9 =	sshll.u32 s9, $0xF  }
0x278: {  	s10 =	sadd.s32 s1, s10;
	s9 =	sand.u32 $0x1FFF8000, s9  }
0x279: {  	s22 =	simm.s32 $0x10;
	s9 =	sadd.s32 s9, s10  }
0x27a: {  	s23 =	simm.s32 $0x10488;
	s10 =	simm.s32 $0x10400;
	s24 =	sadd.s32 $0x0, s9  }
.LBB2_9:
0x27b: {  	[hbm4b:s24+s3] =	stream.linear.scatter [tilespmem:s10], [sflag:$0x3], $0x80, $0x38;
	[tilespmem:$0x1B000] =	vst v63  }
0x27c: {  	s15 =	smov.u32 s22;
	s10 =	smov.u32 s23;
	p0 =	sne.s32 s22, $0x1F0  }
.Ltmp3:
0x27d: {  	s22 =	sadd.s32 $0x10, s22;
	(pc) =	sbr.rel @p0 .LBB2_9-.Ltmp3, $2  }
0x27e: {  	_ =	sdelay $0x2  }
0x27f: {  	s23 =	sadd.s32 $0x88, s23;
	s24 =	sadd.s32 s15, s9  }
0x280: {  	[hbm4b:s24+s3] =	stream.linear.scatter [tilespmem:s10], [sflag:$0x3], $0x80, $0x38;
	[tilespmem:$0x1B000] =	vst v63  }
0x281: {  	s10 =	sadd.s32 $0x1000, s9;
	s22 =	simm.s32 $0x11940  }
0x282: {  	s23 =	simm.s32 $0x10;
	s24 =	simm.s32 $0x119C8;
	s25 =	sadd.s32 $0x0, s10  }
.LBB2_11:
0x283: {  	[hbm4b:s25+s3] =	stream.linear.scatter [tilespmem:s22], [sflag:$0x3], $0x80, $0x38;
	[tilespmem:$0x1B000] =	vst v63  }
0x284: {  	s15 =	smov.u32 s23;
	s22 =	smov.u32 s24;
	p0 =	sne.s32 s23, $0x1F0  }
.Ltmp4:
0x285: {  	s23 =	sadd.s32 $0x10, s23;
	(pc) =	sbr.rel @p0 .LBB2_11-.Ltmp4, $2  }
0x286: {  	_ =	sdelay $0x2  }
0x287: {  	s24 =	sadd.s32 $0x88, s24;
	s25 =	sadd.s32 s15, s10  }
0x288: {  	[hbm4b:s25+s3] =	stream.linear.scatter [tilespmem:s22], [sflag:$0x3], $0x80, $0x38;
	[tilespmem:$0x1B000] =	vst v63  }
0x289: {  	s10 =	sadd.s32 $0x2000, s9;
	s22 =	simm.s32 $0x12E80  }
0x28a: {  	s23 =	simm.s32 $0x10;
	s24 =	simm.s32 $0x12F08;
	s25 =	sadd.s32 $0x0, s10  }
.LBB2_13:
0x28b: {  	[hbm4b:s25+s3] =	stream.linear.scatter [tilespmem:s22], [sflag:$0x3], $0x80, $0x38;
	[tilespmem:$0x1B000] =	vst v63  }
0x28c: {  	s15 =	smov.u32 s23;
	s22 =	smov.u32 s24;
	p0 =	sne.s32 s23, $0x1F0  }
.Ltmp5:
0x28d: {  	s23 =	sadd.s32 $0x10, s23;
	(pc) =	sbr.rel @p0 .LBB2_13-.Ltmp5, $2  }
0x28e: {  	_ =	sdelay $0x2  }
0x28f: {  	s24 =	sadd.s32 $0x88, s24;
	s25 =	sadd.s32 s15, s10  }
0x290: {  	[hbm4b:s25+s3] =	stream.linear.scatter [tilespmem:s22], [sflag:$0x3], $0x80, $0x38;
	[tilespmem:$0x1B000] =	vst v63  }
0x291: {  	s10 =	sadd.s32 $0x3000, s9;
	s22 =	simm.s32 $0x143C0  }
0x292: {  	s23 =	simm.s32 $0x10;
	s24 =	simm.s32 $0x14448;
	s25 =	sadd.s32 $0x0, s10  }
.LBB2_15:
0x293: {  	[hbm4b:s25+s3] =	stream.linear.scatter [tilespmem:s22], [sflag:$0x3], $0x80, $0x38;
	[tilespmem:$0x1B000] =	vst v63  }
0x294: {  	s15 =	smov.u32 s23;
	s22 =	smov.u32 s24;
	p0 =	sne.s32 s23, $0x1F0  }
.Ltmp6:
0x295: {  	s23 =	sadd.s32 $0x10, s23;
	(pc) =	sbr.rel @p0 .LBB2_15-.Ltmp6, $2  }
0x296: {  	_ =	sdelay $0x2  }
0x297: {  	s24 =	sadd.s32 $0x88, s24;
	s25 =	sadd.s32 s15, s10  }
0x298: {  	[hbm4b:s25+s3] =	stream.linear.scatter [tilespmem:s22], [sflag:$0x3], $0x80, $0x38;
	[tilespmem:$0x1B000] =	vst v63  }
0x299: {  	s10 =	sadd.s32 $0x4000, s9;
	s22 =	simm.s32 $0x15900  }
0x29a: {  	s23 =	simm.s32 $0x10;
	s24 =	simm.s32 $0x15988;
	s25 =	sadd.s32 $0x0, s10  }
.LBB2_17:
0x29b: {  	[hbm4b:s25+s3] =	stream.linear.scatter [tilespmem:s22], [sflag:$0x3], $0x80, $0x38;
	[tilespmem:$0x1B000] =	vst v63  }
0x29c: {  	s15 =	smov.u32 s23;
	s22 =	smov.u32 s24;
	p0 =	sne.s32 s23, $0x1F0  }
.Ltmp7:
0x29d: {  	s23 =	sadd.s32 $0x10, s23;
	(pc) =	sbr.rel @p0 .LBB2_17-.Ltmp7, $2  }
0x29e: {  	_ =	sdelay $0x2  }
0x29f: {  	s24 =	sadd.s32 $0x88, s24;
	s25 =	sadd.s32 s15, s10  }
0x2a0: {  	[hbm4b:s25+s3] =	stream.linear.scatter [tilespmem:s22], [sflag:$0x3], $0x80, $0x38;
	[tilespmem:$0x1B000] =	vst v63  }
0x2a1: {  	s10 =	sadd.s32 $0x5000, s9;
	s22 =	simm.s32 $0x16E40  }
0x2a2: {  	s23 =	simm.s32 $0x10;
	s24 =	simm.s32 $0x16EC8;
	s25 =	sadd.s32 $0x0, s10  }
.LBB2_19:
0x2a3: {  	[hbm4b:s25+s3] =	stream.linear.scatter [tilespmem:s22], [sflag:$0x3], $0x80, $0x38;
	[tilespmem:$0x1B000] =	vst v63  }
0x2a4: {  	s15 =	smov.u32 s23;
	s22 =	smov.u32 s24;
	p0 =	sne.s32 s23, $0x1F0  }
.Ltmp8:
0x2a5: {  	s23 =	sadd.s32 $0x10, s23;
	(pc) =	sbr.rel @p0 .LBB2_19-.Ltmp8, $2  }
0x2a6: {  	_ =	sdelay $0x2  }
0x2a7: {  	s24 =	sadd.s32 $0x88, s24;
	s25 =	sadd.s32 s15, s10  }
0x2a8: {  	[hbm4b:s25+s3] =	stream.linear.scatter [tilespmem:s22], [sflag:$0x3], $0x80, $0x38;
	[tilespmem:$0x1B000] =	vst v63  }
0x2a9: {  	s10 =	sadd.s32 $0x6000, s9;
	s22 =	simm.s32 $0x18380  }
0x2aa: {  	s23 =	simm.s32 $0x10;
	s24 =	simm.s32 $0x18408;
	s25 =	sadd.s32 $0x0, s10  }
.LBB2_21:
0x2ab: {  	[hbm4b:s25+s3] =	stream.linear.scatter [tilespmem:s22], [sflag:$0x3], $0x80, $0x38;
	[tilespmem:$0x1B000] =	vst v63  }
0x2ac: {  	s15 =	smov.u32 s23;
	s22 =	smov.u32 s24;
	p0 =	sne.s32 s23, $0x1F0  }
.Ltmp9:
0x2ad: {  	s23 =	sadd.s32 $0x10, s23;
	(pc) =	sbr.rel @p0 .LBB2_21-.Ltmp9, $2  }
0x2ae: {  	_ =	sdelay $0x2  }
0x2af: {  	s24 =	sadd.s32 $0x88, s24;
	s25 =	sadd.s32 s15, s10  }
0x2b0: {  	[hbm4b:s25+s3] =	stream.linear.scatter [tilespmem:s22], [sflag:$0x3], $0x80, $0x38;
	[tilespmem:$0x1B000] =	vst v63  }
0x2b1: {  	s9 =	sadd.s32 $0x7000, s9;
	s10 =	simm.s32 $0x198C0  }
0x2b2: {  	s22 =	simm.s32 $0x10;
	s23 =	simm.s32 $0x19948;
	s24 =	sadd.s32 $0x0, s9  }
.LBB2_23:
0x2b3: {  	[hbm4b:s24+s3] =	stream.linear.scatter [tilespmem:s10], [sflag:$0x3], $0x80, $0x38;
	[tilespmem:$0x1B000] =	vst v63  }
0x2b4: {  	s15 =	smov.u32 s22;
	s10 =	smov.u32 s23;
	p0 =	sne.s32 s22, $0x1F0  }
.Ltmp10:
0x2b5: {  	s22 =	sadd.s32 $0x10, s22;
	(pc) =	sbr.rel @p0 .LBB2_23-.Ltmp10, $2  }
0x2b6: {  	_ =	sdelay $0x2  }
0x2b7: {  	s23 =	sadd.s32 $0x88, s23;
	s24 =	sadd.s32 s15, s9  }
0x2b8: {  	[hbm4b:s24+s3] =	stream.linear.scatter [tilespmem:s10], [sflag:$0x3], $0x80, $0x38;
	[tilespmem:$0x1B000] =	vst v63  }
0x2b9: {  	s7 =	smin.u32 s7, $0x2F  }
0x2ba: {  	s7 =	sshll.u32 s7, $0x9  }
0x2bb: {  	s7 =	sadd.s32 s7, s11  }
0x2bc: {  	s7 =	sshrl.u32 s7, $0x3  }
0x2bd: {  	s9 =	sadd.s32 s5, s7;
	s7 =	simm.s32 $0x0  }
0x2be: {  	[tilespmem:s7], [sflag:$0x4] =	stream.linear.gather [hbm4b:s9+s7], $0x200, $0x38;
	[tilespmem:$0x1B000] =	vst v63  }
0x2bf: {  	_ =	swait.ge [sflag:s13], $0x200  }
0x2c0: {  	[sflag:s13] =	ssyncset.done $0x0  }
0x2c1: {  	[sflag:s13] =	ssyncadd.s32 $0xFFFFFE00  }
0x2c2: {  	v0 =	vld [tilespmem:$0x0]  }
0x2c3: {  	v1 =	vld [tilespmem:$0x10]  }
0x2c4: {  	v2 =	vld [tilespmem:$0x20]  }
0x2c5: {  	v5 =	vld [tilespmem:$0x30]  }
0x2c6: {  	v6 =	vld [tilespmem:$0x40]  }
0x2c7: {  	v8 =	vld [tilespmem:$0x50]  }
0x2c8: {  	v44 =	vld [tilespmem:$0x60];
	v3 =	vshll.u32 v0, $0x1  }
0x2c9: {  	v9 =	vld [tilespmem:$0x70];
	v4 =	vand.u32 $0xFFFFC000, v0;
	v0 =	vshrl.u32 v0, $0xD;
	v36 =	vshll.u32 v1, $0x1  }
0x2ca: {  	v48 =	vld [tilespmem:$0x80];
	v37 =	vand.u32 $0xFFFFC000, v1;
	v1 =	vshrl.u32 v1, $0xD;
	v38 =	vshll.u32 v2, $0x1  }
0x2cb: {  	v11 =	vld [tilespmem:$0x90];
	v7 =	vand.u32 $0xFFFFC000, v2;
	v2 =	vshrl.u32 v2, $0xD;
	v40 =	vshll.u32 v5, $0x1  }
0x2cc: {  	v12 =	vld [tilespmem:$0xA0];
	v41 =	vand.u32 $0xFFFFC000, v5;
	v5 =	vshrl.u32 v5, $0xD;
	v43 =	vshll.u32 v6, $0x1  }
0x2cd: {  	v55 =	vld [tilespmem:$0xB0];
	v45 =	vand.u32 $0xFFFFC000, v6;
	v46 =	vshrl.u32 v6, $0xD;
	v47 =	vshll.u32 v8, $0x1  }
0x2ce: {  	v14 =	vld [tilespmem:$0xC0];
	v10 =	vand.u32 $0xFFFFC000, v8;
	v8 =	vshrl.u32 v8, $0xD;
	v49 =	vshll.u32 v44, $0x1  }
0x2cf: {  	v15 =	vld [tilespmem:$0xD0];
	v50 =	vand.u32 $0xFFFFC000, v44;
	v51 =	vshll.u32 v9, $0x1;
	v52 =	vand.u32 $0xFFFFC000, v9  }
0x2d0: {  	v63 =	vld [tilespmem:$0xE0];
	v53 =	vshrl.u32 v9, $0xD;
	v54 =	vshll.u32 v48, $0x1;
	v13 =	vand.u32 $0xFFFFC000, v48  }
0x2d1: {  	v17 =	vld [tilespmem:$0xF0];
	v56 =	vshll.u32 v11, $0x1;
	v57 =	vand.u32 $0xFFFFC000, v11;
	v11 =	vshrl.u32 v11, $0xD  }
0x2d2: {  	v18 =	vld [tilespmem:$0x100];
	v59 =	vshll.u32 v12, $0x1;
	v60 =	vand.u32 $0xFFFFC000, v12;
	v61 =	vshrl.u32 v12, $0xD  }
0x2d3: {  	v27 =	vld [tilespmem:$0x110];
	v62 =	vshll.u32 v55, $0x1;
	v16 =	vand.u32 $0xFFFFC000, v55;
	v20 =	vshll.u32 v14, $0x1  }
0x2d4: {  	v21 =	vand.u32 $0xFFFFC000, v14;
	v14 =	vshrl.u32 v14, $0xD;
	v23 =	vshll.u32 v15, $0x1  }
0x2d5: {  	v24 =	vand.u32 $0xFFFFC000, v15;
	v25 =	vshrl.u32 v15, $0xD;
	v26 =	vshll.u32 v63, $0x1  }
0x2d6: {  	v19 =	vand.u32 $0xFFFFC000, v63;
	v28 =	vshll.u32 v17, $0x1;
	v29 =	vand.u32 $0xFFFFC000, v17  }
0x2d7: {  	v17 =	vshrl.u32 v17, $0xD;
	v31 =	vshll.u32 v18, $0x1;
	v33 =	vand.u32 $0xFFFFC000, v18  }
0x2d8: {  	v34 =	vshrl.u32 v18, $0xD;
	v35 =	vshll.u32 v27, $0x1;
	v3 =	vand.u32 $0x3FFE, v3  }
0x2d9: {  	v0 =	vand.u32 $0x1, v0;
	v1 =	vand.u32 $0x1, v1;
	v39 =	vand.u32 $0x1, v2  }
0x2da: {  	v42 =	vand.u32 $0x1, v5;
	v5 =	vand.u32 $0x3FFE, v43;
	v6 =	vand.u32 $0x3FFE, v47  }
0x2db: {  	v8 =	vand.u32 $0x1, v8;
	v9 =	vand.u32 $0x3FFE, v54;
	v58 =	vand.u32 $0x1, v11  }
0x2dc: {  	v11 =	vand.u32 $0x3FFE, v59;
	v12 =	vand.u32 $0x3FFE, v62;
	v22 =	vand.u32 $0x1, v14  }
0x2dd: {  	v14 =	vand.u32 $0x3FFE, v23;
	v15 =	vand.u32 $0x3FFE, v26;
	v30 =	vand.u32 $0x1, v17  }
0x2de: {  	v17 =	vand.u32 $0x3FFE, v31;
	v18 =	vand.u32 $0x3FFE, v35;
	v3 =	vor.u32 v4, v3  }
0x2df: {  	v4 =	vand.u32 $0x3FFE, v36;
	v6 =	vor.u32 v10, v6;
	v10 =	vshrl.u32 v48, $0xD  }
0x2e0: {  	v9 =	vor.u32 v13, v9;
	v13 =	vshrl.u32 v55, $0xD;
	v12 =	vor.u32 v16, v12  }
0x2e1: {  	v16 =	vshrl.u32 v63, $0xD;
	v15 =	vor.u32 v19, v15;
	v19 =	vshrl.u32 v27, $0xD  }
0x2e2: {  	v0 =	vor.u32 v0, v3;
	v3 =	vor.u32 v37, v4;
	v4 =	vand.u32 $0x3FFE, v38  }
0x2e3: {  	v23 =	vld [tilespmem:$0x150];
	v10 =	vand.u32 $0x1, v10;
	v13 =	vand.u32 $0x1, v13;
	v16 =	vand.u32 $0x1, v16  }
0x2e4: {  	v59 =	vld [tilespmem:$0x180];
	v19 =	vand.u32 $0x1, v19;
	v4 =	vor.u32 v7, v4;
	v2 =	vor.u32 v1, v3  }
0x2e5: {  	v36 =	vld [tilespmem:$0x140];
	v3 =	vand.u32 $0x3FFE, v40;
	v7 =	vshrl.u32 v44, $0xD;
	v1 =	vor.u32 v39, v4  }
0x2e6: {  	v3 =	vor.u32 v41, v3;
	v4 =	vor.u32 v45, v5;
	v5 =	vand.u32 $0x1, v46  }
0x2e7: {  	v7 =	vand.u32 $0x1, v7;
	v3 =	vor.u32 v42, v3;
	v4 =	vor.u32 v5, v4  }
0x2e8: {  	v35 =	vld [tilespmem:$0x1D0];
	v5 =	vor.u32 v8, v6;
	v6 =	vand.u32 $0x3FFE, v49;
	v8 =	vand.u32 $0x3FFE, v51  }
0x2e9: {  	v54 =	vshll.u32 v23, $0x1;
	v55 =	vand.u32 $0xFFFFC000, v23;
	v26 =	vshll.u32 v59, $0x1  }
0x2ea: {  	v48 =	vld [tilespmem:$0x160];
	v6 =	vor.u32 v50, v6;
	v47 =	vshll.u32 v36, $0x1;
	v49 =	vand.u32 $0xFFFFC000, v36  }
0x2eb: {  	v50 =	vshrl.u32 v36, $0xD;
	[tilespmem:$0x30] =	vst v3;
	v3 =	vand.u32 $0x3FFE, v54;
	v6 =	vor.u32 v7, v6  }
0x2ec: {  	v7 =	vor.u32 v52, v8;
	v8 =	vand.u32 $0x1, v53;
	v52 =	vand.u32 $0x1, v50  }
0x2ed: {  	v3 =	vor.u32 v55, v3;
	v50 =	vand.u32 $0xFFFFC000, v35;
	v7 =	vor.u32 v8, v7  }
0x2ee: {  	v63 =	vld [tilespmem:$0x190];
	v8 =	vor.u32 v10, v9;
	v9 =	vand.u32 $0x3FFE, v56;
	v10 =	vor.u32 v60, v11  }
0x2ef: {  	v11 =	vand.u32 $0x1, v61;
	v56 =	vshrl.u32 v23, $0xD;
	v60 =	vand.u32 $0xFFFFC000, v48  }
0x2f0: {  	[tilespmem:$0x60] =	vst v6;
	v61 =	vshrl.u32 v48, $0xD;
	v6 =	vshrl.u32 v59, $0xD;
	v9 =	vor.u32 v57, v9  }
0x2f1: {  	v10 =	vor.u32 v11, v10;
	v11 =	vor.u32 v13, v12;
	v12 =	vand.u32 $0x3FFE, v20  }
0x2f2: {  	v13 =	vor.u32 v24, v14;
	v14 =	vand.u32 $0x1, v25;
	v57 =	vand.u32 $0x1, v56  }
0x2f3: {  	[tilespmem:$0x80] =	vst v8;
	v6 =	vand.u32 $0x1, v6;
	v8 =	vshrl.u32 v63, $0xD;
	v9 =	vor.u32 v58, v9  }
0x2f4: {  	v12 =	vor.u32 v21, v12;
	v13 =	vor.u32 v14, v13;
	v14 =	vor.u32 v16, v15  }
0x2f5: {  	v15 =	vand.u32 $0x3FFE, v28;
	v16 =	vor.u32 v33, v17;
	v17 =	vand.u32 $0x1, v34  }
0x2f6: {  	v53 =	vld [tilespmem:$0x170];
	v58 =	vshll.u32 v48, $0x1;
	v3 =	vor.u32 v57, v3;
	v28 =	vshll.u32 v63, $0x1  }
0x2f7: {  	v8 =	vand.u32 $0x1, v8;
	v48 =	vshll.u32 v35, $0x1;
	v12 =	vor.u32 v22, v12  }
0x2f8: {  	[tilespmem:$0x50] =	vst v5;
	v15 =	vor.u32 v29, v15;
	v22 =	vand.u32 $0xFFFFC000, v27;
	v16 =	vor.u32 v17, v16  }
0x2f9: {  	v20 =	vld [tilespmem:$0x120];
	v5 =	vand.u32 $0x3FFE, v58;
	[tilespmem:$0x90] =	vst v9;
	v27 =	vand.u32 $0xFFFFC000, v59;
	v9 =	vand.u32 $0x3FFE, v28  }
0x2fa: {  	[tilespmem:$0x40] =	vst v4;
	v24 =	vld [tilespmem:$0x1A0];
	v15 =	vor.u32 v30, v15;
	v18 =	vor.u32 v22, v18;
	v4 =	vor.u32 v60, v5  }
0x2fb: {  	[tilespmem:$0x0] =	vst v0;
	v62 =	vshll.u32 v53, $0x1;
	v22 =	vshrl.u32 v53, $0xD;
	v5 =	vand.u32 $0x1, v61  }
0x2fc: {  	[tilespmem:$0x10] =	vst v2;
	v21 =	vld [tilespmem:$0x130];
	v30 =	vand.u32 $0xFFFFC000, v63;
	v37 =	vor.u32 v19, v18;
	v19 =	vand.u32 $0x3FFE, v47  }
0x2fd: {  	[tilespmem:$0x70] =	vst v7;
	v7 =	vand.u32 $0x3FFE, v62;
	v23 =	vand.u32 $0x1, v22;
	v4 =	vor.u32 v5, v4  }
0x2fe: {  	[tilespmem:$0x20] =	vst v1;
	v33 =	vld [tilespmem:$0x1C0];
	v38 =	vshll.u32 v20, $0x1;
	v39 =	vand.u32 $0xFFFFC000, v20;
	v20 =	vshrl.u32 v20, $0xD  }
0x2ff: {  	[tilespmem:$0xA0] =	vst v10;
	v1 =	vor.u32 v49, v19;
	v31 =	vshll.u32 v24, $0x1;
	v34 =	vand.u32 $0xFFFFC000, v24  }
0x300: {  	v29 =	vld [tilespmem:$0x1B0];
	v10 =	vshrl.u32 v24, $0xD;
	[tilespmem:$0x160] =	vst v4;
	v4 =	vand.u32 $0x3FFE, v48;
	v18 =	vand.u32 $0x3FFE, v38  }
0x301: {  	[tilespmem:$0xB0] =	vst v11;
	v40 =	vand.u32 $0x1, v20;
	v41 =	vshll.u32 v21, $0x1;
	v43 =	vand.u32 $0xFFFFC000, v21  }
0x302: {  	[tilespmem:$0xD0] =	vst v13;
	v46 =	vshrl.u32 v21, $0xD;
	v1 =	vor.u32 v52, v1;
	v21 =	vand.u32 $0xFFFFC000, v53  }
0x303: {  	[tilespmem:$0xE0] =	vst v14;
	v10 =	vand.u32 $0x1, v10;
	v47 =	vshrl.u32 v33, $0xD;
	v4 =	vor.u32 v50, v4  }
0x304: {  	[tilespmem:$0x150] =	vst v3;
	v18 =	vor.u32 v39, v18;
	v44 =	vand.u32 $0x3FFE, v41;
	v51 =	vand.u32 $0x1, v46  }
0x305: {  	[tilespmem:$0xC0] =	vst v12;
	v7 =	vor.u32 v21, v7;
	v38 =	vshll.u32 v29, $0x1;
	v39 =	vand.u32 $0xFFFFC000, v29  }
0x306: {  	[tilespmem:$0x100] =	vst v16;
	v3 =	vand.u32 $0x1, v47;
	v42 =	vor.u32 v40, v18;
	v45 =	vor.u32 v43, v44  }
0x307: {  	[tilespmem:$0xF0] =	vst v15;
	v49 =	vld [tilespmem:$0x1F0];
	v25 =	vor.u32 v23, v7;
	v7 =	vand.u32 $0x3FFE, v26;
	v40 =	vshrl.u32 v29, $0xD  }
0x308: {  	[tilespmem:$0x110] =	vst v37;
	v43 =	vshll.u32 v33, $0x1;
	v2 =	vor.u32 v51, v45;
	v7 =	vor.u32 v27, v7  }
0x309: {  	[tilespmem:$0x120] =	vst v42;
	v42 =	vand.u32 $0x1, v40;
	v45 =	vand.u32 $0xFFFFC000, v33;
	v46 =	vand.u32 $0x3FFE, v43  }
0x30a: {  	[tilespmem:$0x140] =	vst v1;
	v51 =	vshrl.u32 v35, $0xD;
	v6 =	vor.u32 v6, v7;
	v7 =	vor.u32 v30, v9  }
0x30b: {  	v44 =	vld [tilespmem:$0x1E0];
	v9 =	vand.u32 $0x3FFE, v31;
	[tilespmem:$0x130] =	vst v2;
	v2 =	vor.u32 v45, v46;
	v52 =	vand.u32 $0x1, v51  }
0x30c: {  	[tilespmem:$0x170] =	vst v25;
	v60 =	vshll.u32 v49, $0x1;
	v61 =	vand.u32 $0xFFFFC000, v49;
	v62 =	vshrl.u32 v49, $0xD  }
0x30d: {  	v9 =	vor.u32 v34, v9;
	v36 =	vor.u32 v8, v7;
	v8 =	vand.u32 $0x3FFE, v38;
	[tilespmem:$0x180] =	vst v6  }
0x30e: {  	v53 =	vor.u32 v3, v2;
	v54 =	vor.u32 v52, v4;
	v4 =	vand.u32 $0x3FFE, v60;
	[tilespmem:$0x190] =	vst v36  }
0x30f: {  	v63 =	vand.u32 $0x1, v62;
	v37 =	vor.u32 v10, v9;
	v41 =	vor.u32 v39, v8;
	[tilespmem:$0x1C0] =	vst v53  }
0x310: {  	[tilespmem:$0x1D0] =	vst v54;
	v0 =	vor.u32 v61, v4;
	v1 =	vor.u32 v42, v41;
	v55 =	vshll.u32 v44, $0x1  }
0x311: {  	[tilespmem:$0x1A0] =	vst v37;
	v56 =	vand.u32 $0xFFFFC000, v44;
	v57 =	vshrl.u32 v44, $0xD;
	v3 =	vand.u32 $0x3FFE, v55  }
0x312: {  	v0 =	vor.u32 v63, v0;
	[tilespmem:$0x1B0] =	vst v1;
	v59 =	vand.u32 $0x1, v57;
	v58 =	vor.u32 v56, v3  }
0x313: {  	[tilespmem:$0x1F0] =	vst v0;
	v1 =	vor.u32 v59, v58  }
0x314: {  	s22 =	simm.s32 $0x400;
	[tilespmem:$0x1E0] =	vst v1  }
0x315: {  	[tilespmem:s22], [sflag:$0x1] =	stream.indirect.gather [hbm4b:s6+s14], $0x40, s7, s14, $0xb8;
	[tilespmem:$0x1B000] =	vst v63  }
0x316: {  	s23 =	simm.s32 $0x2400  }
0x317: {  	[tilespmem:s23], [sflag:$0x1] =	stream.indirect.gather [hbm4b:s6+s14], $0x40, s14, s14, $0xb8;
	[tilespmem:$0x1B000] =	vst v63  }
0x318: {  	s24 =	simm.s32 $0x100;
	s25 =	simm.s32 $0x4400  }
0x319: {  	[tilespmem:s25], [sflag:$0x1] =	stream.indirect.gather [hbm4b:s6+s14], $0x40, s24, s14, $0xb8;
	[tilespmem:$0x1B000] =	vst v63  }
0x31a: {  	s26 =	simm.s32 $0x180  }
0x31b: {  	[tilespmem:s20], [sflag:$0x1] =	stream.indirect.gather [hbm4b:s6+s14], $0x40, s26, s14, $0xb8;
	[tilespmem:$0x1B000] =	vst v63  }
0x31c: {  	_ =	swait.ge [sflag:s2], $0x2000  }
0x31d: {  	[sflag:s2] =	ssyncset.done $0x0  }
0x31e: {  	[sflag:s2] =	ssyncadd.s32 $0xFFFFE000  }
0x31f: {  	_ =	swait.ge [sflag:s2], $0x2000  }
0x320: {  	[sflag:s2] =	ssyncset.done $0x0  }
0x321: {  	[sflag:s2] =	ssyncadd.s32 $0xFFFFE000  }
0x322: {  	_ =	swait.ge [sflag:s2], $0x2000  }
0x323: {  	[sflag:s2] =	ssyncset.done $0x0  }
0x324: {  	[sflag:s2] =	ssyncadd.s32 $0xFFFFE000  }
0x325: {  	_ =	swait.ge [sflag:s2], $0x2000  }
0x326: {  	[sflag:s2] =	ssyncset.done $0x0  }
0x327: {  	[sflag:s2] =	ssyncadd.s32 $0xFFFFE000  }
0x328: {  	_ =	swait.ge [sflag:s8], $0x8000  }
0x329: {  	s28 =	sshrl.u32 s12, $0x6;
	[sflag:s8] =	ssyncset.done $0x0  }
0x32a: {  	s29 =	sand.u32 $0x1C0, s28;
	[sflag:s8] =	ssyncadd.s32 $0xFFFF8000  }
0x32b: {  	v33 =	vld [tilespmem:s29+$0x1AE00]  }
0x32c: {  	v34 =	vld [tilespmem:s29+$0x1AE10]  }
0x32d: {  	v35 =	vld [tilespmem:s29+$0x1AE20]  }
0x32e: {  	s10 =	simm.s32 $0x85F0;
	s9 =	sshrl.u32 s12, $0xC;
	s22 =	simm.s32 $0x0;
	v36 =	vld [tilespmem:s29+$0x1AE30]  }
.LBB2_25:
0x32f: {  	v0 =	vmov s22  }
0x330: {  	v0 =	vmul.u32 $0x440, v0;
	_ =	sdelay $0x1  }
0x331: {  	v5 =	vbroadcast v0, $0x0;
	v0 =	vld [tilespmem:$0x1FE00];
	_ =	sdelay $0x4  }
0x332: {  	v50 =	vadd.s32 v0, v5;
	v0 =	vld [tilespmem:$0x1FE10];
	_ =	sdelay $0x4  }
0x333: {  	v42 =	vadd.s32 v0, v5;
	v0 =	vld [tilespmem:$0x1FE20];
	_ =	sdelay $0x4  }
0x334: {  	v41 =	vadd.s32 v0, v5;
	v0 =	vld [tilespmem:$0x1FE30];
	_ =	sdelay $0x4  }
0x335: {  	v52 =	vadd.s32 v0, v5;
	v0 =	vld [tilespmem:$0x1FE40];
	_ =	sdelay $0x4  }
0x336: {  	v53 =	vadd.s32 v0, v5;
	v0 =	vld [tilespmem:$0x1FE50];
	_ =	sdelay $0x4  }
0x337: {  	v37 =	vadd.s32 v0, v5;
	v0 =	vld [tilespmem:$0x1FE60];
	_ =	sdelay $0x4  }
0x338: {  	v55 =	vadd.s32 v0, v5;
	v0 =	vld [tilespmem:$0x1FE70];
	_ =	sdelay $0x4  }
0x339: {  	v56 =	vadd.s32 v0, v5;
	v0 =	vld [tilespmem:$0x1FE80];
	_ =	sdelay $0x4  }
0x33a: {  	v63 =	vadd.s32 v0, v5;
	v0 =	vld [tilespmem:$0x1FE90];
	_ =	sdelay $0x4  }
0x33b: {  	v43 =	vadd.s32 v0, v5;
	v0 =	vld [tilespmem:$0x1FEA0];
	_ =	sdelay $0x4  }
0x33c: {  	v0 =	vadd.s32 v0, v5  }
0x33d: {  	[tilespmem:$0x1FC70] =	vst v0;
	v0 =	vld [tilespmem:$0x1FEB0];
	_ =	sdelay $0x4  }
0x33e: {  	v58 =	vadd.s32 v0, v5;
	v0 =	vld [tilespmem:$0x1FEC0];
	_ =	sdelay $0x4  }
0x33f: {  	v61 =	vadd.s32 v0, v5;
	v0 =	vld [tilespmem:$0x1FED0];
	_ =	sdelay $0x4  }
0x340: {  	v59 =	vadd.s32 v0, v5;
	v0 =	vld [tilespmem:$0x1FEE0];
	_ =	sdelay $0x4  }
0x341: {  	v62 =	vadd.s32 v0, v5;
	v0 =	vld [tilespmem:$0x1FEF0];
	_ =	sdelay $0x4  }
0x342: {  	v38 =	vadd.s32 v0, v5;
	v0 =	vld [tilespmem:$0x1FF00];
	_ =	sdelay $0x4  }
0x343: {  	v0 =	vadd.s32 v0, v5  }
0x344: {  	[tilespmem:$0x1FB20] =	vst v0;
	v0 =	vld [tilespmem:$0x1FF10];
	_ =	sdelay $0x4  }
0x345: {  	v47 =	vadd.s32 v0, v5;
	v0 =	vld [tilespmem:$0x1FF20];
	_ =	sdelay $0x4  }
0x346: {  	v60 =	vadd.s32 v0, v5;
	v0 =	vld [tilespmem:$0x1FF30];
	_ =	sdelay $0x4  }
0x347: {  	v0 =	vadd.s32 v0, v5  }
0x348: {  	[tilespmem:$0x1FC40] =	vst v0;
	v0 =	vld [tilespmem:$0x1FF40];
	_ =	sdelay $0x4  }
0x349: {  	v40 =	vadd.s32 v0, v5;
	v0 =	vld [tilespmem:$0x1FF50];
	_ =	sdelay $0x4  }
0x34a: {  	v44 =	vadd.s32 v0, v5;
	v0 =	vld [tilespmem:$0x1FF60];
	_ =	sdelay $0x4  }
0x34b: {  	v46 =	vadd.s32 v0, v5;
	v0 =	vld [tilespmem:$0x1FF70];
	_ =	sdelay $0x2  }
0x34c: {  	v1 =	vld [tilespmem:$0x1FF90]  }
0x34d: {  	v3 =	vld [tilespmem:$0x1FFC0]  }
0x34e: {  	v45 =	vadd.s32 v0, v5;
	v0 =	vld [tilespmem:$0x1FF80]  }
0x34f: {  	v2 =	vld [tilespmem:$0x1FFB0]  }
0x350: {  	v4 =	vld [tilespmem:$0x1FFE0]  }
0x351: {  	v6 =	vld [tilespmem:$0x1FFF0]  }
0x352: {  	s16 =	simm.s32 $0x4;
	v49 =	vadd.s32 v1, v5;
	v1 =	vld [tilespmem:$0x1FFA0]  }
0x353: {  	s26 =	simm.s32 $0x2;
	v7 =	vmov s16;
	v54 =	vadd.s32 v0, v5;
	v0 =	vadd.s32 v3, v5;
	v3 =	vld [tilespmem:$0x1FFD0]  }
0x354: {  	s17 =	simm.s32 $0x1;
	v9 =	vmov s26;
	v7 =	vshrl.u32 v7, $0x3  }
0x355: {  	v8 =	vmov s17;
	v9 =	vshrl.u32 v9, $0x3;
	v7 =	vshll.u32 v7, v32  }
0x356: {  	v8 =	vshrl.u32 v8, $0x3;
	v9 =	vshll.u32 v9, v32;
	v11 =	vbroadcast v7, $0x0;
	[tilespmem:$0x1FC80] =	vst v38  }
0x357: {  	s15 =	simm.s32 $0x7;
	v57 =	vadd.s32 v2, v5;
	v48 =	vadd.s32 v4, v5;
	v4 =	vadd.s32 v6, v5;
	[tilespmem:$0x1FC60] =	vst v0  }
0x358: {  	v51 =	vadd.s32 v1, v5;
	v12 =	vld [tilespmem:s10+$0xFFFFFF10];
	v2 =	vadd.s32 v3, v5;
	v5 =	vmov s15  }
0x359: {  	v8 =	vshll.u32 v8, v32;
	v13 =	vld [tilespmem:s10+$0xFFFFFE90];
	v14 =	vshrl.u32 v5, $0x3;
	v5 =	vbroadcast v9, $0x0  }
0x35a: {  	s29 =	simm.s32 $0x3;
	v8 =	vbroadcast v8, $0x0;
	v18 =	vadd.s32 v53, v11;
	v9 =	vld [tilespmem:s10+$0xFFFFFE50]  }
0x35b: {  	v16 =	vmov s29;
	s16 =	simm.s32 $0x6;
	v19 =	vld [tilespmem:s10+$0xFFFFFE10];
	v20 =	vadd.s32 v41, v5  }
0x35c: {  	v16 =	vshrl.u32 v16, $0x3;
	v23 =	vmov s16;
	v15 =	vadd.s32 v42, v8  }
0x35d: {  	s28 =	simm.s32 $0x5;
	v16 =	vshll.u32 v16, v32;
	v23 =	vshrl.u32 v23, $0x3;
	v22 =	vld [tilespmem:s10+$0xFFFFFED0];
	v12 =	vadd.f32 v12, v33  }
0x35e: {  	v7 =	vmov s28;
	v17 =	vbroadcast v16, $0x0;
	v13 =	vadd.f32 v13, v33  }
0x35f: {  	v7 =	vshrl.u32 v7, $0x3;
	[tilespmem:v18+s0+$0x0] =	vst.idx.msk $0xffff, v12;
	v18 =	vshll.u32 v23, v32;
	v9 =	vadd.f32 v9, v33  }
0x360: {  	v7 =	vshll.u32 v7, v32;
	v16 =	vld [tilespmem:s10+$0xFFFFFF90];
	v25 =	vadd.f32 v19, v33;
	v19 =	vbroadcast v18, $0x0;
	[tilespmem:v20+s0+$0x0] =	vst.idx.msk $0xffff, v13  }
0x361: {  	v12 =	vadd.s32 v52, v17;
	v23 =	vbroadcast v7, $0x0;
	[tilespmem:v15+s0+$0x0] =	vst.idx.msk $0xffff, v9;
	v7 =	vld [tilespmem:s10+$0xFFFFFEA0]  }
0x362: {  	v14 =	vshll.u32 v14, v32;
	v18 =	vadd.f32 v22, v33;
	v26 =	vadd.s32 v55, v19;
	v22 =	vld [tilespmem:s10+$0xFFFFFE60]  }
0x363: {  	v21 =	vld [tilespmem:s10+$0xFFFFFFD0];
	v20 =	vbroadcast v14, $0x0;
	v14 =	vadd.s32 v62, v5  }
0x364: {  	v13 =	vld [tilespmem:s10+$0xFFFFFF20];
	v15 =	vadd.s32 v58, v8  }
0x365: {  	v24 =	vld [tilespmem:s10+$0xFFFFFF50];
	v16 =	vadd.f32 v16, v33  }
0x366: {  	v6 =	vmov s7;
	v27 =	vadd.s32 v40, v11;
	[tilespmem:v12+s0+$0x0] =	vst.idx.msk $0xffff, v18;
	v7 =	vadd.f32 v7, v34  }
0x367: {  	s23 =	sadd.s32 $0x200, s10;
	v6 =	vshrl.u32 v6, $0x3;
	v31 =	vadd.s32 v37, v23;
	v18 =	vld [tilespmem:s10+$0xFFFFFEE0];
	[tilespmem:v26+s0+$0x0] =	vst.idx.msk $0xffff, v16;
	v22 =	vadd.f32 v22, v34  }
0x368: {  	v6 =	vshll.u32 v6, v32;
	v1 =	vld [tilespmem:s23+$0xFFFFFF90];
	v12 =	vadd.s32 v56, v20;
	[tilespmem:v14+s0+$0x0] =	vst.idx.msk $0xffff, v7  }
0x369: {  	v13 =	vadd.f32 v13, v34;
	v7 =	vadd.s32 v47, v17;
	[tilespmem:v15+s0+$0x0] =	vst.idx.msk $0xffff, v22;
	v15 =	vld [tilespmem:s10+$0xFFFFFFA0]  }
0x36a: {  	s19 =	simm.s32 $0xA;
	v9 =	vadd.f32 v21, v33;
	v21 =	vbroadcast v6, $0x0;
	v6 =	vadd.f32 v24, v33;
	v16 =	vld [tilespmem:s10+$0xFFFFFEB0]  }
0x36b: {  	s18 =	simm.s32 $0x9;
	v39 =	vmov s19;
	v10 =	vadd.s32 v59, v8;
	v30 =	vadd.s32 v51, v19;
	[tilespmem:v27+s0+$0x0] =	vst.idx.msk $0xffff, v13;
	v13 =	vld [tilespmem:s23+$0xFFFFFE50]  }
0x36c: {  	s17 =	simm.s32 $0xC;
	[tilespmem:v31+s0+$0x0] =	vst.idx.msk $0xffff, v6;
	v18 =	vadd.f32 v18, v34;
	v27 =	vmov s18;
	v22 =	vadd.s32 v38, v5;
	v38 =	vld [tilespmem:s10+$0xFFFFFE70]  }
0x36d: {  	v3 =	vmovc v37;
	v37 =	vmov s17;
	[tilespmem:v12+s0+$0x0] =	vst.idx.msk $0xffff, v9;
	v6 =	vshrl.u32 v27, $0x3;
	v27 =	vshrl.u32 v39, $0x3;
	v39 =	vld [tilespmem:s23+$0xFFFFFF10]  }
0x36e: {  	v37 =	vshrl.u32 v37, $0x3;
	v8 =	vadd.s32 v61, v8;
	[tilespmem:v7+s0+$0x0] =	vst.idx.msk $0xffff, v18;
	v12 =	vadd.f32 v15, v34;
	v15 =	vld [tilespmem:s10+$0xFFFFFFE0]  }
0x36f: {  	v31 =	vshll.u32 v37, v32;
	v18 =	vld [tilespmem:s23+$0xFFFFFE90];
	v16 =	vadd.f32 v16, v35;
	[tilespmem:$0x1FB30] =	vst v53  }
0x370: {  	v29 =	vadd.s32 v50, v21;
	v37 =	vshll.u32 v6, v32;
	v6 =	vbroadcast v31, $0x0;
	[tilespmem:v30+s0+$0x0] =	vst.idx.msk $0xffff, v12  }
0x371: {  	v9 =	vshll.u32 v27, v32;
	v31 =	vld [tilespmem:s10+$0xFFFFFF60];
	[tilespmem:v22+s0+$0x0] =	vst.idx.msk $0xffff, v16;
	v16 =	vadd.f32 v38, v35  }
0x372: {  	v7 =	vbroadcast v9, $0x0;
	v9 =	vadd.s32 v53, v6;
	v30 =	vld [tilespmem:s23+$0xFFFFFE10];
	[tilespmem:$0x1FB40] =	vst v41  }
0x373: {  	[tilespmem:v8+s0+$0x0] =	vst.idx.msk $0xffff, v16  }
0x374: {  	v14 =	vadd.s32 v2, v20;
	[tilespmem:$0x1FB50] =	vst v42  }
0x375: {  	v37 =	vbroadcast v37, $0x0;
	v39 =	vadd.f32 v39, v33;
	v38 =	vadd.s32 v41, v7;
	[tilespmem:v29+s0+$0x0] =	vst.idx.msk $0xffff, v25  }
0x376: {  	v53 =	vld [tilespmem:s10+$0xFFFFFF30];
	[tilespmem:$0x1FB60] =	vst v43  }
0x377: {  	s24 =	simm.s32 $0xB;
	v16 =	vadd.s32 v42, v37;
	v15 =	vadd.f32 v15, v34;
	[tilespmem:v9+s0+$0x0] =	vst.idx.msk $0xffff, v39  }
0x378: {  	v41 =	vmov s24;
	v29 =	vld [tilespmem:s10+$0xFFFFFE20];
	v9 =	vadd.f32 v18, v33;
	[tilespmem:$0x1FB70] =	vst v44  }
0x379: {  	v28 =	vadd.s32 v45, v23;
	v8 =	vshrl.u32 v41, $0x3;
	[tilespmem:v14+s0+$0x0] =	vst.idx.msk $0xffff, v15  }
0x37a: {  	v13 =	vadd.f32 v13, v33;
	v8 =	vshll.u32 v8, v32;
	v41 =	vld [tilespmem:s23+$0xFFFFFED0];
	[tilespmem:v38+s0+$0x0] =	vst.idx.msk $0xffff, v9  }
0x37b: {  	v24 =	vadd.s32 v60, v17;
	v8 =	vbroadcast v8, $0x0;
	v39 =	vadd.s32 v44, v11;
	v18 =	vld [tilespmem:s10+$0xFFFFFE80];
	[tilespmem:$0x1FB80] =	vst v52  }
0x37c: {  	s26 =	simm.s32 $0xF;
	v26 =	vadd.s32 v63, v21;
	v25 =	vadd.s32 v43, v21;
	[tilespmem:v16+s0+$0x0] =	vst.idx.msk $0xffff, v13  }
0x37d: {  	s25 =	simm.s32 $0x8;
	v31 =	vadd.f32 v31, v34;
	v43 =	vadd.s32 v52, v8;
	v15 =	vmov s26;
	v52 =	vld [tilespmem:s10+$0xFFFFFFF0];
	[tilespmem:$0x1FB90] =	vst v59  }
0x37e: {  	v14 =	vmov s25;
	v13 =	vshrl.u32 v15, $0x3;
	v15 =	vadd.f32 v53, v35;
	v53 =	vld [tilespmem:s10+$0xFFFFFEF0]  }
0x37f: {  	v27 =	vadd.s32 v48, v20;
	v14 =	vshrl.u32 v14, $0x3;
	v16 =	vadd.f32 v29, v34;
	[tilespmem:v28+s0+$0x0] =	vst.idx.msk $0xffff, v31;
	v28 =	vld [tilespmem:s10+$0xFFFFFFB0]  }
0x380: {  	v29 =	vshll.u32 v14, v32;
	[tilespmem:v39+s0+$0x0] =	vst.idx.msk $0xffff, v15;
	v14 =	vld [tilespmem:s23+$0xFFFFFFD0];
	v15 =	vadd.f32 v41, v33  }
0x381: {  	s29 =	simm.s32 $0xE;
	s28 =	simm.s32 $0xD;
	v9 =	vadd.s32 v59, v37;
	v59 =	vld [tilespmem:s23+$0xFFFFFF20];
	[tilespmem:v26+s0+$0x0] =	vst.idx.msk $0xffff, v16;
	v18 =	vadd.f32 v18, v36  }
0x382: {  	v38 =	vmov s28;
	v31 =	vmov s29;
	v16 =	vadd.f32 v30, v33;
	v30 =	vld [tilespmem:s10+$0xFFFFFF70];
	[tilespmem:v43+s0+$0x0] =	vst.idx.msk $0xffff, v15  }
0x383: {  	v26 =	vshrl.u32 v31, $0x3;
	v31 =	vshrl.u32 v38, $0x3;
	v38 =	vld [tilespmem:s10+$0xFFFFFF40];
	v15 =	vadd.f32 v52, v35;
	[tilespmem:v10+s0+$0x0] =	vst.idx.msk $0xffff, v18  }
0x384: {  	v12 =	vadd.s32 v57, v19;
	v52 =	vadd.f32 v53, v35;
	v53 =	vld [tilespmem:s23+$0xFFFFFF50];
	[tilespmem:$0x1FBA0] =	vst v46  }
0x385: {  	[tilespmem:v27+s0+$0x0] =	vst.idx.msk $0xffff, v15  }
0x386: {  	v22 =	vadd.s32 v54, v23;
	v26 =	vshll.u32 v26, v32;
	[tilespmem:$0x1FBB0] =	vst v40  }
0x387: {  	v31 =	vshll.u32 v31, v32;
	v28 =	vadd.f32 v28, v35;
	[tilespmem:v24+s0+$0x0] =	vst.idx.msk $0xffff, v52  }
0x388: {  	v10 =	vbroadcast v26, $0x0;
	v26 =	vadd.s32 v46, v11;
	v11 =	vbroadcast v31, $0x0;
	v31 =	vld [tilespmem:s10+$0xFFFFFE30];
	[tilespmem:$0x1FBC0] =	vst v58  }
0x389: {  	v24 =	vadd.s32 v58, v37;
	v58 =	vld [tilespmem:s23+$0xFFFFFE60];
	[tilespmem:v12+s0+$0x0] =	vst.idx.msk $0xffff, v28  }
0x38a: {  	v18 =	vadd.f32 v14, v33;
	v14 =	vadd.f32 v30, v35;
	v28 =	vld [tilespmem:s10+$0xFFFFFEC0];
	[tilespmem:$0x1FBD0] =	vst v55  }
0x38b: {  	[tilespmem:$0x1FBE0] =	vst v45  }
0x38c: {  	v27 =	vadd.s32 v40, v6;
	[tilespmem:v22+s0+$0x0] =	vst.idx.msk $0xffff, v14  }
0x38d: {  	v12 =	vadd.f32 v38, v36;
	[tilespmem:$0x1FBF0] =	vst v56  }
0x38e: {  	[tilespmem:$0x1FC00] =	vst v60  }
0x38f: {  	v39 =	vadd.f32 v59, v34;
	[tilespmem:v26+s0+$0x0] =	vst.idx.msk $0xffff, v12  }
0x390: {  	[tilespmem:$0x1FC10] =	vst v62  }
0x391: {  	v26 =	vadd.f32 v31, v35;
	v59 =	vld [tilespmem:s23+$0xFFFFFEA0];
	[tilespmem:v27+s0+$0x0] =	vst.idx.msk $0xffff, v39  }
0x392: {  	v14 =	vadd.s32 v60, v8;
	v60 =	vld [tilespmem:s23+$0xFFFFFEE0];
	[tilespmem:$0x1FC20] =	vst v49  }
0x393: {  	[tilespmem:v25+s0+$0x0] =	vst.idx.msk $0xffff, v26  }
0x394: {  	v44 =	vadd.f32 v1, v33;
	v1 =	vld [tilespmem:$0x1FC40];
	_ =	sdelay $0x1  }
0x395: {  	v31 =	vadd.f32 v58, v34  }
0x396: {  	v42 =	vadd.s32 v62, v7;
	v62 =	vld [tilespmem:s10+$0x0];
	[tilespmem:$0x1FC30] =	vst v50  }
0x397: {  	v15 =	vadd.s32 v45, v11;
	[tilespmem:v24+s0+$0x0] =	vst.idx.msk $0xffff, v31;
	v31 =	vadd.s32 v47, v8  }
0x398: {  	[tilespmem:$0x1FC50] =	vst v4;
	v45 =	vadd.s32 v1, v17;
	v1 =	vmov v47;
	v47 =	vadd.s32 v4, v20;
	v4 =	vld [tilespmem:$0x1FC60]  }
0x399: {  	v13 =	vshll.u32 v13, v32  }
0x39a: {  	v13 =	vbroadcast v13, $0x0  }
0x39b: {  	v30 =	vadd.s32 v55, v10;
	v52 =	vadd.s32 v3, v11  }
0x39c: {  	v38 =	vadd.f32 v53, v33;
	v25 =	vadd.s32 v2, v13;
	v43 =	vadd.f32 v60, v34;
	v60 =	vmovc v2;
	v2 =	vld [tilespmem:$0x1FC80]  }
0x39d: {  	v22 =	vadd.s32 v56, v13;
	v12 =	vbroadcast v29, $0x0;
	v46 =	vadd.s32 v4, v19;
	v4 =	vld [tilespmem:$0x1FC70]  }
0x39e: {  	v29 =	vadd.f32 v28, v36;
	v28 =	vadd.s32 v61, v37;
	v27 =	vadd.s32 v49, v23  }
0x39f: {  	v0 =	vmovc v51;
	v23 =	vadd.s32 v50, v12;
	v26 =	vadd.s32 v51, v10;
	v50 =	vadd.f32 v59, v34;
	v51 =	vld [tilespmem:s10+$0xFFFFFF00]  }
0x3a0: {  	v59 =	vmovc v61;
	v49 =	vld [tilespmem:s10+$0xFFFFFFC0];
	v53 =	vadd.f32 v62, v36;
	v17 =	vadd.s32 v54, v11;
	v20 =	vadd.s32 v48, v13  }
0x3a1: {  	v61 =	vmovc v63;
	v37 =	vld [tilespmem:s10+$0xFFFFFF80];
	v62 =	vmovc v2;
	v39 =	vadd.s32 v2, v7;
	v2 =	vmov v57;
	v19 =	vadd.s32 v57, v10  }
0x3a2: {  	s24 =	simm.s32 $0x10;
	s25 =	sadd.s32 $0x200, s23;
	v41 =	vadd.s32 v4, v21;
	v21 =	vadd.s32 v63, v12;
	v63 =	vmovc v3;
	v4 =	vmovc v54;
	v3 =	vmov v48;
	v48 =	vld [tilespmem:s10+$0xFFFFFE40]  }
.LBB2_26:
0x3a3: {  	v54 =	vld [tilespmem:s25+$0xFFFFFE50]  }
0x3a4: {  	v24 =	vld [tilespmem:$0x1FB60]  }
0x3a5: {  	v40 =	vld [tilespmem:$0x1FB70];
	[tilespmem:v30+s0+$0x0] =	vst.idx.msk $0xffff, v44  }
0x3a6: {  	s16 =	smov.u32 s24;
	v57 =	vld [tilespmem:$0x1FB20];
	[tilespmem:v42+s0+$0x0] =	vst.idx.msk $0xffff, v50  }
0x3a7: {  	s19 =	sadd.s32 $0x2, s16;
	[tilespmem:v47+s0+$0x0] =	vst.idx.msk $0xffff, v53;
	v56 =	vld [tilespmem:s23+$0xFFFFFEB0];
	v42 =	vadd.f32 v51, v36  }
0x3a8: {  	s15 =	sadd.s32 $0x7, s24;
	[tilespmem:v52+s0+$0x0] =	vst.idx.msk $0xffff, v38;
	v47 =	vmov s19;
	v52 =	vld [tilespmem:s23+$0xFFFFFFA0];
	v48 =	vadd.f32 v48, v36  }
0x3a9: {  	v55 =	vmov s15;
	v47 =	vshrl.u32 v47, $0x3;
	v58 =	vadd.f32 v49, v36;
	v49 =	vld [tilespmem:s23+$0xFFFFFF60];
	[tilespmem:v45+s0+$0x0] =	vst.idx.msk $0xffff, v42  }
0x3aa: {  	v45 =	vshll.u32 v47, v32;
	v47 =	vshrl.u32 v55, $0x3;
	v55 =	vld [tilespmem:$0x1FB90];
	[tilespmem:v41+s0+$0x0] =	vst.idx.msk $0xffff, v48  }
0x3ab: {  	s29 =	sadd.s32 $0x1, s16;
	v57 =	vadd.s32 v57, v5;
	v42 =	vadd.f32 v37, v36;
	v41 =	vld [tilespmem:s25+$0xFFFFFE10]  }
0x3ac: {  	v5 =	vmov v7;
	v7 =	vmov s29;
	[tilespmem:v23+s0+$0x0] =	vst.idx.msk $0xffff, v16;
	v16 =	vld [tilespmem:$0x1FBC0]  }
0x3ad: {  	v7 =	vshrl.u32 v7, $0x3;
	[tilespmem:v27+s0+$0x0] =	vst.idx.msk $0xffff, v42;
	v42 =	vadd.f32 v56, v35;
	v56 =	vld [tilespmem:$0x1FB40]  }
0x3ae: {  	v30 =	vmov s16;
	s17 =	sadd.s32 $0x4, s16;
	v44 =	vld [tilespmem:s25+$0xFFFFFF90];
	v7 =	vshll.u32 v7, v32  }
0x3af: {  	v50 =	vmov s17;
	v53 =	vld [tilespmem:s25+$0xFFFFFE90];
	v30 =	vshrl.u32 v30, $0x3;
	[tilespmem:v46+s0+$0x0] =	vst.idx.msk $0xffff, v58;
	v37 =	vbroadcast v7, $0x0  }
0x3b0: {  	s18 =	sadd.s32 $0x5, s16;
	s26 =	sadd.s32 $0x6, s16;
	s16 =	sadd.s32 $0x3, s16;
	v58 =	vshrl.u32 v50, $0x3;
	v46 =	vld [tilespmem:s23+$0xFFFFFE70];
	v52 =	vadd.f32 v52, v34;
	v7 =	vbroadcast v45, $0x0;
	[tilespmem:v57+s0+$0x0] =	vst.idx.msk $0xffff, v29  }
0x3b1: {  	v50 =	vld [tilespmem:s25+$0xFFFFFF10];
	v57 =	vmov s26;
	v45 =	vadd.s32 v55, v37;
	v55 =	vmov s16;
	[tilespmem:v39+s0+$0x0] =	vst.idx.msk $0xffff, v42  }
0x3b2: {  	v39 =	vadd.f32 v54, v33;
	v54 =	vadd.s32 v16, v37;
	v16 =	vld [tilespmem:$0x1FBD0];
	v48 =	vadd.s32 v56, v7  }
0x3b3: {  	v56 =	vshll.u32 v30, v32;
	v30 =	vshrl.u32 v55, $0x3;
	v55 =	vld [tilespmem:s25+$0xFFFFFFD0];
	[tilespmem:v22+s0+$0x0] =	vst.idx.msk $0xffff, v18;
	v22 =	vshrl.u32 v57, $0x3  }
0x3b4: {  	[tilespmem:v31+s0+$0x0] =	vst.idx.msk $0xffff, v43;
	v31 =	vld [tilespmem:$0x1FB30];
	v22 =	vshll.u32 v22, v32  }
0x3b5: {  	v43 =	vshll.u32 v47, v32;
	v47 =	vld [tilespmem:s23+$0xFFFFFF30];
	[tilespmem:v26+s0+$0x0] =	vst.idx.msk $0xffff, v52;
	v52 =	vbroadcast v22, $0x0  }
0x3b6: {  	v27 =	vshll.u32 v58, v32;
	v58 =	vadd.f32 v53, v33;
	v53 =	vld [tilespmem:s23+$0xFFFFFE20]  }
0x3b7: {  	v22 =	vshll.u32 v30, v32;
	v30 =	vadd.s32 v16, v52;
	v16 =	vld [tilespmem:$0x1FBB0]  }
0x3b8: {  	v27 =	vbroadcast v27, $0x0;
	v29 =	vld [tilespmem:$0x1FB50];
	v46 =	vadd.f32 v46, v35  }
0x3b9: {  	v38 =	vld [tilespmem:s25+$0xFFFFFF50]  }
0x3ba: {  	v31 =	vadd.s32 v31, v27;
	[tilespmem:v28+s0+$0x0] =	vst.idx.msk $0xffff, v46;
	v28 =	vld [tilespmem:s23+$0xFFFFFEC0]  }
0x3bb: {  	v26 =	vld [tilespmem:s23+$0xFFFFFFE0]  }
0x3bc: {  	v51 =	vmov s18;
	[tilespmem:v48+s0+$0x0] =	vst.idx.msk $0xffff, v58;
	v48 =	vadd.s32 v16, v27;
	v16 =	vld [tilespmem:$0x1FBE0]  }
0x3bd: {  	v51 =	vshrl.u32 v51, $0x3;
	v42 =	vld [tilespmem:s25+$0xFFFFFED0];
	v18 =	vadd.f32 v50, v33;
	v29 =	vadd.s32 v29, v37  }
0x3be: {  	v57 =	vshll.u32 v51, v32;
	v51 =	vld [tilespmem:s23+$0xFFFFFE80]  }
0x3bf: {  	v41 =	vadd.f32 v41, v33;
	v23 =	vbroadcast v57, $0x0;
	[tilespmem:v31+s0+$0x0] =	vst.idx.msk $0xffff, v18;
	v31 =	vld [tilespmem:s23+$0xFFFFFFB0]  }
0x3c0: {  	v40 =	vadd.s32 v40, v6;
	v46 =	vld [tilespmem:s25+$0xFFFFFF20]  }
0x3c1: {  	v26 =	vadd.f32 v26, v34;
	v50 =	vadd.s32 v16, v23;
	v16 =	vmovc v41;
	v41 =	vbroadcast v22, $0x0;
	v22 =	vld [tilespmem:$0x1FBA0]  }
0x3c2: {  	v49 =	vadd.f32 v49, v34;
	v18 =	vadd.f32 v55, v33;
	v55 =	vld [tilespmem:s23+$0xFFFFFEF0];
	[tilespmem:v29+s0+$0x0] =	vst.idx.msk $0xffff, v39  }
0x3c3: {  	v29 =	vadd.f32 v47, v35;
	[tilespmem:v25+s0+$0x0] =	vst.idx.msk $0xffff, v26;
	v25 =	vld [tilespmem:$0x1FB80]  }
0x3c4: {  	[tilespmem:v15+s0+$0x0] =	vst.idx.msk $0xffff, v49;
	v26 =	vld [tilespmem:$0x1FC00]  }
0x3c5: {  	[tilespmem:v40+s0+$0x0] =	vst.idx.msk $0xffff, v29;
	v40 =	vld [tilespmem:s23+$0xFFFFFF70]  }
0x3c6: {  	v29 =	vadd.f32 v53, v34;
	v57 =	vadd.s32 v22, v6;
	v6 =	vld [tilespmem:$0x1FBF0]  }
0x3c7: {  	v58 =	vld [tilespmem:s25+$0xFFFFFE60]  }
0x3c8: {  	v49 =	vld [tilespmem:s23+$0xFFFFFF40];
	[tilespmem:v21+s0+$0x0] =	vst.idx.msk $0xffff, v29  }
0x3c9: {  	v43 =	vbroadcast v43, $0x0;
	v29 =	vadd.f32 v28, v36;
	v28 =	vld [tilespmem:s23+$0xFFFFFE30]  }
0x3ca: {  	v25 =	vadd.s32 v25, v41;
	v47 =	vadd.s32 v26, v41;
	v26 =	vld [tilespmem:s23+$0xFFFFFFF0]  }
0x3cb: {  	v40 =	vadd.f32 v40, v35;
	v22 =	vadd.s32 v6, v43;
	v6 =	vmov v27;
	v27 =	vld [tilespmem:$0x1FC10]  }
0x3cc: {  	v21 =	vadd.f32 v31, v35;
	v15 =	vmov v50;
	v50 =	vld [tilespmem:s25+$0xFFFFFEA0]  }
0x3cd: {  	v39 =	vadd.f32 v42, v33;
	[tilespmem:v17+s0+$0x0] =	vst.idx.msk $0xffff, v40;
	v17 =	vld [tilespmem:$0x1FC60]  }
0x3ce: {  	v24 =	vadd.s32 v24, v12;
	v53 =	vadd.f32 v46, v34;
	[tilespmem:v19+s0+$0x0] =	vst.idx.msk $0xffff, v21;
	v19 =	vld [tilespmem:$0x1FC50]  }
0x3cf: {  	v46 =	vadd.f32 v51, v36;
	[tilespmem:v25+s0+$0x0] =	vst.idx.msk $0xffff, v39;
	v39 =	vadd.f32 v58, v34;
	v58 =	vld [tilespmem:$0x1FC40]  }
0x3d0: {  	v44 =	vadd.f32 v44, v33;
	v31 =	vadd.f32 v26, v35;
	v42 =	vadd.s32 v27, v7;
	v27 =	vld [tilespmem:$0x1FC20]  }
0x3d1: {  	v56 =	vbroadcast v56, $0x0;
	v38 =	vadd.f32 v38, v33;
	[tilespmem:v9+s0+$0x0] =	vst.idx.msk $0xffff, v46;
	v25 =	vadd.f32 v55, v35  }
0x3d2: {  	v9 =	vmov v45;
	v50 =	vadd.f32 v50, v34;
	v46 =	vadd.s32 v17, v10;
	v17 =	vld [tilespmem:$0x1FC70];
	[tilespmem:v20+s0+$0x0] =	vst.idx.msk $0xffff, v31  }
0x3d3: {  	v26 =	vadd.s32 v0, v52;
	v55 =	vld [tilespmem:s25+$0xFFFFFEE0];
	[tilespmem:v14+s0+$0x0] =	vst.idx.msk $0xffff, v25;
	v20 =	vadd.f32 v49, v36;
	v14 =	vmov v47  }
0x3d4: {  	v47 =	vadd.s32 v19, v13;
	v13 =	vmovc v43;
	v19 =	vadd.f32 v28, v35;
	v45 =	vadd.s32 v58, v8;
	v58 =	vld [tilespmem:s23+$0x0]  }
0x3d5: {  	p0 =	slt.u32 s24, $0x78;
	v28 =	vadd.s32 v59, v37;
	[tilespmem:v54+s0+$0x0] =	vst.idx.msk $0xffff, v39;
	v27 =	vadd.s32 v27, v11;
	v11 =	vmov v23;
	v23 =	vld [tilespmem:$0x1FC30]  }
.Ltmp11:
0x3d6: {  	v10 =	vmov v52;
	v39 =	vadd.s32 v62, v7;
	v25 =	vadd.s32 v60, v13;
	[tilespmem:v57+s0+$0x0] =	vst.idx.msk $0xffff, v20;
	(pc) =	sbr.rel @p0 .LBB2_26-.Ltmp11, $4  }
0x3d7: {  	v49 =	vld [tilespmem:s23+$0xFFFFFFC0];
	v20 =	vadd.s32 v3, v13;
	[tilespmem:v24+s0+$0x0] =	vst.idx.msk $0xffff, v19;
	v19 =	vadd.s32 v2, v10;
	v8 =	vmov v41  }
0x3d8: {  	v37 =	vld [tilespmem:s23+$0xFFFFFF80];
	v41 =	vadd.s32 v17, v12;
	v12 =	vmov v56;
	[tilespmem:v48+s0+$0x0] =	vst.idx.msk $0xffff, v53;
	v31 =	vadd.s32 v1, v8  }
0x3d9: {  	v51 =	vld [tilespmem:s23+$0xFFFFFF00];
	v43 =	vadd.f32 v55, v34;
	v21 =	vadd.s32 v61, v12;
	v53 =	vadd.f32 v58, v36  }
0x3da: {  	s24 =	sadd.s32 $0x8, s24;
	v48 =	vld [tilespmem:s23+$0xFFFFFE40];
	s23 =	smov.u32 s25;
	s25 =	sadd.s32 $0x200, s25;
	v52 =	vadd.s32 v63, v11;
	v17 =	vadd.s32 v4, v11;
	v23 =	vadd.s32 v23, v56  }
0x3db: {  	_ =	sdelay $0x3  }
0x3dc: {  	[tilespmem:v30+s0+$0x0] =	vst.idx.msk $0xffff, v44  }
0x3dd: {  	[tilespmem:v42+s0+$0x0] =	vst.idx.msk $0xffff, v50  }
0x3de: {  	[tilespmem:v22+s0+$0x0] =	vst.idx.msk $0xffff, v18  }
0x3df: {  	[tilespmem:v47+s0+$0x0] =	vst.idx.msk $0xffff, v53  }
0x3e0: {  	v24 =	vld [tilespmem:$0x1FB20];
	_ =	sdelay $0x1  }
0x3e1: {  	v22 =	vld [tilespmem:s23+$0xFFFFFFE0]  }
0x3e2: {  	[tilespmem:v52+s0+$0x0] =	vst.idx.msk $0xffff, v38  }
0x3e3: {  	v3 =	vadd.f32 v49, v36;
	[tilespmem:v23+s0+$0x0] =	vst.idx.msk $0xffff, v16  }
0x3e4: {  	[tilespmem:v31+s0+$0x0] =	vst.idx.msk $0xffff, v43;
	v53 =	vadd.f32 v37, v36;
	v50 =	vadd.s32 v24, v5  }
0x3e5: {  	v4 =	vadd.f32 v51, v36;
	[tilespmem:v46+s0+$0x0] =	vst.idx.msk $0xffff, v3  }
0x3e6: {  	[tilespmem:v27+s0+$0x0] =	vst.idx.msk $0xffff, v53;
	v55 =	vadd.f32 v22, v34  }
0x3e7: {  	[tilespmem:v45+s0+$0x0] =	vst.idx.msk $0xffff, v4  }
0x3e8: {  	v51 =	vld [tilespmem:s23+$0xFFFFFFA0];
	[tilespmem:v25+s0+$0x0] =	vst.idx.msk $0xffff, v55  }
0x3e9: {  	v52 =	vld [tilespmem:s23+$0xFFFFFF60];
	[tilespmem:v50+s0+$0x0] =	vst.idx.msk $0xffff, v29  }
0x3ea: {  	v2 =	vld [tilespmem:$0x1FB70]  }
0x3eb: {  	v56 =	vld [tilespmem:s23+$0xFFFFFE70]  }
0x3ec: {  	v54 =	vld [tilespmem:s23+$0xFFFFFE20]  }
0x3ed: {  	v57 =	vld [tilespmem:s23+$0xFFFFFF30];
	v58 =	vadd.f32 v51, v34  }
0x3ee: {  	v59 =	vadd.f32 v52, v34;
	v60 =	vld [tilespmem:s23+$0xFFFFFFF0]  }
0x3ef: {  	v63 =	vld [tilespmem:s23+$0xFFFFFEF0];
	v62 =	vadd.f32 v48, v36;
	[tilespmem:v26+s0+$0x0] =	vst.idx.msk $0xffff, v58;
	v61 =	vadd.s32 v2, v6  }
0x3f0: {  	v30 =	vadd.f32 v56, v35;
	[tilespmem:v15+s0+$0x0] =	vst.idx.msk $0xffff, v59  }
0x3f1: {  	v29 =	vadd.f32 v54, v34;
	[tilespmem:v41+s0+$0x0] =	vst.idx.msk $0xffff, v62  }
0x3f2: {  	v38 =	vadd.f32 v57, v35;
	[tilespmem:v28+s0+$0x0] =	vst.idx.msk $0xffff, v30  }
0x3f3: {  	v22 =	vld [tilespmem:s23+$0xFFFFFFB0];
	[tilespmem:v21+s0+$0x0] =	vst.idx.msk $0xffff, v29;
	v40 =	vadd.f32 v60, v35  }
0x3f4: {  	v42 =	vadd.f32 v63, v35;
	v31 =	vld [tilespmem:s23+$0xFFFFFF70];
	[tilespmem:v61+s0+$0x0] =	vst.idx.msk $0xffff, v38  }
0x3f5: {  	v2 =	vld [tilespmem:$0x1FB60];
	[tilespmem:v20+s0+$0x0] =	vst.idx.msk $0xffff, v40  }
0x3f6: {  	v37 =	vld [tilespmem:s23+$0xFFFFFEB0];
	[tilespmem:v14+s0+$0x0] =	vst.idx.msk $0xffff, v42  }
0x3f7: {  	v0 =	vld [tilespmem:$0x1FBA0]  }
0x3f8: {  	v25 =	vld [tilespmem:s23+$0xFFFFFE30]  }
0x3f9: {  	v41 =	vld [tilespmem:s23+$0xFFFFFE80];
	v43 =	vadd.f32 v22, v35  }
0x3fa: {  	v44 =	vadd.f32 v31, v35;
	v16 =	vld [tilespmem:s23+$0xFFFFFF40];
	v2 =	vadd.s32 v2, v12  }
0x3fb: {  	v45 =	vadd.f32 v37, v35;
	v20 =	vld [tilespmem:s23+$0x0];
	[tilespmem:v19+s0+$0x0] =	vst.idx.msk $0xffff, v43  }
0x3fc: {  	v47 =	vld [tilespmem:$0x1FC50];
	[tilespmem:v17+s0+$0x0] =	vst.idx.msk $0xffff, v44;
	v46 =	vadd.s32 v0, v6  }
0x3fd: {  	v1 =	vadd.f32 v25, v35;
	v14 =	vld [tilespmem:s23+$0xFFFFFF00];
	[tilespmem:v39+s0+$0x0] =	vst.idx.msk $0xffff, v45  }
0x3fe: {  	v4 =	vadd.f32 v41, v36;
	v49 =	vld [tilespmem:$0x1FC40]  }
0x3ff: {  	v53 =	vld [tilespmem:$0x1FC60];
	v16 =	vadd.f32 v16, v36;
	[tilespmem:v2+s0+$0x0] =	vst.idx.msk $0xffff, v1  }
0x400: {  	v54 =	vld [tilespmem:$0x1FC20];
	[tilespmem:v9+s0+$0x0] =	vst.idx.msk $0xffff, v4  }
0x401: {  	v52 =	vld [tilespmem:s23+$0xFFFFFEC0];
	[tilespmem:v46+s0+$0x0] =	vst.idx.msk $0xffff, v16  }
0x402: {  	v13 =	vadd.s32 v47, v13;
	v59 =	vld [tilespmem:$0x1FC70]  }
0x403: {  	v58 =	vadd.s32 v24, v7;
	v48 =	vld [tilespmem:s23+$0xFFFFFFC0]  }
0x404: {  	v51 =	vld [tilespmem:s23+$0xFFFFFF80];
	v50 =	vadd.s32 v49, v8  }
0x405: {  	v56 =	vadd.f32 v20, v36;
	v10 =	vadd.s32 v53, v10;
	v2 =	vld [tilespmem:s23+$0xFFFFFE40]  }
0x406: {  	s22 =	sadd.s32 $0x1, s22;
	v62 =	vadd.f32 v52, v36;
	v55 =	vadd.s32 v54, v11  }
0x407: {  	p0 =	sne.s32 s22, $0x4;
	v57 =	vadd.f32 v14, v36;
	[tilespmem:v13+s0+$0x0] =	vst.idx.msk $0xffff, v56;
	v7 =	vadd.s32 v59, v12  }
.Ltmp12:
0x408: {  	v60 =	vadd.f32 v48, v36;
	[tilespmem:v58+s0+$0x0] =	vst.idx.msk $0xffff, v62;
	(pc) =	sbr.rel @p0 .LBB2_25-.Ltmp12, $4  }
0x409: {  	v61 =	vadd.f32 v51, v36;
	[tilespmem:v50+s0+$0x0] =	vst.idx.msk $0xffff, v57  }
0x40a: {  	[tilespmem:v10+s0+$0x0] =	vst.idx.msk $0xffff, v60;
	v63 =	vadd.f32 v2, v36  }
0x40b: {  	[tilespmem:v55+s0+$0x0] =	vst.idx.msk $0xffff, v61  }
0x40c: {  	s10 =	sadd.s32 $0x2000, s10;
	[tilespmem:v7+s0+$0x0] =	vst.idx.msk $0xffff, v63  }
0x40d: {  	s7 =	sshll.u32 s12, $0x3;
	s10 =	sshll.u32 s9, $0xF  }
0x40e: {  	s29 =	sshll.u32 s9, $0x12;
	s7 =	ssub.s32 s7, s10  }
0x40f: {  	s7 =	sadd.s32 s29, s7  }
0x410: {  	s7 =	sshrl.u32 s7, $0x3  }
0x411: {  	s9 =	simm.s32 $0x10400;
	s7 =	sadd.s32 s1, s7  }
0x412: {  	s12 =	simm.s32 $0x10488;
	s10 =	simm.s32 $0x10;
	s22 =	sadd.s32 $0x0, s7  }
.LBB2_29:
0x413: {  	[hbm4b:s22+s3] =	stream.linear.scatter [tilespmem:s9], [sflag:$0x3], $0x80, $0x38;
	[tilespmem:$0x1B000] =	vst v63  }
0x414: {  	s15 =	smov.u32 s10;
	s9 =	smov.u32 s12;
	p0 =	sne.s32 s10, $0x1F0  }
.Ltmp13:
0x415: {  	s10 =	sadd.s32 $0x10, s10;
	(pc) =	sbr.rel @p0 .LBB2_29-.Ltmp13, $2  }
0x416: {  	_ =	sdelay $0x2  }
0x417: {  	s12 =	sadd.s32 $0x88, s12;
	s22 =	sadd.s32 s15, s7  }
0x418: {  	[hbm4b:s22+s3] =	stream.linear.scatter [tilespmem:s9], [sflag:$0x3], $0x80, $0x38;
	[tilespmem:$0x1B000] =	vst v63  }
0x419: {  	s9 =	sadd.s32 $0x1000, s7;
	s10 =	simm.s32 $0x11940  }
0x41a: {  	s12 =	simm.s32 $0x10;
	s22 =	simm.s32 $0x119C8;
	s23 =	sadd.s32 $0x0, s9  }
.LBB2_31:
0x41b: {  	[hbm4b:s23+s3] =	stream.linear.scatter [tilespmem:s10], [sflag:$0x3], $0x80, $0x38;
	[tilespmem:$0x1B000] =	vst v63  }
0x41c: {  	s15 =	smov.u32 s12;
	s10 =	smov.u32 s22;
	p0 =	sne.s32 s12, $0x1F0  }
.Ltmp14:
0x41d: {  	s12 =	sadd.s32 $0x10, s12;
	(pc) =	sbr.rel @p0 .LBB2_31-.Ltmp14, $2  }
0x41e: {  	_ =	sdelay $0x2  }
0x41f: {  	s22 =	sadd.s32 $0x88, s22;
	s23 =	sadd.s32 s15, s9  }
0x420: {  	[hbm4b:s23+s3] =	stream.linear.scatter [tilespmem:s10], [sflag:$0x3], $0x80, $0x38;
	[tilespmem:$0x1B000] =	vst v63  }
0x421: {  	s9 =	sadd.s32 $0x2000, s7;
	s10 =	simm.s32 $0x12E80  }
0x422: {  	s12 =	simm.s32 $0x10;
	s22 =	simm.s32 $0x12F08;
	s23 =	sadd.s32 $0x0, s9  }
.LBB2_33:
0x423: {  	[hbm4b:s23+s3] =	stream.linear.scatter [tilespmem:s10], [sflag:$0x3], $0x80, $0x38;
	[tilespmem:$0x1B000] =	vst v63  }
0x424: {  	s15 =	smov.u32 s12;
	s10 =	smov.u32 s22;
	p0 =	sne.s32 s12, $0x1F0  }
.Ltmp15:
0x425: {  	s12 =	sadd.s32 $0x10, s12;
	(pc) =	sbr.rel @p0 .LBB2_33-.Ltmp15, $2  }
0x426: {  	_ =	sdelay $0x2  }
0x427: {  	s22 =	sadd.s32 $0x88, s22;
	s23 =	sadd.s32 s15, s9  }
0x428: {  	[hbm4b:s23+s3] =	stream.linear.scatter [tilespmem:s10], [sflag:$0x3], $0x80, $0x38;
	[tilespmem:$0x1B000] =	vst v63  }
0x429: {  	s9 =	sadd.s32 $0x3000, s7;
	s10 =	simm.s32 $0x143C0  }
0x42a: {  	s12 =	simm.s32 $0x10;
	s22 =	simm.s32 $0x14448;
	s23 =	sadd.s32 $0x0, s9  }
.LBB2_35:
0x42b: {  	[hbm4b:s23+s3] =	stream.linear.scatter [tilespmem:s10], [sflag:$0x3], $0x80, $0x38;
	[tilespmem:$0x1B000] =	vst v63  }
0x42c: {  	s15 =	smov.u32 s12;
	s10 =	smov.u32 s22;
	p0 =	sne.s32 s12, $0x1F0  }
.Ltmp16:
0x42d: {  	s12 =	sadd.s32 $0x10, s12;
	(pc) =	sbr.rel @p0 .LBB2_35-.Ltmp16, $2  }
0x42e: {  	_ =	sdelay $0x2  }
0x42f: {  	s22 =	sadd.s32 $0x88, s22;
	s23 =	sadd.s32 s15, s9  }
0x430: {  	[hbm4b:s23+s3] =	stream.linear.scatter [tilespmem:s10], [sflag:$0x3], $0x80, $0x38;
	[tilespmem:$0x1B000] =	vst v63  }
0x431: {  	s9 =	sadd.s32 $0x4000, s7;
	s10 =	simm.s32 $0x15900  }
0x432: {  	s12 =	simm.s32 $0x10;
	s22 =	simm.s32 $0x15988;
	s23 =	sadd.s32 $0x0, s9  }
.LBB2_37:
0x433: {  	[hbm4b:s23+s3] =	stream.linear.scatter [tilespmem:s10], [sflag:$0x3], $0x80, $0x38;
	[tilespmem:$0x1B000] =	vst v63  }
0x434: {  	s15 =	smov.u32 s12;
	s10 =	smov.u32 s22;
	p0 =	sne.s32 s12, $0x1F0  }
.Ltmp17:
0x435: {  	s12 =	sadd.s32 $0x10, s12;
	(pc) =	sbr.rel @p0 .LBB2_37-.Ltmp17, $2  }
0x436: {  	_ =	sdelay $0x2  }
0x437: {  	s22 =	sadd.s32 $0x88, s22;
	s23 =	sadd.s32 s15, s9  }
0x438: {  	[hbm4b:s23+s3] =	stream.linear.scatter [tilespmem:s10], [sflag:$0x3], $0x80, $0x38;
	[tilespmem:$0x1B000] =	vst v63  }
0x439: {  	s9 =	sadd.s32 $0x5000, s7;
	s10 =	simm.s32 $0x16E40  }
0x43a: {  	s12 =	simm.s32 $0x10;
	s22 =	simm.s32 $0x16EC8;
	s23 =	sadd.s32 $0x0, s9  }
.LBB2_39:
0x43b: {  	[hbm4b:s23+s3] =	stream.linear.scatter [tilespmem:s10], [sflag:$0x3], $0x80, $0x38;
	[tilespmem:$0x1B000] =	vst v63  }
0x43c: {  	s15 =	smov.u32 s12;
	s10 =	smov.u32 s22;
	p0 =	sne.s32 s12, $0x1F0  }
.Ltmp18:
0x43d: {  	s12 =	sadd.s32 $0x10, s12;
	(pc) =	sbr.rel @p0 .LBB2_39-.Ltmp18, $2  }
0x43e: {  	_ =	sdelay $0x2  }
0x43f: {  	s22 =	sadd.s32 $0x88, s22;
	s23 =	sadd.s32 s15, s9  }
0x440: {  	[hbm4b:s23+s3] =	stream.linear.scatter [tilespmem:s10], [sflag:$0x3], $0x80, $0x38;
	[tilespmem:$0x1B000] =	vst v63  }
0x441: {  	s9 =	sadd.s32 $0x6000, s7;
	s10 =	simm.s32 $0x18380  }
0x442: {  	s12 =	simm.s32 $0x10;
	s22 =	simm.s32 $0x18408;
	s23 =	sadd.s32 $0x0, s9  }
.LBB2_41:
0x443: {  	[hbm4b:s23+s3] =	stream.linear.scatter [tilespmem:s10], [sflag:$0x3], $0x80, $0x38;
	[tilespmem:$0x1B000] =	vst v63  }
0x444: {  	s15 =	smov.u32 s12;
	s10 =	smov.u32 s22;
	p0 =	sne.s32 s12, $0x1F0  }
.Ltmp19:
0x445: {  	s12 =	sadd.s32 $0x10, s12;
	(pc) =	sbr.rel @p0 .LBB2_41-.Ltmp19, $2  }
0x446: {  	_ =	sdelay $0x2  }
0x447: {  	s22 =	sadd.s32 $0x88, s22;
	s23 =	sadd.s32 s15, s9  }
0x448: {  	[hbm4b:s23+s3] =	stream.linear.scatter [tilespmem:s10], [sflag:$0x3], $0x80, $0x38;
	[tilespmem:$0x1B000] =	vst v63  }
0x449: {  	s7 =	sadd.s32 $0x7000, s7;
	s9 =	simm.s32 $0x198C0  }
0x44a: {  	s10 =	simm.s32 $0x10;
	s12 =	simm.s32 $0x19948;
	s22 =	sadd.s32 $0x0, s7  }
.LBB2_43:
0x44b: {  	[hbm4b:s22+s3] =	stream.linear.scatter [tilespmem:s9], [sflag:$0x3], $0x80, $0x38;
	[tilespmem:$0x1B000] =	vst v63  }
0x44c: {  	s15 =	smov.u32 s10;
	s9 =	smov.u32 s12;
	p0 =	sne.s32 s10, $0x1F0  }
.Ltmp20:
0x44d: {  	s10 =	sadd.s32 $0x10, s10;
	(pc) =	sbr.rel @p0 .LBB2_43-.Ltmp20, $2  }
0x44e: {  	_ =	sdelay $0x2  }
0x44f: {  	s12 =	sadd.s32 $0x88, s12;
	s22 =	sadd.s32 s15, s7  }
0x450: {  	s31 =	sadd.s32 $0x1, s31  }
0x451: {  	p0 =	sne.s32 s31, $0x19  }
.Ltmp21:
0x452: {  	_ = 	snop;
	(pc) =	sbr.rel @p0 .LBB2_2-.Ltmp21, $2  }
0x453: {  	_ =	sdelay $0x2  }
0x454: {  	[hbm4b:s22+s3] =	stream.linear.scatter [tilespmem:s9], [sflag:$0x3], $0x80, $0x38;
	[tilespmem:$0x1B000] =	vst v63  }
0x455: {  	_ =	swait.ge [sflag:s8], $0x8000  }
0x456: {  	[sflag:s8] =	ssyncset.done $0x0  }
0x457: {  	[sflag:s8] =	ssyncadd.s32 $0xFFFF8000  }
0x458: {  	_ =	swait.ge [sflag:s30], $0x2000  }
0x459: {  	[sflag:s30] =	ssyncset.done $0x0  }
0x45a: {  	[sflag:s30] =	ssyncadd.s32 $0xFFFFE000  }
0x45b: {  	_ =	swait.ge [sflag:s30], $0x2000  }
0x45c: {  	[sflag:s30] =	ssyncset.done $0x0  }
0x45d: {  	[sflag:s30] =	ssyncadd.s32 $0xFFFFE000  }
0x45e: {  	_ =	swait.ge [sflag:s30], $0x2000  }
0x45f: {  	[sflag:s30] =	ssyncset.done $0x0  }
0x460: {  	[sflag:s30] =	ssyncadd.s32 $0xFFFFE000  }
0x461: {  	_ =	swait.ge [sflag:s30], $0x2000  }
0x462: {  	s9 =	rddreg [dreg:$0x8]  }
0x463: {  	s7 =	rddreg [dreg:$0x7];
	s9 =	sadd.s32 $0x1, s9  }
0x464: {  	p0 =	sne.s32 s9, s7  }
.Ltmp22:
0x465: {  	_ = 	snop;
	(pc) =	sbr.rel @p0 .LBB2_1-.Ltmp22, $3  }
0x466: {  	_ =	sdelay $0x1  }
0x467: {  	[sflag:s30] =	ssyncset.done $0x0  }
0x468: {  	[sflag:s30] =	ssyncadd.s32 $0xFFFFE000  }
0x469: {  	_ =	sfence.sel $0x180000  }
0x46a: {  	[bflag:$0x0] =	sbarrier.arrive $0xFFFF  }
0x46b: {  	_ =	strace $0x90000047  }
0x46c: {  	s0 =	stileid.u32;
	[bflag:$0x2] =	sbarrier.arrive $0xFFFF  }
0x46d: {  	p0 =	sne.s32 s0, $0x0;
	s0 =	rddreg [dreg:$0x2]  }
0x46e: {  	s0 =	sadd.s32 @!p0 $0x100000, s0  }
0x46f: {  	[sflag:s0] =	ssyncadd.tile.s32 @!p0 $0x1;
	_ =	shalt  }
.Lfunc_end2:
_tile_overlayer_lowered:
.L_overlay_start_2:
0x470: {  	(tag) =	ssettag $0x2  }
0x471: {  	s0 =	rddreg [dreg:$0x0];
	s2 =	stileid.u32  }
0x472: {  	s1 =	rddreg [dreg:$0x1];
	p0 =	sne.s32 s2, $0x0  }
0x473: {  	s3 =	rddreg [dreg:$0x2];
	[bflag:$0x3] =	sbarrier.arrive $0xFFFF;
	s2 =	simm.s32 @!p0 $0x1C04  }
0x474: {  	[timem:s3], [sflag:s2] =	dma.local @!p0 [hbm:s0], s1  }
0x475: {  	s0 =	simm.s32 @!p0 $0x4  }
0x476: {  	_ =	swait.ge @!p0 [sflag:s0], s1  }
0x477: {  	s1 =	ssub.s32 @!p0 $0x0, s1;
	[sflag:s0] =	ssyncset.done @!p0 $0x0  }
0x478: {  	[sflag:s0] =	ssyncadd.s32 @!p0 s1  }
0x479: {  	[bflag:$0x3] =	sbarrier.arrive $0xFFFF  }
0x47a: {  	_ =	shalt  }

</sc_bundles>
